<compile_context>
chip_gen: v7x
topology: tpu7x:2x2x1
jax: 0.10.2.dev20260603
libtpu: 0.0.44.dev20260713+nightly
codegen_flags: <defaults>
</compile_context>

<pallas_src>
import jax
import jax.numpy as jnp
from jax import lax
from jax.experimental import pallas as pl
from jax.experimental.pallas import tpu as pltpu
from jax.experimental.pallas import tpu_sc as plsc

N_NODES = 50000
E_EDGES = 800000
DT_MAX = 0.015

NC, NS = 2, 16
NW = NC * NS
E_PAD = 819200
NSPLIT = 2
E_H = E_PAD // NSPLIT
EPT = E_H // NW
GCH = 256
NCH = EPT // GCH
IDXW = 128

K8 = E_H // IDXW
KPT = K8 // NW
KR = 20
SCH = KPT // KR

BN = 5000
BE = 2048

_SQRT1_2 = 0.7071067811865476


def _gelu(x):
    return x * 0.5 * (1.0 + lax.erf(x * _SQRT1_2))


def _node_body(u_ref, wn1, bn1, wn2, bn2, wg1, bg1, wg2, bg2, g_ref):
    x = u_ref[...]
    h = _gelu(jnp.dot(x, wn1[...], preferred_element_type=jnp.float32) + bn1[...])
    h = jnp.dot(h, wn2[...], preferred_element_type=jnp.float32) + bn2[...]
    t = _gelu(jnp.dot(h, wg1[...], preferred_element_type=jnp.float32) + bg1[...])
    g = jnp.dot(t, wg2[...], preferred_element_type=jnp.float32) + bg2[...]
    g_ref[...] = jnp.concatenate([g, jnp.zeros_like(g)], axis=1).astype(jnp.bfloat16)


def _gather_body(g_hbm, src_hbm, dst_hbm, vg_hbm,
                 isrc, idst,
                 buf_a0, buf_b0, buf_a1, buf_b1,
                 gsem0, gsem1, osem0, osem1):
    wid = lax.axis_index("s") * NC + lax.axis_index("c")
    base = wid * EPT
    pltpu.sync_copy(src_hbm.at[pl.ds(base, EPT)], isrc)
    pltpu.sync_copy(dst_hbm.at[pl.ds(base, EPT)], idst)
    sets = [(buf_a0, buf_b0, gsem0, osem0),
            (buf_a1, buf_b1, gsem1, osem1)]

    def fire(st, cc):
        buf_a, buf_b, gsem, _ = st
        for k in range(GCH // IDXW):
            sl = pl.ds(k * IDXW, IDXW)
            isl = pl.ds(cc * GCH + k * IDXW, IDXW)
            pltpu.async_copy(g_hbm.at[isrc.at[isl]], buf_a.at[sl], gsem)
            pltpu.async_copy(g_hbm.at[idst.at[isl]], buf_b.at[sl], gsem)

    def finish(st, cc):
        buf_a, buf_b, gsem, osem = st
        for k in range(GCH // IDXW):
            sl = pl.ds(k * IDXW, IDXW)
            isl = pl.ds(cc * GCH + k * IDXW, IDXW)
            pltpu.make_async_copy(g_hbm.at[isrc.at[isl]], buf_a.at[sl], gsem).wait()
            pltpu.make_async_copy(g_hbm.at[idst.at[isl]], buf_b.at[sl], gsem).wait()

        def add_rows(i, c2):
            for rr in range(4):
                for j in range(2):
                    jl = pl.ds(j * 32, 32)
                    buf_a[i * 4 + rr, jl] = buf_a[i * 4 + rr, jl] + buf_b[i * 4 + rr, jl]
            return c2

        lax.fori_loop(0, GCH // 4, add_rows, 0)
        pltpu.async_copy(buf_a, vg_hbm.at[pl.ds(base + cc * GCH, GCH)], osem)

    def drain_out(st):
        buf_a, _, _, osem = st
        pltpu.make_async_copy(buf_a, vg_hbm.at[pl.ds(base, GCH)], osem).wait()

    fire(sets[0], 0)

    def body(i, carry):
        @pl.when(i > 0)
        def _():
            drain_out(sets[1])
        fire(sets[1], 2 * i + 1)
        finish(sets[0], 2 * i)

        @pl.when(2 * i + 2 < NCH)
        def _():
            drain_out(sets[0])
            fire(sets[0], 2 * i + 2)
        finish(sets[1], 2 * i + 1)
        return carry

    lax.fori_loop(0, NCH // 2, body, 0)
    drain_out(sets[0])
    drain_out(sets[1])


def _edge_body(vg_ref, eaT_ref, ei_ref,
               a_pe, b_pe1, w_pe2, b_pe2,
               wv, we, b_m1, wm2, b_m2,
               wh1, bh1, wh2, bh2,
               raw_ref, ssum_ref, scnt_ref):
    pid = pl.program_id(0)
    vg = vg_ref[...]
    dxR = eaT_ref[0:1, :]
    dyR = eaT_ref[1:2, :]
    rT = eaT_ref[2:3, :]
    r = jnp.transpose(rT)

    bf = jnp.bfloat16
    eps_h = _gelu(r * a_pe[...] + b_pe1[...])
    eps = jnp.dot(eps_h.astype(bf), w_pe2[...],
                  preferred_element_type=jnp.float32) + b_pe2[...]
    m1 = _gelu(jnp.dot(vg, wv[...], preferred_element_type=jnp.float32)
               + jnp.dot(eps.astype(bf), we[...],
                         preferred_element_type=jnp.float32)
               + b_m1[...])
    m = jnp.dot(m1.astype(bf), wm2[...],
                preferred_element_type=jnp.float32) + b_m2[...]
    hh = _gelu(jnp.dot(m.astype(bf), wh1[...],
                       preferred_element_type=jnp.float32) + bh1[...])
    a = jnp.dot(hh.astype(bf), wh2[...],
                preferred_element_type=jnp.float32) + bh2[...]

    aT = jnp.transpose(a)
    invR = 1.0 / (rT + 1e-12)
    nxR = dxR * invR
    nyR = dyR * invR
    n2R = nxR * nxR + nyR * nyR
    maskR = (ei_ref[0:1, :] < ei_ref[1:2, :]).astype(jnp.float32)
    raw0 = aT[0:1, :] * n2R * rT
    raw1 = aT[1:2, :] * n2R * rT
    raw2 = (aT[2:3, :] * nxR - aT[3:4, :] * nyR) * rT
    raw3 = (aT[2:3, :] * nyR + aT[3:4, :] * nxR) * rT
    pos = jnp.concatenate([raw0, raw1, raw2, raw3], axis=0) * maskR
    pos8 = jnp.concatenate([pos, -pos], axis=0)
    for k in range(BE // IDXW):
        raw_ref[k] = pos8[:, k * IDXW:(k + 1) * IDXW]

    ps = jnp.sum(rT * maskR).reshape(1, 1)
    pc = jnp.sum(maskR).reshape(1, 1)

    @pl.when(pid == 0)
    def _():
        ssum_ref[...] = jnp.zeros_like(ssum_ref)
        scnt_ref[...] = jnp.zeros_like(scnt_ref)

    ssum_ref[...] += ps
    scnt_ref[...] += pc


def _scatter_body(raw_hbm, idx_hbm, zeros_hbm, out_hbm,
                  acc0, acc1, acc2, acc3, vbuf, ibuf, ssem):
    c = lax.axis_index("c")
    s = lax.axis_index("s")
    wid = s * NC + c
    accs = [acc0, acc1, acc2, acc3]

    @pl.when(s == 0)
    def _():
        for a in accs:
            pltpu.sync_copy(zeros_hbm, a)

    plsc.subcore_barrier()

    def fire_row(jj):
        for d in range(2):
            for comp in range(4):
                pltpu.async_copy(vbuf.at[jj, comp + 4 * d],
                                 accs[comp].at[ibuf.at[d, jj]], ssem,
                                 add=True)

    def drain_row(jj):
        for d in range(2):
            for comp in range(4):
                pltpu.make_async_copy(vbuf.at[jj, comp + 4 * d],
                                      accs[comp].at[ibuf.at[d, jj]],
                                      ssem).wait()

    def chunk(cc, carry):
        k0 = wid * KPT + cc * KR
        pltpu.sync_copy(raw_hbm.at[pl.ds(k0, KR)], vbuf)
        pltpu.sync_copy(idx_hbm.at[:, pl.ds(k0, KR)], ibuf)
        fire_row(0)

        def row(jj, c2):
            @pl.when(jj + 1 < KR)
            def _():
                fire_row(jj + 1)
            drain_row(jj)
            return c2

        lax.fori_loop(0, KR, row, 0)
        return carry

    lax.fori_loop(0, SCH, chunk, 0)
    plsc.subcore_barrier()

    @pl.when(s == 0)
    def _():
        for comp in range(4):
            pltpu.sync_copy(accs[comp], out_hbm.at[c, comp])


def _combine_body(uT_ref, s0_ref, s1_ref, scale_ref, outT_ref):
    uT = uT_ref[...]
    sc = scale_ref[0, 0]
    d = (s0_ref[0] + s0_ref[1] + s1_ref[0] + s1_ref[1]) * sc
    outT_ref[...] = uT + jnp.concatenate(
        [d[0:2, :], jnp.zeros_like(d[0:1, :]), d[2:4, :]], axis=0)


def _full(shape):
    return pl.BlockSpec(shape, lambda i: tuple(0 for _ in shape))


def kernel(node_u, edge_index, edge_attr, gamma, params):
    p = params
    f32 = jnp.float32
    bf = jnp.bfloat16

    wn1 = p["phi_node_w1"].T
    bn1 = p["phi_node_b1"].reshape(1, 64)
    wn2 = p["phi_node_w2"].T
    bn2 = p["phi_node_b2"].reshape(1, 64)
    wg1 = jnp.concatenate([p["phi1_w1"], p["phi2_w1"]], axis=0).T
    bg1 = jnp.concatenate([p["phi1_b1"], p["phi2_b1"]]).reshape(1, 64)
    wg2 = jnp.concatenate([p["phi1_w2"].T, p["phi2_w2"].T], axis=0)
    bg2 = (p["phi1_b2"] + p["phi2_b2"]).reshape(1, 64)

    a_pe = p["phi_edge_w1"][:, 0].reshape(1, 32)
    b_pe1 = p["phi_edge_b1"].reshape(1, 32)
    w_pe2 = p["phi_edge_w2"].T.astype(bf)
    b_pe2 = p["phi_edge_b2"].reshape(1, 32)
    wv = jnp.concatenate([p["phi_msg_w1"][:, :64].T,
                          jnp.zeros((64, 128), f32)], axis=0).astype(bf)
    we = p["phi_msg_w1"][:, 64:].T.astype(bf)
    b_m1 = p["phi_msg_b1"].reshape(1, 128)
    wm2 = p["phi_msg_w2"].T.astype(bf)
    b_m2 = p["phi_msg_b2"].reshape(1, 64)
    wh1 = jnp.concatenate([p["psi_rho_w1"], p["psi_e_w1"], p["psi_rhou_w1"]],
                          axis=0).T.astype(bf)
    bh1 = jnp.concatenate([p["psi_rho_b1"], p["psi_e_b1"],
                           p["psi_rhou_b1"]]).reshape(1, 192)
    wh2 = jnp.zeros((192, 4), f32)
    wh2 = wh2.at[0:64, 0].set(p["psi_rho_w2"][0])
    wh2 = wh2.at[64:128, 1].set(p["psi_e_w2"][0])
    wh2 = wh2.at[128:192, 2:4].set(p["psi_rhou_w2"].T)
    wh2 = wh2.astype(bf)
    bh2 = jnp.concatenate([p["psi_rho_b2"], p["psi_e_b2"],
                           p["psi_rhou_b2"]]).reshape(1, 4)

    pad = E_PAD - E_EDGES
    ei_pad = jnp.pad(edge_index, ((0, 0), (0, pad)))
    eaT = jnp.pad(edge_attr.T, ((0, 0), (0, pad)))
    zeros_n = jnp.zeros((N_NODES,), f32)
    node_uT = node_u.T

    g = pl.pallas_call(
        _node_body,
        grid=(N_NODES // BN,),
        in_specs=[
            pl.BlockSpec((BN, 5), lambda i: (i, 0)),
            _full((5, 64)), _full((1, 64)), _full((64, 64)), _full((1, 64)),
            _full((64, 64)), _full((1, 64)), _full((64, 64)), _full((1, 64)),
        ],
        out_specs=pl.BlockSpec((BN, 128), lambda i: (i, 0)),
        out_shape=jax.ShapeDtypeStruct((N_NODES, 128), bf),
    )(node_u, wn1, bn1, wn2, bn2, wg1, bg1, wg2, bg2)

    mesh = plsc.VectorSubcoreMesh(core_axis_name="c", subcore_axis_name="s",
                                  num_cores=NC, num_subcores=NS)

    def gather_half(src_h, dst_h):
        return pl.kernel(
            _gather_body,
            jax.ShapeDtypeStruct((E_H, 128), bf),
            mesh=mesh,
            compiler_params=pltpu.CompilerParams(use_tc_tiling_on_sc=False),
            scratch_types=[
                pltpu.VMEM((EPT,), jnp.int32),
                pltpu.VMEM((EPT,), jnp.int32),
                pltpu.VMEM((GCH, 128), bf),
                pltpu.VMEM((GCH, 128), bf),
                pltpu.VMEM((GCH, 128), bf),
                pltpu.VMEM((GCH, 128), bf),
                pltpu.SemaphoreType.DMA,
                pltpu.SemaphoreType.DMA,
                pltpu.SemaphoreType.DMA,
                pltpu.SemaphoreType.DMA,
            ],
        )(g, src_h, dst_h)

    def edge_half(vg_h, eaT_h, ei_h):
        return pl.pallas_call(
            _edge_body,
            grid=(E_H // BE,),
            in_specs=[
                pl.BlockSpec((BE, 128), lambda i: (i, 0)),
                pl.BlockSpec((3, BE), lambda i: (0, i)),
                pl.BlockSpec((2, BE), lambda i: (0, i)),
                _full((1, 32)), _full((1, 32)), _full((32, 32)), _full((1, 32)),
                _full((128, 128)), _full((32, 128)), _full((1, 128)),
                _full((128, 64)), _full((1, 64)),
                _full((64, 192)), _full((1, 192)), _full((192, 4)), _full((1, 4)),
            ],
            out_specs=[
                pl.BlockSpec((BE // IDXW, 8, IDXW), lambda i: (i, 0, 0)),
                pl.BlockSpec((1, 1), lambda i: (0, 0)),
                pl.BlockSpec((1, 1), lambda i: (0, 0)),
            ],
            out_shape=[
                jax.ShapeDtypeStruct((K8, 8, IDXW), f32),
                jax.ShapeDtypeStruct((1, 1), f32),
                jax.ShapeDtypeStruct((1, 1), f32),
            ],
        )(vg_h, eaT_h, ei_h,
          a_pe, b_pe1, w_pe2, b_pe2, wv, we, b_m1, wm2, b_m2,
          wh1, bh1, wh2, bh2)

    def scatter_half(raw_h, ei3_h, zeros_in):
        return pl.kernel(
            _scatter_body,
            jax.ShapeDtypeStruct((NC, 4, N_NODES), f32),
            mesh=mesh,
            compiler_params=pltpu.CompilerParams(use_tc_tiling_on_sc=False),
            scratch_types=[
                pltpu.VMEM_SHARED((N_NODES,), f32),
                pltpu.VMEM_SHARED((N_NODES,), f32),
                pltpu.VMEM_SHARED((N_NODES,), f32),
                pltpu.VMEM_SHARED((N_NODES,), f32),
                pltpu.VMEM((KR, 8, IDXW), f32),
                pltpu.VMEM((2, KR, IDXW), jnp.int32),
                pltpu.SemaphoreType.DMA,
            ],
        )(raw_h, ei3_h, zeros_in)

    slices = [slice(hh * E_H, (hh + 1) * E_H) for hh in range(NSPLIT)]
    vgs = [gather_half(ei_pad[0, sl], ei_pad[1, sl]) for sl in slices]
    edges = [edge_half(vgs[hh], eaT[:, slices[hh]], ei_pad[:, slices[hh]])
             for hh in range(NSPLIT)]
    ssums = [e[1] for e in edges]
    scnts = [e[2] for e in edges]
    dep = sum(v[0, 0].astype(f32) for v in vgs) * 0.0
    zeros_dep = zeros_n + dep
    sparts = [scatter_half(edges[hh][0],
                           ei_pad[:, slices[hh]].reshape(2, K8, IDXW),
                           zeros_dep)
              for hh in range(NSPLIT)]

    dt = DT_MAX * jax.nn.sigmoid(p["s"])
    dx_est = ((ssums[0][0, 0] + ssums[1][0, 0])
              / (scnts[0][0, 0] + scnts[1][0, 0]))
    scale = (-dt / (dx_est * dx_est)).reshape(1, 1)

    outT = pl.pallas_call(
        _combine_body,
        grid=(1,),
        in_specs=[
            pl.BlockSpec((5, N_NODES), lambda i: (0, 0)),
            pl.BlockSpec((NC, 4, N_NODES), lambda i: (0, 0, 0)),
            pl.BlockSpec((NC, 4, N_NODES), lambda i: (0, 0, 0)),
            pl.BlockSpec(memory_space=pltpu.SMEM),
        ],
        out_specs=pl.BlockSpec((5, N_NODES), lambda i: (0, 0)),
        out_shape=jax.ShapeDtypeStruct((5, N_NODES), f32),
    )(node_uT, sparts[0], sparts[1], scale)

    return outT.T

# --- scband reference (transcript-rebuilt; emitter-appended) ---
"""Pipeline reference for scband-conservative-mplayer-15917148799343 (READ-ONLY COPY).

The authoritative reference and input builder live on the scoring server;
editing this copy changes nothing except your own understanding.
"""

import jax, jax.numpy as jnp
import numpy as np

N = 50000
E = 800000
DT_MAX = 0.015

def _xavier(key, out_d, in_d):
    lim = float(np.sqrt(6.0 / (in_d + out_d)))
    return jax.random.uniform(key, (out_d, in_d), minval=-lim, maxval=lim, dtype=jnp.float32)

def _mlp(x, params, name):
    h = jax.nn.gelu(x @ params[name + "_w1"].T + params[name + "_b1"], approximate=False)
    return h @ params[name + "_w2"].T + params[name + "_b2"]

def _make_params(key):
    specs = {
        "phi_node": (5, 64, 64),
        "phi1": (64, 32, 64),
        "phi2": (64, 32, 64),
        "phi_edge": (1, 32, 32),
        "phi_msg": (96, 128, 64),
        "psi_rho": (64, 64, 1),
        "psi_e": (64, 64, 1),
        "psi_rhou": (64, 64, 2),
    }
    params = {}
    i = 0
    for name, (din, dh, dout) in specs.items():
        params[name + "_w1"] = _xavier(jax.random.fold_in(key, i), dh, din); i += 1
        params[name + "_b1"] = jnp.zeros((dh,), jnp.float32)
        params[name + "_w2"] = _xavier(jax.random.fold_in(key, i), dout, dh); i += 1
        params[name + "_b2"] = jnp.zeros((dout,), jnp.float32)
    params["s"] = jnp.float32(-5.0)
    return params

def setup_inputs(seed: int = 0):
    key = jax.random.key(seed)
    k1, k2, k3, k4 = jax.random.split(key, 4)
    node_u = jax.random.normal(k1, (N, 5), dtype=jnp.float32)
    edge_index = jax.random.randint(k2, (2, E), 0, N, dtype=jnp.int32)
    edge_attr = jax.random.uniform(k3, (E, 3), minval=0.1, maxval=1.0, dtype=jnp.float32)
    params = _make_params(k4)
    return {"node_u": node_u, "edge_index": edge_index, "edge_attr": edge_attr, "gamma": 1.4, "params": params}

def _forward(node_u, edge_attr_u, src_u, dst_u, mask, params):
    h = _mlp(node_u, params, "phi_node")
    h_i = h[src_u]
    h_j = h[dst_u]
    v = _mlp(h_i, params, "phi1") + _mlp(h_j, params, "phi1") + _mlp(h_i, params, "phi2") + _mlp(h_j, params, "phi2")
    eps = _mlp(edge_attr_u[:, 2:3], params, "phi_edge")
    m_ij = _mlp(jnp.concatenate([v, eps], axis=-1), params, "phi_msg")
    a_rho = _mlp(m_ij, params, "psi_rho")[:, 0]
    a_e = _mlp(m_ij, params, "psi_e")[:, 0]
    a_rhou = _mlp(m_ij, params, "psi_rhou")
    dxy = edge_attr_u[:, 0:2]
    r = edge_attr_u[:, 2:3]
    n = dxy / (r + 1e-12)
    t = jnp.stack([-n[:, 1], n[:, 0]], axis=1)
    F_rho = a_rho[:, None] * n
    F_e = a_e[:, None] * n
    F_rhou = a_rhou[:, 0:1] * n + a_rhou[:, 1:2] * t
    r_edge = r[:, 0]
    a_rho_n = jnp.sum(F_rho * n, axis=-1)
    a_e_n = jnp.sum(F_e * n, axis=-1)
    r_raw = a_rho_n * r_edge
    e_raw = a_e_n * r_edge
    m_raw = F_rhou * r_edge[:, None]
    Nn = node_u.shape[0]
    mask_f = mask.astype(node_u.dtype)
    dx_est = jax.lax.stop_gradient(jnp.sum(r_edge * mask_f) / jnp.sum(mask_f))
    area = dx_est ** 2
    area_tensor = jnp.ones((Nn,), dtype=node_u.dtype) * area
    dt = DT_MAX * jax.nn.sigmoid(params["s"])
    a_src = area_tensor[src_u]
    a_dst = area_tensor[dst_u]
    contrib_rho_src = (-(dt * r_raw) / a_src) * mask_f
    contrib_e_src = (-(dt * e_raw) / a_src) * mask_f
    contrib_m_src = (-(dt * m_raw) / a_src[:, None]) * mask_f[:, None]
    contrib_rho_dst = (-(dt * -r_raw) / a_dst) * mask_f
    contrib_e_dst = (-(dt * -e_raw) / a_dst) * mask_f
    contrib_m_dst = (-(dt * -m_raw) / a_dst[:, None]) * mask_f[:, None]
    delta_rho = jnp.zeros((Nn,), node_u.dtype).at[src_u].add(contrib_rho_src).at[dst_u].add(contrib_rho_dst)
    delta_e = jnp.zeros((Nn,), node_u.dtype).at[src_u].add(contrib_e_src).at[dst_u].add(contrib_e_dst)
    delta_rhou = jnp.zeros((Nn, 2), node_u.dtype).at[src_u].add(contrib_m_src).at[dst_u].add(contrib_m_dst)
    rho_new = node_u[:, 0] + delta_rho
    e_new = node_u[:, 1] + delta_e
    p_new = node_u[:, 2]
    rhou_new = node_u[:, 3:5] + delta_rhou
    return jnp.concatenate([rho_new[:, None], e_new[:, None], p_new[:, None], rhou_new], axis=1)

def reference(node_u, edge_index, edge_attr, gamma, params):
    src = edge_index[0]
    dst = edge_index[1]
    mask = src < dst
    return _forward(node_u, edge_attr, src, dst, mask, params)

if __name__ == "__main__":
    import jax
    _d = setup_inputs()
    print(jax.jit(kernel)(*tuple(_d.values())))

</pallas_src>

<mosaic_0001>
#map = affine_map<(d0, d1) -> (0, 0)>
#map1 = affine_map<(d0, d1) -> (0)>
module attributes {stable_mosaic.version = 14 : i64} {
  func.func @_gather_body(%arg0: i32, %arg1: i32, %arg2: memref<50000x128xbf16, #tpu.memory_space<hbm>>, %arg3: memref<409600xi32, #tpu.memory_space<hbm>>, %arg4: memref<409600xi32, #tpu.memory_space<hbm>>, %arg5: memref<409600x128xbf16, #tpu.memory_space<hbm>>, %arg6: memref<12800xi32, #tpu.memory_space<vmem>>, %arg7: memref<12800xi32, #tpu.memory_space<vmem>>, %arg8: memref<256x128xbf16, #tpu.memory_space<vmem>>, %arg9: memref<256x128xbf16, #tpu.memory_space<vmem>>, %arg10: memref<256x128xbf16, #tpu.memory_space<vmem>>, %arg11: memref<256x128xbf16, #tpu.memory_space<vmem>>, %arg12: memref<!tpu.dma_semaphore, #tpu.memory_space<semaphore_mem>>, %arg13: memref<!tpu.dma_semaphore, #tpu.memory_space<semaphore_mem>>, %arg14: memref<!tpu.dma_semaphore, #tpu.memory_space<semaphore_mem>>, %arg15: memref<!tpu.dma_semaphore, #tpu.memory_space<semaphore_mem>>) attributes {dimension_semantics = [#tpu.dimension_semantics<core_parallel>, #tpu.dimension_semantics<subcore_parallel>], iteration_bounds = array<i64: 2, 16>, scalar_prefetch = 0 : i64, scratch_operands = 10 : i64, tpu.core_type = #tpu.core_type<sc_vector_subcore>, window_params = [{transform_indices = #map}, {transform_indices = #map1}, {transform_indices = #map1}, {transform_indices = #map}]} {
    %mul3A = arith.constant 2 : i32
    %mul3A_0 = arith.muli %arg1, %mul3A : i32
    %add3A = arith.addi %mul3A_0, %arg0 : i32
    %mul3A_1 = arith.constant 12800 : i32
    %mul3A_2 = arith.muli %add3A, %mul3A_1 : i32
    "tpu.region"() ({
      %run_scoped3A = tpu.sem_alloc : memref<!tpu.dma_semaphore, #tpu.memory_space<semaphore_mem>>
      %dma_start3A_46 = tpu.memref_slice %arg3[%mul3A_2] : memref<409600xi32, #tpu.memory_space<hbm>> -> memref<12800xi32, #tpu.memory_space<hbm>>
      %dma_start3A_47 = tpu.memref_slice %arg3[%mul3A_2] : memref<409600xi32, #tpu.memory_space<hbm>> -> memref<12800xi32, #tpu.memory_space<hbm>>
      tpu.enqueue_dma source(%dma_start3A_47 : memref<12800xi32, #tpu.memory_space<hbm>>) target(%arg6 : memref<12800xi32, #tpu.memory_space<vmem>>) target_semaphore(%run_scoped3A : memref<!tpu.dma_semaphore, #tpu.memory_space<semaphore_mem>>)
      %dma_wait3A_48 = tpu.memref_slice %arg3[%mul3A_2] : memref<409600xi32, #tpu.memory_space<hbm>> -> memref<12800xi32, #tpu.memory_space<hbm>>
      %dma_wait3A_49 = tpu.memref_slice %arg3[%mul3A_2] : memref<409600xi32, #tpu.memory_space<hbm>> -> memref<12800xi32, #tpu.memory_space<hbm>>
      tpu.wait_dma2 semaphore(%run_scoped3A : memref<!tpu.dma_semaphore, #tpu.memory_space<semaphore_mem>>) src(%dma_wait3A_49 : memref<12800xi32, #tpu.memory_space<hbm>>) dst(%arg6 : memref<12800xi32, #tpu.memory_space<vmem>>)
      tpu.yield
    }) : () -> ()
    "tpu.region"() ({
      %run_scoped3A = tpu.sem_alloc : memref<!tpu.dma_semaphore, #tpu.memory_space<semaphore_mem>>
      %dma_start3A_46 = tpu.memref_slice %arg4[%mul3A_2] : memref<409600xi32, #tpu.memory_space<hbm>> -> memref<12800xi32, #tpu.memory_space<hbm>>
      %dma_start3A_47 = tpu.memref_slice %arg4[%mul3A_2] : memref<409600xi32, #tpu.memory_space<hbm>> -> memref<12800xi32, #tpu.memory_space<hbm>>
      tpu.enqueue_dma source(%dma_start3A_47 : memref<12800xi32, #tpu.memory_space<hbm>>) target(%arg7 : memref<12800xi32, #tpu.memory_space<vmem>>) target_semaphore(%run_scoped3A : memref<!tpu.dma_semaphore, #tpu.memory_space<semaphore_mem>>)
      %dma_wait3A_48 = tpu.memref_slice %arg4[%mul3A_2] : memref<409600xi32, #tpu.memory_space<hbm>> -> memref<12800xi32, #tpu.memory_space<hbm>>
      %dma_wait3A_49 = tpu.memref_slice %arg4[%mul3A_2] : memref<409600xi32, #tpu.memory_space<hbm>> -> memref<12800xi32, #tpu.memory_space<hbm>>
      tpu.wait_dma2 semaphore(%run_scoped3A : memref<!tpu.dma_semaphore, #tpu.memory_space<semaphore_mem>>) src(%dma_wait3A_49 : memref<12800xi32, #tpu.memory_space<hbm>>) dst(%arg7 : memref<12800xi32, #tpu.memory_space<vmem>>)
      tpu.yield
    }) : () -> ()
    %dma_start3A = arith.constant 0 : i32
    %dma_start3A_3 = arith.constant 0 : i32
    %dma_start3A_4 = tpu.memref_slice %arg8[%dma_start3A, %dma_start3A_3] : memref<256x128xbf16, #tpu.memory_space<vmem>> -> memref<128x128xbf16, #tpu.memory_space<vmem>>
    %dma_start3A_5 = arith.constant 0 : i32
    %dma_start3A_6 = tpu.memref_slice %arg6[%dma_start3A_5] : memref<12800xi32, #tpu.memory_space<vmem>> -> memref<128xi32, #tpu.memory_space<vmem>>
    %dma_start3A_7 = arith.constant 0 : i32
    %dma_start3A_8 = arith.constant 0 : i32
    %dma_start3A_9 = tpu.memref_slice %arg2[%dma_start3A_7, %dma_start3A_8] : memref<50000x128xbf16, #tpu.memory_space<hbm>> -> memref<50000x128xbf16, #tpu.memory_space<hbm>>
    tpu.enqueue_indirect_dma source(%dma_start3A_9 : memref<50000x128xbf16, #tpu.memory_space<hbm>>) target(%dma_start3A_4 : memref<128x128xbf16, #tpu.memory_space<vmem>>) offsets(%dma_start3A_6 : memref<128xi32, #tpu.memory_space<vmem>>) semaphore(%arg12 : memref<!tpu.dma_semaphore, #tpu.memory_space<semaphore_mem>>)
    %dma_start3A_10 = arith.constant 0 : i32
    %dma_start3A_11 = arith.constant 0 : i32
    %dma_start3A_12 = tpu.memref_slice %arg9[%dma_start3A_10, %dma_start3A_11] : memref<256x128xbf16, #tpu.memory_space<vmem>> -> memref<128x128xbf16, #tpu.memory_space<vmem>>
    %dma_start3A_13 = arith.constant 0 : i32
    %dma_start3A_14 = tpu.memref_slice %arg7[%dma_start3A_13] : memref<12800xi32, #tpu.memory_space<vmem>> -> memref<128xi32, #tpu.memory_space<vmem>>
    %dma_start3A_15 = arith.constant 0 : i32
    %dma_start3A_16 = arith.constant 0 : i32
    %dma_start3A_17 = tpu.memref_slice %arg2[%dma_start3A_15, %dma_start3A_16] : memref<50000x128xbf16, #tpu.memory_space<hbm>> -> memref<50000x128xbf16, #tpu.memory_space<hbm>>
    tpu.enqueue_indirect_dma source(%dma_start3A_17 : memref<50000x128xbf16, #tpu.memory_space<hbm>>) target(%dma_start3A_12 : memref<128x128xbf16, #tpu.memory_space<vmem>>) offsets(%dma_start3A_14 : memref<128xi32, #tpu.memory_space<vmem>>) semaphore(%arg12 : memref<!tpu.dma_semaphore, #tpu.memory_space<semaphore_mem>>)
    %dma_start3A_18 = arith.constant 128 : i32
    %dma_start3A_19 = arith.constant 0 : i32
    %dma_start3A_20 = tpu.memref_slice %arg8[%dma_start3A_18, %dma_start3A_19] : memref<256x128xbf16, #tpu.memory_space<vmem>> -> memref<128x128xbf16, #tpu.memory_space<vmem>>
    %dma_start3A_21 = arith.constant 128 : i32
    %dma_start3A_22 = tpu.memref_slice %arg6[%dma_start3A_21] : memref<12800xi32, #tpu.memory_space<vmem>> -> memref<128xi32, #tpu.memory_space<vmem>>
    %dma_start3A_23 = arith.constant 0 : i32
    %dma_start3A_24 = arith.constant 0 : i32
    %dma_start3A_25 = tpu.memref_slice %arg2[%dma_start3A_23, %dma_start3A_24] : memref<50000x128xbf16, #tpu.memory_space<hbm>> -> memref<50000x128xbf16, #tpu.memory_space<hbm>>
    tpu.enqueue_indirect_dma source(%dma_start3A_25 : memref<50000x128xbf16, #tpu.memory_space<hbm>>) target(%dma_start3A_20 : memref<128x128xbf16, #tpu.memory_space<vmem>>) offsets(%dma_start3A_22 : memref<128xi32, #tpu.memory_space<vmem>>) semaphore(%arg12 : memref<!tpu.dma_semaphore, #tpu.memory_space<semaphore_mem>>)
    %dma_start3A_26 = arith.constant 128 : i32
    %dma_start3A_27 = arith.constant 0 : i32
    %dma_start3A_28 = tpu.memref_slice %arg9[%dma_start3A_26, %dma_start3A_27] : memref<256x128xbf16, #tpu.memory_space<vmem>> -> memref<128x128xbf16, #tpu.memory_space<vmem>>
    %dma_start3A_29 = arith.constant 128 : i32
    %dma_start3A_30 = tpu.memref_slice %arg7[%dma_start3A_29] : memref<12800xi32, #tpu.memory_space<vmem>> -> memref<128xi32, #tpu.memory_space<vmem>>
    %dma_start3A_31 = arith.constant 0 : i32
    %dma_start3A_32 = arith.constant 0 : i32
    %dma_start3A_33 = tpu.memref_slice %arg2[%dma_start3A_31, %dma_start3A_32] : memref<50000x128xbf16, #tpu.memory_space<hbm>> -> memref<50000x128xbf16, #tpu.memory_space<hbm>>
    tpu.enqueue_indirect_dma source(%dma_start3A_33 : memref<50000x128xbf16, #tpu.memory_space<hbm>>) target(%dma_start3A_28 : memref<128x128xbf16, #tpu.memory_space<vmem>>) offsets(%dma_start3A_30 : memref<128xi32, #tpu.memory_space<vmem>>) semaphore(%arg12 : memref<!tpu.dma_semaphore, #tpu.memory_space<semaphore_mem>>)
    %scan3A = arith.constant 0 : i32
    %scan3A_34 = arith.constant 0 : i32
    %scan3A_35 = arith.constant 25 : i32
    %scan3A_36 = arith.addi %scan3A_34, %scan3A_35 : i32
    %scan3A_37 = arith.constant 1 : i32
    scf.for %scan3A_46 = %scan3A_34 to %scan3A_36 step %scan3A_37  : i32 {
      %gt3A = arith.constant 0 : i32
      %gt3A_47 = arith.cmpi sgt, %scan3A_46, %gt3A : i32
      %convert_element_type3A = arith.extui %gt3A_47 : i1 to i32
      %cond3A = arith.constant 0 : i32
      %cond3A_48 = arith.cmpi ne, %convert_element_type3A, %cond3A : i32
      scf.if %cond3A_48 {
        %dma_wait3A_201 = arith.constant 0 : i32
        %dma_wait3A_202 = tpu.memref_slice %arg5[%mul3A_2, %dma_wait3A_201] : memref<409600x128xbf16, #tpu.memory_space<hbm>> -> memref<256x128xbf16, #tpu.memory_space<hbm>>
        %dma_wait3A_203 = arith.constant 0 : i32
        %dma_wait3A_204 = tpu.memref_slice %arg5[%mul3A_2, %dma_wait3A_203] : memref<409600x128xbf16, #tpu.memory_space<hbm>> -> memref<256x128xbf16, #tpu.memory_space<hbm>>
        tpu.wait_dma2 semaphore(%arg15 : memref<!tpu.dma_semaphore, #tpu.memory_space<semaphore_mem>>) src(%arg10 : memref<256x128xbf16, #tpu.memory_space<vmem>>) dst(%dma_wait3A_204 : memref<256x128xbf16, #tpu.memory_space<hbm>>)
      } else {
      }
      %mul3A_49 = arith.constant 2 : i32
      %mul3A_50 = arith.muli %mul3A_49, %scan3A_46 : i32
      %add3A_51 = arith.constant 1 : i32
      %add3A_52 = arith.addi %mul3A_50, %add3A_51 : i32
      %mul3A_53 = arith.constant 256 : i32
      %mul3A_54 = arith.muli %add3A_52, %mul3A_53 : i32
      %add3A_55 = arith.constant 0 : i32
      %add3A_56 = arith.addi %mul3A_54, %add3A_55 : i32
      %dma_start3A_57 = arith.constant 0 : i32
      %dma_start3A_58 = arith.constant 0 : i32
      %dma_start3A_59 = tpu.memref_slice %arg10[%dma_start3A_57, %dma_start3A_58] : memref<256x128xbf16, #tpu.memory_space<vmem>> -> memref<128x128xbf16, #tpu.memory_space<vmem>>
      %dma_start3A_60 = tpu.memref_slice %arg6[%add3A_56] : memref<12800xi32, #tpu.memory_space<vmem>> -> memref<128xi32, #tpu.memory_space<vmem>>
      %dma_start3A_61 = arith.constant 0 : i32
      %dma_start3A_62 = arith.constant 0 : i32
      %dma_start3A_63 = tpu.memref_slice %arg2[%dma_start3A_61, %dma_start3A_62] : memref<50000x128xbf16, #tpu.memory_space<hbm>> -> memref<50000x128xbf16, #tpu.memory_space<hbm>>
      tpu.enqueue_indirect_dma source(%dma_start3A_63 : memref<50000x128xbf16, #tpu.memory_space<hbm>>) target(%dma_start3A_59 : memref<128x128xbf16, #tpu.memory_space<vmem>>) offsets(%dma_start3A_60 : memref<128xi32, #tpu.memory_space<vmem>>) semaphore(%arg13 : memref<!tpu.dma_semaphore, #tpu.memory_space<semaphore_mem>>)
      %dma_start3A_64 = arith.constant 0 : i32
      %dma_start3A_65 = arith.constant 0 : i32
      %dma_start3A_66 = tpu.memref_slice %arg11[%dma_start3A_64, %dma_start3A_65] : memref<256x128xbf16, #tpu.memory_space<vmem>> -> memref<128x128xbf16, #tpu.memory_space<vmem>>
      %dma_start3A_67 = tpu.memref_slice %arg7[%add3A_56] : memref<12800xi32, #tpu.memory_space<vmem>> -> memref<128xi32, #tpu.memory_space<vmem>>
      %dma_start3A_68 = arith.constant 0 : i32
      %dma_start3A_69 = arith.constant 0 : i32
      %dma_start3A_70 = tpu.memref_slice %arg2[%dma_start3A_68, %dma_start3A_69] : memref<50000x128xbf16, #tpu.memory_space<hbm>> -> memref<50000x128xbf16, #tpu.memory_space<hbm>>
      tpu.enqueue_indirect_dma source(%dma_start3A_70 : memref<50000x128xbf16, #tpu.memory_space<hbm>>) target(%dma_start3A_66 : memref<128x128xbf16, #tpu.memory_space<vmem>>) offsets(%dma_start3A_67 : memref<128xi32, #tpu.memory_space<vmem>>) semaphore(%arg13 : memref<!tpu.dma_semaphore, #tpu.memory_space<semaphore_mem>>)
      %mul3A_71 = arith.constant 256 : i32
      %mul3A_72 = arith.muli %add3A_52, %mul3A_71 : i32
      %add3A_73 = arith.constant 128 : i32
      %add3A_74 = arith.addi %mul3A_72, %add3A_73 : i32
      %dma_start3A_75 = arith.constant 128 : i32
      %dma_start3A_76 = arith.constant 0 : i32
      %dma_start3A_77 = tpu.memref_slice %arg10[%dma_start3A_75, %dma_start3A_76] : memref<256x128xbf16, #tpu.memory_space<vmem>> -> memref<128x128xbf16, #tpu.memory_space<vmem>>
      %dma_start3A_78 = tpu.memref_slice %arg6[%add3A_74] : memref<12800xi32, #tpu.memory_space<vmem>> -> memref<128xi32, #tpu.memory_space<vmem>>
      %dma_start3A_79 = arith.constant 0 : i32
      %dma_start3A_80 = arith.constant 0 : i32
      %dma_start3A_81 = tpu.memref_slice %arg2[%dma_start3A_79, %dma_start3A_80] : memref<50000x128xbf16, #tpu.memory_space<hbm>> -> memref<50000x128xbf16, #tpu.memory_space<hbm>>
      tpu.enqueue_indirect_dma source(%dma_start3A_81 : memref<50000x128xbf16, #tpu.memory_space<hbm>>) target(%dma_start3A_77 : memref<128x128xbf16, #tpu.memory_space<vmem>>) offsets(%dma_start3A_78 : memref<128xi32, #tpu.memory_space<vmem>>) semaphore(%arg13 : memref<!tpu.dma_semaphore, #tpu.memory_space<semaphore_mem>>)
      %dma_start3A_82 = arith.constant 128 : i32
      %dma_start3A_83 = arith.constant 0 : i32
      %dma_start3A_84 = tpu.memref_slice %arg11[%dma_start3A_82, %dma_start3A_83] : memref<256x128xbf16, #tpu.memory_space<vmem>> -> memref<128x128xbf16, #tpu.memory_space<vmem>>
      %dma_start3A_85 = tpu.memref_slice %arg7[%add3A_74] : memref<12800xi32, #tpu.memory_space<vmem>> -> memref<128xi32, #tpu.memory_space<vmem>>
      %dma_start3A_86 = arith.constant 0 : i32
      %dma_start3A_87 = arith.constant 0 : i32
      %dma_start3A_88 = tpu.memref_slice %arg2[%dma_start3A_86, %dma_start3A_87] : memref<50000x128xbf16, #tpu.memory_space<hbm>> -> memref<50000x128xbf16, #tpu.memory_space<hbm>>
      tpu.enqueue_indirect_dma source(%dma_start3A_88 : memref<50000x128xbf16, #tpu.memory_space<hbm>>) target(%dma_start3A_84 : memref<128x128xbf16, #tpu.memory_space<vmem>>) offsets(%dma_start3A_85 : memref<128xi32, #tpu.memory_space<vmem>>) semaphore(%arg13 : memref<!tpu.dma_semaphore, #tpu.memory_space<semaphore_mem>>)
      %mul3A_89 = arith.constant 2 : i32
      %mul3A_90 = arith.muli %mul3A_89, %scan3A_46 : i32
      %mul3A_91 = arith.constant 256 : i32
      %mul3A_92 = arith.muli %mul3A_90, %mul3A_91 : i32
      %add3A_93 = arith.constant 0 : i32
      %add3A_94 = arith.addi %mul3A_92, %add3A_93 : i32
      %dma_wait3A_95 = arith.constant 0 : i32
      %dma_wait3A_96 = arith.constant 0 : i32
      %dma_wait3A_97 = tpu.memref_slice %arg8[%dma_wait3A_95, %dma_wait3A_96] : memref<256x128xbf16, #tpu.memory_space<vmem>> -> memref<128x128xbf16, #tpu.memory_space<vmem>>
      %dma_wait3A_98 = tpu.memref_slice %arg6[%add3A_94] : memref<12800xi32, #tpu.memory_space<vmem>> -> memref<128xi32, #tpu.memory_space<vmem>>
      %dma_wait3A_99 = arith.constant 0 : i32
      %dma_wait3A_100 = arith.constant 0 : i32
      %dma_wait3A_101 = tpu.memref_slice %arg2[%dma_wait3A_99, %dma_wait3A_100] : memref<50000x128xbf16, #tpu.memory_space<hbm>> -> memref<50000x128xbf16, #tpu.memory_space<hbm>>
      tpu.wait_indirect_dma semaphore(%arg12 : memref<!tpu.dma_semaphore, #tpu.memory_space<semaphore_mem>>) src(%dma_wait3A_101 : memref<50000x128xbf16, #tpu.memory_space<hbm>>) dst(%dma_wait3A_97 : memref<128x128xbf16, #tpu.memory_space<vmem>>)
      %dma_wait3A_102 = arith.constant 0 : i32
      %dma_wait3A_103 = arith.constant 0 : i32
      %dma_wait3A_104 = tpu.memref_slice %arg9[%dma_wait3A_102, %dma_wait3A_103] : memref<256x128xbf16, #tpu.memory_space<vmem>> -> memref<128x128xbf16, #tpu.memory_space<vmem>>
      %dma_wait3A_105 = tpu.memref_slice %arg7[%add3A_94] : memref<12800xi32, #tpu.memory_space<vmem>> -> memref<128xi32, #tpu.memory_space<vmem>>
      %dma_wait3A_106 = arith.constant 0 : i32
      %dma_wait3A_107 = arith.constant 0 : i32
      %dma_wait3A_108 = tpu.memref_slice %arg2[%dma_wait3A_106, %dma_wait3A_107] : memref<50000x128xbf16, #tpu.memory_space<hbm>> -> memref<50000x128xbf16, #tpu.memory_space<hbm>>
      tpu.wait_indirect_dma semaphore(%arg12 : memref<!tpu.dma_semaphore, #tpu.memory_space<semaphore_mem>>) src(%dma_wait3A_108 : memref<50000x128xbf16, #tpu.memory_space<hbm>>) dst(%dma_wait3A_104 : memref<128x128xbf16, #tpu.memory_space<vmem>>)
      %mul3A_109 = arith.constant 256 : i32
      %mul3A_110 = arith.muli %mul3A_90, %mul3A_109 : i32
      %add3A_111 = arith.constant 128 : i32
      %add3A_112 = arith.addi %mul3A_110, %add3A_111 : i32
      %dma_wait3A_113 = arith.constant 128 : i32
      %dma_wait3A_114 = arith.constant 0 : i32
      %dma_wait3A_115 = tpu.memref_slice %arg8[%dma_wait3A_113, %dma_wait3A_114] : memref<256x128xbf16, #tpu.memory_space<vmem>> -> memref<128x128xbf16, #tpu.memory_space<vmem>>
      %dma_wait3A_116 = tpu.memref_slice %arg6[%add3A_112] : memref<12800xi32, #tpu.memory_space<vmem>> -> memref<128xi32, #tpu.memory_space<vmem>>
      %dma_wait3A_117 = arith.constant 0 : i32
      %dma_wait3A_118 = arith.constant 0 : i32
      %dma_wait3A_119 = tpu.memref_slice %arg2[%dma_wait3A_117, %dma_wait3A_118] : memref<50000x128xbf16, #tpu.memory_space<hbm>> -> memref<50000x128xbf16, #tpu.memory_space<hbm>>
      tpu.wait_indirect_dma semaphore(%arg12 : memref<!tpu.dma_semaphore, #tpu.memory_space<semaphore_mem>>) src(%dma_wait3A_119 : memref<50000x128xbf16, #tpu.memory_space<hbm>>) dst(%dma_wait3A_115 : memref<128x128xbf16, #tpu.memory_space<vmem>>)
      %dma_wait3A_120 = arith.constant 128 : i32
      %dma_wait3A_121 = arith.constant 0 : i32
      %dma_wait3A_122 = tpu.memref_slice %arg9[%dma_wait3A_120, %dma_wait3A_121] : memref<256x128xbf16, #tpu.memory_space<vmem>> -> memref<128x128xbf16, #tpu.memory_space<vmem>>
      %dma_wait3A_123 = tpu.memref_slice %arg7[%add3A_112] : memref<12800xi32, #tpu.memory_space<vmem>> -> memref<128xi32, #tpu.memory_space<vmem>>
      %dma_wait3A_124 = arith.constant 0 : i32
      %dma_wait3A_125 = arith.constant 0 : i32
      %dma_wait3A_126 = tpu.memref_slice %arg2[%dma_wait3A_124, %dma_wait3A_125] : memref<50000x128xbf16, #tpu.memory_space<hbm>> -> memref<50000x128xbf16, #tpu.memory_space<hbm>>
      tpu.wait_indirect_dma semaphore(%arg12 : memref<!tpu.dma_semaphore, #tpu.memory_space<semaphore_mem>>) src(%dma_wait3A_126 : memref<50000x128xbf16, #tpu.memory_space<hbm>>) dst(%dma_wait3A_122 : memref<128x128xbf16, #tpu.memory_space<vmem>>)
      %scan3A_127 = arith.constant 0 : i32
      %scan3A_128 = arith.constant 0 : i32
      %scan3A_129 = arith.constant 64 : i32
      %scan3A_130 = arith.addi %scan3A_128, %scan3A_129 : i32
      %scan3A_131 = arith.constant 1 : i32
      scf.for %scan3A_201 = %scan3A_128 to %scan3A_130 step %scan3A_131  : i32 {
        %mul3A_202 = arith.constant 4 : i32
        %mul3A_203 = arith.muli %scan3A_201, %mul3A_202 : i32
        %add3A_204 = arith.constant 0 : i32
        %add3A_205 = arith.addi %mul3A_203, %add3A_204 : i32
        %get3A = arith.index_cast %add3A_205 : i32 to index
        %get3A_206 = arith.constant 0 : index
        %get3A_207 = tpu.vector_load %arg8[%get3A, %get3A_206] {strides = array<i32>} : memref<256x128xbf16, #tpu.memory_space<vmem>>, vector<1x32xbf16>,
        %get3A_208 = vector.shape_cast %get3A_207 : vector<1x32xbf16> to vector<32xbf16>
        %mul3A_209 = arith.constant 4 : i32
        %mul3A_210 = arith.muli %scan3A_201, %mul3A_209 : i32
        %add3A_211 = arith.constant 0 : i32
        %add3A_212 = arith.addi %mul3A_210, %add3A_211 : i32
        %get3A_213 = arith.index_cast %add3A_212 : i32 to index
        %get3A_214 = arith.constant 0 : index
        %get3A_215 = tpu.vector_load %arg9[%get3A_213, %get3A_214] {strides = array<i32>} : memref<256x128xbf16, #tpu.memory_space<vmem>>, vector<1x32xbf16>,
        %get3A_216 = vector.shape_cast %get3A_215 : vector<1x32xbf16> to vector<32xbf16>
        %add3A_217 = arith.addf %get3A_208, %get3A_216 : vector<32xbf16>
        %mul3A_218 = arith.constant 4 : i32
        %mul3A_219 = arith.muli %scan3A_201, %mul3A_218 : i32
        %add3A_220 = arith.constant 0 : i32
        %add3A_221 = arith.addi %mul3A_219, %add3A_220 : i32
        %swap3A = arith.index_cast %add3A_221 : i32 to index
        %swap3A_222 = arith.constant 0 : index
        %swap3A_223 = tpu.vector_load %arg8[%swap3A, %swap3A_222] {strides = array<i32>} : memref<256x128xbf16, #tpu.memory_space<vmem>>, vector<1x32xbf16>,
        %swap3A_224 = vector.shape_cast %swap3A_223 : vector<1x32xbf16> to vector<32xbf16>
        %swap3A_225 = vector.shape_cast %add3A_217 : vector<32xbf16> to vector<1x32xbf16>
        tpu.vector_store %arg8[%swap3A, %swap3A_222], %swap3A_225 {strides = array<i32>} : memref<256x128xbf16, #tpu.memory_space<vmem>>, vector<1x32xbf16>,
        %mul3A_226 = arith.constant 4 : i32
        %mul3A_227 = arith.muli %scan3A_201, %mul3A_226 : i32
        %add3A_228 = arith.constant 0 : i32
        %add3A_229 = arith.addi %mul3A_227, %add3A_228 : i32
        %get3A_230 = arith.index_cast %add3A_229 : i32 to index
        %get3A_231 = arith.constant 32 : index
        %get3A_232 = tpu.vector_load %arg8[%get3A_230, %get3A_231] {strides = array<i32>} : memref<256x128xbf16, #tpu.memory_space<vmem>>, vector<1x32xbf16>,
        %get3A_233 = vector.shape_cast %get3A_232 : vector<1x32xbf16> to vector<32xbf16>
        %mul3A_234 = arith.constant 4 : i32
        %mul3A_235 = arith.muli %scan3A_201, %mul3A_234 : i32
        %add3A_236 = arith.constant 0 : i32
        %add3A_237 = arith.addi %mul3A_235, %add3A_236 : i32
        %get3A_238 = arith.index_cast %add3A_237 : i32 to index
        %get3A_239 = arith.constant 32 : index
        %get3A_240 = tpu.vector_load %arg9[%get3A_238, %get3A_239] {strides = array<i32>} : memref<256x128xbf16, #tpu.memory_space<vmem>>, vector<1x32xbf16>,
        %get3A_241 = vector.shape_cast %get3A_240 : vector<1x32xbf16> to vector<32xbf16>
        %add3A_242 = arith.addf %get3A_233, %get3A_241 : vector<32xbf16>
        %mul3A_243 = arith.constant 4 : i32
        %mul3A_244 = arith.muli %scan3A_201, %mul3A_243 : i32
        %add3A_245 = arith.constant 0 : i32
        %add3A_246 = arith.addi %mul3A_244, %add3A_245 : i32
        %swap3A_247 = arith.index_cast %add3A_246 : i32 to index
        %swap3A_248 = arith.constant 32 : index
        %swap3A_249 = tpu.vector_load %arg8[%swap3A_247, %swap3A_248] {strides = array<i32>} : memref<256x128xbf16, #tpu.memory_space<vmem>>, vector<1x32xbf16>,
        %swap3A_250 = vector.shape_cast %swap3A_249 : vector<1x32xbf16> to vector<32xbf16>
        %swap3A_251 = vector.shape_cast %add3A_242 : vector<32xbf16> to vector<1x32xbf16>
        tpu.vector_store %arg8[%swap3A_247, %swap3A_248], %swap3A_251 {strides = array<i32>} : memref<256x128xbf16, #tpu.memory_space<vmem>>, vector<1x32xbf16>,
        %mul3A_252 = arith.constant 4 : i32
        %mul3A_253 = arith.muli %scan3A_201, %mul3A_252 : i32
        %add3A_254 = arith.constant 1 : i32
        %add3A_255 = arith.addi %mul3A_253, %add3A_254 : i32
        %get3A_256 = arith.index_cast %add3A_255 : i32 to index
        %get3A_257 = arith.constant 0 : index
        %get3A_258 = tpu.vector_load %arg8[%get3A_256, %get3A_257] {strides = array<i32>} : memref<256x128xbf16, #tpu.memory_space<vmem>>, vector<1x32xbf16>,
        %get3A_259 = vector.shape_cast %get3A_258 : vector<1x32xbf16> to vector<32xbf16>
        %mul3A_260 = arith.constant 4 : i32
        %mul3A_261 = arith.muli %scan3A_201, %mul3A_260 : i32
        %add3A_262 = arith.constant 1 : i32
        %add3A_263 = arith.addi %mul3A_261, %add3A_262 : i32
        %get3A_264 = arith.index_cast %add3A_263 : i32 to index
        %get3A_265 = arith.constant 0 : index
        %get3A_266 = tpu.vector_load %arg9[%get3A_264, %get3A_265] {strides = array<i32>} : memref<256x128xbf16, #tpu.memory_space<vmem>>, vector<1x32xbf16>,
        %get3A_267 = vector.shape_cast %get3A_266 : vector<1x32xbf16> to vector<32xbf16>
        %add3A_268 = arith.addf %get3A_259, %get3A_267 : vector<32xbf16>
        %mul3A_269 = arith.constant 4 : i32
        %mul3A_270 = arith.muli %scan3A_201, %mul3A_269 : i32
        %add3A_271 = arith.constant 1 : i32
        %add3A_272 = arith.addi %mul3A_270, %add3A_271 : i32
        %swap3A_273 = arith.index_cast %add3A_272 : i32 to index
        %swap3A_274 = arith.constant 0 : index
        %swap3A_275 = tpu.vector_load %arg8[%swap3A_273, %swap3A_274] {strides = array<i32>} : memref<256x128xbf16, #tpu.memory_space<vmem>>, vector<1x32xbf16>,
        %swap3A_276 = vector.shape_cast %swap3A_275 : vector<1x32xbf16> to vector<32xbf16>
        %swap3A_277 = vector.shape_cast %add3A_268 : vector<32xbf16> to vector<1x32xbf16>
        tpu.vector_store %arg8[%swap3A_273, %swap3A_274], %swap3A_277 {strides = array<i32>} : memref<256x128xbf16, #tpu.memory_space<vmem>>, vector<1x32xbf16>,
        %mul3A_278 = arith.constant 4 : i32
        %mul3A_279 = arith.muli %scan3A_201, %mul3A_278 : i32
        %add3A_280 = arith.constant 1 : i32
        %add3A_281 = arith.addi %mul3A_279, %add3A_280 : i32
        %get3A_282 = arith.index_cast %add3A_281 : i32 to index
        %get3A_283 = arith.constant 32 : index
        %get3A_284 = tpu.vector_load %arg8[%get3A_282, %get3A_283] {strides = array<i32>} : memref<256x128xbf16, #tpu.memory_space<vmem>>, vector<1x32xbf16>,
        %get3A_285 = vector.shape_cast %get3A_284 : vector<1x32xbf16> to vector<32xbf16>
        %mul3A_286 = arith.constant 4 : i32
        %mul3A_287 = arith.muli %scan3A_201, %mul3A_286 : i32
        %add3A_288 = arith.constant 1 : i32
        %add3A_289 = arith.addi %mul3A_287, %add3A_288 : i32
        %get3A_290 = arith.index_cast %add3A_289 : i32 to index
        %get3A_291 = arith.constant 32 : index
        %get3A_292 = tpu.vector_load %arg9[%get3A_290, %get3A_291] {strides = array<i32>} : memref<256x128xbf16, #tpu.memory_space<vmem>>, vector<1x32xbf16>,
        %get3A_293 = vector.shape_cast %get3A_292 : vector<1x32xbf16> to vector<32xbf16>
        %add3A_294 = arith.addf %get3A_285, %get3A_293 : vector<32xbf16>
        %mul3A_295 = arith.constant 4 : i32
        %mul3A_296 = arith.muli %scan3A_201, %mul3A_295 : i32
        %add3A_297 = arith.constant 1 : i32
        %add3A_298 = arith.addi %mul3A_296, %add3A_297 : i32
        %swap3A_299 = arith.index_cast %add3A_298 : i32 to index
        %swap3A_300 = arith.constant 32 : index
        %swap3A_301 = tpu.vector_load %arg8[%swap3A_299, %swap3A_300] {strides = array<i32>} : memref<256x128xbf16, #tpu.memory_space<vmem>>, vector<1x32xbf16>,
        %swap3A_302 = vector.shape_cast %swap3A_301 : vector<1x32xbf16> to vector<32xbf16>
        %swap3A_303 = vector.shape_cast %add3A_294 : vector<32xbf16> to vector<1x32xbf16>
        tpu.vector_store %arg8[%swap3A_299, %swap3A_300], %swap3A_303 {strides = array<i32>} : memref<256x128xbf16, #tpu.memory_space<vmem>>, vector<1x32xbf16>,
        %mul3A_304 = arith.constant 4 : i32
        %mul3A_305 = arith.muli %scan3A_201, %mul3A_304 : i32
        %add3A_306 = arith.constant 2 : i32
        %add3A_307 = arith.addi %mul3A_305, %add3A_306 : i32
        %get3A_308 = arith.index_cast %add3A_307 : i32 to index
        %get3A_309 = arith.constant 0 : index
        %get3A_310 = tpu.vector_load %arg8[%get3A_308, %get3A_309] {strides = array<i32>} : memref<256x128xbf16, #tpu.memory_space<vmem>>, vector<1x32xbf16>,
        %get3A_311 = vector.shape_cast %get3A_310 : vector<1x32xbf16> to vector<32xbf16>
        %mul3A_312 = arith.constant 4 : i32
        %mul3A_313 = arith.muli %scan3A_201, %mul3A_312 : i32
        %add3A_314 = arith.constant 2 : i32
        %add3A_315 = arith.addi %mul3A_313, %add3A_314 : i32
        %get3A_316 = arith.index_cast %add3A_315 : i32 to index
        %get3A_317 = arith.constant 0 : index
        %get3A_318 = tpu.vector_load %arg9[%get3A_316, %get3A_317] {strides = array<i32>} : memref<256x128xbf16, #tpu.memory_space<vmem>>, vector<1x32xbf16>,
        %get3A_319 = vector.shape_cast %get3A_318 : vector<1x32xbf16> to vector<32xbf16>
        %add3A_320 = arith.addf %get3A_311, %get3A_319 : vector<32xbf16>
        %mul3A_321 = arith.constant 4 : i32
        %mul3A_322 = arith.muli %scan3A_201, %mul3A_321 : i32
        %add3A_323 = arith.constant 2 : i32
        %add3A_324 = arith.addi %mul3A_322, %add3A_323 : i32
        %swap3A_325 = arith.index_cast %add3A_324 : i32 to index
        %swap3A_326 = arith.constant 0 : index
        %swap3A_327 = tpu.vector_load %arg8[%swap3A_325, %swap3A_326] {strides = array<i32>} : memref<256x128xbf16, #tpu.memory_space<vmem>>, vector<1x32xbf16>,
        %swap3A_328 = vector.shape_cast %swap3A_327 : vector<1x32xbf16> to vector<32xbf16>
        %swap3A_329 = vector.shape_cast %add3A_320 : vector<32xbf16> to vector<1x32xbf16>
        tpu.vector_store %arg8[%swap3A_325, %swap3A_326], %swap3A_329 {strides = array<i32>} : memref<256x128xbf16, #tpu.memory_space<vmem>>, vector<1x32xbf16>,
        %mul3A_330 = arith.constant 4 : i32
        %mul3A_331 = arith.muli %scan3A_201, %mul3A_330 : i32
        %add3A_332 = arith.constant 2 : i32
        %add3A_333 = arith.addi %mul3A_331, %add3A_332 : i32
        %get3A_334 = arith.index_cast %add3A_333 : i32 to index
        %get3A_335 = arith.constant 32 : index
        %get3A_336 = tpu.vector_load %arg8[%get3A_334, %get3A_335] {strides = array<i32>} : memref<256x128xbf16, #tpu.memory_space<vmem>>, vector<1x32xbf16>,
        %get3A_337 = vector.shape_cast %get3A_336 : vector<1x32xbf16> to vector<32xbf16>
        %mul3A_338 = arith.constant 4 : i32
        %mul3A_339 = arith.muli %scan3A_201, %mul3A_338 : i32
        %add3A_340 = arith.constant 2 : i32
        %add3A_341 = arith.addi %mul3A_339, %add3A_340 : i32
        %get3A_342 = arith.index_cast %add3A_341 : i32 to index
        %get3A_343 = arith.constant 32 : index
        %get3A_344 = tpu.vector_load %arg9[%get3A_342, %get3A_343] {strides = array<i32>} : memref<256x128xbf16, #tpu.memory_space<vmem>>, vector<1x32xbf16>,
        %get3A_345 = vector.shape_cast %get3A_344 : vector<1x32xbf16> to vector<32xbf16>
        %add3A_346 = arith.addf %get3A_337, %get3A_345 : vector<32xbf16>
        %mul3A_347 = arith.constant 4 : i32
        %mul3A_348 = arith.muli %scan3A_201, %mul3A_347 : i32
        %add3A_349 = arith.constant 2 : i32
        %add3A_350 = arith.addi %mul3A_348, %add3A_349 : i32
        %swap3A_351 = arith.index_cast %add3A_350 : i32 to index
        %swap3A_352 = arith.constant 32 : index
        %swap3A_353 = tpu.vector_load %arg8[%swap3A_351, %swap3A_352] {strides = array<i32>} : memref<256x128xbf16, #tpu.memory_space<vmem>>, vector<1x32xbf16>,
        %swap3A_354 = vector.shape_cast %swap3A_353 : vector<1x32xbf16> to vector<32xbf16>
        %swap3A_355 = vector.shape_cast %add3A_346 : vector<32xbf16> to vector<1x32xbf16>
        tpu.vector_store %arg8[%swap3A_351, %swap3A_352], %swap3A_355 {strides = array<i32>} : memref<256x128xbf16, #tpu.memory_space<vmem>>, vector<1x32xbf16>,
        %mul3A_356 = arith.constant 4 : i32
        %mul3A_357 = arith.muli %scan3A_201, %mul3A_356 : i32
        %add3A_358 = arith.constant 3 : i32
        %add3A_359 = arith.addi %mul3A_357, %add3A_358 : i32
        %get3A_360 = arith.index_cast %add3A_359 : i32 to index
        %get3A_361 = arith.constant 0 : index
        %get3A_362 = tpu.vector_load %arg8[%get3A_360, %get3A_361] {strides = array<i32>} : memref<256x128xbf16, #tpu.memory_space<vmem>>, vector<1x32xbf16>,
        %get3A_363 = vector.shape_cast %get3A_362 : vector<1x32xbf16> to vector<32xbf16>
        %mul3A_364 = arith.constant 4 : i32
        %mul3A_365 = arith.muli %scan3A_201, %mul3A_364 : i32
        %add3A_366 = arith.constant 3 : i32
        %add3A_367 = arith.addi %mul3A_365, %add3A_366 : i32
        %get3A_368 = arith.index_cast %add3A_367 : i32 to index
        %get3A_369 = arith.constant 0 : index
        %get3A_370 = tpu.vector_load %arg9[%get3A_368, %get3A_369] {strides = array<i32>} : memref<256x128xbf16, #tpu.memory_space<vmem>>, vector<1x32xbf16>,
        %get3A_371 = vector.shape_cast %get3A_370 : vector<1x32xbf16> to vector<32xbf16>
        %add3A_372 = arith.addf %get3A_363, %get3A_371 : vector<32xbf16>
        %mul3A_373 = arith.constant 4 : i32
        %mul3A_374 = arith.muli %scan3A_201, %mul3A_373 : i32
        %add3A_375 = arith.constant 3 : i32
        %add3A_376 = arith.addi %mul3A_374, %add3A_375 : i32
        %swap3A_377 = arith.index_cast %add3A_376 : i32 to index
        %swap3A_378 = arith.constant 0 : index
        %swap3A_379 = tpu.vector_load %arg8[%swap3A_377, %swap3A_378] {strides = array<i32>} : memref<256x128xbf16, #tpu.memory_space<vmem>>, vector<1x32xbf16>,
        %swap3A_380 = vector.shape_cast %swap3A_379 : vector<1x32xbf16> to vector<32xbf16>
        %swap3A_381 = vector.shape_cast %add3A_372 : vector<32xbf16> to vector<1x32xbf16>
        tpu.vector_store %arg8[%swap3A_377, %swap3A_378], %swap3A_381 {strides = array<i32>} : memref<256x128xbf16, #tpu.memory_space<vmem>>, vector<1x32xbf16>,
        %mul3A_382 = arith.constant 4 : i32
        %mul3A_383 = arith.muli %scan3A_201, %mul3A_382 : i32
        %add3A_384 = arith.constant 3 : i32
        %add3A_385 = arith.addi %mul3A_383, %add3A_384 : i32
        %get3A_386 = arith.index_cast %add3A_385 : i32 to index
        %get3A_387 = arith.constant 32 : index
        %get3A_388 = tpu.vector_load %arg8[%get3A_386, %get3A_387] {strides = array<i32>} : memref<256x128xbf16, #tpu.memory_space<vmem>>, vector<1x32xbf16>,
        %get3A_389 = vector.shape_cast %get3A_388 : vector<1x32xbf16> to vector<32xbf16>
        %mul3A_390 = arith.constant 4 : i32
        %mul3A_391 = arith.muli %scan3A_201, %mul3A_390 : i32
        %add3A_392 = arith.constant 3 : i32
        %add3A_393 = arith.addi %mul3A_391, %add3A_392 : i32
        %get3A_394 = arith.index_cast %add3A_393 : i32 to index
        %get3A_395 = arith.constant 32 : index
        %get3A_396 = tpu.vector_load %arg9[%get3A_394, %get3A_395] {strides = array<i32>} : memref<256x128xbf16, #tpu.memory_space<vmem>>, vector<1x32xbf16>,
        %get3A_397 = vector.shape_cast %get3A_396 : vector<1x32xbf16> to vector<32xbf16>
        %add3A_398 = arith.addf %get3A_389, %get3A_397 : vector<32xbf16>
        %mul3A_399 = arith.constant 4 : i32
        %mul3A_400 = arith.muli %scan3A_201, %mul3A_399 : i32
        %add3A_401 = arith.constant 3 : i32
        %add3A_402 = arith.addi %mul3A_400, %add3A_401 : i32
        %swap3A_403 = arith.index_cast %add3A_402 : i32 to index
        %swap3A_404 = arith.constant 32 : index
        %swap3A_405 = tpu.vector_load %arg8[%swap3A_403, %swap3A_404] {strides = array<i32>} : memref<256x128xbf16, #tpu.memory_space<vmem>>, vector<1x32xbf16>,
        %swap3A_406 = vector.shape_cast %swap3A_405 : vector<1x32xbf16> to vector<32xbf16>
        %swap3A_407 = vector.shape_cast %add3A_398 : vector<32xbf16> to vector<1x32xbf16>
        tpu.vector_store %arg8[%swap3A_403, %swap3A_404], %swap3A_407 {strides = array<i32>} : memref<256x128xbf16, #tpu.memory_space<vmem>>, vector<1x32xbf16>,
      }
      %scan3A_132 = arith.constant 64 : i32
      %mul3A_133 = arith.constant 256 : i32
      %mul3A_134 = arith.muli %mul3A_90, %mul3A_133 : i32
      %add3A_135 = arith.addi %mul3A_2, %mul3A_134 : i32
      %dma_start3A_136 = arith.constant 0 : i32
      %dma_start3A_137 = tpu.memref_slice %arg5[%add3A_135, %dma_start3A_136] : memref<409600x128xbf16, #tpu.memory_space<hbm>> -> memref<256x128xbf16, #tpu.memory_space<hbm>>
      %dma_start3A_138 = arith.constant 0 : i32
      %dma_start3A_139 = tpu.memref_slice %arg5[%add3A_135, %dma_start3A_138] : memref<409600x128xbf16, #tpu.memory_space<hbm>> -> memref<256x128xbf16, #tpu.memory_space<hbm>>
      tpu.enqueue_dma source(%arg8 : memref<256x128xbf16, #tpu.memory_space<vmem>>) target(%dma_start3A_139 : memref<256x128xbf16, #tpu.memory_space<hbm>>) target_semaphore(%arg14 : memref<!tpu.dma_semaphore, #tpu.memory_space<semaphore_mem>>)
      %mul3A_140 = arith.constant 2 : i32
      %mul3A_141 = arith.muli %mul3A_140, %scan3A_46 : i32
      %add3A_142 = arith.constant 2 : i32
      %add3A_143 = arith.addi %mul3A_141, %add3A_142 : i32
      %lt3A = arith.constant 50 : i32
      %lt3A_144 = arith.cmpi slt, %add3A_143, %lt3A : i32
      %convert_element_type3A_145 = arith.extui %lt3A_144 : i1 to i32
      %cond3A_146 = arith.constant 0 : i32
      %cond3A_147 = arith.cmpi ne, %convert_element_type3A_145, %cond3A_146 : i32
      scf.if %cond3A_147 {
        %dma_wait3A_201 = arith.constant 0 : i32
        %dma_wait3A_202 = tpu.memref_slice %arg5[%mul3A_2, %dma_wait3A_201] : memref<409600x128xbf16, #tpu.memory_space<hbm>> -> memref<256x128xbf16, #tpu.memory_space<hbm>>
        %dma_wait3A_203 = arith.constant 0 : i32
        %dma_wait3A_204 = tpu.memref_slice %arg5[%mul3A_2, %dma_wait3A_203] : memref<409600x128xbf16, #tpu.memory_space<hbm>> -> memref<256x128xbf16, #tpu.memory_space<hbm>>
        tpu.wait_dma2 semaphore(%arg14 : memref<!tpu.dma_semaphore, #tpu.memory_space<semaphore_mem>>) src(%arg8 : memref<256x128xbf16, #tpu.memory_space<vmem>>) dst(%dma_wait3A_204 : memref<256x128xbf16, #tpu.memory_space<hbm>>)
        %mul3A_205 = arith.constant 2 : i32
        %mul3A_206 = arith.muli %mul3A_205, %scan3A_46 : i32
        %add3A_207 = arith.constant 2 : i32
        %add3A_208 = arith.addi %mul3A_206, %add3A_207 : i32
        %mul3A_209 = arith.constant 256 : i32
        %mul3A_210 = arith.muli %add3A_208, %mul3A_209 : i32
        %add3A_211 = arith.constant 0 : i32
        %add3A_212 = arith.addi %mul3A_210, %add3A_211 : i32
        %dma_start3A_213 = arith.constant 0 : i32
        %dma_start3A_214 = arith.constant 0 : i32
        %dma_start3A_215 = tpu.memref_slice %arg8[%dma_start3A_213, %dma_start3A_214] : memref<256x128xbf16, #tpu.memory_space<vmem>> -> memref<128x128xbf16, #tpu.memory_space<vmem>>
        %dma_start3A_216 = tpu.memref_slice %arg6[%add3A_212] : memref<12800xi32, #tpu.memory_space<vmem>> -> memref<128xi32, #tpu.memory_space<vmem>>
        %dma_start3A_217 = arith.constant 0 : i32
        %dma_start3A_218 = arith.constant 0 : i32
        %dma_start3A_219 = tpu.memref_slice %arg2[%dma_start3A_217, %dma_start3A_218] : memref<50000x128xbf16, #tpu.memory_space<hbm>> -> memref<50000x128xbf16, #tpu.memory_space<hbm>>
        tpu.enqueue_indirect_dma source(%dma_start3A_219 : memref<50000x128xbf16, #tpu.memory_space<hbm>>) target(%dma_start3A_215 : memref<128x128xbf16, #tpu.memory_space<vmem>>) offsets(%dma_start3A_216 : memref<128xi32, #tpu.memory_space<vmem>>) semaphore(%arg12 : memref<!tpu.dma_semaphore, #tpu.memory_space<semaphore_mem>>)
        %dma_start3A_220 = arith.constant 0 : i32
        %dma_start3A_221 = arith.constant 0 : i32
        %dma_start3A_222 = tpu.memref_slice %arg9[%dma_start3A_220, %dma_start3A_221] : memref<256x128xbf16, #tpu.memory_space<vmem>> -> memref<128x128xbf16, #tpu.memory_space<vmem>>
        %dma_start3A_223 = tpu.memref_slice %arg7[%add3A_212] : memref<12800xi32, #tpu.memory_space<vmem>> -> memref<128xi32, #tpu.memory_space<vmem>>
        %dma_start3A_224 = arith.constant 0 : i32
        %dma_start3A_225 = arith.constant 0 : i32
        %dma_start3A_226 = tpu.memref_slice %arg2[%dma_start3A_224, %dma_start3A_225] : memref<50000x128xbf16, #tpu.memory_space<hbm>> -> memref<50000x128xbf16, #tpu.memory_space<hbm>>
        tpu.enqueue_indirect_dma source(%dma_start3A_226 : memref<50000x128xbf16, #tpu.memory_space<hbm>>) target(%dma_start3A_222 : memref<128x128xbf16, #tpu.memory_space<vmem>>) offsets(%dma_start3A_223 : memref<128xi32, #tpu.memory_space<vmem>>) semaphore(%arg12 : memref<!tpu.dma_semaphore, #tpu.memory_space<semaphore_mem>>)
        %mul3A_227 = arith.constant 256 : i32
        %mul3A_228 = arith.muli %add3A_208, %mul3A_227 : i32
        %add3A_229 = arith.constant 128 : i32
        %add3A_230 = arith.addi %mul3A_228, %add3A_229 : i32
        %dma_start3A_231 = arith.constant 128 : i32
        %dma_start3A_232 = arith.constant 0 : i32
        %dma_start3A_233 = tpu.memref_slice %arg8[%dma_start3A_231, %dma_start3A_232] : memref<256x128xbf16, #tpu.memory_space<vmem>> -> memref<128x128xbf16, #tpu.memory_space<vmem>>
        %dma_start3A_234 = tpu.memref_slice %arg6[%add3A_230] : memref<12800xi32, #tpu.memory_space<vmem>> -> memref<128xi32, #tpu.memory_space<vmem>>
        %dma_start3A_235 = arith.constant 0 : i32
        %dma_start3A_236 = arith.constant 0 : i32
        %dma_start3A_237 = tpu.memref_slice %arg2[%dma_start3A_235, %dma_start3A_236] : memref<50000x128xbf16, #tpu.memory_space<hbm>> -> memref<50000x128xbf16, #tpu.memory_space<hbm>>
        tpu.enqueue_indirect_dma source(%dma_start3A_237 : memref<50000x128xbf16, #tpu.memory_space<hbm>>) target(%dma_start3A_233 : memref<128x128xbf16, #tpu.memory_space<vmem>>) offsets(%dma_start3A_234 : memref<128xi32, #tpu.memory_space<vmem>>) semaphore(%arg12 : memref<!tpu.dma_semaphore, #tpu.memory_space<semaphore_mem>>)
        %dma_start3A_238 = arith.constant 128 : i32
        %dma_start3A_239 = arith.constant 0 : i32
        %dma_start3A_240 = tpu.memref_slice %arg9[%dma_start3A_238, %dma_start3A_239] : memref<256x128xbf16, #tpu.memory_space<vmem>> -> memref<128x128xbf16, #tpu.memory_space<vmem>>
        %dma_start3A_241 = tpu.memref_slice %arg7[%add3A_230] : memref<12800xi32, #tpu.memory_space<vmem>> -> memref<128xi32, #tpu.memory_space<vmem>>
        %dma_start3A_242 = arith.constant 0 : i32
        %dma_start3A_243 = arith.constant 0 : i32
        %dma_start3A_244 = tpu.memref_slice %arg2[%dma_start3A_242, %dma_start3A_243] : memref<50000x128xbf16, #tpu.memory_space<hbm>> -> memref<50000x128xbf16, #tpu.memory_space<hbm>>
        tpu.enqueue_indirect_dma source(%dma_start3A_244 : memref<50000x128xbf16, #tpu.memory_space<hbm>>) target(%dma_start3A_240 : memref<128x128xbf16, #tpu.memory_space<vmem>>) offsets(%dma_start3A_241 : memref<128xi32, #tpu.memory_space<vmem>>) semaphore(%arg12 : memref<!tpu.dma_semaphore, #tpu.memory_space<semaphore_mem>>)
      } else {
      }
      %mul3A_148 = arith.constant 2 : i32
      %mul3A_149 = arith.muli %mul3A_148, %scan3A_46 : i32
      %add3A_150 = arith.constant 1 : i32
      %add3A_151 = arith.addi %mul3A_149, %add3A_150 : i32
      %mul3A_152 = arith.constant 256 : i32
      %mul3A_153 = arith.muli %add3A_151, %mul3A_152 : i32
      %add3A_154 = arith.constant 0 : i32
      %add3A_155 = arith.addi %mul3A_153, %add3A_154 : i32
      %dma_wait3A_156 = arith.constant 0 : i32
      %dma_wait3A_157 = arith.constant 0 : i32
      %dma_wait3A_158 = tpu.memref_slice %arg10[%dma_wait3A_156, %dma_wait3A_157] : memref<256x128xbf16, #tpu.memory_space<vmem>> -> memref<128x128xbf16, #tpu.memory_space<vmem>>
      %dma_wait3A_159 = tpu.memref_slice %arg6[%add3A_155] : memref<12800xi32, #tpu.memory_space<vmem>> -> memref<128xi32, #tpu.memory_space<vmem>>
      %dma_wait3A_160 = arith.constant 0 : i32
      %dma_wait3A_161 = arith.constant 0 : i32
      %dma_wait3A_162 = tpu.memref_slice %arg2[%dma_wait3A_160, %dma_wait3A_161] : memref<50000x128xbf16, #tpu.memory_space<hbm>> -> memref<50000x128xbf16, #tpu.memory_space<hbm>>
      tpu.wait_indirect_dma semaphore(%arg13 : memref<!tpu.dma_semaphore, #tpu.memory_space<semaphore_mem>>) src(%dma_wait3A_162 : memref<50000x128xbf16, #tpu.memory_space<hbm>>) dst(%dma_wait3A_158 : memref<128x128xbf16, #tpu.memory_space<vmem>>)
      %dma_wait3A_163 = arith.constant 0 : i32
      %dma_wait3A_164 = arith.constant 0 : i32
      %dma_wait3A_165 = tpu.memref_slice %arg11[%dma_wait3A_163, %dma_wait3A_164] : memref<256x128xbf16, #tpu.memory_space<vmem>> -> memref<128x128xbf16, #tpu.memory_space<vmem>>
      %dma_wait3A_166 = tpu.memref_slice %arg7[%add3A_155] : memref<12800xi32, #tpu.memory_space<vmem>> -> memref<128xi32, #tpu.memory_space<vmem>>
      %dma_wait3A_167 = arith.constant 0 : i32
      %dma_wait3A_168 = arith.constant 0 : i32
      %dma_wait3A_169 = tpu.memref_slice %arg2[%dma_wait3A_167, %dma_wait3A_168] : memref<50000x128xbf16, #tpu.memory_space<hbm>> -> memref<50000x128xbf16, #tpu.memory_space<hbm>>
      tpu.wait_indirect_dma semaphore(%arg13 : memref<!tpu.dma_semaphore, #tpu.memory_space<semaphore_mem>>) src(%dma_wait3A_169 : memref<50000x128xbf16, #tpu.memory_space<hbm>>) dst(%dma_wait3A_165 : memref<128x128xbf16, #tpu.memory_space<vmem>>)
      %mul3A_170 = arith.constant 256 : i32
      %mul3A_171 = arith.muli %add3A_151, %mul3A_170 : i32
      %add3A_172 = arith.constant 128 : i32
      %add3A_173 = arith.addi %mul3A_171, %add3A_172 : i32
      %dma_wait3A_174 = arith.constant 128 : i32
      %dma_wait3A_175 = arith.constant 0 : i32
      %dma_wait3A_176 = tpu.memref_slice %arg10[%dma_wait3A_174, %dma_wait3A_175] : memref<256x128xbf16, #tpu.memory_space<vmem>> -> memref<128x128xbf16, #tpu.memory_space<vmem>>
      %dma_wait3A_177 = tpu.memref_slice %arg6[%add3A_173] : memref<12800xi32, #tpu.memory_space<vmem>> -> memref<128xi32, #tpu.memory_space<vmem>>
      %dma_wait3A_178 = arith.constant 0 : i32
      %dma_wait3A_179 = arith.constant 0 : i32
      %dma_wait3A_180 = tpu.memref_slice %arg2[%dma_wait3A_178, %dma_wait3A_179] : memref<50000x128xbf16, #tpu.memory_space<hbm>> -> memref<50000x128xbf16, #tpu.memory_space<hbm>>
      tpu.wait_indirect_dma semaphore(%arg13 : memref<!tpu.dma_semaphore, #tpu.memory_space<semaphore_mem>>) src(%dma_wait3A_180 : memref<50000x128xbf16, #tpu.memory_space<hbm>>) dst(%dma_wait3A_176 : memref<128x128xbf16, #tpu.memory_space<vmem>>)
      %dma_wait3A_181 = arith.constant 128 : i32
      %dma_wait3A_182 = arith.constant 0 : i32
      %dma_wait3A_183 = tpu.memref_slice %arg11[%dma_wait3A_181, %dma_wait3A_182] : memref<256x128xbf16, #tpu.memory_space<vmem>> -> memref<128x128xbf16, #tpu.memory_space<vmem>>
      %dma_wait3A_184 = tpu.memref_slice %arg7[%add3A_173] : memref<12800xi32, #tpu.memory_space<vmem>> -> memref<128xi32, #tpu.memory_space<vmem>>
      %dma_wait3A_185 = arith.constant 0 : i32
      %dma_wait3A_186 = arith.constant 0 : i32
      %dma_wait3A_187 = tpu.memref_slice %arg2[%dma_wait3A_185, %dma_wait3A_186] : memref<50000x128xbf16, #tpu.memory_space<hbm>> -> memref<50000x128xbf16, #tpu.memory_space<hbm>>
      tpu.wait_indirect_dma semaphore(%arg13 : memref<!tpu.dma_semaphore, #tpu.memory_space<semaphore_mem>>) src(%dma_wait3A_187 : memref<50000x128xbf16, #tpu.memory_space<hbm>>) dst(%dma_wait3A_183 : memref<128x128xbf16, #tpu.memory_space<vmem>>)
      %scan3A_188 = arith.constant 0 : i32
      %scan3A_189 = arith.constant 0 : i32
      %scan3A_190 = arith.constant 64 : i32
      %scan3A_191 = arith.addi %scan3A_189, %scan3A_190 : i32
      %scan3A_192 = arith.constant 1 : i32
      scf.for %scan3A_201 = %scan3A_189 to %scan3A_191 step %scan3A_192  : i32 {
        %mul3A_202 = arith.constant 4 : i32
        %mul3A_203 = arith.muli %scan3A_201, %mul3A_202 : i32
        %add3A_204 = arith.constant 0 : i32
        %add3A_205 = arith.addi %mul3A_203, %add3A_204 : i32
        %get3A = arith.index_cast %add3A_205 : i32 to index
        %get3A_206 = arith.constant 0 : index
        %get3A_207 = tpu.vector_load %arg10[%get3A, %get3A_206] {strides = array<i32>} : memref<256x128xbf16, #tpu.memory_space<vmem>>, vector<1x32xbf16>,
        %get3A_208 = vector.shape_cast %get3A_207 : vector<1x32xbf16> to vector<32xbf16>
        %mul3A_209 = arith.constant 4 : i32
        %mul3A_210 = arith.muli %scan3A_201, %mul3A_209 : i32
        %add3A_211 = arith.constant 0 : i32
        %add3A_212 = arith.addi %mul3A_210, %add3A_211 : i32
        %get3A_213 = arith.index_cast %add3A_212 : i32 to index
        %get3A_214 = arith.constant 0 : index
        %get3A_215 = tpu.vector_load %arg11[%get3A_213, %get3A_214] {strides = array<i32>} : memref<256x128xbf16, #tpu.memory_space<vmem>>, vector<1x32xbf16>,
        %get3A_216 = vector.shape_cast %get3A_215 : vector<1x32xbf16> to vector<32xbf16>
        %add3A_217 = arith.addf %get3A_208, %get3A_216 : vector<32xbf16>
        %mul3A_218 = arith.constant 4 : i32
        %mul3A_219 = arith.muli %scan3A_201, %mul3A_218 : i32
        %add3A_220 = arith.constant 0 : i32
        %add3A_221 = arith.addi %mul3A_219, %add3A_220 : i32
        %swap3A = arith.index_cast %add3A_221 : i32 to index
        %swap3A_222 = arith.constant 0 : index
        %swap3A_223 = tpu.vector_load %arg10[%swap3A, %swap3A_222] {strides = array<i32>} : memref<256x128xbf16, #tpu.memory_space<vmem>>, vector<1x32xbf16>,
        %swap3A_224 = vector.shape_cast %swap3A_223 : vector<1x32xbf16> to vector<32xbf16>
        %swap3A_225 = vector.shape_cast %add3A_217 : vector<32xbf16> to vector<1x32xbf16>
        tpu.vector_store %arg10[%swap3A, %swap3A_222], %swap3A_225 {strides = array<i32>} : memref<256x128xbf16, #tpu.memory_space<vmem>>, vector<1x32xbf16>,
        %mul3A_226 = arith.constant 4 : i32
        %mul3A_227 = arith.muli %scan3A_201, %mul3A_226 : i32
        %add3A_228 = arith.constant 0 : i32
        %add3A_229 = arith.addi %mul3A_227, %add3A_228 : i32
        %get3A_230 = arith.index_cast %add3A_229 : i32 to index
        %get3A_231 = arith.constant 32 : index
        %get3A_232 = tpu.vector_load %arg10[%get3A_230, %get3A_231] {strides = array<i32>} : memref<256x128xbf16, #tpu.memory_space<vmem>>, vector<1x32xbf16>,
        %get3A_233 = vector.shape_cast %get3A_232 : vector<1x32xbf16> to vector<32xbf16>
        %mul3A_234 = arith.constant 4 : i32
        %mul3A_235 = arith.muli %scan3A_201, %mul3A_234 : i32
        %add3A_236 = arith.constant 0 : i32
        %add3A_237 = arith.addi %mul3A_235, %add3A_236 : i32
        %get3A_238 = arith.index_cast %add3A_237 : i32 to index
        %get3A_239 = arith.constant 32 : index
        %get3A_240 = tpu.vector_load %arg11[%get3A_238, %get3A_239] {strides = array<i32>} : memref<256x128xbf16, #tpu.memory_space<vmem>>, vector<1x32xbf16>,
        %get3A_241 = vector.shape_cast %get3A_240 : vector<1x32xbf16> to vector<32xbf16>
        %add3A_242 = arith.addf %get3A_233, %get3A_241 : vector<32xbf16>
        %mul3A_243 = arith.constant 4 : i32
        %mul3A_244 = arith.muli %scan3A_201, %mul3A_243 : i32
        %add3A_245 = arith.constant 0 : i32
        %add3A_246 = arith.addi %mul3A_244, %add3A_245 : i32
        %swap3A_247 = arith.index_cast %add3A_246 : i32 to index
        %swap3A_248 = arith.constant 32 : index
        %swap3A_249 = tpu.vector_load %arg10[%swap3A_247, %swap3A_248] {strides = array<i32>} : memref<256x128xbf16, #tpu.memory_space<vmem>>, vector<1x32xbf16>,
        %swap3A_250 = vector.shape_cast %swap3A_249 : vector<1x32xbf16> to vector<32xbf16>
        %swap3A_251 = vector.shape_cast %add3A_242 : vector<32xbf16> to vector<1x32xbf16>
        tpu.vector_store %arg10[%swap3A_247, %swap3A_248], %swap3A_251 {strides = array<i32>} : memref<256x128xbf16, #tpu.memory_space<vmem>>, vector<1x32xbf16>,
        %mul3A_252 = arith.constant 4 : i32
        %mul3A_253 = arith.muli %scan3A_201, %mul3A_252 : i32
        %add3A_254 = arith.constant 1 : i32
        %add3A_255 = arith.addi %mul3A_253, %add3A_254 : i32
        %get3A_256 = arith.index_cast %add3A_255 : i32 to index
        %get3A_257 = arith.constant 0 : index
        %get3A_258 = tpu.vector_load %arg10[%get3A_256, %get3A_257] {strides = array<i32>} : memref<256x128xbf16, #tpu.memory_space<vmem>>, vector<1x32xbf16>,
        %get3A_259 = vector.shape_cast %get3A_258 : vector<1x32xbf16> to vector<32xbf16>
        %mul3A_260 = arith.constant 4 : i32
        %mul3A_261 = arith.muli %scan3A_201, %mul3A_260 : i32
        %add3A_262 = arith.constant 1 : i32
        %add3A_263 = arith.addi %mul3A_261, %add3A_262 : i32
        %get3A_264 = arith.index_cast %add3A_263 : i32 to index
        %get3A_265 = arith.constant 0 : index
        %get3A_266 = tpu.vector_load %arg11[%get3A_264, %get3A_265] {strides = array<i32>} : memref<256x128xbf16, #tpu.memory_space<vmem>>, vector<1x32xbf16>,
        %get3A_267 = vector.shape_cast %get3A_266 : vector<1x32xbf16> to vector<32xbf16>
        %add3A_268 = arith.addf %get3A_259, %get3A_267 : vector<32xbf16>
        %mul3A_269 = arith.constant 4 : i32
        %mul3A_270 = arith.muli %scan3A_201, %mul3A_269 : i32
        %add3A_271 = arith.constant 1 : i32
        %add3A_272 = arith.addi %mul3A_270, %add3A_271 : i32
        %swap3A_273 = arith.index_cast %add3A_272 : i32 to index
        %swap3A_274 = arith.constant 0 : index
        %swap3A_275 = tpu.vector_load %arg10[%swap3A_273, %swap3A_274] {strides = array<i32>} : memref<256x128xbf16, #tpu.memory_space<vmem>>, vector<1x32xbf16>,
        %swap3A_276 = vector.shape_cast %swap3A_275 : vector<1x32xbf16> to vector<32xbf16>
        %swap3A_277 = vector.shape_cast %add3A_268 : vector<32xbf16> to vector<1x32xbf16>
        tpu.vector_store %arg10[%swap3A_273, %swap3A_274], %swap3A_277 {strides = array<i32>} : memref<256x128xbf16, #tpu.memory_space<vmem>>, vector<1x32xbf16>,
        %mul3A_278 = arith.constant 4 : i32
        %mul3A_279 = arith.muli %scan3A_201, %mul3A_278 : i32
        %add3A_280 = arith.constant 1 : i32
        %add3A_281 = arith.addi %mul3A_279, %add3A_280 : i32
        %get3A_282 = arith.index_cast %add3A_281 : i32 to index
        %get3A_283 = arith.constant 32 : index
        %get3A_284 = tpu.vector_load %arg10[%get3A_282, %get3A_283] {strides = array<i32>} : memref<256x128xbf16, #tpu.memory_space<vmem>>, vector<1x32xbf16>,
        %get3A_285 = vector.shape_cast %get3A_284 : vector<1x32xbf16> to vector<32xbf16>
        %mul3A_286 = arith.constant 4 : i32
        %mul3A_287 = arith.muli %scan3A_201, %mul3A_286 : i32
        %add3A_288 = arith.constant 1 : i32
        %add3A_289 = arith.addi %mul3A_287, %add3A_288 : i32
        %get3A_290 = arith.index_cast %add3A_289 : i32 to index
        %get3A_291 = arith.constant 32 : index
        %get3A_292 = tpu.vector_load %arg11[%get3A_290, %get3A_291] {strides = array<i32>} : memref<256x128xbf16, #tpu.memory_space<vmem>>, vector<1x32xbf16>,
        %get3A_293 = vector.shape_cast %get3A_292 : vector<1x32xbf16> to vector<32xbf16>
        %add3A_294 = arith.addf %get3A_285, %get3A_293 : vector<32xbf16>
        %mul3A_295 = arith.constant 4 : i32
        %mul3A_296 = arith.muli %scan3A_201, %mul3A_295 : i32
        %add3A_297 = arith.constant 1 : i32
        %add3A_298 = arith.addi %mul3A_296, %add3A_297 : i32
        %swap3A_299 = arith.index_cast %add3A_298 : i32 to index
        %swap3A_300 = arith.constant 32 : index
        %swap3A_301 = tpu.vector_load %arg10[%swap3A_299, %swap3A_300] {strides = array<i32>} : memref<256x128xbf16, #tpu.memory_space<vmem>>, vector<1x32xbf16>,
        %swap3A_302 = vector.shape_cast %swap3A_301 : vector<1x32xbf16> to vector<32xbf16>
        %swap3A_303 = vector.shape_cast %add3A_294 : vector<32xbf16> to vector<1x32xbf16>
        tpu.vector_store %arg10[%swap3A_299, %swap3A_300], %swap3A_303 {strides = array<i32>} : memref<256x128xbf16, #tpu.memory_space<vmem>>, vector<1x32xbf16>,
        %mul3A_304 = arith.constant 4 : i32
        %mul3A_305 = arith.muli %scan3A_201, %mul3A_304 : i32
        %add3A_306 = arith.constant 2 : i32
        %add3A_307 = arith.addi %mul3A_305, %add3A_306 : i32
        %get3A_308 = arith.index_cast %add3A_307 : i32 to index
        %get3A_309 = arith.constant 0 : index
        %get3A_310 = tpu.vector_load %arg10[%get3A_308, %get3A_309] {strides = array<i32>} : memref<256x128xbf16, #tpu.memory_space<vmem>>, vector<1x32xbf16>,
        %get3A_311 = vector.shape_cast %get3A_310 : vector<1x32xbf16> to vector<32xbf16>
        %mul3A_312 = arith.constant 4 : i32
        %mul3A_313 = arith.muli %scan3A_201, %mul3A_312 : i32
        %add3A_314 = arith.constant 2 : i32
        %add3A_315 = arith.addi %mul3A_313, %add3A_314 : i32
        %get3A_316 = arith.index_cast %add3A_315 : i32 to index
        %get3A_317 = arith.constant 0 : index
        %get3A_318 = tpu.vector_load %arg11[%get3A_316, %get3A_317] {strides = array<i32>} : memref<256x128xbf16, #tpu.memory_space<vmem>>, vector<1x32xbf16>,
        %get3A_319 = vector.shape_cast %get3A_318 : vector<1x32xbf16> to vector<32xbf16>
        %add3A_320 = arith.addf %get3A_311, %get3A_319 : vector<32xbf16>
        %mul3A_321 = arith.constant 4 : i32
        %mul3A_322 = arith.muli %scan3A_201, %mul3A_321 : i32
        %add3A_323 = arith.constant 2 : i32
        %add3A_324 = arith.addi %mul3A_322, %add3A_323 : i32
        %swap3A_325 = arith.index_cast %add3A_324 : i32 to index
        %swap3A_326 = arith.constant 0 : index
        %swap3A_327 = tpu.vector_load %arg10[%swap3A_325, %swap3A_326] {strides = array<i32>} : memref<256x128xbf16, #tpu.memory_space<vmem>>, vector<1x32xbf16>,
        %swap3A_328 = vector.shape_cast %swap3A_327 : vector<1x32xbf16> to vector<32xbf16>
        %swap3A_329 = vector.shape_cast %add3A_320 : vector<32xbf16> to vector<1x32xbf16>
        tpu.vector_store %arg10[%swap3A_325, %swap3A_326], %swap3A_329 {strides = array<i32>} : memref<256x128xbf16, #tpu.memory_space<vmem>>, vector<1x32xbf16>,
        %mul3A_330 = arith.constant 4 : i32
        %mul3A_331 = arith.muli %scan3A_201, %mul3A_330 : i32
        %add3A_332 = arith.constant 2 : i32
        %add3A_333 = arith.addi %mul3A_331, %add3A_332 : i32
        %get3A_334 = arith.index_cast %add3A_333 : i32 to index
        %get3A_335 = arith.constant 32 : index
        %get3A_336 = tpu.vector_load %arg10[%get3A_334, %get3A_335] {strides = array<i32>} : memref<256x128xbf16, #tpu.memory_space<vmem>>, vector<1x32xbf16>,
        %get3A_337 = vector.shape_cast %get3A_336 : vector<1x32xbf16> to vector<32xbf16>
        %mul3A_338 = arith.constant 4 : i32
        %mul3A_339 = arith.muli %scan3A_201, %mul3A_338 : i32
        %add3A_340 = arith.constant 2 : i32
        %add3A_341 = arith.addi %mul3A_339, %add3A_340 : i32
        %get3A_342 = arith.index_cast %add3A_341 : i32 to index
        %get3A_343 = arith.constant 32 : index
        %get3A_344 = tpu.vector_load %arg11[%get3A_342, %get3A_343] {strides = array<i32>} : memref<256x128xbf16, #tpu.memory_space<vmem>>, vector<1x32xbf16>,
        %get3A_345 = vector.shape_cast %get3A_344 : vector<1x32xbf16> to vector<32xbf16>
        %add3A_346 = arith.addf %get3A_337, %get3A_345 : vector<32xbf16>
        %mul3A_347 = arith.constant 4 : i32
        %mul3A_348 = arith.muli %scan3A_201, %mul3A_347 : i32
        %add3A_349 = arith.constant 2 : i32
        %add3A_350 = arith.addi %mul3A_348, %add3A_349 : i32
        %swap3A_351 = arith.index_cast %add3A_350 : i32 to index
        %swap3A_352 = arith.constant 32 : index
        %swap3A_353 = tpu.vector_load %arg10[%swap3A_351, %swap3A_352] {strides = array<i32>} : memref<256x128xbf16, #tpu.memory_space<vmem>>, vector<1x32xbf16>,
        %swap3A_354 = vector.shape_cast %swap3A_353 : vector<1x32xbf16> to vector<32xbf16>
        %swap3A_355 = vector.shape_cast %add3A_346 : vector<32xbf16> to vector<1x32xbf16>
        tpu.vector_store %arg10[%swap3A_351, %swap3A_352], %swap3A_355 {strides = array<i32>} : memref<256x128xbf16, #tpu.memory_space<vmem>>, vector<1x32xbf16>,
        %mul3A_356 = arith.constant 4 : i32
        %mul3A_357 = arith.muli %scan3A_201, %mul3A_356 : i32
        %add3A_358 = arith.constant 3 : i32
        %add3A_359 = arith.addi %mul3A_357, %add3A_358 : i32
        %get3A_360 = arith.index_cast %add3A_359 : i32 to index
        %get3A_361 = arith.constant 0 : index
        %get3A_362 = tpu.vector_load %arg10[%get3A_360, %get3A_361] {strides = array<i32>} : memref<256x128xbf16, #tpu.memory_space<vmem>>, vector<1x32xbf16>,
        %get3A_363 = vector.shape_cast %get3A_362 : vector<1x32xbf16> to vector<32xbf16>
        %mul3A_364 = arith.constant 4 : i32
        %mul3A_365 = arith.muli %scan3A_201, %mul3A_364 : i32
        %add3A_366 = arith.constant 3 : i32
        %add3A_367 = arith.addi %mul3A_365, %add3A_366 : i32
        %get3A_368 = arith.index_cast %add3A_367 : i32 to index
        %get3A_369 = arith.constant 0 : index
        %get3A_370 = tpu.vector_load %arg11[%get3A_368, %get3A_369] {strides = array<i32>} : memref<256x128xbf16, #tpu.memory_space<vmem>>, vector<1x32xbf16>,
        %get3A_371 = vector.shape_cast %get3A_370 : vector<1x32xbf16> to vector<32xbf16>
        %add3A_372 = arith.addf %get3A_363, %get3A_371 : vector<32xbf16>
        %mul3A_373 = arith.constant 4 : i32
        %mul3A_374 = arith.muli %scan3A_201, %mul3A_373 : i32
        %add3A_375 = arith.constant 3 : i32
        %add3A_376 = arith.addi %mul3A_374, %add3A_375 : i32
        %swap3A_377 = arith.index_cast %add3A_376 : i32 to index
        %swap3A_378 = arith.constant 0 : index
        %swap3A_379 = tpu.vector_load %arg10[%swap3A_377, %swap3A_378] {strides = array<i32>} : memref<256x128xbf16, #tpu.memory_space<vmem>>, vector<1x32xbf16>,
        %swap3A_380 = vector.shape_cast %swap3A_379 : vector<1x32xbf16> to vector<32xbf16>
        %swap3A_381 = vector.shape_cast %add3A_372 : vector<32xbf16> to vector<1x32xbf16>
        tpu.vector_store %arg10[%swap3A_377, %swap3A_378], %swap3A_381 {strides = array<i32>} : memref<256x128xbf16, #tpu.memory_space<vmem>>, vector<1x32xbf16>,
        %mul3A_382 = arith.constant 4 : i32
        %mul3A_383 = arith.muli %scan3A_201, %mul3A_382 : i32
        %add3A_384 = arith.constant 3 : i32
        %add3A_385 = arith.addi %mul3A_383, %add3A_384 : i32
        %get3A_386 = arith.index_cast %add3A_385 : i32 to index
        %get3A_387 = arith.constant 32 : index
        %get3A_388 = tpu.vector_load %arg10[%get3A_386, %get3A_387] {strides = array<i32>} : memref<256x128xbf16, #tpu.memory_space<vmem>>, vector<1x32xbf16>,
        %get3A_389 = vector.shape_cast %get3A_388 : vector<1x32xbf16> to vector<32xbf16>
        %mul3A_390 = arith.constant 4 : i32
        %mul3A_391 = arith.muli %scan3A_201, %mul3A_390 : i32
        %add3A_392 = arith.constant 3 : i32
        %add3A_393 = arith.addi %mul3A_391, %add3A_392 : i32
        %get3A_394 = arith.index_cast %add3A_393 : i32 to index
        %get3A_395 = arith.constant 32 : index
        %get3A_396 = tpu.vector_load %arg11[%get3A_394, %get3A_395] {strides = array<i32>} : memref<256x128xbf16, #tpu.memory_space<vmem>>, vector<1x32xbf16>,
        %get3A_397 = vector.shape_cast %get3A_396 : vector<1x32xbf16> to vector<32xbf16>
        %add3A_398 = arith.addf %get3A_389, %get3A_397 : vector<32xbf16>
        %mul3A_399 = arith.constant 4 : i32
        %mul3A_400 = arith.muli %scan3A_201, %mul3A_399 : i32
        %add3A_401 = arith.constant 3 : i32
        %add3A_402 = arith.addi %mul3A_400, %add3A_401 : i32
        %swap3A_403 = arith.index_cast %add3A_402 : i32 to index
        %swap3A_404 = arith.constant 32 : index
        %swap3A_405 = tpu.vector_load %arg10[%swap3A_403, %swap3A_404] {strides = array<i32>} : memref<256x128xbf16, #tpu.memory_space<vmem>>, vector<1x32xbf16>,
        %swap3A_406 = vector.shape_cast %swap3A_405 : vector<1x32xbf16> to vector<32xbf16>
        %swap3A_407 = vector.shape_cast %add3A_398 : vector<32xbf16> to vector<1x32xbf16>
        tpu.vector_store %arg10[%swap3A_403, %swap3A_404], %swap3A_407 {strides = array<i32>} : memref<256x128xbf16, #tpu.memory_space<vmem>>, vector<1x32xbf16>,
      }
      %scan3A_193 = arith.constant 64 : i32
      %mul3A_194 = arith.constant 256 : i32
      %mul3A_195 = arith.muli %add3A_151, %mul3A_194 : i32
      %add3A_196 = arith.addi %mul3A_2, %mul3A_195 : i32
      %dma_start3A_197 = arith.constant 0 : i32
      %dma_start3A_198 = tpu.memref_slice %arg5[%add3A_196, %dma_start3A_197] : memref<409600x128xbf16, #tpu.memory_space<hbm>> -> memref<256x128xbf16, #tpu.memory_space<hbm>>
      %dma_start3A_199 = arith.constant 0 : i32
      %dma_start3A_200 = tpu.memref_slice %arg5[%add3A_196, %dma_start3A_199] : memref<409600x128xbf16, #tpu.memory_space<hbm>> -> memref<256x128xbf16, #tpu.memory_space<hbm>>
      tpu.enqueue_dma source(%arg10 : memref<256x128xbf16, #tpu.memory_space<vmem>>) target(%dma_start3A_200 : memref<256x128xbf16, #tpu.memory_space<hbm>>) target_semaphore(%arg15 : memref<!tpu.dma_semaphore, #tpu.memory_space<semaphore_mem>>)
    }
    %scan3A_38 = arith.constant 25 : i32
    %dma_wait3A = arith.constant 0 : i32
    %dma_wait3A_39 = tpu.memref_slice %arg5[%mul3A_2, %dma_wait3A] : memref<409600x128xbf16, #tpu.memory_space<hbm>> -> memref<256x128xbf16, #tpu.memory_space<hbm>>
    %dma_wait3A_40 = arith.constant 0 : i32
    %dma_wait3A_41 = tpu.memref_slice %arg5[%mul3A_2, %dma_wait3A_40] : memref<409600x128xbf16, #tpu.memory_space<hbm>> -> memref<256x128xbf16, #tpu.memory_space<hbm>>
    tpu.wait_dma2 semaphore(%arg14 : memref<!tpu.dma_semaphore, #tpu.memory_space<semaphore_mem>>) src(%arg8 : memref<256x128xbf16, #tpu.memory_space<vmem>>) dst(%dma_wait3A_41 : memref<256x128xbf16, #tpu.memory_space<hbm>>)
    %dma_wait3A_42 = arith.constant 0 : i32
    %dma_wait3A_43 = tpu.memref_slice %arg5[%mul3A_2, %dma_wait3A_42] : memref<409600x128xbf16, #tpu.memory_space<hbm>> -> memref<256x128xbf16, #tpu.memory_space<hbm>>
    %dma_wait3A_44 = arith.constant 0 : i32
    %dma_wait3A_45 = tpu.memref_slice %arg5[%mul3A_2, %dma_wait3A_44] : memref<409600x128xbf16, #tpu.memory_space<hbm>> -> memref<256x128xbf16, #tpu.memory_space<hbm>>
    tpu.wait_dma2 semaphore(%arg15 : memref<!tpu.dma_semaphore, #tpu.memory_space<semaphore_mem>>) src(%arg10 : memref<256x128xbf16, #tpu.memory_space<vmem>>) dst(%dma_wait3A_45 : memref<256x128xbf16, #tpu.memory_space<hbm>>)
    return
  }
}

#map = affine_map<(d0, d1) -> (0, 0)>
#map1 = affine_map<(d0, d1) -> (0)>
module attributes {stable_mosaic.version = 14 : i64} {
  func.func @_gather_body(%arg0: i32, %arg1: i32, %arg2: memref<50000x128xbf16, #tpu.memory_space<hbm>>, %arg3: memref<409600xi32, #tpu.memory_space<hbm>>, %arg4: memref<409600xi32, #tpu.memory_space<hbm>>, %arg5: memref<409600x128xbf16, #tpu.memory_space<hbm>>, %arg6: memref<12800xi32, #tpu.memory_space<vmem>>, %arg7: memref<12800xi32, #tpu.memory_space<vmem>>, %arg8: memref<256x128xbf16, #tpu.memory_space<vmem>>, %arg9: memref<256x128xbf16, #tpu.memory_space<vmem>>, %arg10: memref<256x128xbf16, #tpu.memory_space<vmem>>, %arg11: memref<256x128xbf16, #tpu.memory_space<vmem>>, %arg12: memref<!tpu.dma_semaphore, #tpu.memory_space<semaphore_mem>>, %arg13: memref<!tpu.dma_semaphore, #tpu.memory_space<semaphore_mem>>, %arg14: memref<!tpu.dma_semaphore, #tpu.memory_space<semaphore_mem>>, %arg15: memref<!tpu.dma_semaphore, #tpu.memory_space<semaphore_mem>>) attributes {dimension_semantics = [#tpu.dimension_semantics<core_parallel>, #tpu.dimension_semantics<subcore_parallel>], iteration_bounds = array<i64: 2, 16>, scalar_prefetch = 0 : i64, scratch_operands = 10 : i64, tpu.core_type = #tpu.core_type<sc_vector_subcore>, window_params = [{transform_indices = #map}, {transform_indices = #map1}, {transform_indices = #map1}, {transform_indices = #map}]} {
    %mul3A = arith.constant 2 : i32
    %mul3A_0 = arith.muli %arg1, %mul3A : i32
    %add3A = arith.addi %mul3A_0, %arg0 : i32
    %mul3A_1 = arith.constant 12800 : i32
    %mul3A_2 = arith.muli %add3A, %mul3A_1 : i32
    "tpu.region"() ({
      %run_scoped3A = tpu.sem_alloc : memref<!tpu.dma_semaphore, #tpu.memory_space<semaphore_mem>>
      %dma_start3A_46 = tpu.memref_slice %arg3[%mul3A_2] : memref<409600xi32, #tpu.memory_space<hbm>> -> memref<12800xi32, #tpu.memory_space<hbm>>
      %dma_start3A_47 = tpu.memref_slice %arg3[%mul3A_2] : memref<409600xi32, #tpu.memory_space<hbm>> -> memref<12800xi32, #tpu.memory_space<hbm>>
      tpu.enqueue_dma source(%dma_start3A_47 : memref<12800xi32, #tpu.memory_space<hbm>>) target(%arg6 : memref<12800xi32, #tpu.memory_space<vmem>>) target_semaphore(%run_scoped3A : memref<!tpu.dma_semaphore, #tpu.memory_space<semaphore_mem>>)
      %dma_wait3A_48 = tpu.memref_slice %arg3[%mul3A_2] : memref<409600xi32, #tpu.memory_space<hbm>> -> memref<12800xi32, #tpu.memory_space<hbm>>
      %dma_wait3A_49 = tpu.memref_slice %arg3[%mul3A_2] : memref<409600xi32, #tpu.memory_space<hbm>> -> memref<12800xi32, #tpu.memory_space<hbm>>
      tpu.wait_dma2 semaphore(%run_scoped3A : memref<!tpu.dma_semaphore, #tpu.memory_space<semaphore_mem>>) src(%dma_wait3A_49 : memref<12800xi32, #tpu.memory_space<hbm>>) dst(%arg6 : memref<12800xi32, #tpu.memory_space<vmem>>)
      tpu.yield
    }) : () -> ()
    "tpu.region"() ({
      %run_scoped3A = tpu.sem_alloc : memref<!tpu.dma_semaphore, #tpu.memory_space<semaphore_mem>>
      %dma_start3A_46 = tpu.memref_slice %arg4[%mul3A_2] : memref<409600xi32, #tpu.memory_space<hbm>> -> memref<12800xi32, #tpu.memory_space<hbm>>
      %dma_start3A_47 = tpu.memref_slice %arg4[%mul3A_2] : memref<409600xi32, #tpu.memory_space<hbm>> -> memref<12800xi32, #tpu.memory_space<hbm>>
      tpu.enqueue_dma source(%dma_start3A_47 : memref<12800xi32, #tpu.memory_space<hbm>>) target(%arg7 : memref<12800xi32, #tpu.memory_space<vmem>>) target_semaphore(%run_scoped3A : memref<!tpu.dma_semaphore, #tpu.memory_space<semaphore_mem>>)
      %dma_wait3A_48 = tpu.memref_slice %arg4[%mul3A_2] : memref<409600xi32, #tpu.memory_space<hbm>> -> memref<12800xi32, #tpu.memory_space<hbm>>
      %dma_wait3A_49 = tpu.memref_slice %arg4[%mul3A_2] : memref<409600xi32, #tpu.memory_space<hbm>> -> memref<12800xi32, #tpu.memory_space<hbm>>
      tpu.wait_dma2 semaphore(%run_scoped3A : memref<!tpu.dma_semaphore, #tpu.memory_space<semaphore_mem>>) src(%dma_wait3A_49 : memref<12800xi32, #tpu.memory_space<hbm>>) dst(%arg7 : memref<12800xi32, #tpu.memory_space<vmem>>)
      tpu.yield
    }) : () -> ()
    %dma_start3A = arith.constant 0 : i32
    %dma_start3A_3 = arith.constant 0 : i32
    %dma_start3A_4 = tpu.memref_slice %arg8[%dma_start3A, %dma_start3A_3] : memref<256x128xbf16, #tpu.memory_space<vmem>> -> memref<128x128xbf16, #tpu.memory_space<vmem>>
    %dma_start3A_5 = arith.constant 0 : i32
    %dma_start3A_6 = tpu.memref_slice %arg6[%dma_start3A_5] : memref<12800xi32, #tpu.memory_space<vmem>> -> memref<128xi32, #tpu.memory_space<vmem>>
    %dma_start3A_7 = arith.constant 0 : i32
    %dma_start3A_8 = arith.constant 0 : i32
    %dma_start3A_9 = tpu.memref_slice %arg2[%dma_start3A_7, %dma_start3A_8] : memref<50000x128xbf16, #tpu.memory_space<hbm>> -> memref<50000x128xbf16, #tpu.memory_space<hbm>>
    tpu.enqueue_indirect_dma source(%dma_start3A_9 : memref<50000x128xbf16, #tpu.memory_space<hbm>>) target(%dma_start3A_4 : memref<128x128xbf16, #tpu.memory_space<vmem>>) offsets(%dma_start3A_6 : memref<128xi32, #tpu.memory_space<vmem>>) semaphore(%arg12 : memref<!tpu.dma_semaphore, #tpu.memory_space<semaphore_mem>>)
    %dma_start3A_10 = arith.constant 0 : i32
    %dma_start3A_11 = arith.constant 0 : i32
    %dma_start3A_12 = tpu.memref_slice %arg9[%dma_start3A_10, %dma_start3A_11] : memref<256x128xbf16, #tpu.memory_space<vmem>> -> memref<128x128xbf16, #tpu.memory_space<vmem>>
    %dma_start3A_13 = arith.constant 0 : i32
    %dma_start3A_14 = tpu.memref_slice %arg7[%dma_start3A_13] : memref<12800xi32, #tpu.memory_space<vmem>> -> memref<128xi32, #tpu.memory_space<vmem>>
    %dma_start3A_15 = arith.constant 0 : i32
    %dma_start3A_16 = arith.constant 0 : i32
    %dma_start3A_17 = tpu.memref_slice %arg2[%dma_start3A_15, %dma_start3A_16] : memref<50000x128xbf16, #tpu.memory_space<hbm>> -> memref<50000x128xbf16, #tpu.memory_space<hbm>>
    tpu.enqueue_indirect_dma source(%dma_start3A_17 : memref<50000x128xbf16, #tpu.memory_space<hbm>>) target(%dma_start3A_12 : memref<128x128xbf16, #tpu.memory_space<vmem>>) offsets(%dma_start3A_14 : memref<128xi32, #tpu.memory_space<vmem>>) semaphore(%arg12 : memref<!tpu.dma_semaphore, #tpu.memory_space<semaphore_mem>>)
    %dma_start3A_18 = arith.constant 128 : i32
    %dma_start3A_19 = arith.constant 0 : i32
    %dma_start3A_20 = tpu.memref_slice %arg8[%dma_start3A_18, %dma_start3A_19] : memref<256x128xbf16, #tpu.memory_space<vmem>> -> memref<128x128xbf16, #tpu.memory_space<vmem>>
    %dma_start3A_21 = arith.constant 128 : i32
    %dma_start3A_22 = tpu.memref_slice %arg6[%dma_start3A_21] : memref<12800xi32, #tpu.memory_space<vmem>> -> memref<128xi32, #tpu.memory_space<vmem>>
    %dma_start3A_23 = arith.constant 0 : i32
    %dma_start3A_24 = arith.constant 0 : i32
    %dma_start3A_25 = tpu.memref_slice %arg2[%dma_start3A_23, %dma_start3A_24] : memref<50000x128xbf16, #tpu.memory_space<hbm>> -> memref<50000x128xbf16, #tpu.memory_space<hbm>>
    tpu.enqueue_indirect_dma source(%dma_start3A_25 : memref<50000x128xbf16, #tpu.memory_space<hbm>>) target(%dma_start3A_20 : memref<128x128xbf16, #tpu.memory_space<vmem>>) offsets(%dma_start3A_22 : memref<128xi32, #tpu.memory_space<vmem>>) semaphore(%arg12 : memref<!tpu.dma_semaphore, #tpu.memory_space<semaphore_mem>>)
    %dma_start3A_26 = arith.constant 128 : i32
    %dma_start3A_27 = arith.constant 0 : i32
    %dma_start3A_28 = tpu.memref_slice %arg9[%dma_start3A_26, %dma_start3A_27] : memref<256x128xbf16, #tpu.memory_space<vmem>> -> memref<128x128xbf16, #tpu.memory_space<vmem>>
    %dma_start3A_29 = arith.constant 128 : i32
    %dma_start3A_30 = tpu.memref_slice %arg7[%dma_start3A_29] : memref<12800xi32, #tpu.memory_space<vmem>> -> memref<128xi32, #tpu.memory_space<vmem>>
    %dma_start3A_31 = arith.constant 0 : i32
    %dma_start3A_32 = arith.constant 0 : i32
    %dma_start3A_33 = tpu.memref_slice %arg2[%dma_start3A_31, %dma_start3A_32] : memref<50000x128xbf16, #tpu.memory_space<hbm>> -> memref<50000x128xbf16, #tpu.memory_space<hbm>>
    tpu.enqueue_indirect_dma source(%dma_start3A_33 : memref<50000x128xbf16, #tpu.memory_space<hbm>>) target(%dma_start3A_28 : memref<128x128xbf16, #tpu.memory_space<vmem>>) offsets(%dma_start3A_30 : memref<128xi32, #tpu.memory_space<vmem>>) semaphore(%arg12 : memref<!tpu.dma_semaphore, #tpu.memory_space<semaphore_mem>>)
    %scan3A = arith.constant 0 : i32
    %scan3A_34 = arith.constant 0 : i32
    %scan3A_35 = arith.constant 25 : i32
    %scan3A_36 = arith.addi %scan3A_34, %scan3A_35 : i32
    %scan3A_37 = arith.constant 1 : i32
    scf.for %scan3A_46 = %scan3A_34 to %scan3A_36 step %scan3A_37  : i32 {
      %gt3A = arith.constant 0 : i32
      %gt3A_47 = arith.cmpi sgt, %scan3A_46, %gt3A : i32
      %convert_element_type3A = arith.extui %gt3A_47 : i1 to i32
      %cond3A = arith.constant 0 : i32
      %cond3A_48 = arith.cmpi ne, %convert_element_type3A, %cond3A : i32
      scf.if %cond3A_48 {
        %dma_wait3A_201 = arith.constant 0 : i32
        %dma_wait3A_202 = tpu.memref_slice %arg5[%mul3A_2, %dma_wait3A_201] : memref<409600x128xbf16, #tpu.memory_space<hbm>> -> memref<256x128xbf16, #tpu.memory_space<hbm>>
        %dma_wait3A_203 = arith.constant 0 : i32
        %dma_wait3A_204 = tpu.memref_slice %arg5[%mul3A_2, %dma_wait3A_203] : memref<409600x128xbf16, #tpu.memory_space<hbm>> -> memref<256x128xbf16, #tpu.memory_space<hbm>>
        tpu.wait_dma2 semaphore(%arg15 : memref<!tpu.dma_semaphore, #tpu.memory_space<semaphore_mem>>) src(%arg10 : memref<256x128xbf16, #tpu.memory_space<vmem>>) dst(%dma_wait3A_204 : memref<256x128xbf16, #tpu.memory_space<hbm>>)
      } else {
      }
      %mul3A_49 = arith.constant 2 : i32
      %mul3A_50 = arith.muli %mul3A_49, %scan3A_46 : i32
      %add3A_51 = arith.constant 1 : i32
      %add3A_52 = arith.addi %mul3A_50, %add3A_51 : i32
      %mul3A_53 = arith.constant 256 : i32
      %mul3A_54 = arith.muli %add3A_52, %mul3A_53 : i32
      %add3A_55 = arith.constant 0 : i32
      %add3A_56 = arith.addi %mul3A_54, %add3A_55 : i32
      %dma_start3A_57 = arith.constant 0 : i32
      %dma_start3A_58 = arith.constant 0 : i32
      %dma_start3A_59 = tpu.memref_slice %arg10[%dma_start3A_57, %dma_start3A_58] : memref<256x128xbf16, #tpu.memory_space<vmem>> -> memref<128x128xbf16, #tpu.memory_space<vmem>>
      %dma_start3A_60 = tpu.memref_slice %arg6[%add3A_56] : memref<12800xi32, #tpu.memory_space<vmem>> -> memref<128xi32, #tpu.memory_space<vmem>>
      %dma_start3A_61 = arith.constant 0 : i32
      %dma_start3A_62 = arith.constant 0 : i32
      %dma_start3A_63 = tpu.memref_slice %arg2[%dma_start3A_61, %dma_start3A_62] : memref<50000x128xbf16, #tpu.memory_space<hbm>> -> memref<50000x128xbf16, #tpu.memory_space<hbm>>
      tpu.enqueue_indirect_dma source(%dma_start3A_63 : memref<50000x128xbf16, #tpu.memory_space<hbm>>) target(%dma_start3A_59 : memref<128x128xbf16, #tpu.memory_space<vmem>>) offsets(%dma_start3A_60 : memref<128xi32, #tpu.memory_space<vmem>>) semaphore(%arg13 : memref<!tpu.dma_semaphore, #tpu.memory_space<semaphore_mem>>)
      %dma_start3A_64 = arith.constant 0 : i32
      %dma_start3A_65 = arith.constant 0 : i32
      %dma_start3A_66 = tpu.memref_slice %arg11[%dma_start3A_64, %dma_start3A_65] : memref<256x128xbf16, #tpu.memory_space<vmem>> -> memref<128x128xbf16, #tpu.memory_space<vmem>>
      %dma_start3A_67 = tpu.memref_slice %arg7[%add3A_56] : memref<12800xi32, #tpu.memory_space<vmem>> -> memref<128xi32, #tpu.memory_space<vmem>>
      %dma_start3A_68 = arith.constant 0 : i32
      %dma_start3A_69 = arith.constant 0 : i32
      %dma_start3A_70 = tpu.memref_slice %arg2[%dma_start3A_68, %dma_start3A_69] : memref<50000x128xbf16, #tpu.memory_space<hbm>> -> memref<50000x128xbf16, #tpu.memory_space<hbm>>
      tpu.enqueue_indirect_dma source(%dma_start3A_70 : memref<50000x128xbf16, #tpu.memory_space<hbm>>) target(%dma_start3A_66 : memref<128x128xbf16, #tpu.memory_space<vmem>>) offsets(%dma_start3A_67 : memref<128xi32, #tpu.memory_space<vmem>>) semaphore(%arg13 : memref<!tpu.dma_semaphore, #tpu.memory_space<semaphore_mem>>)
      %mul3A_71 = arith.constant 256 : i32
      %mul3A_72 = arith.muli %add3A_52, %mul3A_71 : i32
      %add3A_73 = arith.constant 128 : i32
      %add3A_74 = arith.addi %mul3A_72, %add3A_73 : i32
      %dma_start3A_75 = arith.constant 128 : i32
      %dma_start3A_76 = arith.constant 0 : i32
      %dma_start3A_77 = tpu.memref_slice %arg10[%dma_start3A_75, %dma_start3A_76] : memref<256x128xbf16, #tpu.memory_space<vmem>> -> memref<128x128xbf16, #tpu.memory_space<vmem>>
      %dma_start3A_78 = tpu.memref_slice %arg6[%add3A_74] : memref<12800xi32, #tpu.memory_space<vmem>> -> memref<128xi32, #tpu.memory_space<vmem>>
      %dma_start3A_79 = arith.constant 0 : i32
      %dma_start3A_80 = arith.constant 0 : i32
      %dma_start3A_81 = tpu.memref_slice %arg2[%dma_start3A_79, %dma_start3A_80] : memref<50000x128xbf16, #tpu.memory_space<hbm>> -> memref<50000x128xbf16, #tpu.memory_space<hbm>>
      tpu.enqueue_indirect_dma source(%dma_start3A_81 : memref<50000x128xbf16, #tpu.memory_space<hbm>>) target(%dma_start3A_77 : memref<128x128xbf16, #tpu.memory_space<vmem>>) offsets(%dma_start3A_78 : memref<128xi32, #tpu.memory_space<vmem>>) semaphore(%arg13 : memref<!tpu.dma_semaphore, #tpu.memory_space<semaphore_mem>>)
      %dma_start3A_82 = arith.constant 128 : i32
      %dma_start3A_83 = arith.constant 0 : i32
      %dma_start3A_84 = tpu.memref_slice %arg11[%dma_start3A_82, %dma_start3A_83] : memref<256x128xbf16, #tpu.memory_space<vmem>> -> memref<128x128xbf16, #tpu.memory_space<vmem>>
      %dma_start3A_85 = tpu.memref_slice %arg7[%add3A_74] : memref<12800xi32, #tpu.memory_space<vmem>> -> memref<128xi32, #tpu.memory_space<vmem>>
      %dma_start3A_86 = arith.constant 0 : i32
      %dma_start3A_87 = arith.constant 0 : i32
      %dma_start3A_88 = tpu.memref_slice %arg2[%dma_start3A_86, %dma_start3A_87] : memref<50000x128xbf16, #tpu.memory_space<hbm>> -> memref<50000x128xbf16, #tpu.memory_space<hbm>>
      tpu.enqueue_indirect_dma source(%dma_start3A_88 : memref<50000x128xbf16, #tpu.memory_space<hbm>>) target(%dma_start3A_84 : memref<128x128xbf16, #tpu.memory_space<vmem>>) offsets(%dma_start3A_85 : memref<128xi32, #tpu.memory_space<vmem>>) semaphore(%arg13 : memref<!tpu.dma_semaphore, #tpu.memory_space<semaphore_mem>>)
      %mul3A_89 = arith.constant 2 : i32
      %mul3A_90 = arith.muli %mul3A_89, %scan3A_46 : i32
      %mul3A_91 = arith.constant 256 : i32
      %mul3A_92 = arith.muli %mul3A_90, %mul3A_91 : i32
      %add3A_93 = arith.constant 0 : i32
      %add3A_94 = arith.addi %mul3A_92, %add3A_93 : i32
      %dma_wait3A_95 = arith.constant 0 : i32
      %dma_wait3A_96 = arith.constant 0 : i32
      %dma_wait3A_97 = tpu.memref_slice %arg8[%dma_wait3A_95, %dma_wait3A_96] : memref<256x128xbf16, #tpu.memory_space<vmem>> -> memref<128x128xbf16, #tpu.memory_space<vmem>>
      %dma_wait3A_98 = tpu.memref_slice %arg6[%add3A_94] : memref<12800xi32, #tpu.memory_space<vmem>> -> memref<128xi32, #tpu.memory_space<vmem>>
      %dma_wait3A_99 = arith.constant 0 : i32
      %dma_wait3A_100 = arith.constant 0 : i32
      %dma_wait3A_101 = tpu.memref_slice %arg2[%dma_wait3A_99, %dma_wait3A_100] : memref<50000x128xbf16, #tpu.memory_space<hbm>> -> memref<50000x128xbf16, #tpu.memory_space<hbm>>
      tpu.wait_indirect_dma semaphore(%arg12 : memref<!tpu.dma_semaphore, #tpu.memory_space<semaphore_mem>>) src(%dma_wait3A_101 : memref<50000x128xbf16, #tpu.memory_space<hbm>>) dst(%dma_wait3A_97 : memref<128x128xbf16, #tpu.memory_space<vmem>>)
      %dma_wait3A_102 = arith.constant 0 : i32
      %dma_wait3A_103 = arith.constant 0 : i32
      %dma_wait3A_104 = tpu.memref_slice %arg9[%dma_wait3A_102, %dma_wait3A_103] : memref<256x128xbf16, #tpu.memory_space<vmem>> -> memref<128x128xbf16, #tpu.memory_space<vmem>>
      %dma_wait3A_105 = tpu.memref_slice %arg7[%add3A_94] : memref<12800xi32, #tpu.memory_space<vmem>> -> memref<128xi32, #tpu.memory_space<vmem>>
      %dma_wait3A_106 = arith.constant 0 : i32
      %dma_wait3A_107 = arith.constant 0 : i32
      %dma_wait3A_108 = tpu.memref_slice %arg2[%dma_wait3A_106, %dma_wait3A_107] : memref<50000x128xbf16, #tpu.memory_space<hbm>> -> memref<50000x128xbf16, #tpu.memory_space<hbm>>
      tpu.wait_indirect_dma semaphore(%arg12 : memref<!tpu.dma_semaphore, #tpu.memory_space<semaphore_mem>>) src(%dma_wait3A_108 : memref<50000x128xbf16, #tpu.memory_space<hbm>>) dst(%dma_wait3A_104 : memref<128x128xbf16, #tpu.memory_space<vmem>>)
      %mul3A_109 = arith.constant 256 : i32
      %mul3A_110 = arith.muli %mul3A_90, %mul3A_109 : i32
      %add3A_111 = arith.constant 128 : i32
      %add3A_112 = arith.addi %mul3A_110, %add3A_111 : i32
      %dma_wait3A_113 = arith.constant 128 : i32
      %dma_wait3A_114 = arith.constant 0 : i32
      %dma_wait3A_115 = tpu.memref_slice %arg8[%dma_wait3A_113, %dma_wait3A_114] : memref<256x128xbf16, #tpu.memory_space<vmem>> -> memref<128x128xbf16, #tpu.memory_space<vmem>>
      %dma_wait3A_116 = tpu.memref_slice %arg6[%add3A_112] : memref<12800xi32, #tpu.memory_space<vmem>> -> memref<128xi32, #tpu.memory_space<vmem>>
      %dma_wait3A_117 = arith.constant 0 : i32
      %dma_wait3A_118 = arith.constant 0 : i32
      %dma_wait3A_119 = tpu.memref_slice %arg2[%dma_wait3A_117, %dma_wait3A_118] : memref<50000x128xbf16, #tpu.memory_space<hbm>> -> memref<50000x128xbf16, #tpu.memory_space<hbm>>
      tpu.wait_indirect_dma semaphore(%arg12 : memref<!tpu.dma_semaphore, #tpu.memory_space<semaphore_mem>>) src(%dma_wait3A_119 : memref<50000x128xbf16, #tpu.memory_space<hbm>>) dst(%dma_wait3A_115 : memref<128x128xbf16, #tpu.memory_space<vmem>>)
      %dma_wait3A_120 = arith.constant 128 : i32
      %dma_wait3A_121 = arith.constant 0 : i32
      %dma_wait3A_122 = tpu.memref_slice %arg9[%dma_wait3A_120, %dma_wait3A_121] : memref<256x128xbf16, #tpu.memory_space<vmem>> -> memref<128x128xbf16, #tpu.memory_space<vmem>>
      %dma_wait3A_123 = tpu.memref_slice %arg7[%add3A_112] : memref<12800xi32, #tpu.memory_space<vmem>> -> memref<128xi32, #tpu.memory_space<vmem>>
      %dma_wait3A_124 = arith.constant 0 : i32
      %dma_wait3A_125 = arith.constant 0 : i32
      %dma_wait3A_126 = tpu.memref_slice %arg2[%dma_wait3A_124, %dma_wait3A_125] : memref<50000x128xbf16, #tpu.memory_space<hbm>> -> memref<50000x128xbf16, #tpu.memory_space<hbm>>
      tpu.wait_indirect_dma semaphore(%arg12 : memref<!tpu.dma_semaphore, #tpu.memory_space<semaphore_mem>>) src(%dma_wait3A_126 : memref<50000x128xbf16, #tpu.memory_space<hbm>>) dst(%dma_wait3A_122 : memref<128x128xbf16, #tpu.memory_space<vmem>>)
      %scan3A_127 = arith.constant 0 : i32
      %scan3A_128 = arith.constant 0 : i32
      %scan3A_129 = arith.constant 64 : i32
      %scan3A_130 = arith.addi %scan3A_128, %scan3A_129 : i32
      %scan3A_131 = arith.constant 1 : i32
      scf.for %scan3A_201 = %scan3A_128 to %scan3A_130 step %scan3A_131  : i32 {
        %mul3A_202 = arith.constant 4 : i32
        %mul3A_203 = arith.muli %scan3A_201, %mul3A_202 : i32
        %add3A_204 = arith.constant 0 : i32
        %add3A_205 = arith.addi %mul3A_203, %add3A_204 : i32
        %get3A = arith.index_cast %add3A_205 : i32 to index
        %get3A_206 = arith.constant 0 : index
        %get3A_207 = tpu.vector_load %arg8[%get3A, %get3A_206] {strides = array<i32>} : memref<256x128xbf16, #tpu.memory_space<vmem>>, vector<1x32xbf16>,
        %get3A_208 = vector.shape_cast %get3A_207 : vector<1x32xbf16> to vector<32xbf16>
        %mul3A_209 = arith.constant 4 : i32
        %mul3A_210 = arith.muli %scan3A_201, %mul3A_209 : i32
        %add3A_211 = arith.constant 0 : i32
        %add3A_212 = arith.addi %mul3A_210, %add3A_211 : i32
        %get3A_213 = arith.index_cast %add3A_212 : i32 to index
        %get3A_214 = arith.constant 0 : index
        %get3A_215 = tpu.vector_load %arg9[%get3A_213, %get3A_214] {strides = array<i32>} : memref<256x128xbf16, #tpu.memory_space<vmem>>, vector<1x32xbf16>,
        %get3A_216 = vector.shape_cast %get3A_215 : vector<1x32xbf16> to vector<32xbf16>
        %add3A_217 = arith.addf %get3A_208, %get3A_216 : vector<32xbf16>
        %mul3A_218 = arith.constant 4 : i32
        %mul3A_219 = arith.muli %scan3A_201, %mul3A_218 : i32
        %add3A_220 = arith.constant 0 : i32
        %add3A_221 = arith.addi %mul3A_219, %add3A_220 : i32
        %swap3A = arith.index_cast %add3A_221 : i32 to index
        %swap3A_222 = arith.constant 0 : index
        %swap3A_223 = tpu.vector_load %arg8[%swap3A, %swap3A_222] {strides = array<i32>} : memref<256x128xbf16, #tpu.memory_space<vmem>>, vector<1x32xbf16>,
        %swap3A_224 = vector.shape_cast %swap3A_223 : vector<1x32xbf16> to vector<32xbf16>
        %swap3A_225 = vector.shape_cast %add3A_217 : vector<32xbf16> to vector<1x32xbf16>
        tpu.vector_store %arg8[%swap3A, %swap3A_222], %swap3A_225 {strides = array<i32>} : memref<256x128xbf16, #tpu.memory_space<vmem>>, vector<1x32xbf16>,
        %mul3A_226 = arith.constant 4 : i32
        %mul3A_227 = arith.muli %scan3A_201, %mul3A_226 : i32
        %add3A_228 = arith.constant 0 : i32
        %add3A_229 = arith.addi %mul3A_227, %add3A_228 : i32
        %get3A_230 = arith.index_cast %add3A_229 : i32 to index
        %get3A_231 = arith.constant 32 : index
        %get3A_232 = tpu.vector_load %arg8[%get3A_230, %get3A_231] {strides = array<i32>} : memref<256x128xbf16, #tpu.memory_space<vmem>>, vector<1x32xbf16>,
        %get3A_233 = vector.shape_cast %get3A_232 : vector<1x32xbf16> to vector<32xbf16>
        %mul3A_234 = arith.constant 4 : i32
        %mul3A_235 = arith.muli %scan3A_201, %mul3A_234 : i32
        %add3A_236 = arith.constant 0 : i32
        %add3A_237 = arith.addi %mul3A_235, %add3A_236 : i32
        %get3A_238 = arith.index_cast %add3A_237 : i32 to index
        %get3A_239 = arith.constant 32 : index
        %get3A_240 = tpu.vector_load %arg9[%get3A_238, %get3A_239] {strides = array<i32>} : memref<256x128xbf16, #tpu.memory_space<vmem>>, vector<1x32xbf16>,
        %get3A_241 = vector.shape_cast %get3A_240 : vector<1x32xbf16> to vector<32xbf16>
        %add3A_242 = arith.addf %get3A_233, %get3A_241 : vector<32xbf16>
        %mul3A_243 = arith.constant 4 : i32
        %mul3A_244 = arith.muli %scan3A_201, %mul3A_243 : i32
        %add3A_245 = arith.constant 0 : i32
        %add3A_246 = arith.addi %mul3A_244, %add3A_245 : i32
        %swap3A_247 = arith.index_cast %add3A_246 : i32 to index
        %swap3A_248 = arith.constant 32 : index
        %swap3A_249 = tpu.vector_load %arg8[%swap3A_247, %swap3A_248] {strides = array<i32>} : memref<256x128xbf16, #tpu.memory_space<vmem>>, vector<1x32xbf16>,
        %swap3A_250 = vector.shape_cast %swap3A_249 : vector<1x32xbf16> to vector<32xbf16>
        %swap3A_251 = vector.shape_cast %add3A_242 : vector<32xbf16> to vector<1x32xbf16>
        tpu.vector_store %arg8[%swap3A_247, %swap3A_248], %swap3A_251 {strides = array<i32>} : memref<256x128xbf16, #tpu.memory_space<vmem>>, vector<1x32xbf16>,
        %mul3A_252 = arith.constant 4 : i32
        %mul3A_253 = arith.muli %scan3A_201, %mul3A_252 : i32
        %add3A_254 = arith.constant 1 : i32
        %add3A_255 = arith.addi %mul3A_253, %add3A_254 : i32
        %get3A_256 = arith.index_cast %add3A_255 : i32 to index
        %get3A_257 = arith.constant 0 : index
        %get3A_258 = tpu.vector_load %arg8[%get3A_256, %get3A_257] {strides = array<i32>} : memref<256x128xbf16, #tpu.memory_space<vmem>>, vector<1x32xbf16>,
        %get3A_259 = vector.shape_cast %get3A_258 : vector<1x32xbf16> to vector<32xbf16>
        %mul3A_260 = arith.constant 4 : i32
        %mul3A_261 = arith.muli %scan3A_201, %mul3A_260 : i32
        %add3A_262 = arith.constant 1 : i32
        %add3A_263 = arith.addi %mul3A_261, %add3A_262 : i32
        %get3A_264 = arith.index_cast %add3A_263 : i32 to index
        %get3A_265 = arith.constant 0 : index
        %get3A_266 = tpu.vector_load %arg9[%get3A_264, %get3A_265] {strides = array<i32>} : memref<256x128xbf16, #tpu.memory_space<vmem>>, vector<1x32xbf16>,
        %get3A_267 = vector.shape_cast %get3A_266 : vector<1x32xbf16> to vector<32xbf16>
        %add3A_268 = arith.addf %get3A_259, %get3A_267 : vector<32xbf16>
        %mul3A_269 = arith.constant 4 : i32
        %mul3A_270 = arith.muli %scan3A_201, %mul3A_269 : i32
        %add3A_271 = arith.constant 1 : i32
        %add3A_272 = arith.addi %mul3A_270, %add3A_271 : i32
        %swap3A_273 = arith.index_cast %add3A_272 : i32 to index
        %swap3A_274 = arith.constant 0 : index
        %swap3A_275 = tpu.vector_load %arg8[%swap3A_273, %swap3A_274] {strides = array<i32>} : memref<256x128xbf16, #tpu.memory_space<vmem>>, vector<1x32xbf16>,
        %swap3A_276 = vector.shape_cast %swap3A_275 : vector<1x32xbf16> to vector<32xbf16>
        %swap3A_277 = vector.shape_cast %add3A_268 : vector<32xbf16> to vector<1x32xbf16>
        tpu.vector_store %arg8[%swap3A_273, %swap3A_274], %swap3A_277 {strides = array<i32>} : memref<256x128xbf16, #tpu.memory_space<vmem>>, vector<1x32xbf16>,
        %mul3A_278 = arith.constant 4 : i32
        %mul3A_279 = arith.muli %scan3A_201, %mul3A_278 : i32
        %add3A_280 = arith.constant 1 : i32
        %add3A_281 = arith.addi %mul3A_279, %add3A_280 : i32
        %get3A_282 = arith.index_cast %add3A_281 : i32 to index
        %get3A_283 = arith.constant 32 : index
        %get3A_284 = tpu.vector_load %arg8[%get3A_282, %get3A_283] {strides = array<i32>} : memref<256x128xbf16, #tpu.memory_space<vmem>>, vector<1x32xbf16>,
        %get3A_285 = vector.shape_cast %get3A_284 : vector<1x32xbf16> to vector<32xbf16>
        %mul3A_286 = arith.constant 4 : i32
        %mul3A_287 = arith.muli %scan3A_201, %mul3A_286 : i32
        %add3A_288 = arith.constant 1 : i32
        %add3A_289 = arith.addi %mul3A_287, %add3A_288 : i32
        %get3A_290 = arith.index_cast %add3A_289 : i32 to index
        %get3A_291 = arith.constant 32 : index
        %get3A_292 = tpu.vector_load %arg9[%get3A_290, %get3A_291] {strides = array<i32>} : memref<256x128xbf16, #tpu.memory_space<vmem>>, vector<1x32xbf16>,
        %get3A_293 = vector.shape_cast %get3A_292 : vector<1x32xbf16> to vector<32xbf16>
        %add3A_294 = arith.addf %get3A_285, %get3A_293 : vector<32xbf16>
        %mul3A_295 = arith.constant 4 : i32
        %mul3A_296 = arith.muli %scan3A_201, %mul3A_295 : i32
        %add3A_297 = arith.constant 1 : i32
        %add3A_298 = arith.addi %mul3A_296, %add3A_297 : i32
        %swap3A_299 = arith.index_cast %add3A_298 : i32 to index
        %swap3A_300 = arith.constant 32 : index
        %swap3A_301 = tpu.vector_load %arg8[%swap3A_299, %swap3A_300] {strides = array<i32>} : memref<256x128xbf16, #tpu.memory_space<vmem>>, vector<1x32xbf16>,
        %swap3A_302 = vector.shape_cast %swap3A_301 : vector<1x32xbf16> to vector<32xbf16>
        %swap3A_303 = vector.shape_cast %add3A_294 : vector<32xbf16> to vector<1x32xbf16>
        tpu.vector_store %arg8[%swap3A_299, %swap3A_300], %swap3A_303 {strides = array<i32>} : memref<256x128xbf16, #tpu.memory_space<vmem>>, vector<1x32xbf16>,
        %mul3A_304 = arith.constant 4 : i32
        %mul3A_305 = arith.muli %scan3A_201, %mul3A_304 : i32
        %add3A_306 = arith.constant 2 : i32
        %add3A_307 = arith.addi %mul3A_305, %add3A_306 : i32
        %get3A_308 = arith.index_cast %add3A_307 : i32 to index
        %get3A_309 = arith.constant 0 : index
        %get3A_310 = tpu.vector_load %arg8[%get3A_308, %get3A_309] {strides = array<i32>} : memref<256x128xbf16, #tpu.memory_space<vmem>>, vector<1x32xbf16>,
        %get3A_311 = vector.shape_cast %get3A_310 : vector<1x32xbf16> to vector<32xbf16>
        %mul3A_312 = arith.constant 4 : i32
        %mul3A_313 = arith.muli %scan3A_201, %mul3A_312 : i32
        %add3A_314 = arith.constant 2 : i32
        %add3A_315 = arith.addi %mul3A_313, %add3A_314 : i32
        %get3A_316 = arith.index_cast %add3A_315 : i32 to index
        %get3A_317 = arith.constant 0 : index
        %get3A_318 = tpu.vector_load %arg9[%get3A_316, %get3A_317] {strides = array<i32>} : memref<256x128xbf16, #tpu.memory_space<vmem>>, vector<1x32xbf16>,
        %get3A_319 = vector.shape_cast %get3A_318 : vector<1x32xbf16> to vector<32xbf16>
        %add3A_320 = arith.addf %get3A_311, %get3A_319 : vector<32xbf16>
        %mul3A_321 = arith.constant 4 : i32
        %mul3A_322 = arith.muli %scan3A_201, %mul3A_321 : i32
        %add3A_323 = arith.constant 2 : i32
        %add3A_324 = arith.addi %mul3A_322, %add3A_323 : i32
        %swap3A_325 = arith.index_cast %add3A_324 : i32 to index
        %swap3A_326 = arith.constant 0 : index
        %swap3A_327 = tpu.vector_load %arg8[%swap3A_325, %swap3A_326] {strides = array<i32>} : memref<256x128xbf16, #tpu.memory_space<vmem>>, vector<1x32xbf16>,
        %swap3A_328 = vector.shape_cast %swap3A_327 : vector<1x32xbf16> to vector<32xbf16>
        %swap3A_329 = vector.shape_cast %add3A_320 : vector<32xbf16> to vector<1x32xbf16>
        tpu.vector_store %arg8[%swap3A_325, %swap3A_326], %swap3A_329 {strides = array<i32>} : memref<256x128xbf16, #tpu.memory_space<vmem>>, vector<1x32xbf16>,
        %mul3A_330 = arith.constant 4 : i32
        %mul3A_331 = arith.muli %scan3A_201, %mul3A_330 : i32
        %add3A_332 = arith.constant 2 : i32
        %add3A_333 = arith.addi %mul3A_331, %add3A_332 : i32
        %get3A_334 = arith.index_cast %add3A_333 : i32 to index
        %get3A_335 = arith.constant 32 : index
        %get3A_336 = tpu.vector_load %arg8[%get3A_334, %get3A_335] {strides = array<i32>} : memref<256x128xbf16, #tpu.memory_space<vmem>>, vector<1x32xbf16>,
        %get3A_337 = vector.shape_cast %get3A_336 : vector<1x32xbf16> to vector<32xbf16>
        %mul3A_338 = arith.constant 4 : i32
        %mul3A_339 = arith.muli %scan3A_201, %mul3A_338 : i32
        %add3A_340 = arith.constant 2 : i32
        %add3A_341 = arith.addi %mul3A_339, %add3A_340 : i32
        %get3A_342 = arith.index_cast %add3A_341 : i32 to index
        %get3A_343 = arith.constant 32 : index
        %get3A_344 = tpu.vector_load %arg9[%get3A_342, %get3A_343] {strides = array<i32>} : memref<256x128xbf16, #tpu.memory_space<vmem>>, vector<1x32xbf16>,
        %get3A_345 = vector.shape_cast %get3A_344 : vector<1x32xbf16> to vector<32xbf16>
        %add3A_346 = arith.addf %get3A_337, %get3A_345 : vector<32xbf16>
        %mul3A_347 = arith.constant 4 : i32
        %mul3A_348 = arith.muli %scan3A_201, %mul3A_347 : i32
        %add3A_349 = arith.constant 2 : i32
        %add3A_350 = arith.addi %mul3A_348, %add3A_349 : i32
        %swap3A_351 = arith.index_cast %add3A_350 : i32 to index
        %swap3A_352 = arith.constant 32 : index
        %swap3A_353 = tpu.vector_load %arg8[%swap3A_351, %swap3A_352] {strides = array<i32>} : memref<256x128xbf16, #tpu.memory_space<vmem>>, vector<1x32xbf16>,
        %swap3A_354 = vector.shape_cast %swap3A_353 : vector<1x32xbf16> to vector<32xbf16>
        %swap3A_355 = vector.shape_cast %add3A_346 : vector<32xbf16> to vector<1x32xbf16>
        tpu.vector_store %arg8[%swap3A_351, %swap3A_352], %swap3A_355 {strides = array<i32>} : memref<256x128xbf16, #tpu.memory_space<vmem>>, vector<1x32xbf16>,
        %mul3A_356 = arith.constant 4 : i32
        %mul3A_357 = arith.muli %scan3A_201, %mul3A_356 : i32
        %add3A_358 = arith.constant 3 : i32
        %add3A_359 = arith.addi %mul3A_357, %add3A_358 : i32
        %get3A_360 = arith.index_cast %add3A_359 : i32 to index
        %get3A_361 = arith.constant 0 : index
        %get3A_362 = tpu.vector_load %arg8[%get3A_360, %get3A_361] {strides = array<i32>} : memref<256x128xbf16, #tpu.memory_space<vmem>>, vector<1x32xbf16>,
        %get3A_363 = vector.shape_cast %get3A_362 : vector<1x32xbf16> to vector<32xbf16>
        %mul3A_364 = arith.constant 4 : i32
        %mul3A_365 = arith.muli %scan3A_201, %mul3A_364 : i32
        %add3A_366 = arith.constant 3 : i32
        %add3A_367 = arith.addi %mul3A_365, %add3A_366 : i32
        %get3A_368 = arith.index_cast %add3A_367 : i32 to index
        %get3A_369 = arith.constant 0 : index
        %get3A_370 = tpu.vector_load %arg9[%get3A_368, %get3A_369] {strides = array<i32>} : memref<256x128xbf16, #tpu.memory_space<vmem>>, vector<1x32xbf16>,
        %get3A_371 = vector.shape_cast %get3A_370 : vector<1x32xbf16> to vector<32xbf16>
        %add3A_372 = arith.addf %get3A_363, %get3A_371 : vector<32xbf16>
        %mul3A_373 = arith.constant 4 : i32
        %mul3A_374 = arith.muli %scan3A_201, %mul3A_373 : i32
        %add3A_375 = arith.constant 3 : i32
        %add3A_376 = arith.addi %mul3A_374, %add3A_375 : i32
        %swap3A_377 = arith.index_cast %add3A_376 : i32 to index
        %swap3A_378 = arith.constant 0 : index
        %swap3A_379 = tpu.vector_load %arg8[%swap3A_377, %swap3A_378] {strides = array<i32>} : memref<256x128xbf16, #tpu.memory_space<vmem>>, vector<1x32xbf16>,
        %swap3A_380 = vector.shape_cast %swap3A_379 : vector<1x32xbf16> to vector<32xbf16>
        %swap3A_381 = vector.shape_cast %add3A_372 : vector<32xbf16> to vector<1x32xbf16>
        tpu.vector_store %arg8[%swap3A_377, %swap3A_378], %swap3A_381 {strides = array<i32>} : memref<256x128xbf16, #tpu.memory_space<vmem>>, vector<1x32xbf16>,
        %mul3A_382 = arith.constant 4 : i32
        %mul3A_383 = arith.muli %scan3A_201, %mul3A_382 : i32
        %add3A_384 = arith.constant 3 : i32
        %add3A_385 = arith.addi %mul3A_383, %add3A_384 : i32
        %get3A_386 = arith.index_cast %add3A_385 : i32 to index
        %get3A_387 = arith.constant 32 : index
        %get3A_388 = tpu.vector_load %arg8[%get3A_386, %get3A_387] {strides = array<i32>} : memref<256x128xbf16, #tpu.memory_space<vmem>>, vector<1x32xbf16>,
        %get3A_389 = vector.shape_cast %get3A_388 : vector<1x32xbf16> to vector<32xbf16>
        %mul3A_390 = arith.constant 4 : i32
        %mul3A_391 = arith.muli %scan3A_201, %mul3A_390 : i32
        %add3A_392 = arith.constant 3 : i32
        %add3A_393 = arith.addi %mul3A_391, %add3A_392 : i32
        %get3A_394 = arith.index_cast %add3A_393 : i32 to index
        %get3A_395 = arith.constant 32 : index
        %get3A_396 = tpu.vector_load %arg9[%get3A_394, %get3A_395] {strides = array<i32>} : memref<256x128xbf16, #tpu.memory_space<vmem>>, vector<1x32xbf16>,
        %get3A_397 = vector.shape_cast %get3A_396 : vector<1x32xbf16> to vector<32xbf16>
        %add3A_398 = arith.addf %get3A_389, %get3A_397 : vector<32xbf16>
        %mul3A_399 = arith.constant 4 : i32
        %mul3A_400 = arith.muli %scan3A_201, %mul3A_399 : i32
        %add3A_401 = arith.constant 3 : i32
        %add3A_402 = arith.addi %mul3A_400, %add3A_401 : i32
        %swap3A_403 = arith.index_cast %add3A_402 : i32 to index
        %swap3A_404 = arith.constant 32 : index
        %swap3A_405 = tpu.vector_load %arg8[%swap3A_403, %swap3A_404] {strides = array<i32>} : memref<256x128xbf16, #tpu.memory_space<vmem>>, vector<1x32xbf16>,
        %swap3A_406 = vector.shape_cast %swap3A_405 : vector<1x32xbf16> to vector<32xbf16>
        %swap3A_407 = vector.shape_cast %add3A_398 : vector<32xbf16> to vector<1x32xbf16>
        tpu.vector_store %arg8[%swap3A_403, %swap3A_404], %swap3A_407 {strides = array<i32>} : memref<256x128xbf16, #tpu.memory_space<vmem>>, vector<1x32xbf16>,
      }
      %scan3A_132 = arith.constant 64 : i32
      %mul3A_133 = arith.constant 256 : i32
      %mul3A_134 = arith.muli %mul3A_90, %mul3A_133 : i32
      %add3A_135 = arith.addi %mul3A_2, %mul3A_134 : i32
      %dma_start3A_136 = arith.constant 0 : i32
      %dma_start3A_137 = tpu.memref_slice %arg5[%add3A_135, %dma_start3A_136] : memref<409600x128xbf16, #tpu.memory_space<hbm>> -> memref<256x128xbf16, #tpu.memory_space<hbm>>
      %dma_start3A_138 = arith.constant 0 : i32
      %dma_start3A_139 = tpu.memref_slice %arg5[%add3A_135, %dma_start3A_138] : memref<409600x128xbf16, #tpu.memory_space<hbm>> -> memref<256x128xbf16, #tpu.memory_space<hbm>>
      tpu.enqueue_dma source(%arg8 : memref<256x128xbf16, #tpu.memory_space<vmem>>) target(%dma_start3A_139 : memref<256x128xbf16, #tpu.memory_space<hbm>>) target_semaphore(%arg14 : memref<!tpu.dma_semaphore, #tpu.memory_space<semaphore_mem>>)
      %mul3A_140 = arith.constant 2 : i32
      %mul3A_141 = arith.muli %mul3A_140, %scan3A_46 : i32
      %add3A_142 = arith.constant 2 : i32
      %add3A_143 = arith.addi %mul3A_141, %add3A_142 : i32
      %lt3A = arith.constant 50 : i32
      %lt3A_144 = arith.cmpi slt, %add3A_143, %lt3A : i32
      %convert_element_type3A_145 = arith.extui %lt3A_144 : i1 to i32
      %cond3A_146 = arith.constant 0 : i32
      %cond3A_147 = arith.cmpi ne, %convert_element_type3A_145, %cond3A_146 : i32
      scf.if %cond3A_147 {
        %dma_wait3A_201 = arith.constant 0 : i32
        %dma_wait3A_202 = tpu.memref_slice %arg5[%mul3A_2, %dma_wait3A_201] : memref<409600x128xbf16, #tpu.memory_space<hbm>> -> memref<256x128xbf16, #tpu.memory_space<hbm>>
        %dma_wait3A_203 = arith.constant 0 : i32
        %dma_wait3A_204 = tpu.memref_slice %arg5[%mul3A_2, %dma_wait3A_203] : memref<409600x128xbf16, #tpu.memory_space<hbm>> -> memref<256x128xbf16, #tpu.memory_space<hbm>>
        tpu.wait_dma2 semaphore(%arg14 : memref<!tpu.dma_semaphore, #tpu.memory_space<semaphore_mem>>) src(%arg8 : memref<256x128xbf16, #tpu.memory_space<vmem>>) dst(%dma_wait3A_204 : memref<256x128xbf16, #tpu.memory_space<hbm>>)
        %mul3A_205 = arith.constant 2 : i32
        %mul3A_206 = arith.muli %mul3A_205, %scan3A_46 : i32
        %add3A_207 = arith.constant 2 : i32
        %add3A_208 = arith.addi %mul3A_206, %add3A_207 : i32
        %mul3A_209 = arith.constant 256 : i32
        %mul3A_210 = arith.muli %add3A_208, %mul3A_209 : i32
        %add3A_211 = arith.constant 0 : i32
        %add3A_212 = arith.addi %mul3A_210, %add3A_211 : i32
        %dma_start3A_213 = arith.constant 0 : i32
        %dma_start3A_214 = arith.constant 0 : i32
        %dma_start3A_215 = tpu.memref_slice %arg8[%dma_start3A_213, %dma_start3A_214] : memref<256x128xbf16, #tpu.memory_space<vmem>> -> memref<128x128xbf16, #tpu.memory_space<vmem>>
        %dma_start3A_216 = tpu.memref_slice %arg6[%add3A_212] : memref<12800xi32, #tpu.memory_space<vmem>> -> memref<128xi32, #tpu.memory_space<vmem>>
        %dma_start3A_217 = arith.constant 0 : i32
        %dma_start3A_218 = arith.constant 0 : i32
        %dma_start3A_219 = tpu.memref_slice %arg2[%dma_start3A_217, %dma_start3A_218] : memref<50000x128xbf16, #tpu.memory_space<hbm>> -> memref<50000x128xbf16, #tpu.memory_space<hbm>>
        tpu.enqueue_indirect_dma source(%dma_start3A_219 : memref<50000x128xbf16, #tpu.memory_space<hbm>>) target(%dma_start3A_215 : memref<128x128xbf16, #tpu.memory_space<vmem>>) offsets(%dma_start3A_216 : memref<128xi32, #tpu.memory_space<vmem>>) semaphore(%arg12 : memref<!tpu.dma_semaphore, #tpu.memory_space<semaphore_mem>>)
        %dma_start3A_220 = arith.constant 0 : i32
        %dma_start3A_221 = arith.constant 0 : i32
        %dma_start3A_222 = tpu.memref_slice %arg9[%dma_start3A_220, %dma_start3A_221] : memref<256x128xbf16, #tpu.memory_space<vmem>> -> memref<128x128xbf16, #tpu.memory_space<vmem>>
        %dma_start3A_223 = tpu.memref_slice %arg7[%add3A_212] : memref<12800xi32, #tpu.memory_space<vmem>> -> memref<128xi32, #tpu.memory_space<vmem>>
        %dma_start3A_224 = arith.constant 0 : i32
        %dma_start3A_225 = arith.constant 0 : i32
        %dma_start3A_226 = tpu.memref_slice %arg2[%dma_start3A_224, %dma_start3A_225] : memref<50000x128xbf16, #tpu.memory_space<hbm>> -> memref<50000x128xbf16, #tpu.memory_space<hbm>>
        tpu.enqueue_indirect_dma source(%dma_start3A_226 : memref<50000x128xbf16, #tpu.memory_space<hbm>>) target(%dma_start3A_222 : memref<128x128xbf16, #tpu.memory_space<vmem>>) offsets(%dma_start3A_223 : memref<128xi32, #tpu.memory_space<vmem>>) semaphore(%arg12 : memref<!tpu.dma_semaphore, #tpu.memory_space<semaphore_mem>>)
        %mul3A_227 = arith.constant 256 : i32
        %mul3A_228 = arith.muli %add3A_208, %mul3A_227 : i32
        %add3A_229 = arith.constant 128 : i32
        %add3A_230 = arith.addi %mul3A_228, %add3A_229 : i32
        %dma_start3A_231 = arith.constant 128 : i32
        %dma_start3A_232 = arith.constant 0 : i32
        %dma_start3A_233 = tpu.memref_slice %arg8[%dma_start3A_231, %dma_start3A_232] : memref<256x128xbf16, #tpu.memory_space<vmem>> -> memref<128x128xbf16, #tpu.memory_space<vmem>>
        %dma_start3A_234 = tpu.memref_slice %arg6[%add3A_230] : memref<12800xi32, #tpu.memory_space<vmem>> -> memref<128xi32, #tpu.memory_space<vmem>>
        %dma_start3A_235 = arith.constant 0 : i32
        %dma_start3A_236 = arith.constant 0 : i32
        %dma_start3A_237 = tpu.memref_slice %arg2[%dma_start3A_235, %dma_start3A_236] : memref<50000x128xbf16, #tpu.memory_space<hbm>> -> memref<50000x128xbf16, #tpu.memory_space<hbm>>
        tpu.enqueue_indirect_dma source(%dma_start3A_237 : memref<50000x128xbf16, #tpu.memory_space<hbm>>) target(%dma_start3A_233 : memref<128x128xbf16, #tpu.memory_space<vmem>>) offsets(%dma_start3A_234 : memref<128xi32, #tpu.memory_space<vmem>>) semaphore(%arg12 : memref<!tpu.dma_semaphore, #tpu.memory_space<semaphore_mem>>)
        %dma_start3A_238 = arith.constant 128 : i32
        %dma_start3A_239 = arith.constant 0 : i32
        %dma_start3A_240 = tpu.memref_slice %arg9[%dma_start3A_238, %dma_start3A_239] : memref<256x128xbf16, #tpu.memory_space<vmem>> -> memref<128x128xbf16, #tpu.memory_space<vmem>>
        %dma_start3A_241 = tpu.memref_slice %arg7[%add3A_230] : memref<12800xi32, #tpu.memory_space<vmem>> -> memref<128xi32, #tpu.memory_space<vmem>>
        %dma_start3A_242 = arith.constant 0 : i32
        %dma_start3A_243 = arith.constant 0 : i32
        %dma_start3A_244 = tpu.memref_slice %arg2[%dma_start3A_242, %dma_start3A_243] : memref<50000x128xbf16, #tpu.memory_space<hbm>> -> memref<50000x128xbf16, #tpu.memory_space<hbm>>
        tpu.enqueue_indirect_dma source(%dma_start3A_244 : memref<50000x128xbf16, #tpu.memory_space<hbm>>) target(%dma_start3A_240 : memref<128x128xbf16, #tpu.memory_space<vmem>>) offsets(%dma_start3A_241 : memref<128xi32, #tpu.memory_space<vmem>>) semaphore(%arg12 : memref<!tpu.dma_semaphore, #tpu.memory_space<semaphore_mem>>)
      } else {
      }
      %mul3A_148 = arith.constant 2 : i32
      %mul3A_149 = arith.muli %mul3A_148, %scan3A_46 : i32
      %add3A_150 = arith.constant 1 : i32
      %add3A_151 = arith.addi %mul3A_149, %add3A_150 : i32
      %mul3A_152 = arith.constant 256 : i32
      %mul3A_153 = arith.muli %add3A_151, %mul3A_152 : i32
      %add3A_154 = arith.constant 0 : i32
      %add3A_155 = arith.addi %mul3A_153, %add3A_154 : i32
      %dma_wait3A_156 = arith.constant 0 : i32
      %dma_wait3A_157 = arith.constant 0 : i32
      %dma_wait3A_158 = tpu.memref_slice %arg10[%dma_wait3A_156, %dma_wait3A_157] : memref<256x128xbf16, #tpu.memory_space<vmem>> -> memref<128x128xbf16, #tpu.memory_space<vmem>>
      %dma_wait3A_159 = tpu.memref_slice %arg6[%add3A_155] : memref<12800xi32, #tpu.memory_space<vmem>> -> memref<128xi32, #tpu.memory_space<vmem>>
      %dma_wait3A_160 = arith.constant 0 : i32
      %dma_wait3A_161 = arith.constant 0 : i32
      %dma_wait3A_162 = tpu.memref_slice %arg2[%dma_wait3A_160, %dma_wait3A_161] : memref<50000x128xbf16, #tpu.memory_space<hbm>> -> memref<50000x128xbf16, #tpu.memory_space<hbm>>
      tpu.wait_indirect_dma semaphore(%arg13 : memref<!tpu.dma_semaphore, #tpu.memory_space<semaphore_mem>>) src(%dma_wait3A_162 : memref<50000x128xbf16, #tpu.memory_space<hbm>>) dst(%dma_wait3A_158 : memref<128x128xbf16, #tpu.memory_space<vmem>>)
      %dma_wait3A_163 = arith.constant 0 : i32
      %dma_wait3A_164 = arith.constant 0 : i32
      %dma_wait3A_165 = tpu.memref_slice %arg11[%dma_wait3A_163, %dma_wait3A_164] : memref<256x128xbf16, #tpu.memory_space<vmem>> -> memref<128x128xbf16, #tpu.memory_space<vmem>>
      %dma_wait3A_166 = tpu.memref_slice %arg7[%add3A_155] : memref<12800xi32, #tpu.memory_space<vmem>> -> memref<128xi32, #tpu.memory_space<vmem>>
      %dma_wait3A_167 = arith.constant 0 : i32
      %dma_wait3A_168 = arith.constant 0 : i32
      %dma_wait3A_169 = tpu.memref_slice %arg2[%dma_wait3A_167, %dma_wait3A_168] : memref<50000x128xbf16, #tpu.memory_space<hbm>> -> memref<50000x128xbf16, #tpu.memory_space<hbm>>
      tpu.wait_indirect_dma semaphore(%arg13 : memref<!tpu.dma_semaphore, #tpu.memory_space<semaphore_mem>>) src(%dma_wait3A_169 : memref<50000x128xbf16, #tpu.memory_space<hbm>>) dst(%dma_wait3A_165 : memref<128x128xbf16, #tpu.memory_space<vmem>>)
      %mul3A_170 = arith.constant 256 : i32
      %mul3A_171 = arith.muli %add3A_151, %mul3A_170 : i32
      %add3A_172 = arith.constant 128 : i32
      %add3A_173 = arith.addi %mul3A_171, %add3A_172 : i32
      %dma_wait3A_174 = arith.constant 128 : i32
      %dma_wait3A_175 = arith.constant 0 : i32
      %dma_wait3A_176 = tpu.memref_slice %arg10[%dma_wait3A_174, %dma_wait3A_175] : memref<256x128xbf16, #tpu.memory_space<vmem>> -> memref<128x128xbf16, #tpu.memory_space<vmem>>
      %dma_wait3A_177 = tpu.memref_slice %arg6[%add3A_173] : memref<12800xi32, #tpu.memory_space<vmem>> -> memref<128xi32, #tpu.memory_space<vmem>>
      %dma_wait3A_178 = arith.constant 0 : i32
      %dma_wait3A_179 = arith.constant 0 : i32
      %dma_wait3A_180 = tpu.memref_slice %arg2[%dma_wait3A_178, %dma_wait3A_179] : memref<50000x128xbf16, #tpu.memory_space<hbm>> -> memref<50000x128xbf16, #tpu.memory_space<hbm>>
      tpu.wait_indirect_dma semaphore(%arg13 : memref<!tpu.dma_semaphore, #tpu.memory_space<semaphore_mem>>) src(%dma_wait3A_180 : memref<50000x128xbf16, #tpu.memory_space<hbm>>) dst(%dma_wait3A_176 : memref<128x128xbf16, #tpu.memory_space<vmem>>)
      %dma_wait3A_181 = arith.constant 128 : i32
      %dma_wait3A_182 = arith.constant 0 : i32
      %dma_wait3A_183 = tpu.memref_slice %arg11[%dma_wait3A_181, %dma_wait3A_182] : memref<256x128xbf16, #tpu.memory_space<vmem>> -> memref<128x128xbf16, #tpu.memory_space<vmem>>
      %dma_wait3A_184 = tpu.memref_slice %arg7[%add3A_173] : memref<12800xi32, #tpu.memory_space<vmem>> -> memref<128xi32, #tpu.memory_space<vmem>>
      %dma_wait3A_185 = arith.constant 0 : i32
      %dma_wait3A_186 = arith.constant 0 : i32
      %dma_wait3A_187 = tpu.memref_slice %arg2[%dma_wait3A_185, %dma_wait3A_186] : memref<50000x128xbf16, #tpu.memory_space<hbm>> -> memref<50000x128xbf16, #tpu.memory_space<hbm>>
      tpu.wait_indirect_dma semaphore(%arg13 : memref<!tpu.dma_semaphore, #tpu.memory_space<semaphore_mem>>) src(%dma_wait3A_187 : memref<50000x128xbf16, #tpu.memory_space<hbm>>) dst(%dma_wait3A_183 : memref<128x128xbf16, #tpu.memory_space<vmem>>)
      %scan3A_188 = arith.constant 0 : i32
      %scan3A_189 = arith.constant 0 : i32
      %scan3A_190 = arith.constant 64 : i32
      %scan3A_191 = arith.addi %scan3A_189, %scan3A_190 : i32
      %scan3A_192 = arith.constant 1 : i32
      scf.for %scan3A_201 = %scan3A_189 to %scan3A_191 step %scan3A_192  : i32 {
        %mul3A_202 = arith.constant 4 : i32
        %mul3A_203 = arith.muli %scan3A_201, %mul3A_202 : i32
        %add3A_204 = arith.constant 0 : i32
        %add3A_205 = arith.addi %mul3A_203, %add3A_204 : i32
        %get3A = arith.index_cast %add3A_205 : i32 to index
        %get3A_206 = arith.constant 0 : index
        %get3A_207 = tpu.vector_load %arg10[%get3A, %get3A_206] {strides = array<i32>} : memref<256x128xbf16, #tpu.memory_space<vmem>>, vector<1x32xbf16>,
        %get3A_208 = vector.shape_cast %get3A_207 : vector<1x32xbf16> to vector<32xbf16>
        %mul3A_209 = arith.constant 4 : i32
        %mul3A_210 = arith.muli %scan3A_201, %mul3A_209 : i32
        %add3A_211 = arith.constant 0 : i32
        %add3A_212 = arith.addi %mul3A_210, %add3A_211 : i32
        %get3A_213 = arith.index_cast %add3A_212 : i32 to index
        %get3A_214 = arith.constant 0 : index
        %get3A_215 = tpu.vector_load %arg11[%get3A_213, %get3A_214] {strides = array<i32>} : memref<256x128xbf16, #tpu.memory_space<vmem>>, vector<1x32xbf16>,
        %get3A_216 = vector.shape_cast %get3A_215 : vector<1x32xbf16> to vector<32xbf16>
        %add3A_217 = arith.addf %get3A_208, %get3A_216 : vector<32xbf16>
        %mul3A_218 = arith.constant 4 : i32
        %mul3A_219 = arith.muli %scan3A_201, %mul3A_218 : i32
        %add3A_220 = arith.constant 0 : i32
        %add3A_221 = arith.addi %mul3A_219, %add3A_220 : i32
        %swap3A = arith.index_cast %add3A_221 : i32 to index
        %swap3A_222 = arith.constant 0 : index
        %swap3A_223 = tpu.vector_load %arg10[%swap3A, %swap3A_222] {strides = array<i32>} : memref<256x128xbf16, #tpu.memory_space<vmem>>, vector<1x32xbf16>,
        %swap3A_224 = vector.shape_cast %swap3A_223 : vector<1x32xbf16> to vector<32xbf16>
        %swap3A_225 = vector.shape_cast %add3A_217 : vector<32xbf16> to vector<1x32xbf16>
        tpu.vector_store %arg10[%swap3A, %swap3A_222], %swap3A_225 {strides = array<i32>} : memref<256x128xbf16, #tpu.memory_space<vmem>>, vector<1x32xbf16>,
        %mul3A_226 = arith.constant 4 : i32
        %mul3A_227 = arith.muli %scan3A_201, %mul3A_226 : i32
        %add3A_228 = arith.constant 0 : i32
        %add3A_229 = arith.addi %mul3A_227, %add3A_228 : i32
        %get3A_230 = arith.index_cast %add3A_229 : i32 to index
        %get3A_231 = arith.constant 32 : index
        %get3A_232 = tpu.vector_load %arg10[%get3A_230, %get3A_231] {strides = array<i32>} : memref<256x128xbf16, #tpu.memory_space<vmem>>, vector<1x32xbf16>,
        %get3A_233 = vector.shape_cast %get3A_232 : vector<1x32xbf16> to vector<32xbf16>
        %mul3A_234 = arith.constant 4 : i32
        %mul3A_235 = arith.muli %scan3A_201, %mul3A_234 : i32
        %add3A_236 = arith.constant 0 : i32
        %add3A_237 = arith.addi %mul3A_235, %add3A_236 : i32
        %get3A_238 = arith.index_cast %add3A_237 : i32 to index
        %get3A_239 = arith.constant 32 : index
        %get3A_240 = tpu.vector_load %arg11[%get3A_238, %get3A_239] {strides = array<i32>} : memref<256x128xbf16, #tpu.memory_space<vmem>>, vector<1x32xbf16>,
        %get3A_241 = vector.shape_cast %get3A_240 : vector<1x32xbf16> to vector<32xbf16>
        %add3A_242 = arith.addf %get3A_233, %get3A_241 : vector<32xbf16>
        %mul3A_243 = arith.constant 4 : i32
        %mul3A_244 = arith.muli %scan3A_201, %mul3A_243 : i32
        %add3A_245 = arith.constant 0 : i32
        %add3A_246 = arith.addi %mul3A_244, %add3A_245 : i32
        %swap3A_247 = arith.index_cast %add3A_246 : i32 to index
        %swap3A_248 = arith.constant 32 : index
        %swap3A_249 = tpu.vector_load %arg10[%swap3A_247, %swap3A_248] {strides = array<i32>} : memref<256x128xbf16, #tpu.memory_space<vmem>>, vector<1x32xbf16>,
        %swap3A_250 = vector.shape_cast %swap3A_249 : vector<1x32xbf16> to vector<32xbf16>
        %swap3A_251 = vector.shape_cast %add3A_242 : vector<32xbf16> to vector<1x32xbf16>
        tpu.vector_store %arg10[%swap3A_247, %swap3A_248], %swap3A_251 {strides = array<i32>} : memref<256x128xbf16, #tpu.memory_space<vmem>>, vector<1x32xbf16>,
        %mul3A_252 = arith.constant 4 : i32
        %mul3A_253 = arith.muli %scan3A_201, %mul3A_252 : i32
        %add3A_254 = arith.constant 1 : i32
        %add3A_255 = arith.addi %mul3A_253, %add3A_254 : i32
        %get3A_256 = arith.index_cast %add3A_255 : i32 to index
        %get3A_257 = arith.constant 0 : index
        %get3A_258 = tpu.vector_load %arg10[%get3A_256, %get3A_257] {strides = array<i32>} : memref<256x128xbf16, #tpu.memory_space<vmem>>, vector<1x32xbf16>,
        %get3A_259 = vector.shape_cast %get3A_258 : vector<1x32xbf16> to vector<32xbf16>
        %mul3A_260 = arith.constant 4 : i32
        %mul3A_261 = arith.muli %scan3A_201, %mul3A_260 : i32
        %add3A_262 = arith.constant 1 : i32
        %add3A_263 = arith.addi %mul3A_261, %add3A_262 : i32
        %get3A_264 = arith.index_cast %add3A_263 : i32 to index
        %get3A_265 = arith.constant 0 : index
        %get3A_266 = tpu.vector_load %arg11[%get3A_264, %get3A_265] {strides = array<i32>} : memref<256x128xbf16, #tpu.memory_space<vmem>>, vector<1x32xbf16>,
        %get3A_267 = vector.shape_cast %get3A_266 : vector<1x32xbf16> to vector<32xbf16>
        %add3A_268 = arith.addf %get3A_259, %get3A_267 : vector<32xbf16>
        %mul3A_269 = arith.constant 4 : i32
        %mul3A_270 = arith.muli %scan3A_201, %mul3A_269 : i32
        %add3A_271 = arith.constant 1 : i32
        %add3A_272 = arith.addi %mul3A_270, %add3A_271 : i32
        %swap3A_273 = arith.index_cast %add3A_272 : i32 to index
        %swap3A_274 = arith.constant 0 : index
        %swap3A_275 = tpu.vector_load %arg10[%swap3A_273, %swap3A_274] {strides = array<i32>} : memref<256x128xbf16, #tpu.memory_space<vmem>>, vector<1x32xbf16>,
        %swap3A_276 = vector.shape_cast %swap3A_275 : vector<1x32xbf16> to vector<32xbf16>
        %swap3A_277 = vector.shape_cast %add3A_268 : vector<32xbf16> to vector<1x32xbf16>
        tpu.vector_store %arg10[%swap3A_273, %swap3A_274], %swap3A_277 {strides = array<i32>} : memref<256x128xbf16, #tpu.memory_space<vmem>>, vector<1x32xbf16>,
        %mul3A_278 = arith.constant 4 : i32
        %mul3A_279 = arith.muli %scan3A_201, %mul3A_278 : i32
        %add3A_280 = arith.constant 1 : i32
        %add3A_281 = arith.addi %mul3A_279, %add3A_280 : i32
        %get3A_282 = arith.index_cast %add3A_281 : i32 to index
        %get3A_283 = arith.constant 32 : index
        %get3A_284 = tpu.vector_load %arg10[%get3A_282, %get3A_283] {strides = array<i32>} : memref<256x128xbf16, #tpu.memory_space<vmem>>, vector<1x32xbf16>,
        %get3A_285 = vector.shape_cast %get3A_284 : vector<1x32xbf16> to vector<32xbf16>
        %mul3A_286 = arith.constant 4 : i32
        %mul3A_287 = arith.muli %scan3A_201, %mul3A_286 : i32
        %add3A_288 = arith.constant 1 : i32
        %add3A_289 = arith.addi %mul3A_287, %add3A_288 : i32
        %get3A_290 = arith.index_cast %add3A_289 : i32 to index
        %get3A_291 = arith.constant 32 : index
        %get3A_292 = tpu.vector_load %arg11[%get3A_290, %get3A_291] {strides = array<i32>} : memref<256x128xbf16, #tpu.memory_space<vmem>>, vector<1x32xbf16>,
        %get3A_293 = vector.shape_cast %get3A_292 : vector<1x32xbf16> to vector<32xbf16>
        %add3A_294 = arith.addf %get3A_285, %get3A_293 : vector<32xbf16>
        %mul3A_295 = arith.constant 4 : i32
        %mul3A_296 = arith.muli %scan3A_201, %mul3A_295 : i32
        %add3A_297 = arith.constant 1 : i32
        %add3A_298 = arith.addi %mul3A_296, %add3A_297 : i32
        %swap3A_299 = arith.index_cast %add3A_298 : i32 to index
        %swap3A_300 = arith.constant 32 : index
        %swap3A_301 = tpu.vector_load %arg10[%swap3A_299, %swap3A_300] {strides = array<i32>} : memref<256x128xbf16, #tpu.memory_space<vmem>>, vector<1x32xbf16>,
        %swap3A_302 = vector.shape_cast %swap3A_301 : vector<1x32xbf16> to vector<32xbf16>
        %swap3A_303 = vector.shape_cast %add3A_294 : vector<32xbf16> to vector<1x32xbf16>
        tpu.vector_store %arg10[%swap3A_299, %swap3A_300], %swap3A_303 {strides = array<i32>} : memref<256x128xbf16, #tpu.memory_space<vmem>>, vector<1x32xbf16>,
        %mul3A_304 = arith.constant 4 : i32
        %mul3A_305 = arith.muli %scan3A_201, %mul3A_304 : i32
        %add3A_306 = arith.constant 2 : i32
        %add3A_307 = arith.addi %mul3A_305, %add3A_306 : i32
        %get3A_308 = arith.index_cast %add3A_307 : i32 to index
        %get3A_309 = arith.constant 0 : index
        %get3A_310 = tpu.vector_load %arg10[%get3A_308, %get3A_309] {strides = array<i32>} : memref<256x128xbf16, #tpu.memory_space<vmem>>, vector<1x32xbf16>,
        %get3A_311 = vector.shape_cast %get3A_310 : vector<1x32xbf16> to vector<32xbf16>
        %mul3A_312 = arith.constant 4 : i32
        %mul3A_313 = arith.muli %scan3A_201, %mul3A_312 : i32
        %add3A_314 = arith.constant 2 : i32
        %add3A_315 = arith.addi %mul3A_313, %add3A_314 : i32
        %get3A_316 = arith.index_cast %add3A_315 : i32 to index
        %get3A_317 = arith.constant 0 : index
        %get3A_318 = tpu.vector_load %arg11[%get3A_316, %get3A_317] {strides = array<i32>} : memref<256x128xbf16, #tpu.memory_space<vmem>>, vector<1x32xbf16>,
        %get3A_319 = vector.shape_cast %get3A_318 : vector<1x32xbf16> to vector<32xbf16>
        %add3A_320 = arith.addf %get3A_311, %get3A_319 : vector<32xbf16>
        %mul3A_321 = arith.constant 4 : i32
        %mul3A_322 = arith.muli %scan3A_201, %mul3A_321 : i32
        %add3A_323 = arith.constant 2 : i32
        %add3A_324 = arith.addi %mul3A_322, %add3A_323 : i32
        %swap3A_325 = arith.index_cast %add3A_324 : i32 to index
        %swap3A_326 = arith.constant 0 : index
        %swap3A_327 = tpu.vector_load %arg10[%swap3A_325, %swap3A_326] {strides = array<i32>} : memref<256x128xbf16, #tpu.memory_space<vmem>>, vector<1x32xbf16>,
        %swap3A_328 = vector.shape_cast %swap3A_327 : vector<1x32xbf16> to vector<32xbf16>
        %swap3A_329 = vector.shape_cast %add3A_320 : vector<32xbf16> to vector<1x32xbf16>
        tpu.vector_store %arg10[%swap3A_325, %swap3A_326], %swap3A_329 {strides = array<i32>} : memref<256x128xbf16, #tpu.memory_space<vmem>>, vector<1x32xbf16>,
        %mul3A_330 = arith.constant 4 : i32
        %mul3A_331 = arith.muli %scan3A_201, %mul3A_330 : i32
        %add3A_332 = arith.constant 2 : i32
        %add3A_333 = arith.addi %mul3A_331, %add3A_332 : i32
        %get3A_334 = arith.index_cast %add3A_333 : i32 to index
        %get3A_335 = arith.constant 32 : index
        %get3A_336 = tpu.vector_load %arg10[%get3A_334, %get3A_335] {strides = array<i32>} : memref<256x128xbf16, #tpu.memory_space<vmem>>, vector<1x32xbf16>,
        %get3A_337 = vector.shape_cast %get3A_336 : vector<1x32xbf16> to vector<32xbf16>
        %mul3A_338 = arith.constant 4 : i32
        %mul3A_339 = arith.muli %scan3A_201, %mul3A_338 : i32
        %add3A_340 = arith.constant 2 : i32
        %add3A_341 = arith.addi %mul3A_339, %add3A_340 : i32
        %get3A_342 = arith.index_cast %add3A_341 : i32 to index
        %get3A_343 = arith.constant 32 : index
        %get3A_344 = tpu.vector_load %arg11[%get3A_342, %get3A_343] {strides = array<i32>} : memref<256x128xbf16, #tpu.memory_space<vmem>>, vector<1x32xbf16>,
        %get3A_345 = vector.shape_cast %get3A_344 : vector<1x32xbf16> to vector<32xbf16>
        %add3A_346 = arith.addf %get3A_337, %get3A_345 : vector<32xbf16>
        %mul3A_347 = arith.constant 4 : i32
        %mul3A_348 = arith.muli %scan3A_201, %mul3A_347 : i32
        %add3A_349 = arith.constant 2 : i32
        %add3A_350 = arith.addi %mul3A_348, %add3A_349 : i32
        %swap3A_351 = arith.index_cast %add3A_350 : i32 to index
        %swap3A_352 = arith.constant 32 : index
        %swap3A_353 = tpu.vector_load %arg10[%swap3A_351, %swap3A_352] {strides = array<i32>} : memref<256x128xbf16, #tpu.memory_space<vmem>>, vector<1x32xbf16>,
        %swap3A_354 = vector.shape_cast %swap3A_353 : vector<1x32xbf16> to vector<32xbf16>
        %swap3A_355 = vector.shape_cast %add3A_346 : vector<32xbf16> to vector<1x32xbf16>
        tpu.vector_store %arg10[%swap3A_351, %swap3A_352], %swap3A_355 {strides = array<i32>} : memref<256x128xbf16, #tpu.memory_space<vmem>>, vector<1x32xbf16>,
        %mul3A_356 = arith.constant 4 : i32
        %mul3A_357 = arith.muli %scan3A_201, %mul3A_356 : i32
        %add3A_358 = arith.constant 3 : i32
        %add3A_359 = arith.addi %mul3A_357, %add3A_358 : i32
        %get3A_360 = arith.index_cast %add3A_359 : i32 to index
        %get3A_361 = arith.constant 0 : index
        %get3A_362 = tpu.vector_load %arg10[%get3A_360, %get3A_361] {strides = array<i32>} : memref<256x128xbf16, #tpu.memory_space<vmem>>, vector<1x32xbf16>,
        %get3A_363 = vector.shape_cast %get3A_362 : vector<1x32xbf16> to vector<32xbf16>
        %mul3A_364 = arith.constant 4 : i32
        %mul3A_365 = arith.muli %scan3A_201, %mul3A_364 : i32
        %add3A_366 = arith.constant 3 : i32
        %add3A_367 = arith.addi %mul3A_365, %add3A_366 : i32
        %get3A_368 = arith.index_cast %add3A_367 : i32 to index
        %get3A_369 = arith.constant 0 : index
        %get3A_370 = tpu.vector_load %arg11[%get3A_368, %get3A_369] {strides = array<i32>} : memref<256x128xbf16, #tpu.memory_space<vmem>>, vector<1x32xbf16>,
        %get3A_371 = vector.shape_cast %get3A_370 : vector<1x32xbf16> to vector<32xbf16>
        %add3A_372 = arith.addf %get3A_363, %get3A_371 : vector<32xbf16>
        %mul3A_373 = arith.constant 4 : i32
        %mul3A_374 = arith.muli %scan3A_201, %mul3A_373 : i32
        %add3A_375 = arith.constant 3 : i32
        %add3A_376 = arith.addi %mul3A_374, %add3A_375 : i32
        %swap3A_377 = arith.index_cast %add3A_376 : i32 to index
        %swap3A_378 = arith.constant 0 : index
        %swap3A_379 = tpu.vector_load %arg10[%swap3A_377, %swap3A_378] {strides = array<i32>} : memref<256x128xbf16, #tpu.memory_space<vmem>>, vector<1x32xbf16>,
        %swap3A_380 = vector.shape_cast %swap3A_379 : vector<1x32xbf16> to vector<32xbf16>
        %swap3A_381 = vector.shape_cast %add3A_372 : vector<32xbf16> to vector<1x32xbf16>
        tpu.vector_store %arg10[%swap3A_377, %swap3A_378], %swap3A_381 {strides = array<i32>} : memref<256x128xbf16, #tpu.memory_space<vmem>>, vector<1x32xbf16>,
        %mul3A_382 = arith.constant 4 : i32
        %mul3A_383 = arith.muli %scan3A_201, %mul3A_382 : i32
        %add3A_384 = arith.constant 3 : i32
        %add3A_385 = arith.addi %mul3A_383, %add3A_384 : i32
        %get3A_386 = arith.index_cast %add3A_385 : i32 to index
        %get3A_387 = arith.constant 32 : index
        %get3A_388 = tpu.vector_load %arg10[%get3A_386, %get3A_387] {strides = array<i32>} : memref<256x128xbf16, #tpu.memory_space<vmem>>, vector<1x32xbf16>,
        %get3A_389 = vector.shape_cast %get3A_388 : vector<1x32xbf16> to vector<32xbf16>
        %mul3A_390 = arith.constant 4 : i32
        %mul3A_391 = arith.muli %scan3A_201, %mul3A_390 : i32
        %add3A_392 = arith.constant 3 : i32
        %add3A_393 = arith.addi %mul3A_391, %add3A_392 : i32
        %get3A_394 = arith.index_cast %add3A_393 : i32 to index
        %get3A_395 = arith.constant 32 : index
        %get3A_396 = tpu.vector_load %arg11[%get3A_394, %get3A_395] {strides = array<i32>} : memref<256x128xbf16, #tpu.memory_space<vmem>>, vector<1x32xbf16>,
        %get3A_397 = vector.shape_cast %get3A_396 : vector<1x32xbf16> to vector<32xbf16>
        %add3A_398 = arith.addf %get3A_389, %get3A_397 : vector<32xbf16>
        %mul3A_399 = arith.constant 4 : i32
        %mul3A_400 = arith.muli %scan3A_201, %mul3A_399 : i32
        %add3A_401 = arith.constant 3 : i32
        %add3A_402 = arith.addi %mul3A_400, %add3A_401 : i32
        %swap3A_403 = arith.index_cast %add3A_402 : i32 to index
        %swap3A_404 = arith.constant 32 : index
        %swap3A_405 = tpu.vector_load %arg10[%swap3A_403, %swap3A_404] {strides = array<i32>} : memref<256x128xbf16, #tpu.memory_space<vmem>>, vector<1x32xbf16>,
        %swap3A_406 = vector.shape_cast %swap3A_405 : vector<1x32xbf16> to vector<32xbf16>
        %swap3A_407 = vector.shape_cast %add3A_398 : vector<32xbf16> to vector<1x32xbf16>
        tpu.vector_store %arg10[%swap3A_403, %swap3A_404], %swap3A_407 {strides = array<i32>} : memref<256x128xbf16, #tpu.memory_space<vmem>>, vector<1x32xbf16>,
      }
      %scan3A_193 = arith.constant 64 : i32
      %mul3A_194 = arith.constant 256 : i32
      %mul3A_195 = arith.muli %add3A_151, %mul3A_194 : i32
      %add3A_196 = arith.addi %mul3A_2, %mul3A_195 : i32
      %dma_start3A_197 = arith.constant 0 : i32
      %dma_start3A_198 = tpu.memref_slice %arg5[%add3A_196, %dma_start3A_197] : memref<409600x128xbf16, #tpu.memory_space<hbm>> -> memref<256x128xbf16, #tpu.memory_space<hbm>>
      %dma_start3A_199 = arith.constant 0 : i32
      %dma_start3A_200 = tpu.memref_slice %arg5[%add3A_196, %dma_start3A_199] : memref<409600x128xbf16, #tpu.memory_space<hbm>> -> memref<256x128xbf16, #tpu.memory_space<hbm>>
      tpu.enqueue_dma source(%arg10 : memref<256x128xbf16, #tpu.memory_space<vmem>>) target(%dma_start3A_200 : memref<256x128xbf16, #tpu.memory_space<hbm>>) target_semaphore(%arg15 : memref<!tpu.dma_semaphore, #tpu.memory_space<semaphore_mem>>)
    }
    %scan3A_38 = arith.constant 25 : i32
    %dma_wait3A = arith.constant 0 : i32
    %dma_wait3A_39 = tpu.memref_slice %arg5[%mul3A_2, %dma_wait3A] : memref<409600x128xbf16, #tpu.memory_space<hbm>> -> memref<256x128xbf16, #tpu.memory_space<hbm>>
    %dma_wait3A_40 = arith.constant 0 : i32
    %dma_wait3A_41 = tpu.memref_slice %arg5[%mul3A_2, %dma_wait3A_40] : memref<409600x128xbf16, #tpu.memory_space<hbm>> -> memref<256x128xbf16, #tpu.memory_space<hbm>>
    tpu.wait_dma2 semaphore(%arg14 : memref<!tpu.dma_semaphore, #tpu.memory_space<semaphore_mem>>) src(%arg8 : memref<256x128xbf16, #tpu.memory_space<vmem>>) dst(%dma_wait3A_41 : memref<256x128xbf16, #tpu.memory_space<hbm>>)
    %dma_wait3A_42 = arith.constant 0 : i32
    %dma_wait3A_43 = tpu.memref_slice %arg5[%mul3A_2, %dma_wait3A_42] : memref<409600x128xbf16, #tpu.memory_space<hbm>> -> memref<256x128xbf16, #tpu.memory_space<hbm>>
    %dma_wait3A_44 = arith.constant 0 : i32
    %dma_wait3A_45 = tpu.memref_slice %arg5[%mul3A_2, %dma_wait3A_44] : memref<409600x128xbf16, #tpu.memory_space<hbm>> -> memref<256x128xbf16, #tpu.memory_space<hbm>>
    tpu.wait_dma2 semaphore(%arg15 : memref<!tpu.dma_semaphore, #tpu.memory_space<semaphore_mem>>) src(%arg10 : memref<256x128xbf16, #tpu.memory_space<vmem>>) dst(%dma_wait3A_45 : memref<256x128xbf16, #tpu.memory_space<hbm>>)
    return
  }
}

#map = affine_map<(d0, d1) -> (0, 0, 0)>
#map1 = affine_map<(d0, d1) -> (0)>
module attributes {stable_mosaic.version = 14 : i64} {
  func.func @_scatter_body(%arg0: i32, %arg1: i32, %arg2: memref<3200x8x128xf32, #tpu.memory_space<hbm>>, %arg3: memref<2x3200x128xi32, #tpu.memory_space<hbm>>, %arg4: memref<50000xf32, #tpu.memory_space<hbm>>, %arg5: memref<2x4x50000xf32, #tpu.memory_space<hbm>>, %arg6: memref<50000xf32, #tpu.memory_space<vmem_shared>>, %arg7: memref<50000xf32, #tpu.memory_space<vmem_shared>>, %arg8: memref<50000xf32, #tpu.memory_space<vmem_shared>>, %arg9: memref<50000xf32, #tpu.memory_space<vmem_shared>>, %arg10: memref<20x8x128xf32, #tpu.memory_space<vmem>>, %arg11: memref<2x20x128xi32, #tpu.memory_space<vmem>>, %arg12: memref<!tpu.dma_semaphore, #tpu.memory_space<semaphore_mem>>) attributes {dimension_semantics = [#tpu.dimension_semantics<core_parallel>, #tpu.dimension_semantics<subcore_parallel>], iteration_bounds = array<i64: 2, 16>, scalar_prefetch = 0 : i64, scratch_operands = 7 : i64, tpu.core_type = #tpu.core_type<sc_vector_subcore>, window_params = [{transform_indices = #map}, {transform_indices = #map}, {transform_indices = #map1}, {transform_indices = #map}]} {
    %mul3A = arith.constant 2 : i32
    %mul3A_0 = arith.muli %arg1, %mul3A : i32
    %add3A = arith.addi %mul3A_0, %arg0 : i32
    %eq3A = arith.constant 0 : i32
    %eq3A_1 = arith.cmpi eq, %arg1, %eq3A : i32
    %convert_element_type3A = arith.extui %eq3A_1 : i1 to i32
    %cond3A = arith.constant 0 : i32
    %cond3A_2 = arith.cmpi ne, %convert_element_type3A, %cond3A : i32
    scf.if %cond3A_2 {
      "tpu.region"() ({
        %run_scoped3A = tpu.sem_alloc : memref<!tpu.dma_semaphore, #tpu.memory_space<semaphore_mem>>
        tpu.enqueue_dma source(%arg4 : memref<50000xf32, #tpu.memory_space<hbm>>) target(%arg6 : memref<50000xf32, #tpu.memory_space<vmem_shared>>) target_semaphore(%run_scoped3A : memref<!tpu.dma_semaphore, #tpu.memory_space<semaphore_mem>>)
        tpu.wait_dma2 semaphore(%run_scoped3A : memref<!tpu.dma_semaphore, #tpu.memory_space<semaphore_mem>>) src(%arg4 : memref<50000xf32, #tpu.memory_space<hbm>>) dst(%arg6 : memref<50000xf32, #tpu.memory_space<vmem_shared>>)
        tpu.yield
      }) : () -> ()
      "tpu.region"() ({
        %run_scoped3A = tpu.sem_alloc : memref<!tpu.dma_semaphore, #tpu.memory_space<semaphore_mem>>
        tpu.enqueue_dma source(%arg4 : memref<50000xf32, #tpu.memory_space<hbm>>) target(%arg7 : memref<50000xf32, #tpu.memory_space<vmem_shared>>) target_semaphore(%run_scoped3A : memref<!tpu.dma_semaphore, #tpu.memory_space<semaphore_mem>>)
        tpu.wait_dma2 semaphore(%run_scoped3A : memref<!tpu.dma_semaphore, #tpu.memory_space<semaphore_mem>>) src(%arg4 : memref<50000xf32, #tpu.memory_space<hbm>>) dst(%arg7 : memref<50000xf32, #tpu.memory_space<vmem_shared>>)
        tpu.yield
      }) : () -> ()
      "tpu.region"() ({
        %run_scoped3A = tpu.sem_alloc : memref<!tpu.dma_semaphore, #tpu.memory_space<semaphore_mem>>
        tpu.enqueue_dma source(%arg4 : memref<50000xf32, #tpu.memory_space<hbm>>) target(%arg8 : memref<50000xf32, #tpu.memory_space<vmem_shared>>) target_semaphore(%run_scoped3A : memref<!tpu.dma_semaphore, #tpu.memory_space<semaphore_mem>>)
        tpu.wait_dma2 semaphore(%run_scoped3A : memref<!tpu.dma_semaphore, #tpu.memory_space<semaphore_mem>>) src(%arg4 : memref<50000xf32, #tpu.memory_space<hbm>>) dst(%arg8 : memref<50000xf32, #tpu.memory_space<vmem_shared>>)
        tpu.yield
      }) : () -> ()
      "tpu.region"() ({
        %run_scoped3A = tpu.sem_alloc : memref<!tpu.dma_semaphore, #tpu.memory_space<semaphore_mem>>
        tpu.enqueue_dma source(%arg4 : memref<50000xf32, #tpu.memory_space<hbm>>) target(%arg9 : memref<50000xf32, #tpu.memory_space<vmem_shared>>) target_semaphore(%run_scoped3A : memref<!tpu.dma_semaphore, #tpu.memory_space<semaphore_mem>>)
        tpu.wait_dma2 semaphore(%run_scoped3A : memref<!tpu.dma_semaphore, #tpu.memory_space<semaphore_mem>>) src(%arg4 : memref<50000xf32, #tpu.memory_space<hbm>>) dst(%arg9 : memref<50000xf32, #tpu.memory_space<vmem_shared>>)
        tpu.yield
      }) : () -> ()
    } else {
    }
    %barrier3A = arith.constant 0 : index
    tpu.barrier barrier_id(%barrier3A)
    %scan3A = arith.constant 0 : i32
    %scan3A_3 = arith.constant 0 : i32
    %scan3A_4 = arith.constant 5 : i32
    %scan3A_5 = arith.addi %scan3A_3, %scan3A_4 : i32
    %scan3A_6 = arith.constant 1 : i32
    scf.for %scan3A_14 = %scan3A_3 to %scan3A_5 step %scan3A_6  : i32 {
      %mul3A_15 = arith.constant 100 : i32
      %mul3A_16 = arith.muli %add3A, %mul3A_15 : i32
      %mul3A_17 = arith.constant 20 : i32
      %mul3A_18 = arith.muli %scan3A_14, %mul3A_17 : i32
      %add3A_19 = arith.addi %mul3A_16, %mul3A_18 : i32
      "tpu.region"() ({
        %run_scoped3A = tpu.sem_alloc : memref<!tpu.dma_semaphore, #tpu.memory_space<semaphore_mem>>
        %dma_start3A_121 = arith.constant 0 : i32
        %dma_start3A_122 = arith.constant 0 : i32
        %dma_start3A_123 = tpu.memref_slice %arg2[%add3A_19, %dma_start3A_121, %dma_start3A_122] : memref<3200x8x128xf32, #tpu.memory_space<hbm>> -> memref<20x8x128xf32, #tpu.memory_space<hbm>>
        %dma_start3A_124 = arith.constant 0 : i32
        %dma_start3A_125 = arith.constant 0 : i32
        %dma_start3A_126 = tpu.memref_slice %arg2[%add3A_19, %dma_start3A_124, %dma_start3A_125] : memref<3200x8x128xf32, #tpu.memory_space<hbm>> -> memref<20x8x128xf32, #tpu.memory_space<hbm>>
        tpu.enqueue_dma source(%dma_start3A_126 : memref<20x8x128xf32, #tpu.memory_space<hbm>>) target(%arg10 : memref<20x8x128xf32, #tpu.memory_space<vmem>>) target_semaphore(%run_scoped3A : memref<!tpu.dma_semaphore, #tpu.memory_space<semaphore_mem>>)
        %dma_wait3A = arith.constant 0 : i32
        %dma_wait3A_127 = arith.constant 0 : i32
        %dma_wait3A_128 = tpu.memref_slice %arg2[%add3A_19, %dma_wait3A, %dma_wait3A_127] : memref<3200x8x128xf32, #tpu.memory_space<hbm>> -> memref<20x8x128xf32, #tpu.memory_space<hbm>>
        %dma_wait3A_129 = arith.constant 0 : i32
        %dma_wait3A_130 = arith.constant 0 : i32
        %dma_wait3A_131 = tpu.memref_slice %arg2[%add3A_19, %dma_wait3A_129, %dma_wait3A_130] : memref<3200x8x128xf32, #tpu.memory_space<hbm>> -> memref<20x8x128xf32, #tpu.memory_space<hbm>>
        tpu.wait_dma2 semaphore(%run_scoped3A : memref<!tpu.dma_semaphore, #tpu.memory_space<semaphore_mem>>) src(%dma_wait3A_131 : memref<20x8x128xf32, #tpu.memory_space<hbm>>) dst(%arg10 : memref<20x8x128xf32, #tpu.memory_space<vmem>>)
        tpu.yield
      }) : () -> ()
      "tpu.region"() ({
        %run_scoped3A = tpu.sem_alloc : memref<!tpu.dma_semaphore, #tpu.memory_space<semaphore_mem>>
        %dma_start3A_121 = arith.constant 0 : i32
        %dma_start3A_122 = arith.constant 0 : i32
        %dma_start3A_123 = tpu.memref_slice %arg3[%dma_start3A_121, %add3A_19, %dma_start3A_122] : memref<2x3200x128xi32, #tpu.memory_space<hbm>> -> memref<2x20x128xi32, #tpu.memory_space<hbm>>
        %dma_start3A_124 = arith.constant 0 : i32
        %dma_start3A_125 = arith.constant 0 : i32
        %dma_start3A_126 = tpu.memref_slice %arg3[%dma_start3A_124, %add3A_19, %dma_start3A_125] : memref<2x3200x128xi32, #tpu.memory_space<hbm>> -> memref<2x20x128xi32, #tpu.memory_space<hbm>>
        tpu.enqueue_dma source(%dma_start3A_126 : memref<2x20x128xi32, #tpu.memory_space<hbm>>) target(%arg11 : memref<2x20x128xi32, #tpu.memory_space<vmem>>) target_semaphore(%run_scoped3A : memref<!tpu.dma_semaphore, #tpu.memory_space<semaphore_mem>>)
        %dma_wait3A = arith.constant 0 : i32
        %dma_wait3A_127 = arith.constant 0 : i32
        %dma_wait3A_128 = tpu.memref_slice %arg3[%dma_wait3A, %add3A_19, %dma_wait3A_127] : memref<2x3200x128xi32, #tpu.memory_space<hbm>> -> memref<2x20x128xi32, #tpu.memory_space<hbm>>
        %dma_wait3A_129 = arith.constant 0 : i32
        %dma_wait3A_130 = arith.constant 0 : i32
        %dma_wait3A_131 = tpu.memref_slice %arg3[%dma_wait3A_129, %add3A_19, %dma_wait3A_130] : memref<2x3200x128xi32, #tpu.memory_space<hbm>> -> memref<2x20x128xi32, #tpu.memory_space<hbm>>
        tpu.wait_dma2 semaphore(%run_scoped3A : memref<!tpu.dma_semaphore, #tpu.memory_space<semaphore_mem>>) src(%dma_wait3A_131 : memref<2x20x128xi32, #tpu.memory_space<hbm>>) dst(%arg11 : memref<2x20x128xi32, #tpu.memory_space<vmem>>)
        tpu.yield
      }) : () -> ()
      %dma_start3A = arith.constant 0 : i32
      %dma_start3A_20 = arith.constant 0 : i32
      %dma_start3A_21 = arith.constant 0 : i32
      %dma_start3A_22 = arith.constant 0 : i32
      %dma_start3A_23 = arith.constant 0 : i32
      %dma_start3A_24 = tpu.memref_slice %arg10[%dma_start3A, %dma_start3A_20, %dma_start3A_23] : memref<20x8x128xf32, #tpu.memory_space<vmem>> -> memref<1x1x128xf32, #tpu.memory_space<vmem>>
      %dma_start3A_25 = tpu.memref_squeeze %dma_start3A_24 : memref<1x1x128xf32, #tpu.memory_space<vmem>> -> memref<128xf32, #tpu.memory_space<vmem>>
      %dma_start3A_26 = arith.constant 0 : i32
      %dma_start3A_27 = tpu.memref_slice %arg11[%dma_start3A_21, %dma_start3A_22, %dma_start3A_26] : memref<2x20x128xi32, #tpu.memory_space<vmem>> -> memref<1x1x128xi32, #tpu.memory_space<vmem>>
      %dma_start3A_28 = tpu.memref_squeeze %dma_start3A_27 : memref<1x1x128xi32, #tpu.memory_space<vmem>> -> memref<128xi32, #tpu.memory_space<vmem>>
      %dma_start3A_29 = arith.constant 0 : i32
      %dma_start3A_30 = tpu.memref_slice %arg6[%dma_start3A_29] : memref<50000xf32, #tpu.memory_space<vmem_shared>> -> memref<50000xf32, #tpu.memory_space<vmem_shared>>
      tpu.enqueue_indirect_dma source(%dma_start3A_25 : memref<128xf32, #tpu.memory_space<vmem>>) target(%dma_start3A_30 : memref<50000xf32, #tpu.memory_space<vmem_shared>>) offsets(%dma_start3A_28 : memref<128xi32, #tpu.memory_space<vmem>>) semaphore(%arg12 : memref<!tpu.dma_semaphore, #tpu.memory_space<semaphore_mem>>) {add = true}
      %dma_start3A_31 = arith.constant 0 : i32
      %dma_start3A_32 = arith.constant 1 : i32
      %dma_start3A_33 = arith.constant 0 : i32
      %dma_start3A_34 = arith.constant 0 : i32
      %dma_start3A_35 = arith.constant 0 : i32
      %dma_start3A_36 = tpu.memref_slice %arg10[%dma_start3A_31, %dma_start3A_32, %dma_start3A_35] : memref<20x8x128xf32, #tpu.memory_space<vmem>> -> memref<1x1x128xf32, #tpu.memory_space<vmem>>
      %dma_start3A_37 = tpu.memref_squeeze %dma_start3A_36 : memref<1x1x128xf32, #tpu.memory_space<vmem>> -> memref<128xf32, #tpu.memory_space<vmem>>
      %dma_start3A_38 = arith.constant 0 : i32
      %dma_start3A_39 = tpu.memref_slice %arg11[%dma_start3A_33, %dma_start3A_34, %dma_start3A_38] : memref<2x20x128xi32, #tpu.memory_space<vmem>> -> memref<1x1x128xi32, #tpu.memory_space<vmem>>
      %dma_start3A_40 = tpu.memref_squeeze %dma_start3A_39 : memref<1x1x128xi32, #tpu.memory_space<vmem>> -> memref<128xi32, #tpu.memory_space<vmem>>
      %dma_start3A_41 = arith.constant 0 : i32
      %dma_start3A_42 = tpu.memref_slice %arg7[%dma_start3A_41] : memref<50000xf32, #tpu.memory_space<vmem_shared>> -> memref<50000xf32, #tpu.memory_space<vmem_shared>>
      tpu.enqueue_indirect_dma source(%dma_start3A_37 : memref<128xf32, #tpu.memory_space<vmem>>) target(%dma_start3A_42 : memref<50000xf32, #tpu.memory_space<vmem_shared>>) offsets(%dma_start3A_40 : memref<128xi32, #tpu.memory_space<vmem>>) semaphore(%arg12 : memref<!tpu.dma_semaphore, #tpu.memory_space<semaphore_mem>>) {add = true}
      %dma_start3A_43 = arith.constant 0 : i32
      %dma_start3A_44 = arith.constant 2 : i32
      %dma_start3A_45 = arith.constant 0 : i32
      %dma_start3A_46 = arith.constant 0 : i32
      %dma_start3A_47 = arith.constant 0 : i32
      %dma_start3A_48 = tpu.memref_slice %arg10[%dma_start3A_43, %dma_start3A_44, %dma_start3A_47] : memref<20x8x128xf32, #tpu.memory_space<vmem>> -> memref<1x1x128xf32, #tpu.memory_space<vmem>>
      %dma_start3A_49 = tpu.memref_squeeze %dma_start3A_48 : memref<1x1x128xf32, #tpu.memory_space<vmem>> -> memref<128xf32, #tpu.memory_space<vmem>>
      %dma_start3A_50 = arith.constant 0 : i32
      %dma_start3A_51 = tpu.memref_slice %arg11[%dma_start3A_45, %dma_start3A_46, %dma_start3A_50] : memref<2x20x128xi32, #tpu.memory_space<vmem>> -> memref<1x1x128xi32, #tpu.memory_space<vmem>>
      %dma_start3A_52 = tpu.memref_squeeze %dma_start3A_51 : memref<1x1x128xi32, #tpu.memory_space<vmem>> -> memref<128xi32, #tpu.memory_space<vmem>>
      %dma_start3A_53 = arith.constant 0 : i32
      %dma_start3A_54 = tpu.memref_slice %arg8[%dma_start3A_53] : memref<50000xf32, #tpu.memory_space<vmem_shared>> -> memref<50000xf32, #tpu.memory_space<vmem_shared>>
      tpu.enqueue_indirect_dma source(%dma_start3A_49 : memref<128xf32, #tpu.memory_space<vmem>>) target(%dma_start3A_54 : memref<50000xf32, #tpu.memory_space<vmem_shared>>) offsets(%dma_start3A_52 : memref<128xi32, #tpu.memory_space<vmem>>) semaphore(%arg12 : memref<!tpu.dma_semaphore, #tpu.memory_space<semaphore_mem>>) {add = true}
      %dma_start3A_55 = arith.constant 0 : i32
      %dma_start3A_56 = arith.constant 3 : i32
      %dma_start3A_57 = arith.constant 0 : i32
      %dma_start3A_58 = arith.constant 0 : i32
      %dma_start3A_59 = arith.constant 0 : i32
      %dma_start3A_60 = tpu.memref_slice %arg10[%dma_start3A_55, %dma_start3A_56, %dma_start3A_59] : memref<20x8x128xf32, #tpu.memory_space<vmem>> -> memref<1x1x128xf32, #tpu.memory_space<vmem>>
      %dma_start3A_61 = tpu.memref_squeeze %dma_start3A_60 : memref<1x1x128xf32, #tpu.memory_space<vmem>> -> memref<128xf32, #tpu.memory_space<vmem>>
      %dma_start3A_62 = arith.constant 0 : i32
      %dma_start3A_63 = tpu.memref_slice %arg11[%dma_start3A_57, %dma_start3A_58, %dma_start3A_62] : memref<2x20x128xi32, #tpu.memory_space<vmem>> -> memref<1x1x128xi32, #tpu.memory_space<vmem>>
      %dma_start3A_64 = tpu.memref_squeeze %dma_start3A_63 : memref<1x1x128xi32, #tpu.memory_space<vmem>> -> memref<128xi32, #tpu.memory_space<vmem>>
      %dma_start3A_65 = arith.constant 0 : i32
      %dma_start3A_66 = tpu.memref_slice %arg9[%dma_start3A_65] : memref<50000xf32, #tpu.memory_space<vmem_shared>> -> memref<50000xf32, #tpu.memory_space<vmem_shared>>
      tpu.enqueue_indirect_dma source(%dma_start3A_61 : memref<128xf32, #tpu.memory_space<vmem>>) target(%dma_start3A_66 : memref<50000xf32, #tpu.memory_space<vmem_shared>>) offsets(%dma_start3A_64 : memref<128xi32, #tpu.memory_space<vmem>>) semaphore(%arg12 : memref<!tpu.dma_semaphore, #tpu.memory_space<semaphore_mem>>) {add = true}
      %dma_start3A_67 = arith.constant 0 : i32
      %dma_start3A_68 = arith.constant 4 : i32
      %dma_start3A_69 = arith.constant 1 : i32
      %dma_start3A_70 = arith.constant 0 : i32
      %dma_start3A_71 = arith.constant 0 : i32
      %dma_start3A_72 = tpu.memref_slice %arg10[%dma_start3A_67, %dma_start3A_68, %dma_start3A_71] : memref<20x8x128xf32, #tpu.memory_space<vmem>> -> memref<1x1x128xf32, #tpu.memory_space<vmem>>
      %dma_start3A_73 = tpu.memref_squeeze %dma_start3A_72 : memref<1x1x128xf32, #tpu.memory_space<vmem>> -> memref<128xf32, #tpu.memory_space<vmem>>
      %dma_start3A_74 = arith.constant 0 : i32
      %dma_start3A_75 = tpu.memref_slice %arg11[%dma_start3A_69, %dma_start3A_70, %dma_start3A_74] : memref<2x20x128xi32, #tpu.memory_space<vmem>> -> memref<1x1x128xi32, #tpu.memory_space<vmem>>
      %dma_start3A_76 = tpu.memref_squeeze %dma_start3A_75 : memref<1x1x128xi32, #tpu.memory_space<vmem>> -> memref<128xi32, #tpu.memory_space<vmem>>
      %dma_start3A_77 = arith.constant 0 : i32
      %dma_start3A_78 = tpu.memref_slice %arg6[%dma_start3A_77] : memref<50000xf32, #tpu.memory_space<vmem_shared>> -> memref<50000xf32, #tpu.memory_space<vmem_shared>>
      tpu.enqueue_indirect_dma source(%dma_start3A_73 : memref<128xf32, #tpu.memory_space<vmem>>) target(%dma_start3A_78 : memref<50000xf32, #tpu.memory_space<vmem_shared>>) offsets(%dma_start3A_76 : memref<128xi32, #tpu.memory_space<vmem>>) semaphore(%arg12 : memref<!tpu.dma_semaphore, #tpu.memory_space<semaphore_mem>>) {add = true}
      %dma_start3A_79 = arith.constant 0 : i32
      %dma_start3A_80 = arith.constant 5 : i32
      %dma_start3A_81 = arith.constant 1 : i32
      %dma_start3A_82 = arith.constant 0 : i32
      %dma_start3A_83 = arith.constant 0 : i32
      %dma_start3A_84 = tpu.memref_slice %arg10[%dma_start3A_79, %dma_start3A_80, %dma_start3A_83] : memref<20x8x128xf32, #tpu.memory_space<vmem>> -> memref<1x1x128xf32, #tpu.memory_space<vmem>>
      %dma_start3A_85 = tpu.memref_squeeze %dma_start3A_84 : memref<1x1x128xf32, #tpu.memory_space<vmem>> -> memref<128xf32, #tpu.memory_space<vmem>>
      %dma_start3A_86 = arith.constant 0 : i32
      %dma_start3A_87 = tpu.memref_slice %arg11[%dma_start3A_81, %dma_start3A_82, %dma_start3A_86] : memref<2x20x128xi32, #tpu.memory_space<vmem>> -> memref<1x1x128xi32, #tpu.memory_space<vmem>>
      %dma_start3A_88 = tpu.memref_squeeze %dma_start3A_87 : memref<1x1x128xi32, #tpu.memory_space<vmem>> -> memref<128xi32, #tpu.memory_space<vmem>>
      %dma_start3A_89 = arith.constant 0 : i32
      %dma_start3A_90 = tpu.memref_slice %arg7[%dma_start3A_89] : memref<50000xf32, #tpu.memory_space<vmem_shared>> -> memref<50000xf32, #tpu.memory_space<vmem_shared>>
      tpu.enqueue_indirect_dma source(%dma_start3A_85 : memref<128xf32, #tpu.memory_space<vmem>>) target(%dma_start3A_90 : memref<50000xf32, #tpu.memory_space<vmem_shared>>) offsets(%dma_start3A_88 : memref<128xi32, #tpu.memory_space<vmem>>) semaphore(%arg12 : memref<!tpu.dma_semaphore, #tpu.memory_space<semaphore_mem>>) {add = true}
      %dma_start3A_91 = arith.constant 0 : i32
      %dma_start3A_92 = arith.constant 6 : i32
      %dma_start3A_93 = arith.constant 1 : i32
      %dma_start3A_94 = arith.constant 0 : i32
      %dma_start3A_95 = arith.constant 0 : i32
      %dma_start3A_96 = tpu.memref_slice %arg10[%dma_start3A_91, %dma_start3A_92, %dma_start3A_95] : memref<20x8x128xf32, #tpu.memory_space<vmem>> -> memref<1x1x128xf32, #tpu.memory_space<vmem>>
      %dma_start3A_97 = tpu.memref_squeeze %dma_start3A_96 : memref<1x1x128xf32, #tpu.memory_space<vmem>> -> memref<128xf32, #tpu.memory_space<vmem>>
      %dma_start3A_98 = arith.constant 0 : i32
      %dma_start3A_99 = tpu.memref_slice %arg11[%dma_start3A_93, %dma_start3A_94, %dma_start3A_98] : memref<2x20x128xi32, #tpu.memory_space<vmem>> -> memref<1x1x128xi32, #tpu.memory_space<vmem>>
      %dma_start3A_100 = tpu.memref_squeeze %dma_start3A_99 : memref<1x1x128xi32, #tpu.memory_space<vmem>> -> memref<128xi32, #tpu.memory_space<vmem>>
      %dma_start3A_101 = arith.constant 0 : i32
      %dma_start3A_102 = tpu.memref_slice %arg8[%dma_start3A_101] : memref<50000xf32, #tpu.memory_space<vmem_shared>> -> memref<50000xf32, #tpu.memory_space<vmem_shared>>
      tpu.enqueue_indirect_dma source(%dma_start3A_97 : memref<128xf32, #tpu.memory_space<vmem>>) target(%dma_start3A_102 : memref<50000xf32, #tpu.memory_space<vmem_shared>>) offsets(%dma_start3A_100 : memref<128xi32, #tpu.memory_space<vmem>>) semaphore(%arg12 : memref<!tpu.dma_semaphore, #tpu.memory_space<semaphore_mem>>) {add = true}
      %dma_start3A_103 = arith.constant 0 : i32
      %dma_start3A_104 = arith.constant 7 : i32
      %dma_start3A_105 = arith.constant 1 : i32
      %dma_start3A_106 = arith.constant 0 : i32
      %dma_start3A_107 = arith.constant 0 : i32
      %dma_start3A_108 = tpu.memref_slice %arg10[%dma_start3A_103, %dma_start3A_104, %dma_start3A_107] : memref<20x8x128xf32, #tpu.memory_space<vmem>> -> memref<1x1x128xf32, #tpu.memory_space<vmem>>
      %dma_start3A_109 = tpu.memref_squeeze %dma_start3A_108 : memref<1x1x128xf32, #tpu.memory_space<vmem>> -> memref<128xf32, #tpu.memory_space<vmem>>
      %dma_start3A_110 = arith.constant 0 : i32
      %dma_start3A_111 = tpu.memref_slice %arg11[%dma_start3A_105, %dma_start3A_106, %dma_start3A_110] : memref<2x20x128xi32, #tpu.memory_space<vmem>> -> memref<1x1x128xi32, #tpu.memory_space<vmem>>
      %dma_start3A_112 = tpu.memref_squeeze %dma_start3A_111 : memref<1x1x128xi32, #tpu.memory_space<vmem>> -> memref<128xi32, #tpu.memory_space<vmem>>
      %dma_start3A_113 = arith.constant 0 : i32
      %dma_start3A_114 = tpu.memref_slice %arg9[%dma_start3A_113] : memref<50000xf32, #tpu.memory_space<vmem_shared>> -> memref<50000xf32, #tpu.memory_space<vmem_shared>>
      tpu.enqueue_indirect_dma source(%dma_start3A_109 : memref<128xf32, #tpu.memory_space<vmem>>) target(%dma_start3A_114 : memref<50000xf32, #tpu.memory_space<vmem_shared>>) offsets(%dma_start3A_112 : memref<128xi32, #tpu.memory_space<vmem>>) semaphore(%arg12 : memref<!tpu.dma_semaphore, #tpu.memory_space<semaphore_mem>>) {add = true}
      %scan3A_115 = arith.constant 0 : i32
      %scan3A_116 = arith.constant 0 : i32
      %scan3A_117 = arith.constant 20 : i32
      %scan3A_118 = arith.addi %scan3A_116, %scan3A_117 : i32
      %scan3A_119 = arith.constant 1 : i32
      scf.for %scan3A_121 = %scan3A_116 to %scan3A_118 step %scan3A_119  : i32 {
        %add3A_122 = arith.constant 1 : i32
        %add3A_123 = arith.addi %scan3A_121, %add3A_122 : i32
        %lt3A = arith.constant 20 : i32
        %lt3A_124 = arith.cmpi slt, %add3A_123, %lt3A : i32
        %convert_element_type3A_125 = arith.extui %lt3A_124 : i1 to i32
        %cond3A_126 = arith.constant 0 : i32
        %cond3A_127 = arith.cmpi ne, %convert_element_type3A_125, %cond3A_126 : i32
        scf.if %cond3A_127 {
          %add3A_207 = arith.constant 1 : i32
          %add3A_208 = arith.addi %scan3A_121, %add3A_207 : i32
          %dma_start3A_209 = arith.constant 0 : i32
          %dma_start3A_210 = arith.constant 0 : i32
          %dma_start3A_211 = arith.constant 0 : i32
          %dma_start3A_212 = tpu.memref_slice %arg10[%add3A_208, %dma_start3A_209, %dma_start3A_211] : memref<20x8x128xf32, #tpu.memory_space<vmem>> -> memref<1x1x128xf32, #tpu.memory_space<vmem>>
          %dma_start3A_213 = tpu.memref_squeeze %dma_start3A_212 : memref<1x1x128xf32, #tpu.memory_space<vmem>> -> memref<128xf32, #tpu.memory_space<vmem>>
          %dma_start3A_214 = arith.constant 0 : i32
          %dma_start3A_215 = tpu.memref_slice %arg11[%dma_start3A_210, %add3A_208, %dma_start3A_214] : memref<2x20x128xi32, #tpu.memory_space<vmem>> -> memref<1x1x128xi32, #tpu.memory_space<vmem>>
          %dma_start3A_216 = tpu.memref_squeeze %dma_start3A_215 : memref<1x1x128xi32, #tpu.memory_space<vmem>> -> memref<128xi32, #tpu.memory_space<vmem>>
          %dma_start3A_217 = arith.constant 0 : i32
          %dma_start3A_218 = tpu.memref_slice %arg6[%dma_start3A_217] : memref<50000xf32, #tpu.memory_space<vmem_shared>> -> memref<50000xf32, #tpu.memory_space<vmem_shared>>
          tpu.enqueue_indirect_dma source(%dma_start3A_213 : memref<128xf32, #tpu.memory_space<vmem>>) target(%dma_start3A_218 : memref<50000xf32, #tpu.memory_space<vmem_shared>>) offsets(%dma_start3A_216 : memref<128xi32, #tpu.memory_space<vmem>>) semaphore(%arg12 : memref<!tpu.dma_semaphore, #tpu.memory_space<semaphore_mem>>) {add = true}
          %dma_start3A_219 = arith.constant 1 : i32
          %dma_start3A_220 = arith.constant 0 : i32
          %dma_start3A_221 = arith.constant 0 : i32
          %dma_start3A_222 = tpu.memref_slice %arg10[%add3A_208, %dma_start3A_219, %dma_start3A_221] : memref<20x8x128xf32, #tpu.memory_space<vmem>> -> memref<1x1x128xf32, #tpu.memory_space<vmem>>
          %dma_start3A_223 = tpu.memref_squeeze %dma_start3A_222 : memref<1x1x128xf32, #tpu.memory_space<vmem>> -> memref<128xf32, #tpu.memory_space<vmem>>
          %dma_start3A_224 = arith.constant 0 : i32
          %dma_start3A_225 = tpu.memref_slice %arg11[%dma_start3A_220, %add3A_208, %dma_start3A_224] : memref<2x20x128xi32, #tpu.memory_space<vmem>> -> memref<1x1x128xi32, #tpu.memory_space<vmem>>
          %dma_start3A_226 = tpu.memref_squeeze %dma_start3A_225 : memref<1x1x128xi32, #tpu.memory_space<vmem>> -> memref<128xi32, #tpu.memory_space<vmem>>
          %dma_start3A_227 = arith.constant 0 : i32
          %dma_start3A_228 = tpu.memref_slice %arg7[%dma_start3A_227] : memref<50000xf32, #tpu.memory_space<vmem_shared>> -> memref<50000xf32, #tpu.memory_space<vmem_shared>>
          tpu.enqueue_indirect_dma source(%dma_start3A_223 : memref<128xf32, #tpu.memory_space<vmem>>) target(%dma_start3A_228 : memref<50000xf32, #tpu.memory_space<vmem_shared>>) offsets(%dma_start3A_226 : memref<128xi32, #tpu.memory_space<vmem>>) semaphore(%arg12 : memref<!tpu.dma_semaphore, #tpu.memory_space<semaphore_mem>>) {add = true}
          %dma_start3A_229 = arith.constant 2 : i32
          %dma_start3A_230 = arith.constant 0 : i32
          %dma_start3A_231 = arith.constant 0 : i32
          %dma_start3A_232 = tpu.memref_slice %arg10[%add3A_208, %dma_start3A_229, %dma_start3A_231] : memref<20x8x128xf32, #tpu.memory_space<vmem>> -> memref<1x1x128xf32, #tpu.memory_space<vmem>>
          %dma_start3A_233 = tpu.memref_squeeze %dma_start3A_232 : memref<1x1x128xf32, #tpu.memory_space<vmem>> -> memref<128xf32, #tpu.memory_space<vmem>>
          %dma_start3A_234 = arith.constant 0 : i32
          %dma_start3A_235 = tpu.memref_slice %arg11[%dma_start3A_230, %add3A_208, %dma_start3A_234] : memref<2x20x128xi32, #tpu.memory_space<vmem>> -> memref<1x1x128xi32, #tpu.memory_space<vmem>>
          %dma_start3A_236 = tpu.memref_squeeze %dma_start3A_235 : memref<1x1x128xi32, #tpu.memory_space<vmem>> -> memref<128xi32, #tpu.memory_space<vmem>>
          %dma_start3A_237 = arith.constant 0 : i32
          %dma_start3A_238 = tpu.memref_slice %arg8[%dma_start3A_237] : memref<50000xf32, #tpu.memory_space<vmem_shared>> -> memref<50000xf32, #tpu.memory_space<vmem_shared>>
          tpu.enqueue_indirect_dma source(%dma_start3A_233 : memref<128xf32, #tpu.memory_space<vmem>>) target(%dma_start3A_238 : memref<50000xf32, #tpu.memory_space<vmem_shared>>) offsets(%dma_start3A_236 : memref<128xi32, #tpu.memory_space<vmem>>) semaphore(%arg12 : memref<!tpu.dma_semaphore, #tpu.memory_space<semaphore_mem>>) {add = true}
          %dma_start3A_239 = arith.constant 3 : i32
          %dma_start3A_240 = arith.constant 0 : i32
          %dma_start3A_241 = arith.constant 0 : i32
          %dma_start3A_242 = tpu.memref_slice %arg10[%add3A_208, %dma_start3A_239, %dma_start3A_241] : memref<20x8x128xf32, #tpu.memory_space<vmem>> -> memref<1x1x128xf32, #tpu.memory_space<vmem>>
          %dma_start3A_243 = tpu.memref_squeeze %dma_start3A_242 : memref<1x1x128xf32, #tpu.memory_space<vmem>> -> memref<128xf32, #tpu.memory_space<vmem>>
          %dma_start3A_244 = arith.constant 0 : i32
          %dma_start3A_245 = tpu.memref_slice %arg11[%dma_start3A_240, %add3A_208, %dma_start3A_244] : memref<2x20x128xi32, #tpu.memory_space<vmem>> -> memref<1x1x128xi32, #tpu.memory_space<vmem>>
          %dma_start3A_246 = tpu.memref_squeeze %dma_start3A_245 : memref<1x1x128xi32, #tpu.memory_space<vmem>> -> memref<128xi32, #tpu.memory_space<vmem>>
          %dma_start3A_247 = arith.constant 0 : i32
          %dma_start3A_248 = tpu.memref_slice %arg9[%dma_start3A_247] : memref<50000xf32, #tpu.memory_space<vmem_shared>> -> memref<50000xf32, #tpu.memory_space<vmem_shared>>
          tpu.enqueue_indirect_dma source(%dma_start3A_243 : memref<128xf32, #tpu.memory_space<vmem>>) target(%dma_start3A_248 : memref<50000xf32, #tpu.memory_space<vmem_shared>>) offsets(%dma_start3A_246 : memref<128xi32, #tpu.memory_space<vmem>>) semaphore(%arg12 : memref<!tpu.dma_semaphore, #tpu.memory_space<semaphore_mem>>) {add = true}
          %dma_start3A_249 = arith.constant 4 : i32
          %dma_start3A_250 = arith.constant 1 : i32
          %dma_start3A_251 = arith.constant 0 : i32
          %dma_start3A_252 = tpu.memref_slice %arg10[%add3A_208, %dma_start3A_249, %dma_start3A_251] : memref<20x8x128xf32, #tpu.memory_space<vmem>> -> memref<1x1x128xf32, #tpu.memory_space<vmem>>
          %dma_start3A_253 = tpu.memref_squeeze %dma_start3A_252 : memref<1x1x128xf32, #tpu.memory_space<vmem>> -> memref<128xf32, #tpu.memory_space<vmem>>
          %dma_start3A_254 = arith.constant 0 : i32
          %dma_start3A_255 = tpu.memref_slice %arg11[%dma_start3A_250, %add3A_208, %dma_start3A_254] : memref<2x20x128xi32, #tpu.memory_space<vmem>> -> memref<1x1x128xi32, #tpu.memory_space<vmem>>
          %dma_start3A_256 = tpu.memref_squeeze %dma_start3A_255 : memref<1x1x128xi32, #tpu.memory_space<vmem>> -> memref<128xi32, #tpu.memory_space<vmem>>
          %dma_start3A_257 = arith.constant 0 : i32
          %dma_start3A_258 = tpu.memref_slice %arg6[%dma_start3A_257] : memref<50000xf32, #tpu.memory_space<vmem_shared>> -> memref<50000xf32, #tpu.memory_space<vmem_shared>>
          tpu.enqueue_indirect_dma source(%dma_start3A_253 : memref<128xf32, #tpu.memory_space<vmem>>) target(%dma_start3A_258 : memref<50000xf32, #tpu.memory_space<vmem_shared>>) offsets(%dma_start3A_256 : memref<128xi32, #tpu.memory_space<vmem>>) semaphore(%arg12 : memref<!tpu.dma_semaphore, #tpu.memory_space<semaphore_mem>>) {add = true}
          %dma_start3A_259 = arith.constant 5 : i32
          %dma_start3A_260 = arith.constant 1 : i32
          %dma_start3A_261 = arith.constant 0 : i32
          %dma_start3A_262 = tpu.memref_slice %arg10[%add3A_208, %dma_start3A_259, %dma_start3A_261] : memref<20x8x128xf32, #tpu.memory_space<vmem>> -> memref<1x1x128xf32, #tpu.memory_space<vmem>>
          %dma_start3A_263 = tpu.memref_squeeze %dma_start3A_262 : memref<1x1x128xf32, #tpu.memory_space<vmem>> -> memref<128xf32, #tpu.memory_space<vmem>>
          %dma_start3A_264 = arith.constant 0 : i32
          %dma_start3A_265 = tpu.memref_slice %arg11[%dma_start3A_260, %add3A_208, %dma_start3A_264] : memref<2x20x128xi32, #tpu.memory_space<vmem>> -> memref<1x1x128xi32, #tpu.memory_space<vmem>>
          %dma_start3A_266 = tpu.memref_squeeze %dma_start3A_265 : memref<1x1x128xi32, #tpu.memory_space<vmem>> -> memref<128xi32, #tpu.memory_space<vmem>>
          %dma_start3A_267 = arith.constant 0 : i32
          %dma_start3A_268 = tpu.memref_slice %arg7[%dma_start3A_267] : memref<50000xf32, #tpu.memory_space<vmem_shared>> -> memref<50000xf32, #tpu.memory_space<vmem_shared>>
          tpu.enqueue_indirect_dma source(%dma_start3A_263 : memref<128xf32, #tpu.memory_space<vmem>>) target(%dma_start3A_268 : memref<50000xf32, #tpu.memory_space<vmem_shared>>) offsets(%dma_start3A_266 : memref<128xi32, #tpu.memory_space<vmem>>) semaphore(%arg12 : memref<!tpu.dma_semaphore, #tpu.memory_space<semaphore_mem>>) {add = true}
          %dma_start3A_269 = arith.constant 6 : i32
          %dma_start3A_270 = arith.constant 1 : i32
          %dma_start3A_271 = arith.constant 0 : i32
          %dma_start3A_272 = tpu.memref_slice %arg10[%add3A_208, %dma_start3A_269, %dma_start3A_271] : memref<20x8x128xf32, #tpu.memory_space<vmem>> -> memref<1x1x128xf32, #tpu.memory_space<vmem>>
          %dma_start3A_273 = tpu.memref_squeeze %dma_start3A_272 : memref<1x1x128xf32, #tpu.memory_space<vmem>> -> memref<128xf32, #tpu.memory_space<vmem>>
          %dma_start3A_274 = arith.constant 0 : i32
          %dma_start3A_275 = tpu.memref_slice %arg11[%dma_start3A_270, %add3A_208, %dma_start3A_274] : memref<2x20x128xi32, #tpu.memory_space<vmem>> -> memref<1x1x128xi32, #tpu.memory_space<vmem>>
          %dma_start3A_276 = tpu.memref_squeeze %dma_start3A_275 : memref<1x1x128xi32, #tpu.memory_space<vmem>> -> memref<128xi32, #tpu.memory_space<vmem>>
          %dma_start3A_277 = arith.constant 0 : i32
          %dma_start3A_278 = tpu.memref_slice %arg8[%dma_start3A_277] : memref<50000xf32, #tpu.memory_space<vmem_shared>> -> memref<50000xf32, #tpu.memory_space<vmem_shared>>
          tpu.enqueue_indirect_dma source(%dma_start3A_273 : memref<128xf32, #tpu.memory_space<vmem>>) target(%dma_start3A_278 : memref<50000xf32, #tpu.memory_space<vmem_shared>>) offsets(%dma_start3A_276 : memref<128xi32, #tpu.memory_space<vmem>>) semaphore(%arg12 : memref<!tpu.dma_semaphore, #tpu.memory_space<semaphore_mem>>) {add = true}
          %dma_start3A_279 = arith.constant 7 : i32
          %dma_start3A_280 = arith.constant 1 : i32
          %dma_start3A_281 = arith.constant 0 : i32
          %dma_start3A_282 = tpu.memref_slice %arg10[%add3A_208, %dma_start3A_279, %dma_start3A_281] : memref<20x8x128xf32, #tpu.memory_space<vmem>> -> memref<1x1x128xf32, #tpu.memory_space<vmem>>
          %dma_start3A_283 = tpu.memref_squeeze %dma_start3A_282 : memref<1x1x128xf32, #tpu.memory_space<vmem>> -> memref<128xf32, #tpu.memory_space<vmem>>
          %dma_start3A_284 = arith.constant 0 : i32
          %dma_start3A_285 = tpu.memref_slice %arg11[%dma_start3A_280, %add3A_208, %dma_start3A_284] : memref<2x20x128xi32, #tpu.memory_space<vmem>> -> memref<1x1x128xi32, #tpu.memory_space<vmem>>
          %dma_start3A_286 = tpu.memref_squeeze %dma_start3A_285 : memref<1x1x128xi32, #tpu.memory_space<vmem>> -> memref<128xi32, #tpu.memory_space<vmem>>
          %dma_start3A_287 = arith.constant 0 : i32
          %dma_start3A_288 = tpu.memref_slice %arg9[%dma_start3A_287] : memref<50000xf32, #tpu.memory_space<vmem_shared>> -> memref<50000xf32, #tpu.memory_space<vmem_shared>>
          tpu.enqueue_indirect_dma source(%dma_start3A_283 : memref<128xf32, #tpu.memory_space<vmem>>) target(%dma_start3A_288 : memref<50000xf32, #tpu.memory_space<vmem_shared>>) offsets(%dma_start3A_286 : memref<128xi32, #tpu.memory_space<vmem>>) semaphore(%arg12 : memref<!tpu.dma_semaphore, #tpu.memory_space<semaphore_mem>>) {add = true}
        } else {
        }
        %dma_wait3A = arith.constant 0 : i32
        %dma_wait3A_128 = arith.constant 0 : i32
        %dma_wait3A_129 = arith.constant 0 : i32
        %dma_wait3A_130 = tpu.memref_slice %arg10[%scan3A_121, %dma_wait3A, %dma_wait3A_129] : memref<20x8x128xf32, #tpu.memory_space<vmem>> -> memref<1x1x128xf32, #tpu.memory_space<vmem>>
        %dma_wait3A_131 = tpu.memref_squeeze %dma_wait3A_130 : memref<1x1x128xf32, #tpu.memory_space<vmem>> -> memref<128xf32, #tpu.memory_space<vmem>>
        %dma_wait3A_132 = arith.constant 0 : i32
        %dma_wait3A_133 = tpu.memref_slice %arg11[%dma_wait3A_128, %scan3A_121, %dma_wait3A_132] : memref<2x20x128xi32, #tpu.memory_space<vmem>> -> memref<1x1x128xi32, #tpu.memory_space<vmem>>
        %dma_wait3A_134 = tpu.memref_squeeze %dma_wait3A_133 : memref<1x1x128xi32, #tpu.memory_space<vmem>> -> memref<128xi32, #tpu.memory_space<vmem>>
        %dma_wait3A_135 = arith.constant 0 : i32
        %dma_wait3A_136 = tpu.memref_slice %arg6[%dma_wait3A_135] : memref<50000xf32, #tpu.memory_space<vmem_shared>> -> memref<50000xf32, #tpu.memory_space<vmem_shared>>
        tpu.wait_indirect_dma semaphore(%arg12 : memref<!tpu.dma_semaphore, #tpu.memory_space<semaphore_mem>>) src(%dma_wait3A_131 : memref<128xf32, #tpu.memory_space<vmem>>) dst(%dma_wait3A_136 : memref<50000xf32, #tpu.memory_space<vmem_shared>>)
        %dma_wait3A_137 = arith.constant 1 : i32
        %dma_wait3A_138 = arith.constant 0 : i32
        %dma_wait3A_139 = arith.constant 0 : i32
        %dma_wait3A_140 = tpu.memref_slice %arg10[%scan3A_121, %dma_wait3A_137, %dma_wait3A_139] : memref<20x8x128xf32, #tpu.memory_space<vmem>> -> memref<1x1x128xf32, #tpu.memory_space<vmem>>
        %dma_wait3A_141 = tpu.memref_squeeze %dma_wait3A_140 : memref<1x1x128xf32, #tpu.memory_space<vmem>> -> memref<128xf32, #tpu.memory_space<vmem>>
        %dma_wait3A_142 = arith.constant 0 : i32
        %dma_wait3A_143 = tpu.memref_slice %arg11[%dma_wait3A_138, %scan3A_121, %dma_wait3A_142] : memref<2x20x128xi32, #tpu.memory_space<vmem>> -> memref<1x1x128xi32, #tpu.memory_space<vmem>>
        %dma_wait3A_144 = tpu.memref_squeeze %dma_wait3A_143 : memref<1x1x128xi32, #tpu.memory_space<vmem>> -> memref<128xi32, #tpu.memory_space<vmem>>
        %dma_wait3A_145 = arith.constant 0 : i32
        %dma_wait3A_146 = tpu.memref_slice %arg7[%dma_wait3A_145] : memref<50000xf32, #tpu.memory_space<vmem_shared>> -> memref<50000xf32, #tpu.memory_space<vmem_shared>>
        tpu.wait_indirect_dma semaphore(%arg12 : memref<!tpu.dma_semaphore, #tpu.memory_space<semaphore_mem>>) src(%dma_wait3A_141 : memref<128xf32, #tpu.memory_space<vmem>>) dst(%dma_wait3A_146 : memref<50000xf32, #tpu.memory_space<vmem_shared>>)
        %dma_wait3A_147 = arith.constant 2 : i32
        %dma_wait3A_148 = arith.constant 0 : i32
        %dma_wait3A_149 = arith.constant 0 : i32
        %dma_wait3A_150 = tpu.memref_slice %arg10[%scan3A_121, %dma_wait3A_147, %dma_wait3A_149] : memref<20x8x128xf32, #tpu.memory_space<vmem>> -> memref<1x1x128xf32, #tpu.memory_space<vmem>>
        %dma_wait3A_151 = tpu.memref_squeeze %dma_wait3A_150 : memref<1x1x128xf32, #tpu.memory_space<vmem>> -> memref<128xf32, #tpu.memory_space<vmem>>
        %dma_wait3A_152 = arith.constant 0 : i32
        %dma_wait3A_153 = tpu.memref_slice %arg11[%dma_wait3A_148, %scan3A_121, %dma_wait3A_152] : memref<2x20x128xi32, #tpu.memory_space<vmem>> -> memref<1x1x128xi32, #tpu.memory_space<vmem>>
        %dma_wait3A_154 = tpu.memref_squeeze %dma_wait3A_153 : memref<1x1x128xi32, #tpu.memory_space<vmem>> -> memref<128xi32, #tpu.memory_space<vmem>>
        %dma_wait3A_155 = arith.constant 0 : i32
        %dma_wait3A_156 = tpu.memref_slice %arg8[%dma_wait3A_155] : memref<50000xf32, #tpu.memory_space<vmem_shared>> -> memref<50000xf32, #tpu.memory_space<vmem_shared>>
        tpu.wait_indirect_dma semaphore(%arg12 : memref<!tpu.dma_semaphore, #tpu.memory_space<semaphore_mem>>) src(%dma_wait3A_151 : memref<128xf32, #tpu.memory_space<vmem>>) dst(%dma_wait3A_156 : memref<50000xf32, #tpu.memory_space<vmem_shared>>)
        %dma_wait3A_157 = arith.constant 3 : i32
        %dma_wait3A_158 = arith.constant 0 : i32
        %dma_wait3A_159 = arith.constant 0 : i32
        %dma_wait3A_160 = tpu.memref_slice %arg10[%scan3A_121, %dma_wait3A_157, %dma_wait3A_159] : memref<20x8x128xf32, #tpu.memory_space<vmem>> -> memref<1x1x128xf32, #tpu.memory_space<vmem>>
        %dma_wait3A_161 = tpu.memref_squeeze %dma_wait3A_160 : memref<1x1x128xf32, #tpu.memory_space<vmem>> -> memref<128xf32, #tpu.memory_space<vmem>>
        %dma_wait3A_162 = arith.constant 0 : i32
        %dma_wait3A_163 = tpu.memref_slice %arg11[%dma_wait3A_158, %scan3A_121, %dma_wait3A_162] : memref<2x20x128xi32, #tpu.memory_space<vmem>> -> memref<1x1x128xi32, #tpu.memory_space<vmem>>
        %dma_wait3A_164 = tpu.memref_squeeze %dma_wait3A_163 : memref<1x1x128xi32, #tpu.memory_space<vmem>> -> memref<128xi32, #tpu.memory_space<vmem>>
        %dma_wait3A_165 = arith.constant 0 : i32
        %dma_wait3A_166 = tpu.memref_slice %arg9[%dma_wait3A_165] : memref<50000xf32, #tpu.memory_space<vmem_shared>> -> memref<50000xf32, #tpu.memory_space<vmem_shared>>
        tpu.wait_indirect_dma semaphore(%arg12 : memref<!tpu.dma_semaphore, #tpu.memory_space<semaphore_mem>>) src(%dma_wait3A_161 : memref<128xf32, #tpu.memory_space<vmem>>) dst(%dma_wait3A_166 : memref<50000xf32, #tpu.memory_space<vmem_shared>>)
        %dma_wait3A_167 = arith.constant 4 : i32
        %dma_wait3A_168 = arith.constant 1 : i32
        %dma_wait3A_169 = arith.constant 0 : i32
        %dma_wait3A_170 = tpu.memref_slice %arg10[%scan3A_121, %dma_wait3A_167, %dma_wait3A_169] : memref<20x8x128xf32, #tpu.memory_space<vmem>> -> memref<1x1x128xf32, #tpu.memory_space<vmem>>
        %dma_wait3A_171 = tpu.memref_squeeze %dma_wait3A_170 : memref<1x1x128xf32, #tpu.memory_space<vmem>> -> memref<128xf32, #tpu.memory_space<vmem>>
        %dma_wait3A_172 = arith.constant 0 : i32
        %dma_wait3A_173 = tpu.memref_slice %arg11[%dma_wait3A_168, %scan3A_121, %dma_wait3A_172] : memref<2x20x128xi32, #tpu.memory_space<vmem>> -> memref<1x1x128xi32, #tpu.memory_space<vmem>>
        %dma_wait3A_174 = tpu.memref_squeeze %dma_wait3A_173 : memref<1x1x128xi32, #tpu.memory_space<vmem>> -> memref<128xi32, #tpu.memory_space<vmem>>
        %dma_wait3A_175 = arith.constant 0 : i32
        %dma_wait3A_176 = tpu.memref_slice %arg6[%dma_wait3A_175] : memref<50000xf32, #tpu.memory_space<vmem_shared>> -> memref<50000xf32, #tpu.memory_space<vmem_shared>>
        tpu.wait_indirect_dma semaphore(%arg12 : memref<!tpu.dma_semaphore, #tpu.memory_space<semaphore_mem>>) src(%dma_wait3A_171 : memref<128xf32, #tpu.memory_space<vmem>>) dst(%dma_wait3A_176 : memref<50000xf32, #tpu.memory_space<vmem_shared>>)
        %dma_wait3A_177 = arith.constant 5 : i32
        %dma_wait3A_178 = arith.constant 1 : i32
        %dma_wait3A_179 = arith.constant 0 : i32
        %dma_wait3A_180 = tpu.memref_slice %arg10[%scan3A_121, %dma_wait3A_177, %dma_wait3A_179] : memref<20x8x128xf32, #tpu.memory_space<vmem>> -> memref<1x1x128xf32, #tpu.memory_space<vmem>>
        %dma_wait3A_181 = tpu.memref_squeeze %dma_wait3A_180 : memref<1x1x128xf32, #tpu.memory_space<vmem>> -> memref<128xf32, #tpu.memory_space<vmem>>
        %dma_wait3A_182 = arith.constant 0 : i32
        %dma_wait3A_183 = tpu.memref_slice %arg11[%dma_wait3A_178, %scan3A_121, %dma_wait3A_182] : memref<2x20x128xi32, #tpu.memory_space<vmem>> -> memref<1x1x128xi32, #tpu.memory_space<vmem>>
        %dma_wait3A_184 = tpu.memref_squeeze %dma_wait3A_183 : memref<1x1x128xi32, #tpu.memory_space<vmem>> -> memref<128xi32, #tpu.memory_space<vmem>>
        %dma_wait3A_185 = arith.constant 0 : i32
        %dma_wait3A_186 = tpu.memref_slice %arg7[%dma_wait3A_185] : memref<50000xf32, #tpu.memory_space<vmem_shared>> -> memref<50000xf32, #tpu.memory_space<vmem_shared>>
        tpu.wait_indirect_dma semaphore(%arg12 : memref<!tpu.dma_semaphore, #tpu.memory_space<semaphore_mem>>) src(%dma_wait3A_181 : memref<128xf32, #tpu.memory_space<vmem>>) dst(%dma_wait3A_186 : memref<50000xf32, #tpu.memory_space<vmem_shared>>)
        %dma_wait3A_187 = arith.constant 6 : i32
        %dma_wait3A_188 = arith.constant 1 : i32
        %dma_wait3A_189 = arith.constant 0 : i32
        %dma_wait3A_190 = tpu.memref_slice %arg10[%scan3A_121, %dma_wait3A_187, %dma_wait3A_189] : memref<20x8x128xf32, #tpu.memory_space<vmem>> -> memref<1x1x128xf32, #tpu.memory_space<vmem>>
        %dma_wait3A_191 = tpu.memref_squeeze %dma_wait3A_190 : memref<1x1x128xf32, #tpu.memory_space<vmem>> -> memref<128xf32, #tpu.memory_space<vmem>>
        %dma_wait3A_192 = arith.constant 0 : i32
        %dma_wait3A_193 = tpu.memref_slice %arg11[%dma_wait3A_188, %scan3A_121, %dma_wait3A_192] : memref<2x20x128xi32, #tpu.memory_space<vmem>> -> memref<1x1x128xi32, #tpu.memory_space<vmem>>
        %dma_wait3A_194 = tpu.memref_squeeze %dma_wait3A_193 : memref<1x1x128xi32, #tpu.memory_space<vmem>> -> memref<128xi32, #tpu.memory_space<vmem>>
        %dma_wait3A_195 = arith.constant 0 : i32
        %dma_wait3A_196 = tpu.memref_slice %arg8[%dma_wait3A_195] : memref<50000xf32, #tpu.memory_space<vmem_shared>> -> memref<50000xf32, #tpu.memory_space<vmem_shared>>
        tpu.wait_indirect_dma semaphore(%arg12 : memref<!tpu.dma_semaphore, #tpu.memory_space<semaphore_mem>>) src(%dma_wait3A_191 : memref<128xf32, #tpu.memory_space<vmem>>) dst(%dma_wait3A_196 : memref<50000xf32, #tpu.memory_space<vmem_shared>>)
        %dma_wait3A_197 = arith.constant 7 : i32
        %dma_wait3A_198 = arith.constant 1 : i32
        %dma_wait3A_199 = arith.constant 0 : i32
        %dma_wait3A_200 = tpu.memref_slice %arg10[%scan3A_121, %dma_wait3A_197, %dma_wait3A_199] : memref<20x8x128xf32, #tpu.memory_space<vmem>> -> memref<1x1x128xf32, #tpu.memory_space<vmem>>
        %dma_wait3A_201 = tpu.memref_squeeze %dma_wait3A_200 : memref<1x1x128xf32, #tpu.memory_space<vmem>> -> memref<128xf32, #tpu.memory_space<vmem>>
        %dma_wait3A_202 = arith.constant 0 : i32
        %dma_wait3A_203 = tpu.memref_slice %arg11[%dma_wait3A_198, %scan3A_121, %dma_wait3A_202] : memref<2x20x128xi32, #tpu.memory_space<vmem>> -> memref<1x1x128xi32, #tpu.memory_space<vmem>>
        %dma_wait3A_204 = tpu.memref_squeeze %dma_wait3A_203 : memref<1x1x128xi32, #tpu.memory_space<vmem>> -> memref<128xi32, #tpu.memory_space<vmem>>
        %dma_wait3A_205 = arith.constant 0 : i32
        %dma_wait3A_206 = tpu.memref_slice %arg9[%dma_wait3A_205] : memref<50000xf32, #tpu.memory_space<vmem_shared>> -> memref<50000xf32, #tpu.memory_space<vmem_shared>>
        tpu.wait_indirect_dma semaphore(%arg12 : memref<!tpu.dma_semaphore, #tpu.memory_space<semaphore_mem>>) src(%dma_wait3A_201 : memref<128xf32, #tpu.memory_space<vmem>>) dst(%dma_wait3A_206 : memref<50000xf32, #tpu.memory_space<vmem_shared>>)
      }
      %scan3A_120 = arith.constant 20 : i32
    }
    %scan3A_7 = arith.constant 5 : i32
    %barrier3A_8 = arith.constant 0 : index
    tpu.barrier barrier_id(%barrier3A_8)
    %eq3A_9 = arith.constant 0 : i32
    %eq3A_10 = arith.cmpi eq, %arg1, %eq3A_9 : i32
    %convert_element_type3A_11 = arith.extui %eq3A_10 : i1 to i32
    %cond3A_12 = arith.constant 0 : i32
    %cond3A_13 = arith.cmpi ne, %convert_element_type3A_11, %cond3A_12 : i32
    scf.if %cond3A_13 {
      %run_scoped3A = arith.constant 0 : i32
      "tpu.region"() ({
        %run_scoped3A_17 = tpu.sem_alloc : memref<!tpu.dma_semaphore, #tpu.memory_space<semaphore_mem>>
        %dma_start3A = arith.constant 0 : i32
        %dma_start3A_18 = tpu.memref_slice %arg5[%arg0, %run_scoped3A, %dma_start3A] : memref<2x4x50000xf32, #tpu.memory_space<hbm>> -> memref<1x1x50000xf32, #tpu.memory_space<hbm>>
        %dma_start3A_19 = tpu.memref_squeeze %dma_start3A_18 : memref<1x1x50000xf32, #tpu.memory_space<hbm>> -> memref<50000xf32, #tpu.memory_space<hbm>>
        tpu.enqueue_dma source(%arg6 : memref<50000xf32, #tpu.memory_space<vmem_shared>>) target(%dma_start3A_19 : memref<50000xf32, #tpu.memory_space<hbm>>) target_semaphore(%run_scoped3A_17 : memref<!tpu.dma_semaphore, #tpu.memory_space<semaphore_mem>>)
        %dma_wait3A = arith.constant 0 : i32
        %dma_wait3A_20 = tpu.memref_slice %arg5[%arg0, %run_scoped3A, %dma_wait3A] : memref<2x4x50000xf32, #tpu.memory_space<hbm>> -> memref<1x1x50000xf32, #tpu.memory_space<hbm>>
        %dma_wait3A_21 = tpu.memref_squeeze %dma_wait3A_20 : memref<1x1x50000xf32, #tpu.memory_space<hbm>> -> memref<50000xf32, #tpu.memory_space<hbm>>
        tpu.wait_dma2 semaphore(%run_scoped3A_17 : memref<!tpu.dma_semaphore, #tpu.memory_space<semaphore_mem>>) src(%arg6 : memref<50000xf32, #tpu.memory_space<vmem_shared>>) dst(%dma_wait3A_21 : memref<50000xf32, #tpu.memory_space<hbm>>)
        tpu.yield
      }) : () -> ()
      %run_scoped3A_14 = arith.constant 1 : i32
      "tpu.region"() ({
        %run_scoped3A_17 = tpu.sem_alloc : memref<!tpu.dma_semaphore, #tpu.memory_space<semaphore_mem>>
        %dma_start3A = arith.constant 0 : i32
        %dma_start3A_18 = tpu.memref_slice %arg5[%arg0, %run_scoped3A_14, %dma_start3A] : memref<2x4x50000xf32, #tpu.memory_space<hbm>> -> memref<1x1x50000xf32, #tpu.memory_space<hbm>>
        %dma_start3A_19 = tpu.memref_squeeze %dma_start3A_18 : memref<1x1x50000xf32, #tpu.memory_space<hbm>> -> memref<50000xf32, #tpu.memory_space<hbm>>
        tpu.enqueue_dma source(%arg7 : memref<50000xf32, #tpu.memory_space<vmem_shared>>) target(%dma_start3A_19 : memref<50000xf32, #tpu.memory_space<hbm>>) target_semaphore(%run_scoped3A_17 : memref<!tpu.dma_semaphore, #tpu.memory_space<semaphore_mem>>)
        %dma_wait3A = arith.constant 0 : i32
        %dma_wait3A_20 = tpu.memref_slice %arg5[%arg0, %run_scoped3A_14, %dma_wait3A] : memref<2x4x50000xf32, #tpu.memory_space<hbm>> -> memref<1x1x50000xf32, #tpu.memory_space<hbm>>
        %dma_wait3A_21 = tpu.memref_squeeze %dma_wait3A_20 : memref<1x1x50000xf32, #tpu.memory_space<hbm>> -> memref<50000xf32, #tpu.memory_space<hbm>>
        tpu.wait_dma2 semaphore(%run_scoped3A_17 : memref<!tpu.dma_semaphore, #tpu.memory_space<semaphore_mem>>) src(%arg7 : memref<50000xf32, #tpu.memory_space<vmem_shared>>) dst(%dma_wait3A_21 : memref<50000xf32, #tpu.memory_space<hbm>>)
        tpu.yield
      }) : () -> ()
      %run_scoped3A_15 = arith.constant 2 : i32
      "tpu.region"() ({
        %run_scoped3A_17 = tpu.sem_alloc : memref<!tpu.dma_semaphore, #tpu.memory_space<semaphore_mem>>
        %dma_start3A = arith.constant 0 : i32
        %dma_start3A_18 = tpu.memref_slice %arg5[%arg0, %run_scoped3A_15, %dma_start3A] : memref<2x4x50000xf32, #tpu.memory_space<hbm>> -> memref<1x1x50000xf32, #tpu.memory_space<hbm>>
        %dma_start3A_19 = tpu.memref_squeeze %dma_start3A_18 : memref<1x1x50000xf32, #tpu.memory_space<hbm>> -> memref<50000xf32, #tpu.memory_space<hbm>>
        tpu.enqueue_dma source(%arg8 : memref<50000xf32, #tpu.memory_space<vmem_shared>>) target(%dma_start3A_19 : memref<50000xf32, #tpu.memory_space<hbm>>) target_semaphore(%run_scoped3A_17 : memref<!tpu.dma_semaphore, #tpu.memory_space<semaphore_mem>>)
        %dma_wait3A = arith.constant 0 : i32
        %dma_wait3A_20 = tpu.memref_slice %arg5[%arg0, %run_scoped3A_15, %dma_wait3A] : memref<2x4x50000xf32, #tpu.memory_space<hbm>> -> memref<1x1x50000xf32, #tpu.memory_space<hbm>>
        %dma_wait3A_21 = tpu.memref_squeeze %dma_wait3A_20 : memref<1x1x50000xf32, #tpu.memory_space<hbm>> -> memref<50000xf32, #tpu.memory_space<hbm>>
        tpu.wait_dma2 semaphore(%run_scoped3A_17 : memref<!tpu.dma_semaphore, #tpu.memory_space<semaphore_mem>>) src(%arg8 : memref<50000xf32, #tpu.memory_space<vmem_shared>>) dst(%dma_wait3A_21 : memref<50000xf32, #tpu.memory_space<hbm>>)
        tpu.yield
      }) : () -> ()
      %run_scoped3A_16 = arith.constant 3 : i32
      "tpu.region"() ({
        %run_scoped3A_17 = tpu.sem_alloc : memref<!tpu.dma_semaphore, #tpu.memory_space<semaphore_mem>>
        %dma_start3A = arith.constant 0 : i32
        %dma_start3A_18 = tpu.memref_slice %arg5[%arg0, %run_scoped3A_16, %dma_start3A] : memref<2x4x50000xf32, #tpu.memory_space<hbm>> -> memref<1x1x50000xf32, #tpu.memory_space<hbm>>
        %dma_start3A_19 = tpu.memref_squeeze %dma_start3A_18 : memref<1x1x50000xf32, #tpu.memory_space<hbm>> -> memref<50000xf32, #tpu.memory_space<hbm>>
        tpu.enqueue_dma source(%arg9 : memref<50000xf32, #tpu.memory_space<vmem_shared>>) target(%dma_start3A_19 : memref<50000xf32, #tpu.memory_space<hbm>>) target_semaphore(%run_scoped3A_17 : memref<!tpu.dma_semaphore, #tpu.memory_space<semaphore_mem>>)
        %dma_wait3A = arith.constant 0 : i32
        %dma_wait3A_20 = tpu.memref_slice %arg5[%arg0, %run_scoped3A_16, %dma_wait3A] : memref<2x4x50000xf32, #tpu.memory_space<hbm>> -> memref<1x1x50000xf32, #tpu.memory_space<hbm>>
        %dma_wait3A_21 = tpu.memref_squeeze %dma_wait3A_20 : memref<1x1x50000xf32, #tpu.memory_space<hbm>> -> memref<50000xf32, #tpu.memory_space<hbm>>
        tpu.wait_dma2 semaphore(%run_scoped3A_17 : memref<!tpu.dma_semaphore, #tpu.memory_space<semaphore_mem>>) src(%arg9 : memref<50000xf32, #tpu.memory_space<vmem_shared>>) dst(%dma_wait3A_21 : memref<50000xf32, #tpu.memory_space<hbm>>)
        tpu.yield
      }) : () -> ()
    } else {
    }
    return
  }
}

#map = affine_map<(d0, d1) -> (0, 0, 0)>
#map1 = affine_map<(d0, d1) -> (0)>
module attributes {stable_mosaic.version = 14 : i64} {
  func.func @_scatter_body(%arg0: i32, %arg1: i32, %arg2: memref<3200x8x128xf32, #tpu.memory_space<hbm>>, %arg3: memref<2x3200x128xi32, #tpu.memory_space<hbm>>, %arg4: memref<50000xf32, #tpu.memory_space<hbm>>, %arg5: memref<2x4x50000xf32, #tpu.memory_space<hbm>>, %arg6: memref<50000xf32, #tpu.memory_space<vmem_shared>>, %arg7: memref<50000xf32, #tpu.memory_space<vmem_shared>>, %arg8: memref<50000xf32, #tpu.memory_space<vmem_shared>>, %arg9: memref<50000xf32, #tpu.memory_space<vmem_shared>>, %arg10: memref<20x8x128xf32, #tpu.memory_space<vmem>>, %arg11: memref<2x20x128xi32, #tpu.memory_space<vmem>>, %arg12: memref<!tpu.dma_semaphore, #tpu.memory_space<semaphore_mem>>) attributes {dimension_semantics = [#tpu.dimension_semantics<core_parallel>, #tpu.dimension_semantics<subcore_parallel>], iteration_bounds = array<i64: 2, 16>, scalar_prefetch = 0 : i64, scratch_operands = 7 : i64, tpu.core_type = #tpu.core_type<sc_vector_subcore>, window_params = [{transform_indices = #map}, {transform_indices = #map}, {transform_indices = #map1}, {transform_indices = #map}]} {
    %mul3A = arith.constant 2 : i32
    %mul3A_0 = arith.muli %arg1, %mul3A : i32
    %add3A = arith.addi %mul3A_0, %arg0 : i32
    %eq3A = arith.constant 0 : i32
    %eq3A_1 = arith.cmpi eq, %arg1, %eq3A : i32
    %convert_element_type3A = arith.extui %eq3A_1 : i1 to i32
    %cond3A = arith.constant 0 : i32
    %cond3A_2 = arith.cmpi ne, %convert_element_type3A, %cond3A : i32
    scf.if %cond3A_2 {
      "tpu.region"() ({
        %run_scoped3A = tpu.sem_alloc : memref<!tpu.dma_semaphore, #tpu.memory_space<semaphore_mem>>
        tpu.enqueue_dma source(%arg4 : memref<50000xf32, #tpu.memory_space<hbm>>) target(%arg6 : memref<50000xf32, #tpu.memory_space<vmem_shared>>) target_semaphore(%run_scoped3A : memref<!tpu.dma_semaphore, #tpu.memory_space<semaphore_mem>>)
        tpu.wait_dma2 semaphore(%run_scoped3A : memref<!tpu.dma_semaphore, #tpu.memory_space<semaphore_mem>>) src(%arg4 : memref<50000xf32, #tpu.memory_space<hbm>>) dst(%arg6 : memref<50000xf32, #tpu.memory_space<vmem_shared>>)
        tpu.yield
      }) : () -> ()
      "tpu.region"() ({
        %run_scoped3A = tpu.sem_alloc : memref<!tpu.dma_semaphore, #tpu.memory_space<semaphore_mem>>
        tpu.enqueue_dma source(%arg4 : memref<50000xf32, #tpu.memory_space<hbm>>) target(%arg7 : memref<50000xf32, #tpu.memory_space<vmem_shared>>) target_semaphore(%run_scoped3A : memref<!tpu.dma_semaphore, #tpu.memory_space<semaphore_mem>>)
        tpu.wait_dma2 semaphore(%run_scoped3A : memref<!tpu.dma_semaphore, #tpu.memory_space<semaphore_mem>>) src(%arg4 : memref<50000xf32, #tpu.memory_space<hbm>>) dst(%arg7 : memref<50000xf32, #tpu.memory_space<vmem_shared>>)
        tpu.yield
      }) : () -> ()
      "tpu.region"() ({
        %run_scoped3A = tpu.sem_alloc : memref<!tpu.dma_semaphore, #tpu.memory_space<semaphore_mem>>
        tpu.enqueue_dma source(%arg4 : memref<50000xf32, #tpu.memory_space<hbm>>) target(%arg8 : memref<50000xf32, #tpu.memory_space<vmem_shared>>) target_semaphore(%run_scoped3A : memref<!tpu.dma_semaphore, #tpu.memory_space<semaphore_mem>>)
        tpu.wait_dma2 semaphore(%run_scoped3A : memref<!tpu.dma_semaphore, #tpu.memory_space<semaphore_mem>>) src(%arg4 : memref<50000xf32, #tpu.memory_space<hbm>>) dst(%arg8 : memref<50000xf32, #tpu.memory_space<vmem_shared>>)
        tpu.yield
      }) : () -> ()
      "tpu.region"() ({
        %run_scoped3A = tpu.sem_alloc : memref<!tpu.dma_semaphore, #tpu.memory_space<semaphore_mem>>
        tpu.enqueue_dma source(%arg4 : memref<50000xf32, #tpu.memory_space<hbm>>) target(%arg9 : memref<50000xf32, #tpu.memory_space<vmem_shared>>) target_semaphore(%run_scoped3A : memref<!tpu.dma_semaphore, #tpu.memory_space<semaphore_mem>>)
        tpu.wait_dma2 semaphore(%run_scoped3A : memref<!tpu.dma_semaphore, #tpu.memory_space<semaphore_mem>>) src(%arg4 : memref<50000xf32, #tpu.memory_space<hbm>>) dst(%arg9 : memref<50000xf32, #tpu.memory_space<vmem_shared>>)
        tpu.yield
      }) : () -> ()
    } else {
    }
    %barrier3A = arith.constant 0 : index
    tpu.barrier barrier_id(%barrier3A)
    %scan3A = arith.constant 0 : i32
    %scan3A_3 = arith.constant 0 : i32
    %scan3A_4 = arith.constant 5 : i32
    %scan3A_5 = arith.addi %scan3A_3, %scan3A_4 : i32
    %scan3A_6 = arith.constant 1 : i32
    scf.for %scan3A_14 = %scan3A_3 to %scan3A_5 step %scan3A_6  : i32 {
      %mul3A_15 = arith.constant 100 : i32
      %mul3A_16 = arith.muli %add3A, %mul3A_15 : i32
      %mul3A_17 = arith.constant 20 : i32
      %mul3A_18 = arith.muli %scan3A_14, %mul3A_17 : i32
      %add3A_19 = arith.addi %mul3A_16, %mul3A_18 : i32
      "tpu.region"() ({
        %run_scoped3A = tpu.sem_alloc : memref<!tpu.dma_semaphore, #tpu.memory_space<semaphore_mem>>
        %dma_start3A_121 = arith.constant 0 : i32
        %dma_start3A_122 = arith.constant 0 : i32
        %dma_start3A_123 = tpu.memref_slice %arg2[%add3A_19, %dma_start3A_121, %dma_start3A_122] : memref<3200x8x128xf32, #tpu.memory_space<hbm>> -> memref<20x8x128xf32, #tpu.memory_space<hbm>>
        %dma_start3A_124 = arith.constant 0 : i32
        %dma_start3A_125 = arith.constant 0 : i32
        %dma_start3A_126 = tpu.memref_slice %arg2[%add3A_19, %dma_start3A_124, %dma_start3A_125] : memref<3200x8x128xf32, #tpu.memory_space<hbm>> -> memref<20x8x128xf32, #tpu.memory_space<hbm>>
        tpu.enqueue_dma source(%dma_start3A_126 : memref<20x8x128xf32, #tpu.memory_space<hbm>>) target(%arg10 : memref<20x8x128xf32, #tpu.memory_space<vmem>>) target_semaphore(%run_scoped3A : memref<!tpu.dma_semaphore, #tpu.memory_space<semaphore_mem>>)
        %dma_wait3A = arith.constant 0 : i32
        %dma_wait3A_127 = arith.constant 0 : i32
        %dma_wait3A_128 = tpu.memref_slice %arg2[%add3A_19, %dma_wait3A, %dma_wait3A_127] : memref<3200x8x128xf32, #tpu.memory_space<hbm>> -> memref<20x8x128xf32, #tpu.memory_space<hbm>>
        %dma_wait3A_129 = arith.constant 0 : i32
        %dma_wait3A_130 = arith.constant 0 : i32
        %dma_wait3A_131 = tpu.memref_slice %arg2[%add3A_19, %dma_wait3A_129, %dma_wait3A_130] : memref<3200x8x128xf32, #tpu.memory_space<hbm>> -> memref<20x8x128xf32, #tpu.memory_space<hbm>>
        tpu.wait_dma2 semaphore(%run_scoped3A : memref<!tpu.dma_semaphore, #tpu.memory_space<semaphore_mem>>) src(%dma_wait3A_131 : memref<20x8x128xf32, #tpu.memory_space<hbm>>) dst(%arg10 : memref<20x8x128xf32, #tpu.memory_space<vmem>>)
        tpu.yield
      }) : () -> ()
      "tpu.region"() ({
        %run_scoped3A = tpu.sem_alloc : memref<!tpu.dma_semaphore, #tpu.memory_space<semaphore_mem>>
        %dma_start3A_121 = arith.constant 0 : i32
        %dma_start3A_122 = arith.constant 0 : i32
        %dma_start3A_123 = tpu.memref_slice %arg3[%dma_start3A_121, %add3A_19, %dma_start3A_122] : memref<2x3200x128xi32, #tpu.memory_space<hbm>> -> memref<2x20x128xi32, #tpu.memory_space<hbm>>
        %dma_start3A_124 = arith.constant 0 : i32
        %dma_start3A_125 = arith.constant 0 : i32
        %dma_start3A_126 = tpu.memref_slice %arg3[%dma_start3A_124, %add3A_19, %dma_start3A_125] : memref<2x3200x128xi32, #tpu.memory_space<hbm>> -> memref<2x20x128xi32, #tpu.memory_space<hbm>>
        tpu.enqueue_dma source(%dma_start3A_126 : memref<2x20x128xi32, #tpu.memory_space<hbm>>) target(%arg11 : memref<2x20x128xi32, #tpu.memory_space<vmem>>) target_semaphore(%run_scoped3A : memref<!tpu.dma_semaphore, #tpu.memory_space<semaphore_mem>>)
        %dma_wait3A = arith.constant 0 : i32
        %dma_wait3A_127 = arith.constant 0 : i32
        %dma_wait3A_128 = tpu.memref_slice %arg3[%dma_wait3A, %add3A_19, %dma_wait3A_127] : memref<2x3200x128xi32, #tpu.memory_space<hbm>> -> memref<2x20x128xi32, #tpu.memory_space<hbm>>
        %dma_wait3A_129 = arith.constant 0 : i32
        %dma_wait3A_130 = arith.constant 0 : i32
        %dma_wait3A_131 = tpu.memref_slice %arg3[%dma_wait3A_129, %add3A_19, %dma_wait3A_130] : memref<2x3200x128xi32, #tpu.memory_space<hbm>> -> memref<2x20x128xi32, #tpu.memory_space<hbm>>
        tpu.wait_dma2 semaphore(%run_scoped3A : memref<!tpu.dma_semaphore, #tpu.memory_space<semaphore_mem>>) src(%dma_wait3A_131 : memref<2x20x128xi32, #tpu.memory_space<hbm>>) dst(%arg11 : memref<2x20x128xi32, #tpu.memory_space<vmem>>)
        tpu.yield
      }) : () -> ()
      %dma_start3A = arith.constant 0 : i32
      %dma_start3A_20 = arith.constant 0 : i32
      %dma_start3A_21 = arith.constant 0 : i32
      %dma_start3A_22 = arith.constant 0 : i32
      %dma_start3A_23 = arith.constant 0 : i32
      %dma_start3A_24 = tpu.memref_slice %arg10[%dma_start3A, %dma_start3A_20, %dma_start3A_23] : memref<20x8x128xf32, #tpu.memory_space<vmem>> -> memref<1x1x128xf32, #tpu.memory_space<vmem>>
      %dma_start3A_25 = tpu.memref_squeeze %dma_start3A_24 : memref<1x1x128xf32, #tpu.memory_space<vmem>> -> memref<128xf32, #tpu.memory_space<vmem>>
      %dma_start3A_26 = arith.constant 0 : i32
      %dma_start3A_27 = tpu.memref_slice %arg11[%dma_start3A_21, %dma_start3A_22, %dma_start3A_26] : memref<2x20x128xi32, #tpu.memory_space<vmem>> -> memref<1x1x128xi32, #tpu.memory_space<vmem>>
      %dma_start3A_28 = tpu.memref_squeeze %dma_start3A_27 : memref<1x1x128xi32, #tpu.memory_space<vmem>> -> memref<128xi32, #tpu.memory_space<vmem>>
      %dma_start3A_29 = arith.constant 0 : i32
      %dma_start3A_30 = tpu.memref_slice %arg6[%dma_start3A_29] : memref<50000xf32, #tpu.memory_space<vmem_shared>> -> memref<50000xf32, #tpu.memory_space<vmem_shared>>
      tpu.enqueue_indirect_dma source(%dma_start3A_25 : memref<128xf32, #tpu.memory_space<vmem>>) target(%dma_start3A_30 : memref<50000xf32, #tpu.memory_space<vmem_shared>>) offsets(%dma_start3A_28 : memref<128xi32, #tpu.memory_space<vmem>>) semaphore(%arg12 : memref<!tpu.dma_semaphore, #tpu.memory_space<semaphore_mem>>) {add = true}
      %dma_start3A_31 = arith.constant 0 : i32
      %dma_start3A_32 = arith.constant 1 : i32
      %dma_start3A_33 = arith.constant 0 : i32
      %dma_start3A_34 = arith.constant 0 : i32
      %dma_start3A_35 = arith.constant 0 : i32
      %dma_start3A_36 = tpu.memref_slice %arg10[%dma_start3A_31, %dma_start3A_32, %dma_start3A_35] : memref<20x8x128xf32, #tpu.memory_space<vmem>> -> memref<1x1x128xf32, #tpu.memory_space<vmem>>
      %dma_start3A_37 = tpu.memref_squeeze %dma_start3A_36 : memref<1x1x128xf32, #tpu.memory_space<vmem>> -> memref<128xf32, #tpu.memory_space<vmem>>
      %dma_start3A_38 = arith.constant 0 : i32
      %dma_start3A_39 = tpu.memref_slice %arg11[%dma_start3A_33, %dma_start3A_34, %dma_start3A_38] : memref<2x20x128xi32, #tpu.memory_space<vmem>> -> memref<1x1x128xi32, #tpu.memory_space<vmem>>
      %dma_start3A_40 = tpu.memref_squeeze %dma_start3A_39 : memref<1x1x128xi32, #tpu.memory_space<vmem>> -> memref<128xi32, #tpu.memory_space<vmem>>
      %dma_start3A_41 = arith.constant 0 : i32
      %dma_start3A_42 = tpu.memref_slice %arg7[%dma_start3A_41] : memref<50000xf32, #tpu.memory_space<vmem_shared>> -> memref<50000xf32, #tpu.memory_space<vmem_shared>>
      tpu.enqueue_indirect_dma source(%dma_start3A_37 : memref<128xf32, #tpu.memory_space<vmem>>) target(%dma_start3A_42 : memref<50000xf32, #tpu.memory_space<vmem_shared>>) offsets(%dma_start3A_40 : memref<128xi32, #tpu.memory_space<vmem>>) semaphore(%arg12 : memref<!tpu.dma_semaphore, #tpu.memory_space<semaphore_mem>>) {add = true}
      %dma_start3A_43 = arith.constant 0 : i32
      %dma_start3A_44 = arith.constant 2 : i32
      %dma_start3A_45 = arith.constant 0 : i32
      %dma_start3A_46 = arith.constant 0 : i32
      %dma_start3A_47 = arith.constant 0 : i32
      %dma_start3A_48 = tpu.memref_slice %arg10[%dma_start3A_43, %dma_start3A_44, %dma_start3A_47] : memref<20x8x128xf32, #tpu.memory_space<vmem>> -> memref<1x1x128xf32, #tpu.memory_space<vmem>>
      %dma_start3A_49 = tpu.memref_squeeze %dma_start3A_48 : memref<1x1x128xf32, #tpu.memory_space<vmem>> -> memref<128xf32, #tpu.memory_space<vmem>>
      %dma_start3A_50 = arith.constant 0 : i32
      %dma_start3A_51 = tpu.memref_slice %arg11[%dma_start3A_45, %dma_start3A_46, %dma_start3A_50] : memref<2x20x128xi32, #tpu.memory_space<vmem>> -> memref<1x1x128xi32, #tpu.memory_space<vmem>>
      %dma_start3A_52 = tpu.memref_squeeze %dma_start3A_51 : memref<1x1x128xi32, #tpu.memory_space<vmem>> -> memref<128xi32, #tpu.memory_space<vmem>>
      %dma_start3A_53 = arith.constant 0 : i32
      %dma_start3A_54 = tpu.memref_slice %arg8[%dma_start3A_53] : memref<50000xf32, #tpu.memory_space<vmem_shared>> -> memref<50000xf32, #tpu.memory_space<vmem_shared>>
      tpu.enqueue_indirect_dma source(%dma_start3A_49 : memref<128xf32, #tpu.memory_space<vmem>>) target(%dma_start3A_54 : memref<50000xf32, #tpu.memory_space<vmem_shared>>) offsets(%dma_start3A_52 : memref<128xi32, #tpu.memory_space<vmem>>) semaphore(%arg12 : memref<!tpu.dma_semaphore, #tpu.memory_space<semaphore_mem>>) {add = true}
      %dma_start3A_55 = arith.constant 0 : i32
      %dma_start3A_56 = arith.constant 3 : i32
      %dma_start3A_57 = arith.constant 0 : i32
      %dma_start3A_58 = arith.constant 0 : i32
      %dma_start3A_59 = arith.constant 0 : i32
      %dma_start3A_60 = tpu.memref_slice %arg10[%dma_start3A_55, %dma_start3A_56, %dma_start3A_59] : memref<20x8x128xf32, #tpu.memory_space<vmem>> -> memref<1x1x128xf32, #tpu.memory_space<vmem>>
      %dma_start3A_61 = tpu.memref_squeeze %dma_start3A_60 : memref<1x1x128xf32, #tpu.memory_space<vmem>> -> memref<128xf32, #tpu.memory_space<vmem>>
      %dma_start3A_62 = arith.constant 0 : i32
      %dma_start3A_63 = tpu.memref_slice %arg11[%dma_start3A_57, %dma_start3A_58, %dma_start3A_62] : memref<2x20x128xi32, #tpu.memory_space<vmem>> -> memref<1x1x128xi32, #tpu.memory_space<vmem>>
      %dma_start3A_64 = tpu.memref_squeeze %dma_start3A_63 : memref<1x1x128xi32, #tpu.memory_space<vmem>> -> memref<128xi32, #tpu.memory_space<vmem>>
      %dma_start3A_65 = arith.constant 0 : i32
      %dma_start3A_66 = tpu.memref_slice %arg9[%dma_start3A_65] : memref<50000xf32, #tpu.memory_space<vmem_shared>> -> memref<50000xf32, #tpu.memory_space<vmem_shared>>
      tpu.enqueue_indirect_dma source(%dma_start3A_61 : memref<128xf32, #tpu.memory_space<vmem>>) target(%dma_start3A_66 : memref<50000xf32, #tpu.memory_space<vmem_shared>>) offsets(%dma_start3A_64 : memref<128xi32, #tpu.memory_space<vmem>>) semaphore(%arg12 : memref<!tpu.dma_semaphore, #tpu.memory_space<semaphore_mem>>) {add = true}
      %dma_start3A_67 = arith.constant 0 : i32
      %dma_start3A_68 = arith.constant 4 : i32
      %dma_start3A_69 = arith.constant 1 : i32
      %dma_start3A_70 = arith.constant 0 : i32
      %dma_start3A_71 = arith.constant 0 : i32
      %dma_start3A_72 = tpu.memref_slice %arg10[%dma_start3A_67, %dma_start3A_68, %dma_start3A_71] : memref<20x8x128xf32, #tpu.memory_space<vmem>> -> memref<1x1x128xf32, #tpu.memory_space<vmem>>
      %dma_start3A_73 = tpu.memref_squeeze %dma_start3A_72 : memref<1x1x128xf32, #tpu.memory_space<vmem>> -> memref<128xf32, #tpu.memory_space<vmem>>
      %dma_start3A_74 = arith.constant 0 : i32
      %dma_start3A_75 = tpu.memref_slice %arg11[%dma_start3A_69, %dma_start3A_70, %dma_start3A_74] : memref<2x20x128xi32, #tpu.memory_space<vmem>> -> memref<1x1x128xi32, #tpu.memory_space<vmem>>
      %dma_start3A_76 = tpu.memref_squeeze %dma_start3A_75 : memref<1x1x128xi32, #tpu.memory_space<vmem>> -> memref<128xi32, #tpu.memory_space<vmem>>
      %dma_start3A_77 = arith.constant 0 : i32
      %dma_start3A_78 = tpu.memref_slice %arg6[%dma_start3A_77] : memref<50000xf32, #tpu.memory_space<vmem_shared>> -> memref<50000xf32, #tpu.memory_space<vmem_shared>>
      tpu.enqueue_indirect_dma source(%dma_start3A_73 : memref<128xf32, #tpu.memory_space<vmem>>) target(%dma_start3A_78 : memref<50000xf32, #tpu.memory_space<vmem_shared>>) offsets(%dma_start3A_76 : memref<128xi32, #tpu.memory_space<vmem>>) semaphore(%arg12 : memref<!tpu.dma_semaphore, #tpu.memory_space<semaphore_mem>>) {add = true}
      %dma_start3A_79 = arith.constant 0 : i32
      %dma_start3A_80 = arith.constant 5 : i32
      %dma_start3A_81 = arith.constant 1 : i32
      %dma_start3A_82 = arith.constant 0 : i32
      %dma_start3A_83 = arith.constant 0 : i32
      %dma_start3A_84 = tpu.memref_slice %arg10[%dma_start3A_79, %dma_start3A_80, %dma_start3A_83] : memref<20x8x128xf32, #tpu.memory_space<vmem>> -> memref<1x1x128xf32, #tpu.memory_space<vmem>>
      %dma_start3A_85 = tpu.memref_squeeze %dma_start3A_84 : memref<1x1x128xf32, #tpu.memory_space<vmem>> -> memref<128xf32, #tpu.memory_space<vmem>>
      %dma_start3A_86 = arith.constant 0 : i32
      %dma_start3A_87 = tpu.memref_slice %arg11[%dma_start3A_81, %dma_start3A_82, %dma_start3A_86] : memref<2x20x128xi32, #tpu.memory_space<vmem>> -> memref<1x1x128xi32, #tpu.memory_space<vmem>>
      %dma_start3A_88 = tpu.memref_squeeze %dma_start3A_87 : memref<1x1x128xi32, #tpu.memory_space<vmem>> -> memref<128xi32, #tpu.memory_space<vmem>>
      %dma_start3A_89 = arith.constant 0 : i32
      %dma_start3A_90 = tpu.memref_slice %arg7[%dma_start3A_89] : memref<50000xf32, #tpu.memory_space<vmem_shared>> -> memref<50000xf32, #tpu.memory_space<vmem_shared>>
      tpu.enqueue_indirect_dma source(%dma_start3A_85 : memref<128xf32, #tpu.memory_space<vmem>>) target(%dma_start3A_90 : memref<50000xf32, #tpu.memory_space<vmem_shared>>) offsets(%dma_start3A_88 : memref<128xi32, #tpu.memory_space<vmem>>) semaphore(%arg12 : memref<!tpu.dma_semaphore, #tpu.memory_space<semaphore_mem>>) {add = true}
      %dma_start3A_91 = arith.constant 0 : i32
      %dma_start3A_92 = arith.constant 6 : i32
      %dma_start3A_93 = arith.constant 1 : i32
      %dma_start3A_94 = arith.constant 0 : i32
      %dma_start3A_95 = arith.constant 0 : i32
      %dma_start3A_96 = tpu.memref_slice %arg10[%dma_start3A_91, %dma_start3A_92, %dma_start3A_95] : memref<20x8x128xf32, #tpu.memory_space<vmem>> -> memref<1x1x128xf32, #tpu.memory_space<vmem>>
      %dma_start3A_97 = tpu.memref_squeeze %dma_start3A_96 : memref<1x1x128xf32, #tpu.memory_space<vmem>> -> memref<128xf32, #tpu.memory_space<vmem>>
      %dma_start3A_98 = arith.constant 0 : i32
      %dma_start3A_99 = tpu.memref_slice %arg11[%dma_start3A_93, %dma_start3A_94, %dma_start3A_98] : memref<2x20x128xi32, #tpu.memory_space<vmem>> -> memref<1x1x128xi32, #tpu.memory_space<vmem>>
      %dma_start3A_100 = tpu.memref_squeeze %dma_start3A_99 : memref<1x1x128xi32, #tpu.memory_space<vmem>> -> memref<128xi32, #tpu.memory_space<vmem>>
      %dma_start3A_101 = arith.constant 0 : i32
      %dma_start3A_102 = tpu.memref_slice %arg8[%dma_start3A_101] : memref<50000xf32, #tpu.memory_space<vmem_shared>> -> memref<50000xf32, #tpu.memory_space<vmem_shared>>
      tpu.enqueue_indirect_dma source(%dma_start3A_97 : memref<128xf32, #tpu.memory_space<vmem>>) target(%dma_start3A_102 : memref<50000xf32, #tpu.memory_space<vmem_shared>>) offsets(%dma_start3A_100 : memref<128xi32, #tpu.memory_space<vmem>>) semaphore(%arg12 : memref<!tpu.dma_semaphore, #tpu.memory_space<semaphore_mem>>) {add = true}
      %dma_start3A_103 = arith.constant 0 : i32
      %dma_start3A_104 = arith.constant 7 : i32
      %dma_start3A_105 = arith.constant 1 : i32
      %dma_start3A_106 = arith.constant 0 : i32
      %dma_start3A_107 = arith.constant 0 : i32
      %dma_start3A_108 = tpu.memref_slice %arg10[%dma_start3A_103, %dma_start3A_104, %dma_start3A_107] : memref<20x8x128xf32, #tpu.memory_space<vmem>> -> memref<1x1x128xf32, #tpu.memory_space<vmem>>
      %dma_start3A_109 = tpu.memref_squeeze %dma_start3A_108 : memref<1x1x128xf32, #tpu.memory_space<vmem>> -> memref<128xf32, #tpu.memory_space<vmem>>
      %dma_start3A_110 = arith.constant 0 : i32
      %dma_start3A_111 = tpu.memref_slice %arg11[%dma_start3A_105, %dma_start3A_106, %dma_start3A_110] : memref<2x20x128xi32, #tpu.memory_space<vmem>> -> memref<1x1x128xi32, #tpu.memory_space<vmem>>
      %dma_start3A_112 = tpu.memref_squeeze %dma_start3A_111 : memref<1x1x128xi32, #tpu.memory_space<vmem>> -> memref<128xi32, #tpu.memory_space<vmem>>
      %dma_start3A_113 = arith.constant 0 : i32
      %dma_start3A_114 = tpu.memref_slice %arg9[%dma_start3A_113] : memref<50000xf32, #tpu.memory_space<vmem_shared>> -> memref<50000xf32, #tpu.memory_space<vmem_shared>>
      tpu.enqueue_indirect_dma source(%dma_start3A_109 : memref<128xf32, #tpu.memory_space<vmem>>) target(%dma_start3A_114 : memref<50000xf32, #tpu.memory_space<vmem_shared>>) offsets(%dma_start3A_112 : memref<128xi32, #tpu.memory_space<vmem>>) semaphore(%arg12 : memref<!tpu.dma_semaphore, #tpu.memory_space<semaphore_mem>>) {add = true}
      %scan3A_115 = arith.constant 0 : i32
      %scan3A_116 = arith.constant 0 : i32
      %scan3A_117 = arith.constant 20 : i32
      %scan3A_118 = arith.addi %scan3A_116, %scan3A_117 : i32
      %scan3A_119 = arith.constant 1 : i32
      scf.for %scan3A_121 = %scan3A_116 to %scan3A_118 step %scan3A_119  : i32 {
        %add3A_122 = arith.constant 1 : i32
        %add3A_123 = arith.addi %scan3A_121, %add3A_122 : i32
        %lt3A = arith.constant 20 : i32
        %lt3A_124 = arith.cmpi slt, %add3A_123, %lt3A : i32
        %convert_element_type3A_125 = arith.extui %lt3A_124 : i1 to i32
        %cond3A_126 = arith.constant 0 : i32
        %cond3A_127 = arith.cmpi ne, %convert_element_type3A_125, %cond3A_126 : i32
        scf.if %cond3A_127 {
          %add3A_207 = arith.constant 1 : i32
          %add3A_208 = arith.addi %scan3A_121, %add3A_207 : i32
          %dma_start3A_209 = arith.constant 0 : i32
          %dma_start3A_210 = arith.constant 0 : i32
          %dma_start3A_211 = arith.constant 0 : i32
          %dma_start3A_212 = tpu.memref_slice %arg10[%add3A_208, %dma_start3A_209, %dma_start3A_211] : memref<20x8x128xf32, #tpu.memory_space<vmem>> -> memref<1x1x128xf32, #tpu.memory_space<vmem>>
          %dma_start3A_213 = tpu.memref_squeeze %dma_start3A_212 : memref<1x1x128xf32, #tpu.memory_space<vmem>> -> memref<128xf32, #tpu.memory_space<vmem>>
          %dma_start3A_214 = arith.constant 0 : i32
          %dma_start3A_215 = tpu.memref_slice %arg11[%dma_start3A_210, %add3A_208, %dma_start3A_214] : memref<2x20x128xi32, #tpu.memory_space<vmem>> -> memref<1x1x128xi32, #tpu.memory_space<vmem>>
          %dma_start3A_216 = tpu.memref_squeeze %dma_start3A_215 : memref<1x1x128xi32, #tpu.memory_space<vmem>> -> memref<128xi32, #tpu.memory_space<vmem>>
          %dma_start3A_217 = arith.constant 0 : i32
          %dma_start3A_218 = tpu.memref_slice %arg6[%dma_start3A_217] : memref<50000xf32, #tpu.memory_space<vmem_shared>> -> memref<50000xf32, #tpu.memory_space<vmem_shared>>
          tpu.enqueue_indirect_dma source(%dma_start3A_213 : memref<128xf32, #tpu.memory_space<vmem>>) target(%dma_start3A_218 : memref<50000xf32, #tpu.memory_space<vmem_shared>>) offsets(%dma_start3A_216 : memref<128xi32, #tpu.memory_space<vmem>>) semaphore(%arg12 : memref<!tpu.dma_semaphore, #tpu.memory_space<semaphore_mem>>) {add = true}
          %dma_start3A_219 = arith.constant 1 : i32
          %dma_start3A_220 = arith.constant 0 : i32
          %dma_start3A_221 = arith.constant 0 : i32
          %dma_start3A_222 = tpu.memref_slice %arg10[%add3A_208, %dma_start3A_219, %dma_start3A_221] : memref<20x8x128xf32, #tpu.memory_space<vmem>> -> memref<1x1x128xf32, #tpu.memory_space<vmem>>
          %dma_start3A_223 = tpu.memref_squeeze %dma_start3A_222 : memref<1x1x128xf32, #tpu.memory_space<vmem>> -> memref<128xf32, #tpu.memory_space<vmem>>
          %dma_start3A_224 = arith.constant 0 : i32
          %dma_start3A_225 = tpu.memref_slice %arg11[%dma_start3A_220, %add3A_208, %dma_start3A_224] : memref<2x20x128xi32, #tpu.memory_space<vmem>> -> memref<1x1x128xi32, #tpu.memory_space<vmem>>
          %dma_start3A_226 = tpu.memref_squeeze %dma_start3A_225 : memref<1x1x128xi32, #tpu.memory_space<vmem>> -> memref<128xi32, #tpu.memory_space<vmem>>
          %dma_start3A_227 = arith.constant 0 : i32
          %dma_start3A_228 = tpu.memref_slice %arg7[%dma_start3A_227] : memref<50000xf32, #tpu.memory_space<vmem_shared>> -> memref<50000xf32, #tpu.memory_space<vmem_shared>>
          tpu.enqueue_indirect_dma source(%dma_start3A_223 : memref<128xf32, #tpu.memory_space<vmem>>) target(%dma_start3A_228 : memref<50000xf32, #tpu.memory_space<vmem_shared>>) offsets(%dma_start3A_226 : memref<128xi32, #tpu.memory_space<vmem>>) semaphore(%arg12 : memref<!tpu.dma_semaphore, #tpu.memory_space<semaphore_mem>>) {add = true}
          %dma_start3A_229 = arith.constant 2 : i32
          %dma_start3A_230 = arith.constant 0 : i32
          %dma_start3A_231 = arith.constant 0 : i32
          %dma_start3A_232 = tpu.memref_slice %arg10[%add3A_208, %dma_start3A_229, %dma_start3A_231] : memref<20x8x128xf32, #tpu.memory_space<vmem>> -> memref<1x1x128xf32, #tpu.memory_space<vmem>>
          %dma_start3A_233 = tpu.memref_squeeze %dma_start3A_232 : memref<1x1x128xf32, #tpu.memory_space<vmem>> -> memref<128xf32, #tpu.memory_space<vmem>>
          %dma_start3A_234 = arith.constant 0 : i32
          %dma_start3A_235 = tpu.memref_slice %arg11[%dma_start3A_230, %add3A_208, %dma_start3A_234] : memref<2x20x128xi32, #tpu.memory_space<vmem>> -> memref<1x1x128xi32, #tpu.memory_space<vmem>>
          %dma_start3A_236 = tpu.memref_squeeze %dma_start3A_235 : memref<1x1x128xi32, #tpu.memory_space<vmem>> -> memref<128xi32, #tpu.memory_space<vmem>>
          %dma_start3A_237 = arith.constant 0 : i32
          %dma_start3A_238 = tpu.memref_slice %arg8[%dma_start3A_237] : memref<50000xf32, #tpu.memory_space<vmem_shared>> -> memref<50000xf32, #tpu.memory_space<vmem_shared>>
          tpu.enqueue_indirect_dma source(%dma_start3A_233 : memref<128xf32, #tpu.memory_space<vmem>>) target(%dma_start3A_238 : memref<50000xf32, #tpu.memory_space<vmem_shared>>) offsets(%dma_start3A_236 : memref<128xi32, #tpu.memory_space<vmem>>) semaphore(%arg12 : memref<!tpu.dma_semaphore, #tpu.memory_space<semaphore_mem>>) {add = true}
          %dma_start3A_239 = arith.constant 3 : i32
          %dma_start3A_240 = arith.constant 0 : i32
          %dma_start3A_241 = arith.constant 0 : i32
          %dma_start3A_242 = tpu.memref_slice %arg10[%add3A_208, %dma_start3A_239, %dma_start3A_241] : memref<20x8x128xf32, #tpu.memory_space<vmem>> -> memref<1x1x128xf32, #tpu.memory_space<vmem>>
          %dma_start3A_243 = tpu.memref_squeeze %dma_start3A_242 : memref<1x1x128xf32, #tpu.memory_space<vmem>> -> memref<128xf32, #tpu.memory_space<vmem>>
          %dma_start3A_244 = arith.constant 0 : i32
          %dma_start3A_245 = tpu.memref_slice %arg11[%dma_start3A_240, %add3A_208, %dma_start3A_244] : memref<2x20x128xi32, #tpu.memory_space<vmem>> -> memref<1x1x128xi32, #tpu.memory_space<vmem>>
          %dma_start3A_246 = tpu.memref_squeeze %dma_start3A_245 : memref<1x1x128xi32, #tpu.memory_space<vmem>> -> memref<128xi32, #tpu.memory_space<vmem>>
          %dma_start3A_247 = arith.constant 0 : i32
          %dma_start3A_248 = tpu.memref_slice %arg9[%dma_start3A_247] : memref<50000xf32, #tpu.memory_space<vmem_shared>> -> memref<50000xf32, #tpu.memory_space<vmem_shared>>
          tpu.enqueue_indirect_dma source(%dma_start3A_243 : memref<128xf32, #tpu.memory_space<vmem>>) target(%dma_start3A_248 : memref<50000xf32, #tpu.memory_space<vmem_shared>>) offsets(%dma_start3A_246 : memref<128xi32, #tpu.memory_space<vmem>>) semaphore(%arg12 : memref<!tpu.dma_semaphore, #tpu.memory_space<semaphore_mem>>) {add = true}
          %dma_start3A_249 = arith.constant 4 : i32
          %dma_start3A_250 = arith.constant 1 : i32
          %dma_start3A_251 = arith.constant 0 : i32
          %dma_start3A_252 = tpu.memref_slice %arg10[%add3A_208, %dma_start3A_249, %dma_start3A_251] : memref<20x8x128xf32, #tpu.memory_space<vmem>> -> memref<1x1x128xf32, #tpu.memory_space<vmem>>
          %dma_start3A_253 = tpu.memref_squeeze %dma_start3A_252 : memref<1x1x128xf32, #tpu.memory_space<vmem>> -> memref<128xf32, #tpu.memory_space<vmem>>
          %dma_start3A_254 = arith.constant 0 : i32
          %dma_start3A_255 = tpu.memref_slice %arg11[%dma_start3A_250, %add3A_208, %dma_start3A_254] : memref<2x20x128xi32, #tpu.memory_space<vmem>> -> memref<1x1x128xi32, #tpu.memory_space<vmem>>
          %dma_start3A_256 = tpu.memref_squeeze %dma_start3A_255 : memref<1x1x128xi32, #tpu.memory_space<vmem>> -> memref<128xi32, #tpu.memory_space<vmem>>
          %dma_start3A_257 = arith.constant 0 : i32
          %dma_start3A_258 = tpu.memref_slice %arg6[%dma_start3A_257] : memref<50000xf32, #tpu.memory_space<vmem_shared>> -> memref<50000xf32, #tpu.memory_space<vmem_shared>>
          tpu.enqueue_indirect_dma source(%dma_start3A_253 : memref<128xf32, #tpu.memory_space<vmem>>) target(%dma_start3A_258 : memref<50000xf32, #tpu.memory_space<vmem_shared>>) offsets(%dma_start3A_256 : memref<128xi32, #tpu.memory_space<vmem>>) semaphore(%arg12 : memref<!tpu.dma_semaphore, #tpu.memory_space<semaphore_mem>>) {add = true}
          %dma_start3A_259 = arith.constant 5 : i32
          %dma_start3A_260 = arith.constant 1 : i32
          %dma_start3A_261 = arith.constant 0 : i32
          %dma_start3A_262 = tpu.memref_slice %arg10[%add3A_208, %dma_start3A_259, %dma_start3A_261] : memref<20x8x128xf32, #tpu.memory_space<vmem>> -> memref<1x1x128xf32, #tpu.memory_space<vmem>>
          %dma_start3A_263 = tpu.memref_squeeze %dma_start3A_262 : memref<1x1x128xf32, #tpu.memory_space<vmem>> -> memref<128xf32, #tpu.memory_space<vmem>>
          %dma_start3A_264 = arith.constant 0 : i32
          %dma_start3A_265 = tpu.memref_slice %arg11[%dma_start3A_260, %add3A_208, %dma_start3A_264] : memref<2x20x128xi32, #tpu.memory_space<vmem>> -> memref<1x1x128xi32, #tpu.memory_space<vmem>>
          %dma_start3A_266 = tpu.memref_squeeze %dma_start3A_265 : memref<1x1x128xi32, #tpu.memory_space<vmem>> -> memref<128xi32, #tpu.memory_space<vmem>>
          %dma_start3A_267 = arith.constant 0 : i32
          %dma_start3A_268 = tpu.memref_slice %arg7[%dma_start3A_267] : memref<50000xf32, #tpu.memory_space<vmem_shared>> -> memref<50000xf32, #tpu.memory_space<vmem_shared>>
          tpu.enqueue_indirect_dma source(%dma_start3A_263 : memref<128xf32, #tpu.memory_space<vmem>>) target(%dma_start3A_268 : memref<50000xf32, #tpu.memory_space<vmem_shared>>) offsets(%dma_start3A_266 : memref<128xi32, #tpu.memory_space<vmem>>) semaphore(%arg12 : memref<!tpu.dma_semaphore, #tpu.memory_space<semaphore_mem>>) {add = true}
          %dma_start3A_269 = arith.constant 6 : i32
          %dma_start3A_270 = arith.constant 1 : i32
          %dma_start3A_271 = arith.constant 0 : i32
          %dma_start3A_272 = tpu.memref_slice %arg10[%add3A_208, %dma_start3A_269, %dma_start3A_271] : memref<20x8x128xf32, #tpu.memory_space<vmem>> -> memref<1x1x128xf32, #tpu.memory_space<vmem>>
          %dma_start3A_273 = tpu.memref_squeeze %dma_start3A_272 : memref<1x1x128xf32, #tpu.memory_space<vmem>> -> memref<128xf32, #tpu.memory_space<vmem>>
          %dma_start3A_274 = arith.constant 0 : i32
          %dma_start3A_275 = tpu.memref_slice %arg11[%dma_start3A_270, %add3A_208, %dma_start3A_274] : memref<2x20x128xi32, #tpu.memory_space<vmem>> -> memref<1x1x128xi32, #tpu.memory_space<vmem>>
          %dma_start3A_276 = tpu.memref_squeeze %dma_start3A_275 : memref<1x1x128xi32, #tpu.memory_space<vmem>> -> memref<128xi32, #tpu.memory_space<vmem>>
          %dma_start3A_277 = arith.constant 0 : i32
          %dma_start3A_278 = tpu.memref_slice %arg8[%dma_start3A_277] : memref<50000xf32, #tpu.memory_space<vmem_shared>> -> memref<50000xf32, #tpu.memory_space<vmem_shared>>
          tpu.enqueue_indirect_dma source(%dma_start3A_273 : memref<128xf32, #tpu.memory_space<vmem>>) target(%dma_start3A_278 : memref<50000xf32, #tpu.memory_space<vmem_shared>>) offsets(%dma_start3A_276 : memref<128xi32, #tpu.memory_space<vmem>>) semaphore(%arg12 : memref<!tpu.dma_semaphore, #tpu.memory_space<semaphore_mem>>) {add = true}
          %dma_start3A_279 = arith.constant 7 : i32
          %dma_start3A_280 = arith.constant 1 : i32
          %dma_start3A_281 = arith.constant 0 : i32
          %dma_start3A_282 = tpu.memref_slice %arg10[%add3A_208, %dma_start3A_279, %dma_start3A_281] : memref<20x8x128xf32, #tpu.memory_space<vmem>> -> memref<1x1x128xf32, #tpu.memory_space<vmem>>
          %dma_start3A_283 = tpu.memref_squeeze %dma_start3A_282 : memref<1x1x128xf32, #tpu.memory_space<vmem>> -> memref<128xf32, #tpu.memory_space<vmem>>
          %dma_start3A_284 = arith.constant 0 : i32
          %dma_start3A_285 = tpu.memref_slice %arg11[%dma_start3A_280, %add3A_208, %dma_start3A_284] : memref<2x20x128xi32, #tpu.memory_space<vmem>> -> memref<1x1x128xi32, #tpu.memory_space<vmem>>
          %dma_start3A_286 = tpu.memref_squeeze %dma_start3A_285 : memref<1x1x128xi32, #tpu.memory_space<vmem>> -> memref<128xi32, #tpu.memory_space<vmem>>
          %dma_start3A_287 = arith.constant 0 : i32
          %dma_start3A_288 = tpu.memref_slice %arg9[%dma_start3A_287] : memref<50000xf32, #tpu.memory_space<vmem_shared>> -> memref<50000xf32, #tpu.memory_space<vmem_shared>>
          tpu.enqueue_indirect_dma source(%dma_start3A_283 : memref<128xf32, #tpu.memory_space<vmem>>) target(%dma_start3A_288 : memref<50000xf32, #tpu.memory_space<vmem_shared>>) offsets(%dma_start3A_286 : memref<128xi32, #tpu.memory_space<vmem>>) semaphore(%arg12 : memref<!tpu.dma_semaphore, #tpu.memory_space<semaphore_mem>>) {add = true}
        } else {
        }
        %dma_wait3A = arith.constant 0 : i32
        %dma_wait3A_128 = arith.constant 0 : i32
        %dma_wait3A_129 = arith.constant 0 : i32
        %dma_wait3A_130 = tpu.memref_slice %arg10[%scan3A_121, %dma_wait3A, %dma_wait3A_129] : memref<20x8x128xf32, #tpu.memory_space<vmem>> -> memref<1x1x128xf32, #tpu.memory_space<vmem>>
        %dma_wait3A_131 = tpu.memref_squeeze %dma_wait3A_130 : memref<1x1x128xf32, #tpu.memory_space<vmem>> -> memref<128xf32, #tpu.memory_space<vmem>>
        %dma_wait3A_132 = arith.constant 0 : i32
        %dma_wait3A_133 = tpu.memref_slice %arg11[%dma_wait3A_128, %scan3A_121, %dma_wait3A_132] : memref<2x20x128xi32, #tpu.memory_space<vmem>> -> memref<1x1x128xi32, #tpu.memory_space<vmem>>
        %dma_wait3A_134 = tpu.memref_squeeze %dma_wait3A_133 : memref<1x1x128xi32, #tpu.memory_space<vmem>> -> memref<128xi32, #tpu.memory_space<vmem>>
        %dma_wait3A_135 = arith.constant 0 : i32
        %dma_wait3A_136 = tpu.memref_slice %arg6[%dma_wait3A_135] : memref<50000xf32, #tpu.memory_space<vmem_shared>> -> memref<50000xf32, #tpu.memory_space<vmem_shared>>
        tpu.wait_indirect_dma semaphore(%arg12 : memref<!tpu.dma_semaphore, #tpu.memory_space<semaphore_mem>>) src(%dma_wait3A_131 : memref<128xf32, #tpu.memory_space<vmem>>) dst(%dma_wait3A_136 : memref<50000xf32, #tpu.memory_space<vmem_shared>>)
        %dma_wait3A_137 = arith.constant 1 : i32
        %dma_wait3A_138 = arith.constant 0 : i32
        %dma_wait3A_139 = arith.constant 0 : i32
        %dma_wait3A_140 = tpu.memref_slice %arg10[%scan3A_121, %dma_wait3A_137, %dma_wait3A_139] : memref<20x8x128xf32, #tpu.memory_space<vmem>> -> memref<1x1x128xf32, #tpu.memory_space<vmem>>
        %dma_wait3A_141 = tpu.memref_squeeze %dma_wait3A_140 : memref<1x1x128xf32, #tpu.memory_space<vmem>> -> memref<128xf32, #tpu.memory_space<vmem>>
        %dma_wait3A_142 = arith.constant 0 : i32
        %dma_wait3A_143 = tpu.memref_slice %arg11[%dma_wait3A_138, %scan3A_121, %dma_wait3A_142] : memref<2x20x128xi32, #tpu.memory_space<vmem>> -> memref<1x1x128xi32, #tpu.memory_space<vmem>>
        %dma_wait3A_144 = tpu.memref_squeeze %dma_wait3A_143 : memref<1x1x128xi32, #tpu.memory_space<vmem>> -> memref<128xi32, #tpu.memory_space<vmem>>
        %dma_wait3A_145 = arith.constant 0 : i32
        %dma_wait3A_146 = tpu.memref_slice %arg7[%dma_wait3A_145] : memref<50000xf32, #tpu.memory_space<vmem_shared>> -> memref<50000xf32, #tpu.memory_space<vmem_shared>>
        tpu.wait_indirect_dma semaphore(%arg12 : memref<!tpu.dma_semaphore, #tpu.memory_space<semaphore_mem>>) src(%dma_wait3A_141 : memref<128xf32, #tpu.memory_space<vmem>>) dst(%dma_wait3A_146 : memref<50000xf32, #tpu.memory_space<vmem_shared>>)
        %dma_wait3A_147 = arith.constant 2 : i32
        %dma_wait3A_148 = arith.constant 0 : i32
        %dma_wait3A_149 = arith.constant 0 : i32
        %dma_wait3A_150 = tpu.memref_slice %arg10[%scan3A_121, %dma_wait3A_147, %dma_wait3A_149] : memref<20x8x128xf32, #tpu.memory_space<vmem>> -> memref<1x1x128xf32, #tpu.memory_space<vmem>>
        %dma_wait3A_151 = tpu.memref_squeeze %dma_wait3A_150 : memref<1x1x128xf32, #tpu.memory_space<vmem>> -> memref<128xf32, #tpu.memory_space<vmem>>
        %dma_wait3A_152 = arith.constant 0 : i32
        %dma_wait3A_153 = tpu.memref_slice %arg11[%dma_wait3A_148, %scan3A_121, %dma_wait3A_152] : memref<2x20x128xi32, #tpu.memory_space<vmem>> -> memref<1x1x128xi32, #tpu.memory_space<vmem>>
        %dma_wait3A_154 = tpu.memref_squeeze %dma_wait3A_153 : memref<1x1x128xi32, #tpu.memory_space<vmem>> -> memref<128xi32, #tpu.memory_space<vmem>>
        %dma_wait3A_155 = arith.constant 0 : i32
        %dma_wait3A_156 = tpu.memref_slice %arg8[%dma_wait3A_155] : memref<50000xf32, #tpu.memory_space<vmem_shared>> -> memref<50000xf32, #tpu.memory_space<vmem_shared>>
        tpu.wait_indirect_dma semaphore(%arg12 : memref<!tpu.dma_semaphore, #tpu.memory_space<semaphore_mem>>) src(%dma_wait3A_151 : memref<128xf32, #tpu.memory_space<vmem>>) dst(%dma_wait3A_156 : memref<50000xf32, #tpu.memory_space<vmem_shared>>)
        %dma_wait3A_157 = arith.constant 3 : i32
        %dma_wait3A_158 = arith.constant 0 : i32
        %dma_wait3A_159 = arith.constant 0 : i32
        %dma_wait3A_160 = tpu.memref_slice %arg10[%scan3A_121, %dma_wait3A_157, %dma_wait3A_159] : memref<20x8x128xf32, #tpu.memory_space<vmem>> -> memref<1x1x128xf32, #tpu.memory_space<vmem>>
        %dma_wait3A_161 = tpu.memref_squeeze %dma_wait3A_160 : memref<1x1x128xf32, #tpu.memory_space<vmem>> -> memref<128xf32, #tpu.memory_space<vmem>>
        %dma_wait3A_162 = arith.constant 0 : i32
        %dma_wait3A_163 = tpu.memref_slice %arg11[%dma_wait3A_158, %scan3A_121, %dma_wait3A_162] : memref<2x20x128xi32, #tpu.memory_space<vmem>> -> memref<1x1x128xi32, #tpu.memory_space<vmem>>
        %dma_wait3A_164 = tpu.memref_squeeze %dma_wait3A_163 : memref<1x1x128xi32, #tpu.memory_space<vmem>> -> memref<128xi32, #tpu.memory_space<vmem>>
        %dma_wait3A_165 = arith.constant 0 : i32
        %dma_wait3A_166 = tpu.memref_slice %arg9[%dma_wait3A_165] : memref<50000xf32, #tpu.memory_space<vmem_shared>> -> memref<50000xf32, #tpu.memory_space<vmem_shared>>
        tpu.wait_indirect_dma semaphore(%arg12 : memref<!tpu.dma_semaphore, #tpu.memory_space<semaphore_mem>>) src(%dma_wait3A_161 : memref<128xf32, #tpu.memory_space<vmem>>) dst(%dma_wait3A_166 : memref<50000xf32, #tpu.memory_space<vmem_shared>>)
        %dma_wait3A_167 = arith.constant 4 : i32
        %dma_wait3A_168 = arith.constant 1 : i32
        %dma_wait3A_169 = arith.constant 0 : i32
        %dma_wait3A_170 = tpu.memref_slice %arg10[%scan3A_121, %dma_wait3A_167, %dma_wait3A_169] : memref<20x8x128xf32, #tpu.memory_space<vmem>> -> memref<1x1x128xf32, #tpu.memory_space<vmem>>
        %dma_wait3A_171 = tpu.memref_squeeze %dma_wait3A_170 : memref<1x1x128xf32, #tpu.memory_space<vmem>> -> memref<128xf32, #tpu.memory_space<vmem>>
        %dma_wait3A_172 = arith.constant 0 : i32
        %dma_wait3A_173 = tpu.memref_slice %arg11[%dma_wait3A_168, %scan3A_121, %dma_wait3A_172] : memref<2x20x128xi32, #tpu.memory_space<vmem>> -> memref<1x1x128xi32, #tpu.memory_space<vmem>>
        %dma_wait3A_174 = tpu.memref_squeeze %dma_wait3A_173 : memref<1x1x128xi32, #tpu.memory_space<vmem>> -> memref<128xi32, #tpu.memory_space<vmem>>
        %dma_wait3A_175 = arith.constant 0 : i32
        %dma_wait3A_176 = tpu.memref_slice %arg6[%dma_wait3A_175] : memref<50000xf32, #tpu.memory_space<vmem_shared>> -> memref<50000xf32, #tpu.memory_space<vmem_shared>>
        tpu.wait_indirect_dma semaphore(%arg12 : memref<!tpu.dma_semaphore, #tpu.memory_space<semaphore_mem>>) src(%dma_wait3A_171 : memref<128xf32, #tpu.memory_space<vmem>>) dst(%dma_wait3A_176 : memref<50000xf32, #tpu.memory_space<vmem_shared>>)
        %dma_wait3A_177 = arith.constant 5 : i32
        %dma_wait3A_178 = arith.constant 1 : i32
        %dma_wait3A_179 = arith.constant 0 : i32
        %dma_wait3A_180 = tpu.memref_slice %arg10[%scan3A_121, %dma_wait3A_177, %dma_wait3A_179] : memref<20x8x128xf32, #tpu.memory_space<vmem>> -> memref<1x1x128xf32, #tpu.memory_space<vmem>>
        %dma_wait3A_181 = tpu.memref_squeeze %dma_wait3A_180 : memref<1x1x128xf32, #tpu.memory_space<vmem>> -> memref<128xf32, #tpu.memory_space<vmem>>
        %dma_wait3A_182 = arith.constant 0 : i32
        %dma_wait3A_183 = tpu.memref_slice %arg11[%dma_wait3A_178, %scan3A_121, %dma_wait3A_182] : memref<2x20x128xi32, #tpu.memory_space<vmem>> -> memref<1x1x128xi32, #tpu.memory_space<vmem>>
        %dma_wait3A_184 = tpu.memref_squeeze %dma_wait3A_183 : memref<1x1x128xi32, #tpu.memory_space<vmem>> -> memref<128xi32, #tpu.memory_space<vmem>>
        %dma_wait3A_185 = arith.constant 0 : i32
        %dma_wait3A_186 = tpu.memref_slice %arg7[%dma_wait3A_185] : memref<50000xf32, #tpu.memory_space<vmem_shared>> -> memref<50000xf32, #tpu.memory_space<vmem_shared>>
        tpu.wait_indirect_dma semaphore(%arg12 : memref<!tpu.dma_semaphore, #tpu.memory_space<semaphore_mem>>) src(%dma_wait3A_181 : memref<128xf32, #tpu.memory_space<vmem>>) dst(%dma_wait3A_186 : memref<50000xf32, #tpu.memory_space<vmem_shared>>)
        %dma_wait3A_187 = arith.constant 6 : i32
        %dma_wait3A_188 = arith.constant 1 : i32
        %dma_wait3A_189 = arith.constant 0 : i32
        %dma_wait3A_190 = tpu.memref_slice %arg10[%scan3A_121, %dma_wait3A_187, %dma_wait3A_189] : memref<20x8x128xf32, #tpu.memory_space<vmem>> -> memref<1x1x128xf32, #tpu.memory_space<vmem>>
        %dma_wait3A_191 = tpu.memref_squeeze %dma_wait3A_190 : memref<1x1x128xf32, #tpu.memory_space<vmem>> -> memref<128xf32, #tpu.memory_space<vmem>>
        %dma_wait3A_192 = arith.constant 0 : i32
        %dma_wait3A_193 = tpu.memref_slice %arg11[%dma_wait3A_188, %scan3A_121, %dma_wait3A_192] : memref<2x20x128xi32, #tpu.memory_space<vmem>> -> memref<1x1x128xi32, #tpu.memory_space<vmem>>
        %dma_wait3A_194 = tpu.memref_squeeze %dma_wait3A_193 : memref<1x1x128xi32, #tpu.memory_space<vmem>> -> memref<128xi32, #tpu.memory_space<vmem>>
        %dma_wait3A_195 = arith.constant 0 : i32
        %dma_wait3A_196 = tpu.memref_slice %arg8[%dma_wait3A_195] : memref<50000xf32, #tpu.memory_space<vmem_shared>> -> memref<50000xf32, #tpu.memory_space<vmem_shared>>
        tpu.wait_indirect_dma semaphore(%arg12 : memref<!tpu.dma_semaphore, #tpu.memory_space<semaphore_mem>>) src(%dma_wait3A_191 : memref<128xf32, #tpu.memory_space<vmem>>) dst(%dma_wait3A_196 : memref<50000xf32, #tpu.memory_space<vmem_shared>>)
        %dma_wait3A_197 = arith.constant 7 : i32
        %dma_wait3A_198 = arith.constant 1 : i32
        %dma_wait3A_199 = arith.constant 0 : i32
        %dma_wait3A_200 = tpu.memref_slice %arg10[%scan3A_121, %dma_wait3A_197, %dma_wait3A_199] : memref<20x8x128xf32, #tpu.memory_space<vmem>> -> memref<1x1x128xf32, #tpu.memory_space<vmem>>
        %dma_wait3A_201 = tpu.memref_squeeze %dma_wait3A_200 : memref<1x1x128xf32, #tpu.memory_space<vmem>> -> memref<128xf32, #tpu.memory_space<vmem>>
        %dma_wait3A_202 = arith.constant 0 : i32
        %dma_wait3A_203 = tpu.memref_slice %arg11[%dma_wait3A_198, %scan3A_121, %dma_wait3A_202] : memref<2x20x128xi32, #tpu.memory_space<vmem>> -> memref<1x1x128xi32, #tpu.memory_space<vmem>>
        %dma_wait3A_204 = tpu.memref_squeeze %dma_wait3A_203 : memref<1x1x128xi32, #tpu.memory_space<vmem>> -> memref<128xi32, #tpu.memory_space<vmem>>
        %dma_wait3A_205 = arith.constant 0 : i32
        %dma_wait3A_206 = tpu.memref_slice %arg9[%dma_wait3A_205] : memref<50000xf32, #tpu.memory_space<vmem_shared>> -> memref<50000xf32, #tpu.memory_space<vmem_shared>>
        tpu.wait_indirect_dma semaphore(%arg12 : memref<!tpu.dma_semaphore, #tpu.memory_space<semaphore_mem>>) src(%dma_wait3A_201 : memref<128xf32, #tpu.memory_space<vmem>>) dst(%dma_wait3A_206 : memref<50000xf32, #tpu.memory_space<vmem_shared>>)
      }
      %scan3A_120 = arith.constant 20 : i32
    }
    %scan3A_7 = arith.constant 5 : i32
    %barrier3A_8 = arith.constant 0 : index
    tpu.barrier barrier_id(%barrier3A_8)
    %eq3A_9 = arith.constant 0 : i32
    %eq3A_10 = arith.cmpi eq, %arg1, %eq3A_9 : i32
    %convert_element_type3A_11 = arith.extui %eq3A_10 : i1 to i32
    %cond3A_12 = arith.constant 0 : i32
    %cond3A_13 = arith.cmpi ne, %convert_element_type3A_11, %cond3A_12 : i32
    scf.if %cond3A_13 {
      %run_scoped3A = arith.constant 0 : i32
      "tpu.region"() ({
        %run_scoped3A_17 = tpu.sem_alloc : memref<!tpu.dma_semaphore, #tpu.memory_space<semaphore_mem>>
        %dma_start3A = arith.constant 0 : i32
        %dma_start3A_18 = tpu.memref_slice %arg5[%arg0, %run_scoped3A, %dma_start3A] : memref<2x4x50000xf32, #tpu.memory_space<hbm>> -> memref<1x1x50000xf32, #tpu.memory_space<hbm>>
        %dma_start3A_19 = tpu.memref_squeeze %dma_start3A_18 : memref<1x1x50000xf32, #tpu.memory_space<hbm>> -> memref<50000xf32, #tpu.memory_space<hbm>>
        tpu.enqueue_dma source(%arg6 : memref<50000xf32, #tpu.memory_space<vmem_shared>>) target(%dma_start3A_19 : memref<50000xf32, #tpu.memory_space<hbm>>) target_semaphore(%run_scoped3A_17 : memref<!tpu.dma_semaphore, #tpu.memory_space<semaphore_mem>>)
        %dma_wait3A = arith.constant 0 : i32
        %dma_wait3A_20 = tpu.memref_slice %arg5[%arg0, %run_scoped3A, %dma_wait3A] : memref<2x4x50000xf32, #tpu.memory_space<hbm>> -> memref<1x1x50000xf32, #tpu.memory_space<hbm>>
        %dma_wait3A_21 = tpu.memref_squeeze %dma_wait3A_20 : memref<1x1x50000xf32, #tpu.memory_space<hbm>> -> memref<50000xf32, #tpu.memory_space<hbm>>
        tpu.wait_dma2 semaphore(%run_scoped3A_17 : memref<!tpu.dma_semaphore, #tpu.memory_space<semaphore_mem>>) src(%arg6 : memref<50000xf32, #tpu.memory_space<vmem_shared>>) dst(%dma_wait3A_21 : memref<50000xf32, #tpu.memory_space<hbm>>)
        tpu.yield
      }) : () -> ()
      %run_scoped3A_14 = arith.constant 1 : i32
      "tpu.region"() ({
        %run_scoped3A_17 = tpu.sem_alloc : memref<!tpu.dma_semaphore, #tpu.memory_space<semaphore_mem>>
        %dma_start3A = arith.constant 0 : i32
        %dma_start3A_18 = tpu.memref_slice %arg5[%arg0, %run_scoped3A_14, %dma_start3A] : memref<2x4x50000xf32, #tpu.memory_space<hbm>> -> memref<1x1x50000xf32, #tpu.memory_space<hbm>>
        %dma_start3A_19 = tpu.memref_squeeze %dma_start3A_18 : memref<1x1x50000xf32, #tpu.memory_space<hbm>> -> memref<50000xf32, #tpu.memory_space<hbm>>
        tpu.enqueue_dma source(%arg7 : memref<50000xf32, #tpu.memory_space<vmem_shared>>) target(%dma_start3A_19 : memref<50000xf32, #tpu.memory_space<hbm>>) target_semaphore(%run_scoped3A_17 : memref<!tpu.dma_semaphore, #tpu.memory_space<semaphore_mem>>)
        %dma_wait3A = arith.constant 0 : i32
        %dma_wait3A_20 = tpu.memref_slice %arg5[%arg0, %run_scoped3A_14, %dma_wait3A] : memref<2x4x50000xf32, #tpu.memory_space<hbm>> -> memref<1x1x50000xf32, #tpu.memory_space<hbm>>
        %dma_wait3A_21 = tpu.memref_squeeze %dma_wait3A_20 : memref<1x1x50000xf32, #tpu.memory_space<hbm>> -> memref<50000xf32, #tpu.memory_space<hbm>>
        tpu.wait_dma2 semaphore(%run_scoped3A_17 : memref<!tpu.dma_semaphore, #tpu.memory_space<semaphore_mem>>) src(%arg7 : memref<50000xf32, #tpu.memory_space<vmem_shared>>) dst(%dma_wait3A_21 : memref<50000xf32, #tpu.memory_space<hbm>>)
        tpu.yield
      }) : () -> ()
      %run_scoped3A_15 = arith.constant 2 : i32
      "tpu.region"() ({
        %run_scoped3A_17 = tpu.sem_alloc : memref<!tpu.dma_semaphore, #tpu.memory_space<semaphore_mem>>
        %dma_start3A = arith.constant 0 : i32
        %dma_start3A_18 = tpu.memref_slice %arg5[%arg0, %run_scoped3A_15, %dma_start3A] : memref<2x4x50000xf32, #tpu.memory_space<hbm>> -> memref<1x1x50000xf32, #tpu.memory_space<hbm>>
        %dma_start3A_19 = tpu.memref_squeeze %dma_start3A_18 : memref<1x1x50000xf32, #tpu.memory_space<hbm>> -> memref<50000xf32, #tpu.memory_space<hbm>>
        tpu.enqueue_dma source(%arg8 : memref<50000xf32, #tpu.memory_space<vmem_shared>>) target(%dma_start3A_19 : memref<50000xf32, #tpu.memory_space<hbm>>) target_semaphore(%run_scoped3A_17 : memref<!tpu.dma_semaphore, #tpu.memory_space<semaphore_mem>>)
        %dma_wait3A = arith.constant 0 : i32
        %dma_wait3A_20 = tpu.memref_slice %arg5[%arg0, %run_scoped3A_15, %dma_wait3A] : memref<2x4x50000xf32, #tpu.memory_space<hbm>> -> memref<1x1x50000xf32, #tpu.memory_space<hbm>>
        %dma_wait3A_21 = tpu.memref_squeeze %dma_wait3A_20 : memref<1x1x50000xf32, #tpu.memory_space<hbm>> -> memref<50000xf32, #tpu.memory_space<hbm>>
        tpu.wait_dma2 semaphore(%run_scoped3A_17 : memref<!tpu.dma_semaphore, #tpu.memory_space<semaphore_mem>>) src(%arg8 : memref<50000xf32, #tpu.memory_space<vmem_shared>>) dst(%dma_wait3A_21 : memref<50000xf32, #tpu.memory_space<hbm>>)
        tpu.yield
      }) : () -> ()
      %run_scoped3A_16 = arith.constant 3 : i32
      "tpu.region"() ({
        %run_scoped3A_17 = tpu.sem_alloc : memref<!tpu.dma_semaphore, #tpu.memory_space<semaphore_mem>>
        %dma_start3A = arith.constant 0 : i32
        %dma_start3A_18 = tpu.memref_slice %arg5[%arg0, %run_scoped3A_16, %dma_start3A] : memref<2x4x50000xf32, #tpu.memory_space<hbm>> -> memref<1x1x50000xf32, #tpu.memory_space<hbm>>
        %dma_start3A_19 = tpu.memref_squeeze %dma_start3A_18 : memref<1x1x50000xf32, #tpu.memory_space<hbm>> -> memref<50000xf32, #tpu.memory_space<hbm>>
        tpu.enqueue_dma source(%arg9 : memref<50000xf32, #tpu.memory_space<vmem_shared>>) target(%dma_start3A_19 : memref<50000xf32, #tpu.memory_space<hbm>>) target_semaphore(%run_scoped3A_17 : memref<!tpu.dma_semaphore, #tpu.memory_space<semaphore_mem>>)
        %dma_wait3A = arith.constant 0 : i32
        %dma_wait3A_20 = tpu.memref_slice %arg5[%arg0, %run_scoped3A_16, %dma_wait3A] : memref<2x4x50000xf32, #tpu.memory_space<hbm>> -> memref<1x1x50000xf32, #tpu.memory_space<hbm>>
        %dma_wait3A_21 = tpu.memref_squeeze %dma_wait3A_20 : memref<1x1x50000xf32, #tpu.memory_space<hbm>> -> memref<50000xf32, #tpu.memory_space<hbm>>
        tpu.wait_dma2 semaphore(%run_scoped3A_17 : memref<!tpu.dma_semaphore, #tpu.memory_space<semaphore_mem>>) src(%arg9 : memref<50000xf32, #tpu.memory_space<vmem_shared>>) dst(%dma_wait3A_21 : memref<50000xf32, #tpu.memory_space<hbm>>)
        tpu.yield
      }) : () -> ()
    } else {
    }
    return
  }
}

module attributes {stable_mosaic.version = 14 : i64} {
  func.func @_node_body(%arg0: i32, %arg1: memref<5000x5xf32, #tpu.memory_space<vmem>>, %arg2: memref<5x64xf32, #tpu.memory_space<vmem>>, %arg3: memref<1x64xf32, #tpu.memory_space<vmem>>, %arg4: memref<64x64xf32, #tpu.memory_space<vmem>>, %arg5: memref<1x64xf32, #tpu.memory_space<vmem>>, %arg6: memref<64x64xf32, #tpu.memory_space<vmem>>, %arg7: memref<1x64xf32, #tpu.memory_space<vmem>>, %arg8: memref<64x64xf32, #tpu.memory_space<vmem>>, %arg9: memref<1x64xf32, #tpu.memory_space<vmem>>, %arg10: memref<5000x128xbf16, #tpu.memory_space<vmem>>) attributes {dimension_semantics = [#tpu.dimension_semantics<arbitrary>], iteration_bounds = array<i64: 10>, scalar_prefetch = 0 : i64, scratch_operands = 0 : i64, tpu.core_type = #tpu.core_type<tc>, window_params = [{transform_indices = @transform_0, window_bounds = array<i64: 5000, 5>}, {pipeline_mode = #tpu.pipeline_mode<synchronous>, transform_indices = @transform_1, window_bounds = array<i64: 5, 64>}, {pipeline_mode = #tpu.pipeline_mode<synchronous>, transform_indices = @transform_2, window_bounds = array<i64: 1, 64>}, {pipeline_mode = #tpu.pipeline_mode<synchronous>, transform_indices = @transform_3, window_bounds = array<i64: 64, 64>}, {pipeline_mode = #tpu.pipeline_mode<synchronous>, transform_indices = @transform_4, window_bounds = array<i64: 1, 64>}, {pipeline_mode = #tpu.pipeline_mode<synchronous>, transform_indices = @transform_5, window_bounds = array<i64: 64, 64>}, {pipeline_mode = #tpu.pipeline_mode<synchronous>, transform_indices = @transform_6, window_bounds = array<i64: 1, 64>}, {pipeline_mode = #tpu.pipeline_mode<synchronous>, transform_indices = @transform_7, window_bounds = array<i64: 64, 64>}, {pipeline_mode = #tpu.pipeline_mode<synchronous>, transform_indices = @transform_8, window_bounds = array<i64: 1, 64>}, {transform_indices = @transform_9, window_bounds = array<i64: 5000, 128>}]} {
    %get3A = arith.constant 0 : index
    %get3A_0 = arith.constant 0 : index
    %get3A_1 = vector.load %arg1[%get3A, %get3A_0] : memref<5000x5xf32, #tpu.memory_space<vmem>>, vector<5000x5xf32>
    %get3A_2 = arith.constant 0 : index
    %get3A_3 = arith.constant 0 : index
    %get3A_4 = vector.load %arg2[%get3A_2, %get3A_3] : memref<5x64xf32, #tpu.memory_space<vmem>>, vector<5x64xf32>
    %dot_general3A = arith.constant dense<0.000000e+00> : vector<5000x64xf32>
    %dot_general3A_5 = tpu.matmul %get3A_1, %get3A_4, %dot_general3A {dimension_numbers = #tpu.dot_dimension_numbers<[1], [0], [0], [1], [0, 0, 1, 1], [], []>, transpose_lhs_hint = false} : vector<5000x5xf32>, vector<5x64xf32>, vector<5000x64xf32> -> vector<5000x64xf32>
    %get3A_6 = arith.constant 0 : index
    %get3A_7 = arith.constant 0 : index
    %get3A_8 = vector.load %arg3[%get3A_6, %get3A_7] : memref<1x64xf32, #tpu.memory_space<vmem>>, vector<1x64xf32>
    %add3A = vector.broadcast %get3A_8 : vector<1x64xf32> to vector<5000x64xf32>
    %add3A_9 = arith.addf %dot_general3A_5, %add3A : vector<5000x64xf32>
    %mul3A = arith.constant 5.000000e-01 : f32
    %mul3A_10 = vector.broadcast %mul3A : f32 to vector<5000x64xf32>
    %mul3A_11 = arith.mulf %add3A_9, %mul3A_10 : vector<5000x64xf32>
    %mul3A_12 = arith.constant 0.707106769 : f32
    %mul3A_13 = vector.broadcast %mul3A_12 : f32 to vector<5000x64xf32>
    %mul3A_14 = arith.mulf %add3A_9, %mul3A_13 : vector<5000x64xf32>
    %erf3A = math.erf %mul3A_14 : vector<5000x64xf32>
    %add3A_15 = arith.constant 1.000000e+00 : f32
    %add3A_16 = vector.broadcast %add3A_15 : f32 to vector<5000x64xf32>
    %add3A_17 = arith.addf %add3A_16, %erf3A : vector<5000x64xf32>
    %mul3A_18 = arith.mulf %mul3A_11, %add3A_17 : vector<5000x64xf32>
    %get3A_19 = arith.constant 0 : index
    %get3A_20 = arith.constant 0 : index
    %get3A_21 = vector.load %arg4[%get3A_19, %get3A_20] : memref<64x64xf32, #tpu.memory_space<vmem>>, vector<64x64xf32>
    %dot_general3A_22 = arith.constant dense<0.000000e+00> : vector<5000x64xf32>
    %dot_general3A_23 = tpu.matmul %mul3A_18, %get3A_21, %dot_general3A_22 {dimension_numbers = #tpu.dot_dimension_numbers<[1], [0], [0], [1], [0, 0, 1, 1], [], []>, transpose_lhs_hint = false} : vector<5000x64xf32>, vector<64x64xf32>, vector<5000x64xf32> -> vector<5000x64xf32>
    %get3A_24 = arith.constant 0 : index
    %get3A_25 = arith.constant 0 : index
    %get3A_26 = vector.load %arg5[%get3A_24, %get3A_25] : memref<1x64xf32, #tpu.memory_space<vmem>>, vector<1x64xf32>
    %add3A_27 = vector.broadcast %get3A_26 : vector<1x64xf32> to vector<5000x64xf32>
    %add3A_28 = arith.addf %dot_general3A_23, %add3A_27 : vector<5000x64xf32>
    %get3A_29 = arith.constant 0 : index
    %get3A_30 = arith.constant 0 : index
    %get3A_31 = vector.load %arg6[%get3A_29, %get3A_30] : memref<64x64xf32, #tpu.memory_space<vmem>>, vector<64x64xf32>
    %dot_general3A_32 = arith.constant dense<0.000000e+00> : vector<5000x64xf32>
    %dot_general3A_33 = tpu.matmul %add3A_28, %get3A_31, %dot_general3A_32 {dimension_numbers = #tpu.dot_dimension_numbers<[1], [0], [0], [1], [0, 0, 1, 1], [], []>, transpose_lhs_hint = false} : vector<5000x64xf32>, vector<64x64xf32>, vector<5000x64xf32> -> vector<5000x64xf32>
    %get3A_34 = arith.constant 0 : index
    %get3A_35 = arith.constant 0 : index
    %get3A_36 = vector.load %arg7[%get3A_34, %get3A_35] : memref<1x64xf32, #tpu.memory_space<vmem>>, vector<1x64xf32>
    %add3A_37 = vector.broadcast %get3A_36 : vector<1x64xf32> to vector<5000x64xf32>
    %add3A_38 = arith.addf %dot_general3A_33, %add3A_37 : vector<5000x64xf32>
    %mul3A_39 = arith.constant 5.000000e-01 : f32
    %mul3A_40 = vector.broadcast %mul3A_39 : f32 to vector<5000x64xf32>
    %mul3A_41 = arith.mulf %add3A_38, %mul3A_40 : vector<5000x64xf32>
    %mul3A_42 = arith.constant 0.707106769 : f32
    %mul3A_43 = vector.broadcast %mul3A_42 : f32 to vector<5000x64xf32>
    %mul3A_44 = arith.mulf %add3A_38, %mul3A_43 : vector<5000x64xf32>
    %erf3A_45 = math.erf %mul3A_44 : vector<5000x64xf32>
    %add3A_46 = arith.constant 1.000000e+00 : f32
    %add3A_47 = vector.broadcast %add3A_46 : f32 to vector<5000x64xf32>
    %add3A_48 = arith.addf %add3A_47, %erf3A_45 : vector<5000x64xf32>
    %mul3A_49 = arith.mulf %mul3A_41, %add3A_48 : vector<5000x64xf32>
    %get3A_50 = arith.constant 0 : index
    %get3A_51 = arith.constant 0 : index
    %get3A_52 = vector.load %arg8[%get3A_50, %get3A_51] : memref<64x64xf32, #tpu.memory_space<vmem>>, vector<64x64xf32>
    %dot_general3A_53 = arith.constant dense<0.000000e+00> : vector<5000x64xf32>
    %dot_general3A_54 = tpu.matmul %mul3A_49, %get3A_52, %dot_general3A_53 {dimension_numbers = #tpu.dot_dimension_numbers<[1], [0], [0], [1], [0, 0, 1, 1], [], []>, transpose_lhs_hint = false} : vector<5000x64xf32>, vector<64x64xf32>, vector<5000x64xf32> -> vector<5000x64xf32>
    %get3A_55 = arith.constant 0 : index
    %get3A_56 = arith.constant 0 : index
    %get3A_57 = vector.load %arg9[%get3A_55, %get3A_56] : memref<1x64xf32, #tpu.memory_space<vmem>>, vector<1x64xf32>
    %add3A_58 = vector.broadcast %get3A_57 : vector<1x64xf32> to vector<5000x64xf32>
    %add3A_59 = arith.addf %dot_general3A_54, %add3A_58 : vector<5000x64xf32>
    %broadcast_in_dim3A = arith.constant 0.000000e+00 : f32
    %broadcast_in_dim3A_60 = vector.broadcast %broadcast_in_dim3A : f32 to vector<5000x64xf32>
    %concatenate3A = tpu.concatenate %add3A_59, %broadcast_in_dim3A_60 in 1 : vector<5000x64xf32>, vector<5000x64xf32> -> vector<5000x128xf32>
    %convert_element_type3A = arith.truncf %concatenate3A : vector<5000x128xf32> to vector<5000x128xbf16>
    %swap3A = arith.constant 0 : index
    %swap3A_61 = arith.constant 0 : index
    %swap3A_62 = vector.load %arg10[%swap3A, %swap3A_61] : memref<5000x128xbf16, #tpu.memory_space<vmem>>, vector<5000x128xbf16>
    tpu.vector_store %arg10[%swap3A, %swap3A_61], %convert_element_type3A {strides = array<i32>} : memref<5000x128xbf16, #tpu.memory_space<vmem>>, vector<5000x128xbf16>,
    return
  }
  func.func @transform_0(%arg0: i32) -> (i32, i32) {
    %c0_i32 = arith.constant 0 : i32
    %c0_i32_0 = arith.constant 0 : i32
    return %arg0, %c0_i32 : i32, i32
  }
  func.func @transform_1(%arg0: i32) -> (i32, i32) {
    %c0_i32 = arith.constant 0 : i32
    %c0_i32_0 = arith.constant 0 : i32
    %c0_i32_1 = arith.constant 0 : i32
    return %c0_i32, %c0_i32_0 : i32, i32
  }
  func.func @transform_2(%arg0: i32) -> (i32, i32) {
    %c0_i32 = arith.constant 0 : i32
    %c0_i32_0 = arith.constant 0 : i32
    %c0_i32_1 = arith.constant 0 : i32
    return %c0_i32, %c0_i32_0 : i32, i32
  }
  func.func @transform_3(%arg0: i32) -> (i32, i32) {
    %c0_i32 = arith.constant 0 : i32
    %c0_i32_0 = arith.constant 0 : i32
    %c0_i32_1 = arith.constant 0 : i32
    return %c0_i32, %c0_i32_0 : i32, i32
  }
  func.func @transform_4(%arg0: i32) -> (i32, i32) {
    %c0_i32 = arith.constant 0 : i32
    %c0_i32_0 = arith.constant 0 : i32
    %c0_i32_1 = arith.constant 0 : i32
    return %c0_i32, %c0_i32_0 : i32, i32
  }
  func.func @transform_5(%arg0: i32) -> (i32, i32) {
    %c0_i32 = arith.constant 0 : i32
    %c0_i32_0 = arith.constant 0 : i32
    %c0_i32_1 = arith.constant 0 : i32
    return %c0_i32, %c0_i32_0 : i32, i32
  }
  func.func @transform_6(%arg0: i32) -> (i32, i32) {
    %c0_i32 = arith.constant 0 : i32
    %c0_i32_0 = arith.constant 0 : i32
    %c0_i32_1 = arith.constant 0 : i32
    return %c0_i32, %c0_i32_0 : i32, i32
  }
  func.func @transform_7(%arg0: i32) -> (i32, i32) {
    %c0_i32 = arith.constant 0 : i32
    %c0_i32_0 = arith.constant 0 : i32
    %c0_i32_1 = arith.constant 0 : i32
    return %c0_i32, %c0_i32_0 : i32, i32
  }
  func.func @transform_8(%arg0: i32) -> (i32, i32) {
    %c0_i32 = arith.constant 0 : i32
    %c0_i32_0 = arith.constant 0 : i32
    %c0_i32_1 = arith.constant 0 : i32
    return %c0_i32, %c0_i32_0 : i32, i32
  }
  func.func @transform_9(%arg0: i32) -> (i32, i32) {
    %c0_i32 = arith.constant 0 : i32
    %c0_i32_0 = arith.constant 0 : i32
    return %arg0, %c0_i32 : i32, i32
  }
}

module attributes {stable_mosaic.version = 14 : i64} {
  func.func @_edge_body(%arg0: i32, %arg1: memref<2048x128xbf16, #tpu.memory_space<vmem>>, %arg2: memref<3x2048xf32, #tpu.memory_space<vmem>>, %arg3: memref<2x2048xi32, #tpu.memory_space<vmem>>, %arg4: memref<1x32xf32, #tpu.memory_space<vmem>>, %arg5: memref<1x32xf32, #tpu.memory_space<vmem>>, %arg6: memref<32x32xbf16, #tpu.memory_space<vmem>>, %arg7: memref<1x32xf32, #tpu.memory_space<vmem>>, %arg8: memref<128x128xbf16, #tpu.memory_space<vmem>>, %arg9: memref<32x128xbf16, #tpu.memory_space<vmem>>, %arg10: memref<1x128xf32, #tpu.memory_space<vmem>>, %arg11: memref<128x64xbf16, #tpu.memory_space<vmem>>, %arg12: memref<1x64xf32, #tpu.memory_space<vmem>>, %arg13: memref<64x192xbf16, #tpu.memory_space<vmem>>, %arg14: memref<1x192xf32, #tpu.memory_space<vmem>>, %arg15: memref<192x4xbf16, #tpu.memory_space<vmem>>, %arg16: memref<1x4xf32, #tpu.memory_space<vmem>>, %arg17: memref<16x8x128xf32, #tpu.memory_space<vmem>>, %arg18: memref<1x1xf32, #tpu.memory_space<vmem>>, %arg19: memref<1x1xf32, #tpu.memory_space<vmem>>) attributes {dimension_semantics = [#tpu.dimension_semantics<arbitrary>], iteration_bounds = array<i64: 200>, scalar_prefetch = 0 : i64, scratch_operands = 0 : i64, tpu.core_type = #tpu.core_type<tc>, window_params = [{transform_indices = @transform_0, window_bounds = array<i64: 2048, 128>}, {transform_indices = @transform_1, window_bounds = array<i64: 3, 2048>}, {transform_indices = @transform_2, window_bounds = array<i64: 2, 2048>}, {pipeline_mode = #tpu.pipeline_mode<synchronous>, transform_indices = @transform_3, window_bounds = array<i64: 1, 32>}, {pipeline_mode = #tpu.pipeline_mode<synchronous>, transform_indices = @transform_4, window_bounds = array<i64: 1, 32>}, {pipeline_mode = #tpu.pipeline_mode<synchronous>, transform_indices = @transform_5, window_bounds = array<i64: 32, 32>}, {pipeline_mode = #tpu.pipeline_mode<synchronous>, transform_indices = @transform_6, window_bounds = array<i64: 1, 32>}, {pipeline_mode = #tpu.pipeline_mode<synchronous>, transform_indices = @transform_7, window_bounds = array<i64: 128, 128>}, {pipeline_mode = #tpu.pipeline_mode<synchronous>, transform_indices = @transform_8, window_bounds = array<i64: 32, 128>}, {pipeline_mode = #tpu.pipeline_mode<synchronous>, transform_indices = @transform_9, window_bounds = array<i64: 1, 128>}, {pipeline_mode = #tpu.pipeline_mode<synchronous>, transform_indices = @transform_10, window_bounds = array<i64: 128, 64>}, {pipeline_mode = #tpu.pipeline_mode<synchronous>, transform_indices = @transform_11, window_bounds = array<i64: 1, 64>}, {pipeline_mode = #tpu.pipeline_mode<synchronous>, transform_indices = @transform_12, window_bounds = array<i64: 64, 192>}, {pipeline_mode = #tpu.pipeline_mode<synchronous>, transform_indices = @transform_13, window_bounds = array<i64: 1, 192>}, {pipeline_mode = #tpu.pipeline_mode<synchronous>, transform_indices = @transform_14, window_bounds = array<i64: 192, 4>}, {pipeline_mode = #tpu.pipeline_mode<synchronous>, transform_indices = @transform_15, window_bounds = array<i64: 1, 4>}, {transform_indices = @transform_16, window_bounds = array<i64: 16, 8, 128>}, {pipeline_mode = #tpu.pipeline_mode<synchronous>, transform_indices = @transform_17, window_bounds = array<i64: 1, 1>}, {pipeline_mode = #tpu.pipeline_mode<synchronous>, transform_indices = @transform_18, window_bounds = array<i64: 1, 1>}]} {
    %get3A = arith.constant 0 : index
    %get3A_0 = arith.constant 0 : index
    %get3A_1 = vector.load %arg1[%get3A, %get3A_0] : memref<2048x128xbf16, #tpu.memory_space<vmem>>, vector<2048x128xbf16>
    %get3A_2 = arith.constant 0 : index
    %get3A_3 = arith.constant 0 : index
    %get3A_4 = vector.load %arg2[%get3A_2, %get3A_3] : memref<3x2048xf32, #tpu.memory_space<vmem>>, vector<1x2048xf32>
    %get3A_5 = arith.constant 1 : index
    %get3A_6 = arith.constant 0 : index
    %get3A_7 = vector.load %arg2[%get3A_5, %get3A_6] : memref<3x2048xf32, #tpu.memory_space<vmem>>, vector<1x2048xf32>
    %get3A_8 = arith.constant 2 : index
    %get3A_9 = arith.constant 0 : index
    %get3A_10 = vector.load %arg2[%get3A_8, %get3A_9] : memref<3x2048xf32, #tpu.memory_space<vmem>>, vector<1x2048xf32>
    %transpose3A = tpu.transpose %get3A_10, [1, 0] : vector<1x2048xf32> -> vector<2048x1xf32>
    %get3A_11 = arith.constant 0 : index
    %get3A_12 = arith.constant 0 : index
    %get3A_13 = vector.load %arg4[%get3A_11, %get3A_12] : memref<1x32xf32, #tpu.memory_space<vmem>>, vector<1x32xf32>
    %mul3A = vector.broadcast %transpose3A : vector<2048x1xf32> to vector<2048x32xf32>
    %mul3A_14 = vector.broadcast %get3A_13 : vector<1x32xf32> to vector<2048x32xf32>
    %mul3A_15 = arith.mulf %mul3A, %mul3A_14 : vector<2048x32xf32>
    %get3A_16 = arith.constant 0 : index
    %get3A_17 = arith.constant 0 : index
    %get3A_18 = vector.load %arg5[%get3A_16, %get3A_17] : memref<1x32xf32, #tpu.memory_space<vmem>>, vector<1x32xf32>
    %add3A = vector.broadcast %get3A_18 : vector<1x32xf32> to vector<2048x32xf32>
    %add3A_19 = arith.addf %mul3A_15, %add3A : vector<2048x32xf32>
    %mul3A_20 = arith.constant 5.000000e-01 : f32
    %mul3A_21 = vector.broadcast %mul3A_20 : f32 to vector<2048x32xf32>
    %mul3A_22 = arith.mulf %add3A_19, %mul3A_21 : vector<2048x32xf32>
    %mul3A_23 = arith.constant 0.707106769 : f32
    %mul3A_24 = vector.broadcast %mul3A_23 : f32 to vector<2048x32xf32>
    %mul3A_25 = arith.mulf %add3A_19, %mul3A_24 : vector<2048x32xf32>
    %erf3A = math.erf %mul3A_25 : vector<2048x32xf32>
    %add3A_26 = arith.constant 1.000000e+00 : f32
    %add3A_27 = vector.broadcast %add3A_26 : f32 to vector<2048x32xf32>
    %add3A_28 = arith.addf %add3A_27, %erf3A : vector<2048x32xf32>
    %mul3A_29 = arith.mulf %mul3A_22, %add3A_28 : vector<2048x32xf32>
    %convert_element_type3A = arith.truncf %mul3A_29 : vector<2048x32xf32> to vector<2048x32xbf16>
    %get3A_30 = arith.constant 0 : index
    %get3A_31 = arith.constant 0 : index
    %get3A_32 = vector.load %arg6[%get3A_30, %get3A_31] : memref<32x32xbf16, #tpu.memory_space<vmem>>, vector<32x32xbf16>
    %dot_general3A = arith.constant dense<0.000000e+00> : vector<2048x32xf32>
    %dot_general3A_33 = tpu.matmul %convert_element_type3A, %get3A_32, %dot_general3A {dimension_numbers = #tpu.dot_dimension_numbers<[1], [0], [0], [1], [0, 0, 1, 1], [], []>, transpose_lhs_hint = false} : vector<2048x32xbf16>, vector<32x32xbf16>, vector<2048x32xf32> -> vector<2048x32xf32>
    %get3A_34 = arith.constant 0 : index
    %get3A_35 = arith.constant 0 : index
    %get3A_36 = vector.load %arg7[%get3A_34, %get3A_35] : memref<1x32xf32, #tpu.memory_space<vmem>>, vector<1x32xf32>
    %add3A_37 = vector.broadcast %get3A_36 : vector<1x32xf32> to vector<2048x32xf32>
    %add3A_38 = arith.addf %dot_general3A_33, %add3A_37 : vector<2048x32xf32>
    %get3A_39 = arith.constant 0 : index
    %get3A_40 = arith.constant 0 : index
    %get3A_41 = vector.load %arg8[%get3A_39, %get3A_40] : memref<128x128xbf16, #tpu.memory_space<vmem>>, vector<128x128xbf16>
    %dot_general3A_42 = arith.constant dense<0.000000e+00> : vector<2048x128xf32>
    %dot_general3A_43 = tpu.matmul %get3A_1, %get3A_41, %dot_general3A_42 {dimension_numbers = #tpu.dot_dimension_numbers<[1], [0], [0], [1], [0, 0, 1, 1], [], []>, transpose_lhs_hint = false} : vector<2048x128xbf16>, vector<128x128xbf16>, vector<2048x128xf32> -> vector<2048x128xf32>
    %convert_element_type3A_44 = arith.truncf %add3A_38 : vector<2048x32xf32> to vector<2048x32xbf16>
    %get3A_45 = arith.constant 0 : index
    %get3A_46 = arith.constant 0 : index
    %get3A_47 = vector.load %arg9[%get3A_45, %get3A_46] : memref<32x128xbf16, #tpu.memory_space<vmem>>, vector<32x128xbf16>
    %dot_general3A_48 = arith.constant dense<0.000000e+00> : vector<2048x128xf32>
    %dot_general3A_49 = tpu.matmul %convert_element_type3A_44, %get3A_47, %dot_general3A_48 {dimension_numbers = #tpu.dot_dimension_numbers<[1], [0], [0], [1], [0, 0, 1, 1], [], []>, transpose_lhs_hint = false} : vector<2048x32xbf16>, vector<32x128xbf16>, vector<2048x128xf32> -> vector<2048x128xf32>
    %add3A_50 = arith.addf %dot_general3A_43, %dot_general3A_49 : vector<2048x128xf32>
    %get3A_51 = arith.constant 0 : index
    %get3A_52 = arith.constant 0 : index
    %get3A_53 = vector.load %arg10[%get3A_51, %get3A_52] : memref<1x128xf32, #tpu.memory_space<vmem>>, vector<1x128xf32>
    %add3A_54 = vector.broadcast %get3A_53 : vector<1x128xf32> to vector<2048x128xf32>
    %add3A_55 = arith.addf %add3A_50, %add3A_54 : vector<2048x128xf32>
    %mul3A_56 = arith.constant 5.000000e-01 : f32
    %mul3A_57 = vector.broadcast %mul3A_56 : f32 to vector<2048x128xf32>
    %mul3A_58 = arith.mulf %add3A_55, %mul3A_57 : vector<2048x128xf32>
    %mul3A_59 = arith.constant 0.707106769 : f32
    %mul3A_60 = vector.broadcast %mul3A_59 : f32 to vector<2048x128xf32>
    %mul3A_61 = arith.mulf %add3A_55, %mul3A_60 : vector<2048x128xf32>
    %erf3A_62 = math.erf %mul3A_61 : vector<2048x128xf32>
    %add3A_63 = arith.constant 1.000000e+00 : f32
    %add3A_64 = vector.broadcast %add3A_63 : f32 to vector<2048x128xf32>
    %add3A_65 = arith.addf %add3A_64, %erf3A_62 : vector<2048x128xf32>
    %mul3A_66 = arith.mulf %mul3A_58, %add3A_65 : vector<2048x128xf32>
    %convert_element_type3A_67 = arith.truncf %mul3A_66 : vector<2048x128xf32> to vector<2048x128xbf16>
    %get3A_68 = arith.constant 0 : index
    %get3A_69 = arith.constant 0 : index
    %get3A_70 = vector.load %arg11[%get3A_68, %get3A_69] : memref<128x64xbf16, #tpu.memory_space<vmem>>, vector<128x64xbf16>
    %dot_general3A_71 = arith.constant dense<0.000000e+00> : vector<2048x64xf32>
    %dot_general3A_72 = tpu.matmul %convert_element_type3A_67, %get3A_70, %dot_general3A_71 {dimension_numbers = #tpu.dot_dimension_numbers<[1], [0], [0], [1], [0, 0, 1, 1], [], []>, transpose_lhs_hint = false} : vector<2048x128xbf16>, vector<128x64xbf16>, vector<2048x64xf32> -> vector<2048x64xf32>
    %get3A_73 = arith.constant 0 : index
    %get3A_74 = arith.constant 0 : index
    %get3A_75 = vector.load %arg12[%get3A_73, %get3A_74] : memref<1x64xf32, #tpu.memory_space<vmem>>, vector<1x64xf32>
    %add3A_76 = vector.broadcast %get3A_75 : vector<1x64xf32> to vector<2048x64xf32>
    %add3A_77 = arith.addf %dot_general3A_72, %add3A_76 : vector<2048x64xf32>
    %convert_element_type3A_78 = arith.truncf %add3A_77 : vector<2048x64xf32> to vector<2048x64xbf16>
    %get3A_79 = arith.constant 0 : index
    %get3A_80 = arith.constant 0 : index
    %get3A_81 = vector.load %arg13[%get3A_79, %get3A_80] : memref<64x192xbf16, #tpu.memory_space<vmem>>, vector<64x192xbf16>
    %dot_general3A_82 = arith.constant dense<0.000000e+00> : vector<2048x192xf32>
    %dot_general3A_83 = tpu.matmul %convert_element_type3A_78, %get3A_81, %dot_general3A_82 {dimension_numbers = #tpu.dot_dimension_numbers<[1], [0], [0], [1], [0, 0, 1, 1], [], []>, transpose_lhs_hint = false} : vector<2048x64xbf16>, vector<64x192xbf16>, vector<2048x192xf32> -> vector<2048x192xf32>
    %get3A_84 = arith.constant 0 : index
    %get3A_85 = arith.constant 0 : index
    %get3A_86 = vector.load %arg14[%get3A_84, %get3A_85] : memref<1x192xf32, #tpu.memory_space<vmem>>, vector<1x192xf32>
    %add3A_87 = vector.broadcast %get3A_86 : vector<1x192xf32> to vector<2048x192xf32>
    %add3A_88 = arith.addf %dot_general3A_83, %add3A_87 : vector<2048x192xf32>
    %mul3A_89 = arith.constant 5.000000e-01 : f32
    %mul3A_90 = vector.broadcast %mul3A_89 : f32 to vector<2048x192xf32>
    %mul3A_91 = arith.mulf %add3A_88, %mul3A_90 : vector<2048x192xf32>
    %mul3A_92 = arith.constant 0.707106769 : f32
    %mul3A_93 = vector.broadcast %mul3A_92 : f32 to vector<2048x192xf32>
    %mul3A_94 = arith.mulf %add3A_88, %mul3A_93 : vector<2048x192xf32>
    %erf3A_95 = math.erf %mul3A_94 : vector<2048x192xf32>
    %add3A_96 = arith.constant 1.000000e+00 : f32
    %add3A_97 = vector.broadcast %add3A_96 : f32 to vector<2048x192xf32>
    %add3A_98 = arith.addf %add3A_97, %erf3A_95 : vector<2048x192xf32>
    %mul3A_99 = arith.mulf %mul3A_91, %add3A_98 : vector<2048x192xf32>
    %convert_element_type3A_100 = arith.truncf %mul3A_99 : vector<2048x192xf32> to vector<2048x192xbf16>
    %get3A_101 = arith.constant 0 : index
    %get3A_102 = arith.constant 0 : index
    %get3A_103 = vector.load %arg15[%get3A_101, %get3A_102] : memref<192x4xbf16, #tpu.memory_space<vmem>>, vector<192x4xbf16>
    %dot_general3A_104 = arith.constant dense<0.000000e+00> : vector<2048x4xf32>
    %dot_general3A_105 = tpu.matmul %convert_element_type3A_100, %get3A_103, %dot_general3A_104 {dimension_numbers = #tpu.dot_dimension_numbers<[1], [0], [0], [1], [0, 0, 1, 1], [], []>, transpose_lhs_hint = false} : vector<2048x192xbf16>, vector<192x4xbf16>, vector<2048x4xf32> -> vector<2048x4xf32>
    %get3A_106 = arith.constant 0 : index
    %get3A_107 = arith.constant 0 : index
    %get3A_108 = vector.load %arg16[%get3A_106, %get3A_107] : memref<1x4xf32, #tpu.memory_space<vmem>>, vector<1x4xf32>
    %add3A_109 = vector.broadcast %get3A_108 : vector<1x4xf32> to vector<2048x4xf32>
    %add3A_110 = arith.addf %dot_general3A_105, %add3A_109 : vector<2048x4xf32>
    %transpose3A_111 = tpu.transpose %add3A_110, [1, 0] : vector<2048x4xf32> -> vector<4x2048xf32>
    %add3A_112 = arith.constant 9.99999996E-13 : f32
    %add3A_113 = vector.broadcast %add3A_112 : f32 to vector<1x2048xf32>
    %add3A_114 = arith.addf %get3A_10, %add3A_113 : vector<1x2048xf32>
    %div3A = arith.constant 1.000000e+00 : f32
    %div3A_115 = vector.broadcast %div3A : f32 to vector<1x2048xf32>
    %div3A_116 = arith.divf %div3A_115, %add3A_114 : vector<1x2048xf32>
    %mul3A_117 = arith.mulf %get3A_4, %div3A_116 : vector<1x2048xf32>
    %mul3A_118 = arith.mulf %get3A_7, %div3A_116 : vector<1x2048xf32>
    %mul3A_119 = arith.mulf %mul3A_117, %mul3A_117 : vector<1x2048xf32>
    %mul3A_120 = arith.mulf %mul3A_118, %mul3A_118 : vector<1x2048xf32>
    %add3A_121 = arith.addf %mul3A_119, %mul3A_120 : vector<1x2048xf32>
    %get3A_122 = arith.constant 0 : index
    %get3A_123 = arith.constant 0 : index
    %get3A_124 = vector.load %arg3[%get3A_122, %get3A_123] : memref<2x2048xi32, #tpu.memory_space<vmem>>, vector<1x2048xi32>
    %get3A_125 = arith.constant 1 : index
    %get3A_126 = arith.constant 0 : index
    %get3A_127 = vector.load %arg3[%get3A_125, %get3A_126] : memref<2x2048xi32, #tpu.memory_space<vmem>>, vector<1x2048xi32>
    %lt3A = arith.cmpi slt, %get3A_124, %get3A_127 : vector<1x2048xi32>
    %convert_element_type3A_128 = arith.extui %lt3A : vector<1x2048xi1> to vector<1x2048xi32>
    %convert_element_type3A_129 = arith.sitofp %convert_element_type3A_128 : vector<1x2048xi32> to vector<1x2048xf32>
    %slice3A = vector.extract_strided_slice %transpose3A_111 {offsets = [0, 0], sizes = [1, 2048], strides = [1, 1]} : vector<4x2048xf32> to vector<1x2048xf32>
    %mul3A_130 = arith.mulf %slice3A, %add3A_121 : vector<1x2048xf32>
    %mul3A_131 = arith.mulf %mul3A_130, %get3A_10 : vector<1x2048xf32>
    %slice3A_132 = vector.extract_strided_slice %transpose3A_111 {offsets = [1, 0], sizes = [1, 2048], strides = [1, 1]} : vector<4x2048xf32> to vector<1x2048xf32>
    %mul3A_133 = arith.mulf %slice3A_132, %add3A_121 : vector<1x2048xf32>
    %mul3A_134 = arith.mulf %mul3A_133, %get3A_10 : vector<1x2048xf32>
    %slice3A_135 = vector.extract_strided_slice %transpose3A_111 {offsets = [2, 0], sizes = [1, 2048], strides = [1, 1]} : vector<4x2048xf32> to vector<1x2048xf32>
    %mul3A_136 = arith.mulf %slice3A_135, %mul3A_117 : vector<1x2048xf32>
    %slice3A_137 = vector.extract_strided_slice %transpose3A_111 {offsets = [3, 0], sizes = [1, 2048], strides = [1, 1]} : vector<4x2048xf32> to vector<1x2048xf32>
    %mul3A_138 = arith.mulf %slice3A_137, %mul3A_118 : vector<1x2048xf32>
    %sub3A = arith.subf %mul3A_136, %mul3A_138 : vector<1x2048xf32>
    %mul3A_139 = arith.mulf %sub3A, %get3A_10 : vector<1x2048xf32>
    %slice3A_140 = vector.extract_strided_slice %transpose3A_111 {offsets = [2, 0], sizes = [1, 2048], strides = [1, 1]} : vector<4x2048xf32> to vector<1x2048xf32>
    %mul3A_141 = arith.mulf %slice3A_140, %mul3A_118 : vector<1x2048xf32>
    %slice3A_142 = vector.extract_strided_slice %transpose3A_111 {offsets = [3, 0], sizes = [1, 2048], strides = [1, 1]} : vector<4x2048xf32> to vector<1x2048xf32>
    %mul3A_143 = arith.mulf %slice3A_142, %mul3A_117 : vector<1x2048xf32>
    %add3A_144 = arith.addf %mul3A_141, %mul3A_143 : vector<1x2048xf32>
    %mul3A_145 = arith.mulf %add3A_144, %get3A_10 : vector<1x2048xf32>
    %concatenate3A = tpu.concatenate %mul3A_131, %mul3A_134, %mul3A_139, %mul3A_145 in 0 : vector<1x2048xf32>, vector<1x2048xf32>, vector<1x2048xf32>, vector<1x2048xf32> -> vector<4x2048xf32>
    %mul3A_146 = vector.broadcast %convert_element_type3A_129 : vector<1x2048xf32> to vector<4x2048xf32>
    %mul3A_147 = arith.mulf %concatenate3A, %mul3A_146 : vector<4x2048xf32>
    %neg3A = arith.constant 0.000000e+00 : f32
    %neg3A_148 = vector.broadcast %neg3A : f32 to vector<4x2048xf32>
    %neg3A_149 = arith.subf %neg3A_148, %mul3A_147 : vector<4x2048xf32>
    %concatenate3A_150 = tpu.concatenate %mul3A_147, %neg3A_149 in 0 : vector<4x2048xf32>, vector<4x2048xf32> -> vector<8x2048xf32>
    %slice3A_151 = vector.extract_strided_slice %concatenate3A_150 {offsets = [0, 0], sizes = [8, 128], strides = [1, 1]} : vector<8x2048xf32> to vector<8x128xf32>
    %swap3A = arith.constant 0 : index
    %swap3A_152 = arith.constant 0 : index
    %swap3A_153 = arith.constant 0 : index
    %swap3A_154 = vector.load %arg17[%swap3A, %swap3A_152, %swap3A_153] : memref<16x8x128xf32, #tpu.memory_space<vmem>>, vector<1x8x128xf32>
    %swap3A_155 = vector.shape_cast %swap3A_154 : vector<1x8x128xf32> to vector<8x128xf32>
    %swap3A_156 = vector.shape_cast %slice3A_151 : vector<8x128xf32> to vector<1x8x128xf32>
    tpu.vector_store %arg17[%swap3A, %swap3A_152, %swap3A_153], %swap3A_156 {strides = array<i32>} : memref<16x8x128xf32, #tpu.memory_space<vmem>>, vector<1x8x128xf32>,
    %slice3A_157 = vector.extract_strided_slice %concatenate3A_150 {offsets = [0, 128], sizes = [8, 128], strides = [1, 1]} : vector<8x2048xf32> to vector<8x128xf32>
    %swap3A_158 = arith.constant 1 : index
    %swap3A_159 = arith.constant 0 : index
    %swap3A_160 = arith.constant 0 : index
    %swap3A_161 = vector.load %arg17[%swap3A_158, %swap3A_159, %swap3A_160] : memref<16x8x128xf32, #tpu.memory_space<vmem>>, vector<1x8x128xf32>
    %swap3A_162 = vector.shape_cast %swap3A_161 : vector<1x8x128xf32> to vector<8x128xf32>
    %swap3A_163 = vector.shape_cast %slice3A_157 : vector<8x128xf32> to vector<1x8x128xf32>
    tpu.vector_store %arg17[%swap3A_158, %swap3A_159, %swap3A_160], %swap3A_163 {strides = array<i32>} : memref<16x8x128xf32, #tpu.memory_space<vmem>>, vector<1x8x128xf32>,
    %slice3A_164 = vector.extract_strided_slice %concatenate3A_150 {offsets = [0, 256], sizes = [8, 128], strides = [1, 1]} : vector<8x2048xf32> to vector<8x128xf32>
    %swap3A_165 = arith.constant 2 : index
    %swap3A_166 = arith.constant 0 : index
    %swap3A_167 = arith.constant 0 : index
    %swap3A_168 = vector.load %arg17[%swap3A_165, %swap3A_166, %swap3A_167] : memref<16x8x128xf32, #tpu.memory_space<vmem>>, vector<1x8x128xf32>
    %swap3A_169 = vector.shape_cast %swap3A_168 : vector<1x8x128xf32> to vector<8x128xf32>
    %swap3A_170 = vector.shape_cast %slice3A_164 : vector<8x128xf32> to vector<1x8x128xf32>
    tpu.vector_store %arg17[%swap3A_165, %swap3A_166, %swap3A_167], %swap3A_170 {strides = array<i32>} : memref<16x8x128xf32, #tpu.memory_space<vmem>>, vector<1x8x128xf32>,
    %slice3A_171 = vector.extract_strided_slice %concatenate3A_150 {offsets = [0, 384], sizes = [8, 128], strides = [1, 1]} : vector<8x2048xf32> to vector<8x128xf32>
    %swap3A_172 = arith.constant 3 : index
    %swap3A_173 = arith.constant 0 : index
    %swap3A_174 = arith.constant 0 : index
    %swap3A_175 = vector.load %arg17[%swap3A_172, %swap3A_173, %swap3A_174] : memref<16x8x128xf32, #tpu.memory_space<vmem>>, vector<1x8x128xf32>
    %swap3A_176 = vector.shape_cast %swap3A_175 : vector<1x8x128xf32> to vector<8x128xf32>
    %swap3A_177 = vector.shape_cast %slice3A_171 : vector<8x128xf32> to vector<1x8x128xf32>
    tpu.vector_store %arg17[%swap3A_172, %swap3A_173, %swap3A_174], %swap3A_177 {strides = array<i32>} : memref<16x8x128xf32, #tpu.memory_space<vmem>>, vector<1x8x128xf32>,
    %slice3A_178 = vector.extract_strided_slice %concatenate3A_150 {offsets = [0, 512], sizes = [8, 128], strides = [1, 1]} : vector<8x2048xf32> to vector<8x128xf32>
    %swap3A_179 = arith.constant 4 : index
    %swap3A_180 = arith.constant 0 : index
    %swap3A_181 = arith.constant 0 : index
    %swap3A_182 = vector.load %arg17[%swap3A_179, %swap3A_180, %swap3A_181] : memref<16x8x128xf32, #tpu.memory_space<vmem>>, vector<1x8x128xf32>
    %swap3A_183 = vector.shape_cast %swap3A_182 : vector<1x8x128xf32> to vector<8x128xf32>
    %swap3A_184 = vector.shape_cast %slice3A_178 : vector<8x128xf32> to vector<1x8x128xf32>
    tpu.vector_store %arg17[%swap3A_179, %swap3A_180, %swap3A_181], %swap3A_184 {strides = array<i32>} : memref<16x8x128xf32, #tpu.memory_space<vmem>>, vector<1x8x128xf32>,
    %slice3A_185 = vector.extract_strided_slice %concatenate3A_150 {offsets = [0, 640], sizes = [8, 128], strides = [1, 1]} : vector<8x2048xf32> to vector<8x128xf32>
    %swap3A_186 = arith.constant 5 : index
    %swap3A_187 = arith.constant 0 : index
    %swap3A_188 = arith.constant 0 : index
    %swap3A_189 = vector.load %arg17[%swap3A_186, %swap3A_187, %swap3A_188] : memref<16x8x128xf32, #tpu.memory_space<vmem>>, vector<1x8x128xf32>
    %swap3A_190 = vector.shape_cast %swap3A_189 : vector<1x8x128xf32> to vector<8x128xf32>
    %swap3A_191 = vector.shape_cast %slice3A_185 : vector<8x128xf32> to vector<1x8x128xf32>
    tpu.vector_store %arg17[%swap3A_186, %swap3A_187, %swap3A_188], %swap3A_191 {strides = array<i32>} : memref<16x8x128xf32, #tpu.memory_space<vmem>>, vector<1x8x128xf32>,
    %slice3A_192 = vector.extract_strided_slice %concatenate3A_150 {offsets = [0, 768], sizes = [8, 128], strides = [1, 1]} : vector<8x2048xf32> to vector<8x128xf32>
    %swap3A_193 = arith.constant 6 : index
    %swap3A_194 = arith.constant 0 : index
    %swap3A_195 = arith.constant 0 : index
    %swap3A_196 = vector.load %arg17[%swap3A_193, %swap3A_194, %swap3A_195] : memref<16x8x128xf32, #tpu.memory_space<vmem>>, vector<1x8x128xf32>
    %swap3A_197 = vector.shape_cast %swap3A_196 : vector<1x8x128xf32> to vector<8x128xf32>
    %swap3A_198 = vector.shape_cast %slice3A_192 : vector<8x128xf32> to vector<1x8x128xf32>
    tpu.vector_store %arg17[%swap3A_193, %swap3A_194, %swap3A_195], %swap3A_198 {strides = array<i32>} : memref<16x8x128xf32, #tpu.memory_space<vmem>>, vector<1x8x128xf32>,
    %slice3A_199 = vector.extract_strided_slice %concatenate3A_150 {offsets = [0, 896], sizes = [8, 128], strides = [1, 1]} : vector<8x2048xf32> to vector<8x128xf32>
    %swap3A_200 = arith.constant 7 : index
    %swap3A_201 = arith.constant 0 : index
    %swap3A_202 = arith.constant 0 : index
    %swap3A_203 = vector.load %arg17[%swap3A_200, %swap3A_201, %swap3A_202] : memref<16x8x128xf32, #tpu.memory_space<vmem>>, vector<1x8x128xf32>
    %swap3A_204 = vector.shape_cast %swap3A_203 : vector<1x8x128xf32> to vector<8x128xf32>
    %swap3A_205 = vector.shape_cast %slice3A_199 : vector<8x128xf32> to vector<1x8x128xf32>
    tpu.vector_store %arg17[%swap3A_200, %swap3A_201, %swap3A_202], %swap3A_205 {strides = array<i32>} : memref<16x8x128xf32, #tpu.memory_space<vmem>>, vector<1x8x128xf32>,
    %slice3A_206 = vector.extract_strided_slice %concatenate3A_150 {offsets = [0, 1024], sizes = [8, 128], strides = [1, 1]} : vector<8x2048xf32> to vector<8x128xf32>
    %swap3A_207 = arith.constant 8 : index
    %swap3A_208 = arith.constant 0 : index
    %swap3A_209 = arith.constant 0 : index
    %swap3A_210 = vector.load %arg17[%swap3A_207, %swap3A_208, %swap3A_209] : memref<16x8x128xf32, #tpu.memory_space<vmem>>, vector<1x8x128xf32>
    %swap3A_211 = vector.shape_cast %swap3A_210 : vector<1x8x128xf32> to vector<8x128xf32>
    %swap3A_212 = vector.shape_cast %slice3A_206 : vector<8x128xf32> to vector<1x8x128xf32>
    tpu.vector_store %arg17[%swap3A_207, %swap3A_208, %swap3A_209], %swap3A_212 {strides = array<i32>} : memref<16x8x128xf32, #tpu.memory_space<vmem>>, vector<1x8x128xf32>,
    %slice3A_213 = vector.extract_strided_slice %concatenate3A_150 {offsets = [0, 1152], sizes = [8, 128], strides = [1, 1]} : vector<8x2048xf32> to vector<8x128xf32>
    %swap3A_214 = arith.constant 9 : index
    %swap3A_215 = arith.constant 0 : index
    %swap3A_216 = arith.constant 0 : index
    %swap3A_217 = vector.load %arg17[%swap3A_214, %swap3A_215, %swap3A_216] : memref<16x8x128xf32, #tpu.memory_space<vmem>>, vector<1x8x128xf32>
    %swap3A_218 = vector.shape_cast %swap3A_217 : vector<1x8x128xf32> to vector<8x128xf32>
    %swap3A_219 = vector.shape_cast %slice3A_213 : vector<8x128xf32> to vector<1x8x128xf32>
    tpu.vector_store %arg17[%swap3A_214, %swap3A_215, %swap3A_216], %swap3A_219 {strides = array<i32>} : memref<16x8x128xf32, #tpu.memory_space<vmem>>, vector<1x8x128xf32>,
    %slice3A_220 = vector.extract_strided_slice %concatenate3A_150 {offsets = [0, 1280], sizes = [8, 128], strides = [1, 1]} : vector<8x2048xf32> to vector<8x128xf32>
    %swap3A_221 = arith.constant 10 : index
    %swap3A_222 = arith.constant 0 : index
    %swap3A_223 = arith.constant 0 : index
    %swap3A_224 = vector.load %arg17[%swap3A_221, %swap3A_222, %swap3A_223] : memref<16x8x128xf32, #tpu.memory_space<vmem>>, vector<1x8x128xf32>
    %swap3A_225 = vector.shape_cast %swap3A_224 : vector<1x8x128xf32> to vector<8x128xf32>
    %swap3A_226 = vector.shape_cast %slice3A_220 : vector<8x128xf32> to vector<1x8x128xf32>
    tpu.vector_store %arg17[%swap3A_221, %swap3A_222, %swap3A_223], %swap3A_226 {strides = array<i32>} : memref<16x8x128xf32, #tpu.memory_space<vmem>>, vector<1x8x128xf32>,
    %slice3A_227 = vector.extract_strided_slice %concatenate3A_150 {offsets = [0, 1408], sizes = [8, 128], strides = [1, 1]} : vector<8x2048xf32> to vector<8x128xf32>
    %swap3A_228 = arith.constant 11 : index
    %swap3A_229 = arith.constant 0 : index
    %swap3A_230 = arith.constant 0 : index
    %swap3A_231 = vector.load %arg17[%swap3A_228, %swap3A_229, %swap3A_230] : memref<16x8x128xf32, #tpu.memory_space<vmem>>, vector<1x8x128xf32>
    %swap3A_232 = vector.shape_cast %swap3A_231 : vector<1x8x128xf32> to vector<8x128xf32>
    %swap3A_233 = vector.shape_cast %slice3A_227 : vector<8x128xf32> to vector<1x8x128xf32>
    tpu.vector_store %arg17[%swap3A_228, %swap3A_229, %swap3A_230], %swap3A_233 {strides = array<i32>} : memref<16x8x128xf32, #tpu.memory_space<vmem>>, vector<1x8x128xf32>,
    %slice3A_234 = vector.extract_strided_slice %concatenate3A_150 {offsets = [0, 1536], sizes = [8, 128], strides = [1, 1]} : vector<8x2048xf32> to vector<8x128xf32>
    %swap3A_235 = arith.constant 12 : index
    %swap3A_236 = arith.constant 0 : index
    %swap3A_237 = arith.constant 0 : index
    %swap3A_238 = vector.load %arg17[%swap3A_235, %swap3A_236, %swap3A_237] : memref<16x8x128xf32, #tpu.memory_space<vmem>>, vector<1x8x128xf32>
    %swap3A_239 = vector.shape_cast %swap3A_238 : vector<1x8x128xf32> to vector<8x128xf32>
    %swap3A_240 = vector.shape_cast %slice3A_234 : vector<8x128xf32> to vector<1x8x128xf32>
    tpu.vector_store %arg17[%swap3A_235, %swap3A_236, %swap3A_237], %swap3A_240 {strides = array<i32>} : memref<16x8x128xf32, #tpu.memory_space<vmem>>, vector<1x8x128xf32>,
    %slice3A_241 = vector.extract_strided_slice %concatenate3A_150 {offsets = [0, 1664], sizes = [8, 128], strides = [1, 1]} : vector<8x2048xf32> to vector<8x128xf32>
    %swap3A_242 = arith.constant 13 : index
    %swap3A_243 = arith.constant 0 : index
    %swap3A_244 = arith.constant 0 : index
    %swap3A_245 = vector.load %arg17[%swap3A_242, %swap3A_243, %swap3A_244] : memref<16x8x128xf32, #tpu.memory_space<vmem>>, vector<1x8x128xf32>
    %swap3A_246 = vector.shape_cast %swap3A_245 : vector<1x8x128xf32> to vector<8x128xf32>
    %swap3A_247 = vector.shape_cast %slice3A_241 : vector<8x128xf32> to vector<1x8x128xf32>
    tpu.vector_store %arg17[%swap3A_242, %swap3A_243, %swap3A_244], %swap3A_247 {strides = array<i32>} : memref<16x8x128xf32, #tpu.memory_space<vmem>>, vector<1x8x128xf32>,
    %slice3A_248 = vector.extract_strided_slice %concatenate3A_150 {offsets = [0, 1792], sizes = [8, 128], strides = [1, 1]} : vector<8x2048xf32> to vector<8x128xf32>
    %swap3A_249 = arith.constant 14 : index
    %swap3A_250 = arith.constant 0 : index
    %swap3A_251 = arith.constant 0 : index
    %swap3A_252 = vector.load %arg17[%swap3A_249, %swap3A_250, %swap3A_251] : memref<16x8x128xf32, #tpu.memory_space<vmem>>, vector<1x8x128xf32>
    %swap3A_253 = vector.shape_cast %swap3A_252 : vector<1x8x128xf32> to vector<8x128xf32>
    %swap3A_254 = vector.shape_cast %slice3A_248 : vector<8x128xf32> to vector<1x8x128xf32>
    tpu.vector_store %arg17[%swap3A_249, %swap3A_250, %swap3A_251], %swap3A_254 {strides = array<i32>} : memref<16x8x128xf32, #tpu.memory_space<vmem>>, vector<1x8x128xf32>,
    %slice3A_255 = vector.extract_strided_slice %concatenate3A_150 {offsets = [0, 1920], sizes = [8, 128], strides = [1, 1]} : vector<8x2048xf32> to vector<8x128xf32>
    %swap3A_256 = arith.constant 15 : index
    %swap3A_257 = arith.constant 0 : index
    %swap3A_258 = arith.constant 0 : index
    %swap3A_259 = vector.load %arg17[%swap3A_256, %swap3A_257, %swap3A_258] : memref<16x8x128xf32, #tpu.memory_space<vmem>>, vector<1x8x128xf32>
    %swap3A_260 = vector.shape_cast %swap3A_259 : vector<1x8x128xf32> to vector<8x128xf32>
    %swap3A_261 = vector.shape_cast %slice3A_255 : vector<8x128xf32> to vector<1x8x128xf32>
    tpu.vector_store %arg17[%swap3A_256, %swap3A_257, %swap3A_258], %swap3A_261 {strides = array<i32>} : memref<16x8x128xf32, #tpu.memory_space<vmem>>, vector<1x8x128xf32>,
    %mul3A_262 = arith.mulf %get3A_10, %convert_element_type3A_129 : vector<1x2048xf32>
    %reduce_sum3A = vector.shape_cast %mul3A_262 : vector<1x2048xf32> to vector<1x1x2048xf32>
    %reduce_sum3A_263 = arith.constant dense<0.000000e+00> : vector<1xf32>
    %reduce_sum3A_264 = vector.multi_reduction <add>, %reduce_sum3A, %reduce_sum3A_263 [1, 2] : vector<1x1x2048xf32> to vector<1xf32>
    %reduce_sum3A_265 = vector.shape_cast %reduce_sum3A_264 : vector<1xf32> to vector<1x1x1xf32>
    %reduce_sum3A_266 = vector.extract %reduce_sum3A_265[0, 0, 0] : f32 from vector<1x1x1xf32>
    %reshape3A = vector.broadcast %reduce_sum3A_266 : f32 to vector<1x1xf32>
    %reduce_sum3A_267 = vector.shape_cast %convert_element_type3A_129 : vector<1x2048xf32> to vector<1x1x2048xf32>
    %reduce_sum3A_268 = arith.constant dense<0.000000e+00> : vector<1xf32>
    %reduce_sum3A_269 = vector.multi_reduction <add>, %reduce_sum3A_267, %reduce_sum3A_268 [1, 2] : vector<1x1x2048xf32> to vector<1xf32>
    %reduce_sum3A_270 = vector.shape_cast %reduce_sum3A_269 : vector<1xf32> to vector<1x1x1xf32>
    %reduce_sum3A_271 = vector.extract %reduce_sum3A_270[0, 0, 0] : f32 from vector<1x1x1xf32>
    %reshape3A_272 = vector.broadcast %reduce_sum3A_271 : f32 to vector<1x1xf32>
    %eq3A = arith.constant 0 : i32
    %eq3A_273 = arith.cmpi eq, %arg0, %eq3A : i32
    %convert_element_type3A_274 = arith.extui %eq3A_273 : i1 to i32
    %cond3A = arith.constant 0 : i32
    %cond3A_275 = arith.cmpi ne, %convert_element_type3A_274, %cond3A : i32
    scf.if %cond3A_275 {
      %broadcast_in_dim3A = arith.constant 0.000000e+00 : f32
      %broadcast_in_dim3A_290 = vector.broadcast %broadcast_in_dim3A : f32 to vector<1x1xf32>
      %swap3A_291 = arith.constant 0 : index
      %swap3A_292 = arith.constant 0 : index
      %swap3A_293 = vector.load %arg18[%swap3A_291, %swap3A_292] : memref<1x1xf32, #tpu.memory_space<vmem>>, vector<1x1xf32>
      tpu.vector_store %arg18[%swap3A_291, %swap3A_292], %broadcast_in_dim3A_290 {strides = array<i32>} : memref<1x1xf32, #tpu.memory_space<vmem>>, vector<1x1xf32>,
      %broadcast_in_dim3A_294 = arith.constant 0.000000e+00 : f32
      %broadcast_in_dim3A_295 = vector.broadcast %broadcast_in_dim3A_294 : f32 to vector<1x1xf32>
      %swap3A_296 = arith.constant 0 : index
      %swap3A_297 = arith.constant 0 : index
      %swap3A_298 = vector.load %arg19[%swap3A_296, %swap3A_297] : memref<1x1xf32, #tpu.memory_space<vmem>>, vector<1x1xf32>
      tpu.vector_store %arg19[%swap3A_296, %swap3A_297], %broadcast_in_dim3A_295 {strides = array<i32>} : memref<1x1xf32, #tpu.memory_space<vmem>>, vector<1x1xf32>,
    } else {
    }
    %get3A_276 = arith.constant 0 : index
    %get3A_277 = arith.constant 0 : index
    %get3A_278 = vector.load %arg18[%get3A_276, %get3A_277] : memref<1x1xf32, #tpu.memory_space<vmem>>, vector<1x1xf32>
    %add3A_279 = arith.addf %get3A_278, %reshape3A : vector<1x1xf32>
    %swap3A_280 = arith.constant 0 : index
    %swap3A_281 = arith.constant 0 : index
    %swap3A_282 = vector.load %arg18[%swap3A_280, %swap3A_281] : memref<1x1xf32, #tpu.memory_space<vmem>>, vector<1x1xf32>
    tpu.vector_store %arg18[%swap3A_280, %swap3A_281], %add3A_279 {strides = array<i32>} : memref<1x1xf32, #tpu.memory_space<vmem>>, vector<1x1xf32>,
    %get3A_283 = arith.constant 0 : index
    %get3A_284 = arith.constant 0 : index
    %get3A_285 = vector.load %arg19[%get3A_283, %get3A_284] : memref<1x1xf32, #tpu.memory_space<vmem>>, vector<1x1xf32>
    %add3A_286 = arith.addf %get3A_285, %reshape3A_272 : vector<1x1xf32>
    %swap3A_287 = arith.constant 0 : index
    %swap3A_288 = arith.constant 0 : index
    %swap3A_289 = vector.load %arg19[%swap3A_287, %swap3A_288] : memref<1x1xf32, #tpu.memory_space<vmem>>, vector<1x1xf32>
    tpu.vector_store %arg19[%swap3A_287, %swap3A_288], %add3A_286 {strides = array<i32>} : memref<1x1xf32, #tpu.memory_space<vmem>>, vector<1x1xf32>,
    return
  }
  func.func @transform_0(%arg0: i32) -> (i32, i32) {
    %c0_i32 = arith.constant 0 : i32
    %c0_i32_0 = arith.constant 0 : i32
    return %arg0, %c0_i32 : i32, i32
  }
  func.func @transform_1(%arg0: i32) -> (i32, i32) {
    %c0_i32 = arith.constant 0 : i32
    %c0_i32_0 = arith.constant 0 : i32
    return %c0_i32, %arg0 : i32, i32
  }
  func.func @transform_2(%arg0: i32) -> (i32, i32) {
    %c0_i32 = arith.constant 0 : i32
    %c0_i32_0 = arith.constant 0 : i32
    return %c0_i32, %arg0 : i32, i32
  }
  func.func @transform_3(%arg0: i32) -> (i32, i32) {
    %c0_i32 = arith.constant 0 : i32
    %c0_i32_0 = arith.constant 0 : i32
    %c0_i32_1 = arith.constant 0 : i32
    return %c0_i32, %c0_i32_0 : i32, i32
  }
  func.func @transform_4(%arg0: i32) -> (i32, i32) {
    %c0_i32 = arith.constant 0 : i32
    %c0_i32_0 = arith.constant 0 : i32
    %c0_i32_1 = arith.constant 0 : i32
    return %c0_i32, %c0_i32_0 : i32, i32
  }
  func.func @transform_5(%arg0: i32) -> (i32, i32) {
    %c0_i32 = arith.constant 0 : i32
    %c0_i32_0 = arith.constant 0 : i32
    %c0_i32_1 = arith.constant 0 : i32
    return %c0_i32, %c0_i32_0 : i32, i32
  }
  func.func @transform_6(%arg0: i32) -> (i32, i32) {
    %c0_i32 = arith.constant 0 : i32
    %c0_i32_0 = arith.constant 0 : i32
    %c0_i32_1 = arith.constant 0 : i32
    return %c0_i32, %c0_i32_0 : i32, i32
  }
  func.func @transform_7(%arg0: i32) -> (i32, i32) {
    %c0_i32 = arith.constant 0 : i32
    %c0_i32_0 = arith.constant 0 : i32
    %c0_i32_1 = arith.constant 0 : i32
    return %c0_i32, %c0_i32_0 : i32, i32
  }
  func.func @transform_8(%arg0: i32) -> (i32, i32) {
    %c0_i32 = arith.constant 0 : i32
    %c0_i32_0 = arith.constant 0 : i32
    %c0_i32_1 = arith.constant 0 : i32
    return %c0_i32, %c0_i32_0 : i32, i32
  }
  func.func @transform_9(%arg0: i32) -> (i32, i32) {
    %c0_i32 = arith.constant 0 : i32
    %c0_i32_0 = arith.constant 0 : i32
    %c0_i32_1 = arith.constant 0 : i32
    return %c0_i32, %c0_i32_0 : i32, i32
  }
  func.func @transform_10(%arg0: i32) -> (i32, i32) {
    %c0_i32 = arith.constant 0 : i32
    %c0_i32_0 = arith.constant 0 : i32
    %c0_i32_1 = arith.constant 0 : i32
    return %c0_i32, %c0_i32_0 : i32, i32
  }
  func.func @transform_11(%arg0: i32) -> (i32, i32) {
    %c0_i32 = arith.constant 0 : i32
    %c0_i32_0 = arith.constant 0 : i32
    %c0_i32_1 = arith.constant 0 : i32
    return %c0_i32, %c0_i32_0 : i32, i32
  }
  func.func @transform_12(%arg0: i32) -> (i32, i32) {
    %c0_i32 = arith.constant 0 : i32
    %c0_i32_0 = arith.constant 0 : i32
    %c0_i32_1 = arith.constant 0 : i32
    return %c0_i32, %c0_i32_0 : i32, i32
  }
  func.func @transform_13(%arg0: i32) -> (i32, i32) {
    %c0_i32 = arith.constant 0 : i32
    %c0_i32_0 = arith.constant 0 : i32
    %c0_i32_1 = arith.constant 0 : i32
    return %c0_i32, %c0_i32_0 : i32, i32
  }
  func.func @transform_14(%arg0: i32) -> (i32, i32) {
    %c0_i32 = arith.constant 0 : i32
    %c0_i32_0 = arith.constant 0 : i32
    %c0_i32_1 = arith.constant 0 : i32
    return %c0_i32, %c0_i32_0 : i32, i32
  }
  func.func @transform_15(%arg0: i32) -> (i32, i32) {
    %c0_i32 = arith.constant 0 : i32
    %c0_i32_0 = arith.constant 0 : i32
    %c0_i32_1 = arith.constant 0 : i32
    return %c0_i32, %c0_i32_0 : i32, i32
  }
  func.func @transform_16(%arg0: i32) -> (i32, i32, i32) {
    %c0_i32 = arith.constant 0 : i32
    %c0_i32_0 = arith.constant 0 : i32
    %c0_i32_1 = arith.constant 0 : i32
    return %arg0, %c0_i32, %c0_i32_0 : i32, i32, i32
  }
  func.func @transform_17(%arg0: i32) -> (i32, i32) {
    %c0_i32 = arith.constant 0 : i32
    %c0_i32_0 = arith.constant 0 : i32
    %c0_i32_1 = arith.constant 0 : i32
    return %c0_i32, %c0_i32_0 : i32, i32
  }
  func.func @transform_18(%arg0: i32) -> (i32, i32) {
    %c0_i32 = arith.constant 0 : i32
    %c0_i32_0 = arith.constant 0 : i32
    %c0_i32_1 = arith.constant 0 : i32
    return %c0_i32, %c0_i32_0 : i32, i32
  }
}

module attributes {stable_mosaic.version = 14 : i64} {
  func.func @_combine_body(%arg0: i32, %arg1: memref<5x50000xf32, #tpu.memory_space<vmem>>, %arg2: memref<2x4x50000xf32, #tpu.memory_space<vmem>>, %arg3: memref<2x4x50000xf32, #tpu.memory_space<vmem>>, %arg4: memref<1x1xf32, #tpu.memory_space<smem>>, %arg5: memref<5x50000xf32, #tpu.memory_space<vmem>>) attributes {dimension_semantics = [#tpu.dimension_semantics<arbitrary>], iteration_bounds = array<i64: 1>, scalar_prefetch = 0 : i64, scratch_operands = 0 : i64, tpu.core_type = #tpu.core_type<tc>, window_params = [{pipeline_mode = #tpu.pipeline_mode<synchronous>, transform_indices = @transform_0, window_bounds = array<i64: 5, 50000>}, {pipeline_mode = #tpu.pipeline_mode<synchronous>, transform_indices = @transform_1, window_bounds = array<i64: 2, 4, 50000>}, {pipeline_mode = #tpu.pipeline_mode<synchronous>, transform_indices = @transform_2, window_bounds = array<i64: 2, 4, 50000>}, {transform_indices = @transform_3, window_bounds = array<i64: 1, 1>}, {pipeline_mode = #tpu.pipeline_mode<synchronous>, transform_indices = @transform_4, window_bounds = array<i64: 5, 50000>}]} {
    %get3A = arith.constant 0 : index
    %get3A_0 = arith.constant 0 : index
    %get3A_1 = vector.load %arg1[%get3A, %get3A_0] : memref<5x50000xf32, #tpu.memory_space<vmem>>, vector<5x50000xf32>
    %get3A_2 = arith.constant 0 : index
    %get3A_3 = arith.constant 0 : index
    %get3A_4 = memref.load %arg4[%get3A_2, %get3A_3] : memref<1x1xf32, #tpu.memory_space<smem>>
    %get3A_5 = arith.constant 0 : index
    %get3A_6 = arith.constant 0 : index
    %get3A_7 = arith.constant 0 : index
    %get3A_8 = vector.load %arg2[%get3A_5, %get3A_6, %get3A_7] : memref<2x4x50000xf32, #tpu.memory_space<vmem>>, vector<1x4x50000xf32>
    %get3A_9 = vector.shape_cast %get3A_8 : vector<1x4x50000xf32> to vector<4x50000xf32>
    %get3A_10 = arith.constant 1 : index
    %get3A_11 = arith.constant 0 : index
    %get3A_12 = arith.constant 0 : index
    %get3A_13 = vector.load %arg2[%get3A_10, %get3A_11, %get3A_12] : memref<2x4x50000xf32, #tpu.memory_space<vmem>>, vector<1x4x50000xf32>
    %get3A_14 = vector.shape_cast %get3A_13 : vector<1x4x50000xf32> to vector<4x50000xf32>
    %add3A = arith.addf %get3A_9, %get3A_14 : vector<4x50000xf32>
    %get3A_15 = arith.constant 0 : index
    %get3A_16 = arith.constant 0 : index
    %get3A_17 = arith.constant 0 : index
    %get3A_18 = vector.load %arg3[%get3A_15, %get3A_16, %get3A_17] : memref<2x4x50000xf32, #tpu.memory_space<vmem>>, vector<1x4x50000xf32>
    %get3A_19 = vector.shape_cast %get3A_18 : vector<1x4x50000xf32> to vector<4x50000xf32>
    %add3A_20 = arith.addf %add3A, %get3A_19 : vector<4x50000xf32>
    %get3A_21 = arith.constant 1 : index
    %get3A_22 = arith.constant 0 : index
    %get3A_23 = arith.constant 0 : index
    %get3A_24 = vector.load %arg3[%get3A_21, %get3A_22, %get3A_23] : memref<2x4x50000xf32, #tpu.memory_space<vmem>>, vector<1x4x50000xf32>
    %get3A_25 = vector.shape_cast %get3A_24 : vector<1x4x50000xf32> to vector<4x50000xf32>
    %add3A_26 = arith.addf %add3A_20, %get3A_25 : vector<4x50000xf32>
    %mul3A = vector.broadcast %get3A_4 : f32 to vector<4x50000xf32>
    %mul3A_27 = arith.mulf %add3A_26, %mul3A : vector<4x50000xf32>
    %slice3A = vector.extract_strided_slice %mul3A_27 {offsets = [0, 0], sizes = [2, 50000], strides = [1, 1]} : vector<4x50000xf32> to vector<2x50000xf32>
    %broadcast_in_dim3A = arith.constant 0.000000e+00 : f32
    %broadcast_in_dim3A_28 = vector.broadcast %broadcast_in_dim3A : f32 to vector<1x50000xf32>
    %slice3A_29 = vector.extract_strided_slice %mul3A_27 {offsets = [2, 0], sizes = [2, 50000], strides = [1, 1]} : vector<4x50000xf32> to vector<2x50000xf32>
    %concatenate3A = tpu.concatenate %slice3A, %broadcast_in_dim3A_28, %slice3A_29 in 0 : vector<2x50000xf32>, vector<1x50000xf32>, vector<2x50000xf32> -> vector<5x50000xf32>
    %add3A_30 = arith.addf %get3A_1, %concatenate3A : vector<5x50000xf32>
    %swap3A = arith.constant 0 : index
    %swap3A_31 = arith.constant 0 : index
    %swap3A_32 = vector.load %arg5[%swap3A, %swap3A_31] : memref<5x50000xf32, #tpu.memory_space<vmem>>, vector<5x50000xf32>
    tpu.vector_store %arg5[%swap3A, %swap3A_31], %add3A_30 {strides = array<i32>} : memref<5x50000xf32, #tpu.memory_space<vmem>>, vector<5x50000xf32>,
    return
  }
  func.func @transform_0(%arg0: i32) -> (i32, i32) {
    %c0_i32 = arith.constant 0 : i32
    %c0_i32_0 = arith.constant 0 : i32
    %c0_i32_1 = arith.constant 0 : i32
    return %c0_i32, %c0_i32_0 : i32, i32
  }
  func.func @transform_1(%arg0: i32) -> (i32, i32, i32) {
    %c0_i32 = arith.constant 0 : i32
    %c0_i32_0 = arith.constant 0 : i32
    %c0_i32_1 = arith.constant 0 : i32
    %c0_i32_2 = arith.constant 0 : i32
    return %c0_i32, %c0_i32_0, %c0_i32_1 : i32, i32, i32
  }
  func.func @transform_2(%arg0: i32) -> (i32, i32, i32) {
    %c0_i32 = arith.constant 0 : i32
    %c0_i32_0 = arith.constant 0 : i32
    %c0_i32_1 = arith.constant 0 : i32
    %c0_i32_2 = arith.constant 0 : i32
    return %c0_i32, %c0_i32_0, %c0_i32_1 : i32, i32, i32
  }
  func.func @transform_3(%arg0: i32) -> (i32, i32) {
    %c0_i32 = arith.constant 0 : i32
    %c0_i32_0 = arith.constant 0 : i32
    %c0_i32_1 = arith.constant 0 : i32
    return %c0_i32, %c0_i32_0 : i32, i32
  }
  func.func @transform_4(%arg0: i32) -> (i32, i32) {
    %c0_i32 = arith.constant 0 : i32
    %c0_i32_0 = arith.constant 0 : i32
    %c0_i32_1 = arith.constant 0 : i32
    return %c0_i32, %c0_i32_0 : i32, i32
  }
}

</mosaic_0001>

<sc_bundles>
// kernel: kernel.10.cloned.1.call-start
scs
__scs_entry_jumppad:
0x0: {  	(pc) =	sbr.rel $0x88, $3  }
0x1: {  	(tag) =	ssettag $0x0;
	lr =	simm.s32 $0x1  }
0x2: {  	[smem:$0x3F7D] =	sst lr;
	_ =	strace $0xD0000000  }
0x3: {  	_ = 	snop  }
0x4: {  	_ = 	snop  }
0x5: {  	_ = 	snop  }
0x6: {  	_ = 	snop  }
0x7: {  	_ = 	snop  }
__scs_overlays_trampoline_lowered:
0x8: {  	[smem:$0x3F8C] =	sst s0  }
0x9: {  	[smem:$0x3F8D] =	sst s1  }
0xa: {  	[smem:$0x3F8E] =	sst s2  }
0xb: {  	[smem:$0x3F8F] =	sst s3  }
0xc: {  	[smem:$0x3F90] =	sst s4  }
0xd: {  	[smem:$0x3F91] =	sst s5  }
0xe: {  	[smem:$0x3F92] =	sst s6  }
0xf: {  	[smem:$0x3F93] =	sst s7  }
0x10: {  	[smem:$0x3F94] =	sst s8  }
0x11: {  	[smem:$0x3F95] =	sst s9;
	s0 =	simm.s32 @!p0 $0x0  }
0x12: {  	s1 =	sld [smem:$0x3F7B];
	s0 =	simm.s32 @p0 $0x1  }
0x13: {  	[smem:$0x3F96] =	sst s0;
	s0 =	simm.s32 @!p1 $0x0  }
0x14: {  	s2 =	sld [smem:$0x3F7A];
	s0 =	simm.s32 @p1 $0x1  }
0x15: {  	[smem:$0x3F97] =	sst s0;
	s0 =	simm.s32 @!p2 $0x0  }
0x16: {  	s3 =	sld [smem:$0x3FDB];
	s0 =	simm.s32 @p2 $0x1  }
0x17: {  	s4 =	simm.s32 $0x1BF5;
	[smem:$0x3F99] =	sst s0  }
0x18: {  	s0 =	sld [smem:$0x3F7C];
	_ =	swait.ge [sflag:s4], $0x0  }
0x19: {  	s7 =	sld [smem:$0x3F7D]  }
0x1a: {  	s8 =	sadd.s32 $0xFFFFE003, lr  }
0x1b: {  	s9 =	sadd.s32 $0xFFFFFEF7, lr;
	s5 =	simm.s32 $0xFFFFFFFF;
	p2 =	slt.u32 s8, $0xFFFFF086  }
0x1c: {  	p1 =	slt.u32 s9, $0xF7A;
	s5 =	simm.s32 @!p2 $0x0  }
0x1d: {  	s5 =	simm.s32 @p1 $0x1;
	p0 =	seq.s32 s7, s2  }
0x1e: {  	s7 =	smul.u32 @!p0 $0xF7A, s2;
	p2 =	seq.s32 @!p0 s5, $0x0  }
0x1f: {  	s9 =	smul.u32 $0xF7A, s1;
	s8 =	simm.s32 @!p0 $0x1BF5;
	p2 =	por !p2, p0  }
0x20: {  	[sflag:s8] =	ssyncset.s32 @!p0 $0xFFFFF086;
	s6 =	sadd.s32 @!p0 s3, s7;
	s7 =	simm.s32 @!p0 $0x108  }
0x21: {  	s3 =	sadd.s32 s3, s9;
	s6 =	sadd.s32 @!p0 $0x88, s6;
	s7 =	simm.s32 @p2 $0x1082  }
0x22: {  	[simem:s7], [sflag:s8] =	dma.local @!p0 [hbm:s6], $0xF7A  }
0x23: {  	s9 =	sor.u32 $0xD0000000, s2;
	s6 =	simm.s32 $0x108;
	_ =	swait.ge @!p0 [sflag:s8], $0x0  }
0x24: {  	s3 =	sadd.s32 $0x88, s3;
	s6 =	simm.s32 @!p1 $0x1082;
	[sflag:s4] =	ssyncset.s32 $0xFFFFF086  }
0x25: {  	[simem:s6], [sflag:s4] =	dma.local [hbm:s3], $0xF7A  }
0x26: {  	[smem:$0x3F7D] =	sst s1;
	(tag) =	ssettag s2;
	_ =	strace s9  }
0x27: {  	s1 =	sld [smem:$0x3F8D]  }
0x28: {  	s2 =	sld [smem:$0x3F8E]  }
0x29: {  	s4 =	sld [smem:$0x3F90]  }
0x2a: {  	p0 =	seq.s32 s5, $0x0;
	s5 =	sld [smem:$0x3F91]  }
0x2b: {  	s6 =	sld [smem:$0x3F92]  }
0x2c: {  	s7 =	sld [smem:$0x3F93]  }
0x2d: {  	s3 =	simm.s32 $0x108;
	s8 =	sld [smem:$0x3F94]  }
0x2e: {  	s3 =	simm.s32 @!p0 $0x1082;
	s9 =	sld [smem:$0x3F95]  }
0x2f: {  	lr =	sadd.s32 s0, s3;
	s0 =	sld [smem:$0x3F8C]  }
0x30: {  	s3 =	sld [smem:$0x3F8F]  }
0x31: {  	[smem:$0x3F98] =	sst s10  }
0x32: {  	s10 =	sld [smem:$0x3F96];
	_ =	sdelay $0x3  }
0x33: {  	p0 =	seq.s32 s10, $0x1;
	s10 =	sld [smem:$0x3F98];
	_ =	sdelay $0x3  }
0x34: {  	[smem:$0x3F98] =	sst s10  }
0x35: {  	s10 =	sld [smem:$0x3F97];
	_ =	sdelay $0x3  }
0x36: {  	p1 =	seq.s32 s10, $0x1;
	s10 =	sld [smem:$0x3F98];
	_ =	sdelay $0x3  }
0x37: {  	[smem:$0x3F98] =	sst s10  }
0x38: {  	s10 =	sld [smem:$0x3F99]  }
0x39: {  	_ = 	snop;
	(pc) =	sbr.ind lr, $3  }
0x3a: {  	_ = 	snop  }
0x3b: {  	_ = 	snop  }
0x3c: {  	p2 =	seq.s32 s10, $0x1;
	s10 =	sld [smem:$0x3F98]  }
0x3d: {  	_ =	shalt  }
0x3e: {  	_ =	shalt  }
0x3f: {  	_ =	shalt  }
0x40: {  	_ =	shalt  }
0x41: {  	_ =	shalt  }
0x42: {  	_ =	shalt  }
0x43: {  	_ =	shalt  }
0x44: {  	_ =	shalt  }
0x45: {  	_ =	shalt  }
0x46: {  	_ =	shalt  }
0x47: {  	_ =	shalt  }
0x48: {  	_ =	shalt  }
0x49: {  	_ =	shalt  }
0x4a: {  	_ =	shalt  }
0x4b: {  	_ =	shalt  }
0x4c: {  	_ =	shalt  }
0x4d: {  	_ =	shalt  }
0x4e: {  	_ =	shalt  }
0x4f: {  	_ =	shalt  }
0x50: {  	_ =	shalt  }
0x51: {  	_ =	shalt  }
0x52: {  	_ =	shalt  }
0x53: {  	_ =	shalt  }
0x54: {  	_ =	shalt  }
0x55: {  	_ =	shalt  }
0x56: {  	_ =	shalt  }
0x57: {  	_ =	shalt  }
0x58: {  	_ =	shalt  }
0x59: {  	_ =	shalt  }
0x5a: {  	_ =	shalt  }
0x5b: {  	_ =	shalt  }
0x5c: {  	_ =	shalt  }
0x5d: {  	_ =	shalt  }
0x5e: {  	_ =	shalt  }
0x5f: {  	_ =	shalt  }
0x60: {  	_ =	shalt  }
0x61: {  	_ =	shalt  }
0x62: {  	_ =	shalt  }
0x63: {  	_ =	shalt  }
0x64: {  	_ =	shalt  }
0x65: {  	_ =	shalt  }
0x66: {  	_ =	shalt  }
0x67: {  	_ =	shalt  }
0x68: {  	_ =	shalt  }
0x69: {  	_ =	shalt  }
0x6a: {  	_ =	shalt  }
0x6b: {  	_ =	shalt  }
0x6c: {  	_ =	shalt  }
0x6d: {  	_ =	shalt  }
0x6e: {  	_ =	shalt  }
0x6f: {  	_ =	shalt  }
0x70: {  	_ =	shalt  }
0x71: {  	_ =	shalt  }
0x72: {  	_ =	shalt  }
0x73: {  	_ =	shalt  }
0x74: {  	_ =	shalt  }
0x75: {  	_ =	shalt  }
0x76: {  	_ =	shalt  }
0x77: {  	_ =	shalt  }
0x78: {  	_ =	shalt  }
0x79: {  	_ =	shalt  }
0x7a: {  	_ =	shalt  }
0x7b: {  	_ =	shalt  }
0x7c: {  	_ =	shalt  }
0x7d: {  	_ =	shalt  }
0x7e: {  	_ =	shalt  }
0x7f: {  	_ =	shalt  }
0x80: {  	_ =	shalt  }
0x81: {  	_ =	shalt  }
0x82: {  	_ =	shalt  }
0x83: {  	_ =	shalt  }
0x84: {  	_ =	shalt  }
0x85: {  	_ =	shalt  }
0x86: {  	_ =	shalt  }
0x87: {  	_ =	shalt  }
.Lfunc_end0:
.L_simem_size_0:
called_computation_lowered:
.L_overlay_start_0:
0x88: {  	s2 =	sld [smem:$0x3FD9]  }
0x89: {  	s3 =	sld [smem:$0x3FFE];
	_ =	sdelay $0x1  }
0x8a: {  	s1 =	srdreg.scid  }
0x8b: {  	s0 =	sand.u32 $0x1, s1  }
0x8c: {  	s16 =	sshll.u32 s0, $0xA;
	s2 =	sadd.s32 s3, s2  }
0x8d: {  	s2 =	sadd.s32 s2, s16  }
0x8e: {  	[smem:$0x3FA4] =	sst s2  }
0x8f: {  	_ = 	snop  }
0x90: {  	(tm) =	ssettm $0x1  }
0x91: {  	s17 =	sld [smem:$0x3FFB];
	_ =	sdelay $0x3  }
0x92: {  	_ =	strace s17  }
0x93: {  	s2 =	sld [smem:$0x3FFC];
	_ =	sdelay $0x3  }
0x94: {  	_ =	strace s2  }
0x95: {  	s2 =	sld [smem:$0x3FFD];
	_ =	sdelay $0x3  }
0x96: {  	_ =	strace s2  }
0x97: {  	_ =	strace $0x8FFFFFFF  }
0x98: {  	s18 =	sld [smem:$0x3FDB];
	_ =	sdelay $0x1  }
0x99: {  	s19 =	simm.s32 $_scs_section_size  }
0x9a: {  	s4 =	simm.s32 $_size__tile_overlayer_lowered;
	s5 =	simm.s32 $_tile_overlayer_lowered  }
0x9b: {  	s22 =	simm.s32 $0x1BFF;
	s21 =	sshll.u32 s5, $0x1;
	s2 =	sadd.s32 s19, s18  }
0x9c: {  	s6 =	simm.s32 $0x0;
	s20 =	sshll.u32 s4, $0x1;
	s4 =	sadd.s32 s21, s2  }
0x9d: {  	[timem:s6], [sflag:s22] =	dma.local [hbm:s4], s20  }
0x9e: {  	_ =	swait.ge [sflag:s22], s20  }
0x9f: {  	s3 =	ssub.s32 $0x0, s20;
	[sflag:s22] =	ssyncset.done $0x0  }
0xa0: {  	[sflag:s22] =	ssyncadd.s32 s3;
	_ =	sdelay $0x1  }
0xa1: {  	s23 =	simm.s32 $0x1B8B  }
0xa2: {  	_ =	swait.ge [sflag:s23], $0x1  }
0xa3: {  	[sflag:s23] =	ssyncset.done $0x0  }
0xa4: {  	s25 =	simm.s32 $0x1B8E;
	s24 =	sld [smem:$0x3FFE];
	[sflag:s23] =	ssyncadd.s32 $0xFFFFFFFF  }
0xa5: {  	s26 =	simm.s32 $execute0_lowered;
	[smem:$0x3FD2] =	sst s25  }
0xa6: {  	s4 =	sshll.u32 s26, $0x1;
	_ =	strace $0x80000046;
	[dreg:$0x1] =	wrdreg $0xFFFFFFFF  }
0xa7: {  	s28 =	simm.s32 $_size_execute0_lowered;
	s2 =	sadd.s32 s2, s4;
	[dreg:$0x0] =	wrdreg $0x0  }
0xa8: {  	s4 =	sshll.u32 s28, $0x1;
	[dreg:$0x2] =	wrdreg s2  }
0xa9: {  	[dreg:$0x3] =	wrdreg s4  }
0xaa: {  	[dreg:$0x4] =	wrdreg $0xC0  }
0xab: {  	_ =	task [dreg:s6], $0x5FFFF  }
0xac: {  	[dreg:$0x1] =	wrdreg $0xFFFFFFFF  }
0xad: {  	[dreg:$0x0] =	wrdreg $0x60  }
0xae: {  	[dreg:$0x2] =	wrdreg s24  }
0xaf: {  	[dreg:$0x3] =	wrdreg $0x9  }
0xb0: {  	_ =	task.clear_ibuf [dreg:s6], $0x4FFFF;
	_ =	strace $0x90000046  }
0xb1: {  	s29 =	simm.s32 $0x9;
	_ =	strace $0x80000048  }
0xb2: {  	_ =	swait.ge [sflag:s29], $0x1  }
0xb3: {  	[sflag:s29] =	ssyncadd.s32 $0xFFFFFFFF  }
0xb4: {  	_ =	strace $0x90000048  }
0xb5: {  	_ =	sfence  }
0xb6: {  	s30 =	sld [smem:$0x0];
	_ =	sdelay $0x2  }
0xb7: {  	s31 =	sshll.u32 s1, $0xD;
	s1 =	sshrl.u32 s1, $0x2  }
0xb8: {  	s3 =	sand.u32 $0x4000, s31;
	s1 =	sadd.s32 s1, s30  }
0xb9: {  	s0 =	sor.u32 s3, s0;
	s1 =	sshll.u32 s1, $0x11  }
0xba: {  	s0 =	sor.u32 s1, s0  }
0xbb: {  	s0 =	sadd.s32 $0x8F2B, s0  }
0xbc: {  	[sflag:s0] =	ssyncadd.remote.s32 $0x1  }
0xbd: {  	_ =	sfence.sel $0xFFFF  }
0xbe: {  	[dreg:$0x0] =	wrdreg $0xFFFFFFFF;
	(pc) =	sbr.abs _section_cstart, $3  }
0xbf: {  	[dreg:$0x1] =	wrdreg $0xFFFFFFFF  }
0xc0: {  	_ =	task.clear_ibuf [dreg:s6], $0x2FFFF;
	_ =	strace $0x9FFFFFFF  }
0xc1: {  	(tm) =	ssettm $0x7FFFFFFF  }
tec
execute0_lowered:
.L_overlay_start_1:
0x0: {  	(tag) =	ssettag $0x1  }
0x1: {  	s1 =	srdreg.scid;
	s0 =	stileid.u32  }
0x2: {  	s5 =	rddreg [dreg:$0x0];
	s2 =	simm.s32 $0x0;
	s10 =	simm.s32 $0x5  }
0x3: {  	s11 =	simm.s32 $0x3200;
	s12 =	simm.s32 $0x80;
	s13 =	simm.s32 $0x6400  }
0x4: {  	s14 =	simm.s32 $0xA400;
	s15 =	simm.s32 $0x8400;
	s16 =	simm.s32 $0x3280  }
0x5: {  	s17 =	simm.s32 $0xC400;
	s18 =	simm.s32 $0xE400;
	s19 =	simm.s32 $0x12400  }
0x6: {  	s20 =	simm.s32 $0x10400;
	s21 =	simm.s32 $0x14400;
	s22 =	simm.s32 $0x1  }
0x7: {  	s23 =	simm.s32 $0x2;
	s1 =	sand.u32 $0x1, s1;
	s3 =	sshll.u32 s0, $0x1  }
0x8: {  	s24 =	simm.s32 $0x3;
	s25 =	simm.s32 $0x4;
	s8 =	sor.u32 s1, s3  }
0x9: {  	s26 =	simm.s32 $0x0;
	[smem:$0x7FF] =	sst s2;
	s3 =	smul.u32 $0x3200, s8  }
0xa: {  	s4 =	sadd.s32 $0x9600, s5;
	_ =	strace $0x80000047;
	s1 =	ssub.s32 $0x2, s1  }
0xb: {  	s7 =	sshrl.u32 s1, $0x1;
	s8 =	smul.u32 $0x190000, s8;
	s6 =	sshrl.u32 s3, $0x3  }
0xc: {  	s1 =	ssub.s32 s1, s7;
	s9 =	sadd.s32 s6, s5;
	s5 =	sadd.s32 $0x9D200, s5  }
0xd: {  	s6 =	sadd.s32 $0x77A00, s9;
	s7 =	sadd.s32 $0x6B200, s9;
	s9 =	smax.u32 s1, $0x1  }
.LBB2_1:
0xe: {  	[tilespmem:s2], [sflag:$0x5] =	stream.linear.gather [hbm4b:s6+s2], $0x3200, $0x38;
	[tilespmem:$0x16400] =	vst v63  }
0xf: {  	_ =	swait.ge [sflag:s10], $0x3200  }
0x10: {  	[sflag:s10] =	ssyncset.done $0x0  }
0x11: {  	[sflag:s10] =	ssyncadd.s32 $0xFFFFCE00  }
0x12: {  	[tilespmem:s11], [sflag:$0x5] =	stream.linear.gather [hbm4b:s7+s2], $0x3200, $0x38;
	[tilespmem:$0x16400] =	vst v63  }
0x13: {  	_ =	swait.ge [sflag:s10], $0x3200  }
0x14: {  	[sflag:s10] =	ssyncset.done $0x0  }
0x15: {  	[sflag:s10] =	ssyncadd.s32 $0xFFFFCE00  }
0x16: {  	[tilespmem:s13], [sflag:$0x1] =	stream.indirect.gather [hbm4b:s4+s12], $0x40, s2, s12, $0xb8;
	[tilespmem:$0x16400] =	vst v63  }
0x17: {  	_ = 	snop  }
0x18: {  	[tilespmem:s14], [sflag:$0x1] =	stream.indirect.gather [hbm4b:s4+s12], $0x40, s11, s12, $0xb8;
	[tilespmem:$0x16400] =	vst v63  }
0x19: {  	_ = 	snop  }
0x1a: {  	[tilespmem:s15], [sflag:$0x1] =	stream.indirect.gather [hbm4b:s4+s12], $0x40, s12, s12, $0xb8;
	[tilespmem:$0x16400] =	vst v63  }
0x1b: {  	s28 =	simm.s32 $0x0  }
0x1c: {  	[tilespmem:s17], [sflag:$0x1] =	stream.indirect.gather [hbm4b:s4+s12], $0x40, s16, s12, $0xb8;
	[tilespmem:$0x16400] =	vst v63  }
.LBB2_2:
0x1d: {  	p0 =	seq.s32 s28, $0x0  }
0x1e: {  	s1 =	simm.s32 @!p0 $0x4  }
0x1f: {  	_ =	swait.ge @!p0 [sflag:s1], $0x4000  }
0x20: {  	s30 =	sshll.u32 s28, $0x9;
	[sflag:s1] =	ssyncset.done @!p0 $0x0  }
0x21: {  	s29 =	sor.u32 $0x100, s30;
	[sflag:s1] =	ssyncadd.s32 @!p0 $0xFFFFC000  }
0x22: {  	[tilespmem:s18], [sflag:$0x2] =	stream.indirect.gather [hbm4b:s4+s12], $0x40, s29, s12, $0xb8;
	[tilespmem:$0x16400] =	vst v63  }
0x23: {  	s0 =	sadd.s32 $0x3300, s30  }
0x24: {  	[tilespmem:s19], [sflag:$0x2] =	stream.indirect.gather [hbm4b:s4+s12], $0x40, s0, s12, $0xb8;
	[tilespmem:$0x16400] =	vst v63  }
0x25: {  	s0 =	sor.u32 $0x180, s30  }
0x26: {  	[tilespmem:s20], [sflag:$0x2] =	stream.indirect.gather [hbm4b:s4+s12], $0x40, s0, s12, $0xb8;
	[tilespmem:$0x16400] =	vst v63  }
0x27: {  	s0 =	sadd.s32 $0x3380, s30  }
0x28: {  	[tilespmem:s21], [sflag:$0x2] =	stream.indirect.gather [hbm4b:s4+s12], $0x40, s0, s12, $0xb8;
	[tilespmem:$0x16400] =	vst v63  }
0x29: {  	_ =	swait.ge [sflag:s22], $0x2000  }
0x2a: {  	[sflag:s22] =	ssyncset.done $0x0  }
0x2b: {  	[sflag:s22] =	ssyncadd.s32 $0xFFFFE000  }
0x2c: {  	_ =	swait.ge [sflag:s22], $0x2000  }
0x2d: {  	[sflag:s22] =	ssyncset.done $0x0  }
0x2e: {  	[sflag:s22] =	ssyncadd.s32 $0xFFFFE000  }
0x2f: {  	_ =	swait.ge [sflag:s22], $0x2000  }
0x30: {  	[sflag:s22] =	ssyncset.done $0x0  }
0x31: {  	[sflag:s22] =	ssyncadd.s32 $0xFFFFE000  }
0x32: {  	_ =	swait.ge [sflag:s22], $0x2000  }
0x33: {  	[sflag:s22] =	ssyncset.done $0x0  }
0x34: {  	s31 =	simm.s32 $0x0;
	[sflag:s22] =	ssyncadd.s32 $0xFFFFE000  }
0x35: {  	v7 =	vld [tilespmem:s31+$0xA400]  }
0x36: {  	v11 =	vld [tilespmem:s31+$0xA410]  }
0x37: {  	v5 =	vld [tilespmem:s31+$0xA440]  }
0x38: {  	v4 =	vld [tilespmem:s31+$0xA450]  }
0x39: {  	v3 =	vld [tilespmem:s31+$0xA480]  }
0x3a: {  	v2 =	vld [tilespmem:s31+$0xA490]  }
0x3b: {  	v1 =	vld [tilespmem:s31+$0xA4C0]  }
0x3c: {  	v0 =	vld [tilespmem:s31+$0xA4D0]  }
0x3d: {  	v12 =	vld [tilespmem:s31+$0x6400]  }
0x3e: {  	v13 =	vld [tilespmem:s31+$0x6410]  }
0x3f: {  	v10 =	vld [tilespmem:s31+$0x6440]  }
0x40: {  	v9 =	vld [tilespmem:s31+$0x6450]  }
0x41: {  	v8 =	vld [tilespmem:s31+$0x6480]  }
0x42: {  	v6 =	vld [tilespmem:s31+$0x6490];
	v12 =	vadd.bf16 v7, v12  }
0x43: {  	s1 =	simm.s32 $0x400;
	v11 =	vadd.bf16 v11, v13;
	v7 =	vld [tilespmem:s31+$0x64C0]  }
.LBB2_3:
0x44: {  	s0 =	sshra.s32 s1, $0x2;
	p0 =	sne.s32 s1, $0xFC00;
	[tilespmem:s31+$0x6400] =	vst v12;
	v5 =	vadd.bf16 v5, v10;
	v10 =	vld [tilespmem:s31+$0x64D0]  }
0x45: {  	v12 =	vld [tilespmem:s0+$0xA400];
	[tilespmem:s31+$0x6410] =	vst v11;
	v4 =	vadd.bf16 v4, v9  }
0x46: {  	v11 =	vld [tilespmem:s0+$0xA410];
	[tilespmem:s31+$0x6440] =	vst v5;
	v3 =	vadd.bf16 v3, v8  }
0x47: {  	v5 =	vld [tilespmem:s0+$0xA440];
	[tilespmem:s31+$0x6450] =	vst v4;
	v2 =	vadd.bf16 v2, v6  }
0x48: {  	v4 =	vld [tilespmem:s0+$0xA450];
	[tilespmem:s31+$0x6480] =	vst v3;
	v1 =	vadd.bf16 v1, v7  }
0x49: {  	v3 =	vld [tilespmem:s0+$0xA480];
	[tilespmem:s31+$0x6490] =	vst v2;
	v0 =	vadd.bf16 v0, v10  }
0x4a: {  	v2 =	vld [tilespmem:s0+$0xA490];
	[tilespmem:s31+$0x64C0] =	vst v1  }
0x4b: {  	v1 =	vld [tilespmem:s0+$0xA4C0];
	[tilespmem:s31+$0x64D0] =	vst v0;
	s31 =	smov.u32 s0  }
0x4c: {  	v0 =	vld [tilespmem:s31+$0xA4D0]  }
0x4d: {  	v6 =	vld [tilespmem:s31+$0x6400]  }
0x4e: {  	v7 =	vld [tilespmem:s31+$0x6410]  }
.Ltmp0:
0x4f: {  	v10 =	vld [tilespmem:s31+$0x6440];
	(pc) =	sbr.rel @p0 .LBB2_3-.Ltmp0, $4  }
0x50: {  	v9 =	vld [tilespmem:s31+$0x6450]  }
0x51: {  	v8 =	vld [tilespmem:s31+$0x6480]  }
0x52: {  	v12 =	vadd.bf16 v12, v6;
	v6 =	vld [tilespmem:s31+$0x6490]  }
0x53: {  	s1 =	sadd.s32 $0x400, s1;
	v11 =	vadd.bf16 v11, v7;
	v7 =	vld [tilespmem:s31+$0x64C0]  }
0x54: {  	[tilespmem:s31+$0x6400] =	vst v12;
	v5 =	vadd.bf16 v5, v10;
	v10 =	vld [tilespmem:s31+$0x64D0]  }
0x55: {  	[tilespmem:s31+$0x6410] =	vst v11;
	v4 =	vadd.bf16 v4, v9  }
0x56: {  	[tilespmem:s31+$0x6440] =	vst v5;
	v3 =	vadd.bf16 v3, v8  }
0x57: {  	[tilespmem:s31+$0x6450] =	vst v4;
	v2 =	vadd.bf16 v2, v6  }
0x58: {  	s0 =	sshll.u32 s28, $0x10;
	[tilespmem:s31+$0x6480] =	vst v3;
	v1 =	vadd.bf16 v1, v7  }
0x59: {  	s0 =	sadd.s32 s8, s0;
	[tilespmem:s31+$0x6490] =	vst v2;
	v0 =	vadd.bf16 v0, v10  }
0x5a: {  	s0 =	sshrl.u32 s0, $0x4;
	[tilespmem:s31+$0x64C0] =	vst v1  }
0x5b: {  	p0 =	seq.s32 s28, $0x18;
	s0 =	sadd.s32 s5, s0;
	[tilespmem:s31+$0x64D0] =	vst v0  }
0x5c: {  	[hbm4b:s0+s2] =	stream.linear.scatter [tilespmem:s13], [sflag:$0x3], $0x4000, $0x38;
	[tilespmem:$0x16400] =	vst v63  }
0x5d: {  	s0 =	simm.s32 @!p0 $0x3  }
0x5e: {  	_ =	swait.ge @!p0 [sflag:s0], $0x4000  }
0x5f: {  	s1 =	sadd.s32 @!p0 $0x200, s30;
	[sflag:s0] =	ssyncset.done @!p0 $0x0  }
0x60: {  	s31 =	simm.s32 @!p0 $0x6400;
	[sflag:s0] =	ssyncadd.s32 @!p0 $0xFFFFC000;
	s0 =	simm.s32 @!p0 $0x80  }
0x61: {  	[tilespmem:s31], [sflag:$0x1] =	stream.indirect.gather @!p0 [hbm4b:s4+s0], $0x40, s1, s0, $0xb8;
	[tilespmem:$0x16400] =	vst v63  }
0x62: {  	s1 =	sadd.s32 @!p0 $0x3400, s30;
	s31 =	simm.s32 @!p0 $0xA400  }
0x63: {  	[tilespmem:s31], [sflag:$0x1] =	stream.indirect.gather @!p0 [hbm4b:s4+s0], $0x40, s1, s0, $0xb8;
	[tilespmem:$0x16400] =	vst v63  }
0x64: {  	s1 =	sadd.s32 @!p0 $0x280, s30;
	s31 =	simm.s32 @!p0 $0x8400  }
0x65: {  	[tilespmem:s31], [sflag:$0x1] =	stream.indirect.gather @!p0 [hbm4b:s4+s0], $0x40, s1, s0, $0xb8;
	[tilespmem:$0x16400] =	vst v63  }
0x66: {  	s1 =	sadd.s32 @!p0 $0x3480, s30;
	s30 =	simm.s32 @!p0 $0xC400  }
0x67: {  	[tilespmem:s30], [sflag:$0x1] =	stream.indirect.gather @!p0 [hbm4b:s4+s0], $0x40, s1, s0, $0xb8;
	[tilespmem:$0x16400] =	vst v63  }
0x68: {  	_ =	swait.ge [sflag:s23], $0x2000  }
0x69: {  	[sflag:s23] =	ssyncset.done $0x0  }
0x6a: {  	[sflag:s23] =	ssyncadd.s32 $0xFFFFE000  }
0x6b: {  	_ =	swait.ge [sflag:s23], $0x2000  }
0x6c: {  	[sflag:s23] =	ssyncset.done $0x0  }
0x6d: {  	[sflag:s23] =	ssyncadd.s32 $0xFFFFE000  }
0x6e: {  	_ =	swait.ge [sflag:s23], $0x2000  }
0x6f: {  	[sflag:s23] =	ssyncset.done $0x0  }
0x70: {  	[sflag:s23] =	ssyncadd.s32 $0xFFFFE000  }
0x71: {  	_ =	swait.ge [sflag:s23], $0x2000  }
0x72: {  	[sflag:s23] =	ssyncset.done $0x0  }
0x73: {  	s30 =	simm.s32 $0x0;
	[sflag:s23] =	ssyncadd.s32 $0xFFFFE000  }
0x74: {  	v7 =	vld [tilespmem:s30+$0x12400]  }
0x75: {  	v11 =	vld [tilespmem:s30+$0x12410]  }
0x76: {  	v5 =	vld [tilespmem:s30+$0x12440]  }
0x77: {  	v4 =	vld [tilespmem:s30+$0x12450]  }
0x78: {  	v3 =	vld [tilespmem:s30+$0x12480]  }
0x79: {  	v2 =	vld [tilespmem:s30+$0x12490]  }
0x7a: {  	v1 =	vld [tilespmem:s30+$0x124C0]  }
0x7b: {  	v0 =	vld [tilespmem:s30+$0x124D0]  }
0x7c: {  	v12 =	vld [tilespmem:s30+$0xE400]  }
0x7d: {  	v13 =	vld [tilespmem:s30+$0xE410]  }
0x7e: {  	v10 =	vld [tilespmem:s30+$0xE440]  }
0x7f: {  	v9 =	vld [tilespmem:s30+$0xE450]  }
0x80: {  	v8 =	vld [tilespmem:s30+$0xE480]  }
0x81: {  	v6 =	vld [tilespmem:s30+$0xE490];
	v12 =	vadd.bf16 v7, v12  }
0x82: {  	s1 =	simm.s32 $0x400;
	v11 =	vadd.bf16 v11, v13;
	v7 =	vld [tilespmem:s30+$0xE4C0]  }
.LBB2_5:
0x83: {  	s0 =	sshra.s32 s1, $0x2;
	p0 =	sne.s32 s1, $0xFC00;
	[tilespmem:s30+$0xE400] =	vst v12;
	v5 =	vadd.bf16 v5, v10;
	v10 =	vld [tilespmem:s30+$0xE4D0]  }
0x84: {  	v12 =	vld [tilespmem:s0+$0x12400];
	[tilespmem:s30+$0xE410] =	vst v11;
	v4 =	vadd.bf16 v4, v9  }
0x85: {  	v11 =	vld [tilespmem:s0+$0x12410];
	[tilespmem:s30+$0xE440] =	vst v5;
	v3 =	vadd.bf16 v3, v8  }
0x86: {  	v5 =	vld [tilespmem:s0+$0x12440];
	[tilespmem:s30+$0xE450] =	vst v4;
	v2 =	vadd.bf16 v2, v6  }
0x87: {  	v4 =	vld [tilespmem:s0+$0x12450];
	[tilespmem:s30+$0xE480] =	vst v3;
	v1 =	vadd.bf16 v1, v7  }
0x88: {  	v3 =	vld [tilespmem:s0+$0x12480];
	[tilespmem:s30+$0xE490] =	vst v2;
	v0 =	vadd.bf16 v0, v10  }
0x89: {  	v2 =	vld [tilespmem:s0+$0x12490];
	[tilespmem:s30+$0xE4C0] =	vst v1  }
0x8a: {  	v1 =	vld [tilespmem:s0+$0x124C0];
	[tilespmem:s30+$0xE4D0] =	vst v0;
	s30 =	smov.u32 s0  }
0x8b: {  	v0 =	vld [tilespmem:s30+$0x124D0]  }
0x8c: {  	v6 =	vld [tilespmem:s30+$0xE400]  }
0x8d: {  	v7 =	vld [tilespmem:s30+$0xE410]  }
.Ltmp1:
0x8e: {  	v10 =	vld [tilespmem:s30+$0xE440];
	(pc) =	sbr.rel @p0 .LBB2_5-.Ltmp1, $4  }
0x8f: {  	v9 =	vld [tilespmem:s30+$0xE450]  }
0x90: {  	v8 =	vld [tilespmem:s30+$0xE480]  }
0x91: {  	v12 =	vadd.bf16 v12, v6;
	v6 =	vld [tilespmem:s30+$0xE490]  }
0x92: {  	s1 =	sadd.s32 $0x400, s1;
	v11 =	vadd.bf16 v11, v7;
	v7 =	vld [tilespmem:s30+$0xE4C0]  }
0x93: {  	[tilespmem:s30+$0xE400] =	vst v12;
	v5 =	vadd.bf16 v5, v10;
	v63 =	vld [tilespmem:s30+$0xE4D0]  }
0x94: {  	[tilespmem:s30+$0xE410] =	vst v11;
	v4 =	vadd.bf16 v4, v9  }
0x95: {  	s28 =	sadd.s32 $0x1, s28;
	[tilespmem:s30+$0xE440] =	vst v5;
	v3 =	vadd.bf16 v3, v8  }
0x96: {  	p0 =	sne.s32 s28, $0x19;
	[tilespmem:s30+$0xE450] =	vst v4;
	v2 =	vadd.bf16 v2, v6  }
.Ltmp2:
0x97: {  	s0 =	sadd.s32 s3, s29;
	[tilespmem:s30+$0xE480] =	vst v3;
	v1 =	vadd.bf16 v1, v7;
	(pc) =	sbr.rel @p0 .LBB2_2-.Ltmp2, $4  }
0x98: {  	s0 =	sshll.u32 s0, $0x3;
	[tilespmem:s30+$0xE490] =	vst v2;
	v0 =	vadd.bf16 v0, v63  }
0x99: {  	s0 =	sand.u32 $0xFFFF800, s0;
	[tilespmem:s30+$0xE4C0] =	vst v1  }
0x9a: {  	s0 =	sadd.s32 s5, s0;
	[tilespmem:s30+$0xE4D0] =	vst v0  }
0x9b: {  	[hbm4b:s0+s2] =	stream.linear.scatter [tilespmem:s18], [sflag:$0x4], $0x4000, $0x38;
	[tilespmem:$0x16400] =	vst v63  }
0x9c: {  	s26 =	sadd.s32 $0x1, s26  }
0x9d: {  	_ =	swait.ge [sflag:s24], $0x4000;
	p0 =	sne.s32 s26, s9  }
.Ltmp3:
0x9e: {  	[sflag:s24] =	ssyncset.done $0x0;
	(pc) =	sbr.rel @p0 .LBB2_1-.Ltmp3, $4  }
0x9f: {  	[sflag:s24] =	ssyncadd.s32 $0xFFFFC000  }
0xa0: {  	_ =	swait.ge [sflag:s25], $0x4000  }
0xa1: {  	[sflag:s25] =	ssyncset.done $0x0  }
0xa2: {  	[sflag:s25] =	ssyncadd.s32 $0xFFFFC000  }
0xa3: {  	_ =	sfence.sel $0x180000  }
0xa4: {  	[bflag:$0x0] =	sbarrier.arrive $0xFFFF  }
0xa5: {  	_ =	strace $0x90000047  }
0xa6: {  	s0 =	stileid.u32;
	[bflag:$0x2] =	sbarrier.arrive $0xFFFF  }
0xa7: {  	p0 =	sne.s32 s0, $0x0;
	s0 =	rddreg [dreg:$0x1]  }
0xa8: {  	s0 =	sadd.s32 @!p0 $0x100000, s0  }
0xa9: {  	[sflag:s0] =	ssyncadd.tile.s32 @!p0 $0x1;
	_ =	shalt  }
.Lfunc_end2:
_tile_overlayer_lowered:
.L_overlay_start_2:
0xaa: {  	(tag) =	ssettag $0x2  }
0xab: {  	s0 =	rddreg [dreg:$0x0];
	s2 =	stileid.u32  }
0xac: {  	s1 =	rddreg [dreg:$0x1];
	p0 =	sne.s32 s2, $0x0  }
0xad: {  	s3 =	rddreg [dreg:$0x2];
	[bflag:$0x3] =	sbarrier.arrive $0xFFFF;
	s2 =	simm.s32 @!p0 $0x1C05  }
0xae: {  	[timem:s3], [sflag:s2] =	dma.local @!p0 [hbm:s0], s1  }
0xaf: {  	s0 =	simm.s32 @!p0 $0x5  }
0xb0: {  	_ =	swait.ge @!p0 [sflag:s0], s1  }
0xb1: {  	s1 =	ssub.s32 @!p0 $0x0, s1;
	[sflag:s0] =	ssyncset.done @!p0 $0x0  }
0xb2: {  	[sflag:s0] =	ssyncadd.s32 @!p0 s1  }
0xb3: {  	[bflag:$0x3] =	sbarrier.arrive $0xFFFF  }
0xb4: {  	_ =	shalt  }

// kernel: kernel.13.cloned.1.call-start
scs
__scs_entry_jumppad:
0x0: {  	(pc) =	sbr.rel $0x88, $3  }
0x1: {  	(tag) =	ssettag $0x0;
	lr =	simm.s32 $0x1  }
0x2: {  	[smem:$0x3F7D] =	sst lr;
	_ =	strace $0xD0000000  }
0x3: {  	_ = 	snop  }
0x4: {  	_ = 	snop  }
0x5: {  	_ = 	snop  }
0x6: {  	_ = 	snop  }
0x7: {  	_ = 	snop  }
__scs_overlays_trampoline_lowered:
0x8: {  	[smem:$0x3F8C] =	sst s0  }
0x9: {  	[smem:$0x3F8D] =	sst s1  }
0xa: {  	[smem:$0x3F8E] =	sst s2  }
0xb: {  	[smem:$0x3F8F] =	sst s3  }
0xc: {  	[smem:$0x3F90] =	sst s4  }
0xd: {  	[smem:$0x3F91] =	sst s5  }
0xe: {  	[smem:$0x3F92] =	sst s6  }
0xf: {  	[smem:$0x3F93] =	sst s7  }
0x10: {  	[smem:$0x3F94] =	sst s8  }
0x11: {  	[smem:$0x3F95] =	sst s9;
	s0 =	simm.s32 @!p0 $0x0  }
0x12: {  	s1 =	sld [smem:$0x3F7B];
	s0 =	simm.s32 @p0 $0x1  }
0x13: {  	[smem:$0x3F96] =	sst s0;
	s0 =	simm.s32 @!p1 $0x0  }
0x14: {  	s2 =	sld [smem:$0x3F7A];
	s0 =	simm.s32 @p1 $0x1  }
0x15: {  	[smem:$0x3F97] =	sst s0;
	s0 =	simm.s32 @!p2 $0x0  }
0x16: {  	s3 =	sld [smem:$0x3FDB];
	s0 =	simm.s32 @p2 $0x1  }
0x17: {  	s4 =	simm.s32 $0x1BF5;
	[smem:$0x3F99] =	sst s0  }
0x18: {  	s0 =	sld [smem:$0x3F7C];
	_ =	swait.ge [sflag:s4], $0x0  }
0x19: {  	s7 =	sld [smem:$0x3F7D]  }
0x1a: {  	s8 =	sadd.s32 $0xFFFFE003, lr  }
0x1b: {  	s9 =	sadd.s32 $0xFFFFFEF7, lr;
	s5 =	simm.s32 $0xFFFFFFFF;
	p2 =	slt.u32 s8, $0xFFFFF086  }
0x1c: {  	p1 =	slt.u32 s9, $0xF7A;
	s5 =	simm.s32 @!p2 $0x0  }
0x1d: {  	s5 =	simm.s32 @p1 $0x1;
	p0 =	seq.s32 s7, s2  }
0x1e: {  	s7 =	smul.u32 @!p0 $0xF7A, s2;
	p2 =	seq.s32 @!p0 s5, $0x0  }
0x1f: {  	s9 =	smul.u32 $0xF7A, s1;
	s8 =	simm.s32 @!p0 $0x1BF5;
	p2 =	por !p2, p0  }
0x20: {  	[sflag:s8] =	ssyncset.s32 @!p0 $0xFFFFF086;
	s6 =	sadd.s32 @!p0 s3, s7;
	s7 =	simm.s32 @!p0 $0x108  }
0x21: {  	s3 =	sadd.s32 s3, s9;
	s6 =	sadd.s32 @!p0 $0x88, s6;
	s7 =	simm.s32 @p2 $0x1082  }
0x22: {  	[simem:s7], [sflag:s8] =	dma.local @!p0 [hbm:s6], $0xF7A  }
0x23: {  	s9 =	sor.u32 $0xD0000000, s2;
	s6 =	simm.s32 $0x108;
	_ =	swait.ge @!p0 [sflag:s8], $0x0  }
0x24: {  	s3 =	sadd.s32 $0x88, s3;
	s6 =	simm.s32 @!p1 $0x1082;
	[sflag:s4] =	ssyncset.s32 $0xFFFFF086  }
0x25: {  	[simem:s6], [sflag:s4] =	dma.local [hbm:s3], $0xF7A  }
0x26: {  	[smem:$0x3F7D] =	sst s1;
	(tag) =	ssettag s2;
	_ =	strace s9  }
0x27: {  	s1 =	sld [smem:$0x3F8D]  }
0x28: {  	s2 =	sld [smem:$0x3F8E]  }
0x29: {  	s4 =	sld [smem:$0x3F90]  }
0x2a: {  	p0 =	seq.s32 s5, $0x0;
	s5 =	sld [smem:$0x3F91]  }
0x2b: {  	s6 =	sld [smem:$0x3F92]  }
0x2c: {  	s7 =	sld [smem:$0x3F93]  }
0x2d: {  	s3 =	simm.s32 $0x108;
	s8 =	sld [smem:$0x3F94]  }
0x2e: {  	s3 =	simm.s32 @!p0 $0x1082;
	s9 =	sld [smem:$0x3F95]  }
0x2f: {  	lr =	sadd.s32 s0, s3;
	s0 =	sld [smem:$0x3F8C]  }
0x30: {  	s3 =	sld [smem:$0x3F8F]  }
0x31: {  	[smem:$0x3F98] =	sst s10  }
0x32: {  	s10 =	sld [smem:$0x3F96];
	_ =	sdelay $0x3  }
0x33: {  	p0 =	seq.s32 s10, $0x1;
	s10 =	sld [smem:$0x3F98];
	_ =	sdelay $0x3  }
0x34: {  	[smem:$0x3F98] =	sst s10  }
0x35: {  	s10 =	sld [smem:$0x3F97];
	_ =	sdelay $0x3  }
0x36: {  	p1 =	seq.s32 s10, $0x1;
	s10 =	sld [smem:$0x3F98];
	_ =	sdelay $0x3  }
0x37: {  	[smem:$0x3F98] =	sst s10  }
0x38: {  	s10 =	sld [smem:$0x3F99]  }
0x39: {  	_ = 	snop;
	(pc) =	sbr.ind lr, $3  }
0x3a: {  	_ = 	snop  }
0x3b: {  	_ = 	snop  }
0x3c: {  	p2 =	seq.s32 s10, $0x1;
	s10 =	sld [smem:$0x3F98]  }
0x3d: {  	_ =	shalt  }
0x3e: {  	_ =	shalt  }
0x3f: {  	_ =	shalt  }
0x40: {  	_ =	shalt  }
0x41: {  	_ =	shalt  }
0x42: {  	_ =	shalt  }
0x43: {  	_ =	shalt  }
0x44: {  	_ =	shalt  }
0x45: {  	_ =	shalt  }
0x46: {  	_ =	shalt  }
0x47: {  	_ =	shalt  }
0x48: {  	_ =	shalt  }
0x49: {  	_ =	shalt  }
0x4a: {  	_ =	shalt  }
0x4b: {  	_ =	shalt  }
0x4c: {  	_ =	shalt  }
0x4d: {  	_ =	shalt  }
0x4e: {  	_ =	shalt  }
0x4f: {  	_ =	shalt  }
0x50: {  	_ =	shalt  }
0x51: {  	_ =	shalt  }
0x52: {  	_ =	shalt  }
0x53: {  	_ =	shalt  }
0x54: {  	_ =	shalt  }
0x55: {  	_ =	shalt  }
0x56: {  	_ =	shalt  }
0x57: {  	_ =	shalt  }
0x58: {  	_ =	shalt  }
0x59: {  	_ =	shalt  }
0x5a: {  	_ =	shalt  }
0x5b: {  	_ =	shalt  }
0x5c: {  	_ =	shalt  }
0x5d: {  	_ =	shalt  }
0x5e: {  	_ =	shalt  }
0x5f: {  	_ =	shalt  }
0x60: {  	_ =	shalt  }
0x61: {  	_ =	shalt  }
0x62: {  	_ =	shalt  }
0x63: {  	_ =	shalt  }
0x64: {  	_ =	shalt  }
0x65: {  	_ =	shalt  }
0x66: {  	_ =	shalt  }
0x67: {  	_ =	shalt  }
0x68: {  	_ =	shalt  }
0x69: {  	_ =	shalt  }
0x6a: {  	_ =	shalt  }
0x6b: {  	_ =	shalt  }
0x6c: {  	_ =	shalt  }
0x6d: {  	_ =	shalt  }
0x6e: {  	_ =	shalt  }
0x6f: {  	_ =	shalt  }
0x70: {  	_ =	shalt  }
0x71: {  	_ =	shalt  }
0x72: {  	_ =	shalt  }
0x73: {  	_ =	shalt  }
0x74: {  	_ =	shalt  }
0x75: {  	_ =	shalt  }
0x76: {  	_ =	shalt  }
0x77: {  	_ =	shalt  }
0x78: {  	_ =	shalt  }
0x79: {  	_ =	shalt  }
0x7a: {  	_ =	shalt  }
0x7b: {  	_ =	shalt  }
0x7c: {  	_ =	shalt  }
0x7d: {  	_ =	shalt  }
0x7e: {  	_ =	shalt  }
0x7f: {  	_ =	shalt  }
0x80: {  	_ =	shalt  }
0x81: {  	_ =	shalt  }
0x82: {  	_ =	shalt  }
0x83: {  	_ =	shalt  }
0x84: {  	_ =	shalt  }
0x85: {  	_ =	shalt  }
0x86: {  	_ =	shalt  }
0x87: {  	_ =	shalt  }
.Lfunc_end0:
.L_simem_size_0:
called_computation.1_lowered:
.L_overlay_start_0:
0x88: {  	s2 =	sld [smem:$0x3FD9]  }
0x89: {  	s3 =	sld [smem:$0x3FFE];
	_ =	sdelay $0x1  }
0x8a: {  	s1 =	srdreg.scid  }
0x8b: {  	s0 =	sand.u32 $0x1, s1  }
0x8c: {  	s17 =	sshll.u32 s0, $0xA;
	s2 =	sadd.s32 s3, s2  }
0x8d: {  	s2 =	sadd.s32 s2, s17  }
0x8e: {  	[smem:$0x3FA4] =	sst s2  }
0x8f: {  	_ = 	snop  }
0x90: {  	(tm) =	ssettm $0x1  }
0x91: {  	s18 =	sld [smem:$0x3FFB];
	_ =	sdelay $0x3  }
0x92: {  	_ =	strace s18  }
0x93: {  	s2 =	sld [smem:$0x3FFC];
	_ =	sdelay $0x3  }
0x94: {  	_ =	strace s2  }
0x95: {  	s2 =	sld [smem:$0x3FFD];
	_ =	sdelay $0x3  }
0x96: {  	_ =	strace s2  }
0x97: {  	_ =	strace $0x8FFFFFFF  }
0x98: {  	s19 =	sld [smem:$0x3FDB];
	_ =	sdelay $0x1  }
0x99: {  	s20 =	simm.s32 $_scs_section_size  }
0x9a: {  	s4 =	simm.s32 $_size__tile_overlayer_lowered;
	s5 =	simm.s32 $_tile_overlayer_lowered  }
0x9b: {  	s6 =	simm.s32 $0x1BFF;
	s21 =	sshll.u32 s5, $0x1;
	s3 =	sadd.s32 s20, s19  }
0x9c: {  	s22 =	simm.s32 $0x0;
	s4 =	sshll.u32 s4, $0x1;
	s5 =	sadd.s32 s21, s3  }
0x9d: {  	[timem:s22], [sflag:s6] =	dma.local [hbm:s5], s4  }
0x9e: {  	_ =	swait.ge [sflag:s6], s4  }
0x9f: {  	s4 =	ssub.s32 $0x0, s4;
	[sflag:s6] =	ssyncset.done $0x0  }
0xa0: {  	[sflag:s6] =	ssyncadd.s32 s4;
	_ =	sdelay $0x1  }
0xa1: {  	s23 =	simm.s32 $0x1B8B  }
0xa2: {  	_ =	swait.ge [sflag:s23], $0x1  }
0xa3: {  	[sflag:s23] =	ssyncset.done $0x0  }
0xa4: {  	[sflag:s23] =	ssyncadd.s32 $0xFFFFFFFF  }
0xa5: {  	s4 =	sld [smem:$0x0]  }
0xa6: {  	s5 =	sand.u32 $0xFFFFFFFE, s1  }
0xa7: {  	p0 =	sne.s32 s1, s5  }
0xa8: {  	s5 =	sshll.u32 @p0 s5, $0xE  }
0xa9: {  	s5 =	sadd.s32 @p0 $0x11B8D, s5;
	s6 =	sshll.u32 @p0 s4, $0x11  }
0xaa: {  	s5 =	sor.u32 @p0 s6, s5  }
0xab: {  	[sflag:s5] =	ssyncadd.remote.s32 @p0 $0x1;
	_ =	sdelay $0x1  }
0xac: {  	s5 =	simm.s32 @p0 $0x1B8D  }
0xad: {  	_ =	swait.eq @p0 [sflag:s5], $0x1  }
0xae: {  	[sflag:s5] =	ssyncadd.s32 @p0 $0xFFFFFFFF  }
0xaf: {  	s6 =	sshll.u32 @!p0 s1, $0xE  }
0xb0: {  	s6 =	sor.u32 @!p0 $0x4000, s6;
	s5 =	simm.s32 @!p0 $0x1B8D  }
0xb1: {  	s4 =	sshll.u32 @!p0 s4, $0x11;
	s6 =	sadd.s32 @!p0 $0x11B8D, s6;
	_ =	swait.eq @!p0 [sflag:s5], $0x1  }
0xb2: {  	s4 =	sor.u32 @!p0 s4, s6;
	[sflag:s5] =	ssyncadd.s32 @!p0 $0xFFFFFFFF  }
0xb3: {  	s25 =	simm.s32 $0x1B8E;
	s24 =	sld [smem:$0x3FFE];
	[sflag:s4] =	ssyncadd.remote.s32 @!p0 $0x1  }
0xb4: {  	s26 =	simm.s32 $execute0_lowered;
	[smem:$0x3FD2] =	sst s25  }
0xb5: {  	s5 =	sshll.u32 s26, $0x1;
	_ =	strace $0x80000049;
	[dreg:$0x1] =	wrdreg $0xFFFFFFFF  }
0xb6: {  	s28 =	simm.s32 $_size_execute0_lowered;
	s3 =	sadd.s32 s3, s5;
	[dreg:$0x0] =	wrdreg $0x0  }
0xb7: {  	s5 =	sshll.u32 s28, $0x1;
	[dreg:$0x2] =	wrdreg s3  }
0xb8: {  	[dreg:$0x3] =	wrdreg s5  }
0xb9: {  	[dreg:$0x4] =	wrdreg $0xC0  }
0xba: {  	_ =	task [dreg:s22], $0x5FFFF  }
0xbb: {  	[dreg:$0x1] =	wrdreg $0xFFFFFFFF  }
0xbc: {  	[dreg:$0x0] =	wrdreg $0x60  }
0xbd: {  	[dreg:$0x2] =	wrdreg s24  }
0xbe: {  	[dreg:$0x3] =	wrdreg $0xA  }
0xbf: {  	_ =	task.clear_ibuf [dreg:s22], $0x4FFFF;
	_ =	strace $0x90000049  }
0xc0: {  	s29 =	simm.s32 $0xA;
	_ =	strace $0x8000004B  }
0xc1: {  	_ =	swait.ge [sflag:s29], $0x1  }
0xc2: {  	[sflag:s29] =	ssyncadd.s32 $0xFFFFFFFF  }
0xc3: {  	_ =	strace $0x9000004B  }
0xc4: {  	_ =	sfence  }
0xc5: {  	s30 =	sld [smem:$0x0];
	_ =	sdelay $0x2  }
0xc6: {  	s31 =	sshll.u32 s1, $0xD;
	s1 =	sshrl.u32 s1, $0x2  }
0xc7: {  	s4 =	sand.u32 $0x4000, s31;
	s1 =	sadd.s32 s1, s30  }
0xc8: {  	s0 =	sor.u32 s4, s0;
	s1 =	sshll.u32 s1, $0x11  }
0xc9: {  	s0 =	sor.u32 s1, s0  }
0xca: {  	s0 =	sadd.s32 $0x8F2B, s0  }
0xcb: {  	[sflag:s0] =	ssyncadd.remote.s32 $0x1  }
0xcc: {  	_ =	sfence.sel $0xFFFF  }
0xcd: {  	[dreg:$0x0] =	wrdreg $0xFFFFFFFF;
	(pc) =	sbr.abs _section_cstart, $3  }
0xce: {  	[dreg:$0x1] =	wrdreg $0xFFFFFFFF  }
0xcf: {  	_ =	task.clear_ibuf [dreg:s22], $0x2FFFF;
	_ =	strace $0x9FFFFFFF  }
0xd0: {  	(tm) =	ssettm $0x7FFFFFFF  }
0xd1: {  	_ =	shalt  }
tec
execute0_lowered:
.L_overlay_start_1:
0x0: {  	(tag) =	ssettag $0x1  }
0x1: {  	s1 =	srdreg.scid;
	s0 =	stileid.u32  }
0x2: {  	s5 =	rddreg [dreg:$0x0];
	s2 =	simm.s32 $0x0;
	s10 =	simm.s32 $0x5  }
0x3: {  	s11 =	simm.s32 $0x3200;
	s12 =	simm.s32 $0x80;
	s13 =	simm.s32 $0x6400  }
0x4: {  	s14 =	simm.s32 $0xA400;
	s15 =	simm.s32 $0x8400;
	s16 =	simm.s32 $0x3280  }
0x5: {  	s17 =	simm.s32 $0xC400;
	s18 =	simm.s32 $0xE400;
	s19 =	simm.s32 $0x12400  }
0x6: {  	s20 =	simm.s32 $0x10400;
	s21 =	simm.s32 $0x14400;
	s22 =	simm.s32 $0x1  }
0x7: {  	s23 =	simm.s32 $0x2;
	s1 =	sand.u32 $0x1, s1;
	s3 =	sshll.u32 s0, $0x1  }
0x8: {  	s24 =	simm.s32 $0x3;
	s25 =	simm.s32 $0x4;
	s8 =	sor.u32 s1, s3  }
0x9: {  	s26 =	simm.s32 $0x0;
	[smem:$0x7FF] =	sst s2;
	s3 =	smul.u32 $0x3200, s8  }
0xa: {  	s4 =	sadd.s32 $0x9600, s5;
	_ =	strace $0x8000004A;
	s1 =	ssub.s32 $0x2, s1  }
0xb: {  	s7 =	sshrl.u32 s1, $0x1;
	s8 =	smul.u32 $0x190000, s8;
	s6 =	sshrl.u32 s3, $0x3  }
0xc: {  	s1 =	ssub.s32 s1, s7;
	s9 =	sadd.s32 s6, s5;
	s5 =	sadd.s32 $0x3BD200, s5  }
0xd: {  	s6 =	sadd.s32 $0x90A00, s9;
	s7 =	sadd.s32 $0x84200, s9;
	s9 =	smax.u32 s1, $0x1  }
.LBB2_1:
0xe: {  	[tilespmem:s2], [sflag:$0x5] =	stream.linear.gather [hbm4b:s6+s2], $0x3200, $0x38;
	[tilespmem:$0x16400] =	vst v63  }
0xf: {  	_ =	swait.ge [sflag:s10], $0x3200  }
0x10: {  	[sflag:s10] =	ssyncset.done $0x0  }
0x11: {  	[sflag:s10] =	ssyncadd.s32 $0xFFFFCE00  }
0x12: {  	[tilespmem:s11], [sflag:$0x5] =	stream.linear.gather [hbm4b:s7+s2], $0x3200, $0x38;
	[tilespmem:$0x16400] =	vst v63  }
0x13: {  	_ =	swait.ge [sflag:s10], $0x3200  }
0x14: {  	[sflag:s10] =	ssyncset.done $0x0  }
0x15: {  	[sflag:s10] =	ssyncadd.s32 $0xFFFFCE00  }
0x16: {  	[tilespmem:s13], [sflag:$0x1] =	stream.indirect.gather [hbm4b:s4+s12], $0x40, s2, s12, $0xb8;
	[tilespmem:$0x16400] =	vst v63  }
0x17: {  	_ = 	snop  }
0x18: {  	[tilespmem:s14], [sflag:$0x1] =	stream.indirect.gather [hbm4b:s4+s12], $0x40, s11, s12, $0xb8;
	[tilespmem:$0x16400] =	vst v63  }
0x19: {  	_ = 	snop  }
0x1a: {  	[tilespmem:s15], [sflag:$0x1] =	stream.indirect.gather [hbm4b:s4+s12], $0x40, s12, s12, $0xb8;
	[tilespmem:$0x16400] =	vst v63  }
0x1b: {  	s28 =	simm.s32 $0x0  }
0x1c: {  	[tilespmem:s17], [sflag:$0x1] =	stream.indirect.gather [hbm4b:s4+s12], $0x40, s16, s12, $0xb8;
	[tilespmem:$0x16400] =	vst v63  }
.LBB2_2:
0x1d: {  	p0 =	seq.s32 s28, $0x0  }
0x1e: {  	s1 =	simm.s32 @!p0 $0x4  }
0x1f: {  	_ =	swait.ge @!p0 [sflag:s1], $0x4000  }
0x20: {  	s30 =	sshll.u32 s28, $0x9;
	[sflag:s1] =	ssyncset.done @!p0 $0x0  }
0x21: {  	s29 =	sor.u32 $0x100, s30;
	[sflag:s1] =	ssyncadd.s32 @!p0 $0xFFFFC000  }
0x22: {  	[tilespmem:s18], [sflag:$0x2] =	stream.indirect.gather [hbm4b:s4+s12], $0x40, s29, s12, $0xb8;
	[tilespmem:$0x16400] =	vst v63  }
0x23: {  	s0 =	sadd.s32 $0x3300, s30  }
0x24: {  	[tilespmem:s19], [sflag:$0x2] =	stream.indirect.gather [hbm4b:s4+s12], $0x40, s0, s12, $0xb8;
	[tilespmem:$0x16400] =	vst v63  }
0x25: {  	s0 =	sor.u32 $0x180, s30  }
0x26: {  	[tilespmem:s20], [sflag:$0x2] =	stream.indirect.gather [hbm4b:s4+s12], $0x40, s0, s12, $0xb8;
	[tilespmem:$0x16400] =	vst v63  }
0x27: {  	s0 =	sadd.s32 $0x3380, s30  }
0x28: {  	[tilespmem:s21], [sflag:$0x2] =	stream.indirect.gather [hbm4b:s4+s12], $0x40, s0, s12, $0xb8;
	[tilespmem:$0x16400] =	vst v63  }
0x29: {  	_ =	swait.ge [sflag:s22], $0x2000  }
0x2a: {  	[sflag:s22] =	ssyncset.done $0x0  }
0x2b: {  	[sflag:s22] =	ssyncadd.s32 $0xFFFFE000  }
0x2c: {  	_ =	swait.ge [sflag:s22], $0x2000  }
0x2d: {  	[sflag:s22] =	ssyncset.done $0x0  }
0x2e: {  	[sflag:s22] =	ssyncadd.s32 $0xFFFFE000  }
0x2f: {  	_ =	swait.ge [sflag:s22], $0x2000  }
0x30: {  	[sflag:s22] =	ssyncset.done $0x0  }
0x31: {  	[sflag:s22] =	ssyncadd.s32 $0xFFFFE000  }
0x32: {  	_ =	swait.ge [sflag:s22], $0x2000  }
0x33: {  	[sflag:s22] =	ssyncset.done $0x0  }
0x34: {  	s31 =	simm.s32 $0x0;
	[sflag:s22] =	ssyncadd.s32 $0xFFFFE000  }
0x35: {  	v7 =	vld [tilespmem:s31+$0xA400]  }
0x36: {  	v11 =	vld [tilespmem:s31+$0xA410]  }
0x37: {  	v5 =	vld [tilespmem:s31+$0xA440]  }
0x38: {  	v4 =	vld [tilespmem:s31+$0xA450]  }
0x39: {  	v3 =	vld [tilespmem:s31+$0xA480]  }
0x3a: {  	v2 =	vld [tilespmem:s31+$0xA490]  }
0x3b: {  	v1 =	vld [tilespmem:s31+$0xA4C0]  }
0x3c: {  	v0 =	vld [tilespmem:s31+$0xA4D0]  }
0x3d: {  	v12 =	vld [tilespmem:s31+$0x6400]  }
0x3e: {  	v13 =	vld [tilespmem:s31+$0x6410]  }
0x3f: {  	v10 =	vld [tilespmem:s31+$0x6440]  }
0x40: {  	v9 =	vld [tilespmem:s31+$0x6450]  }
0x41: {  	v8 =	vld [tilespmem:s31+$0x6480]  }
0x42: {  	v6 =	vld [tilespmem:s31+$0x6490];
	v12 =	vadd.bf16 v7, v12  }
0x43: {  	s1 =	simm.s32 $0x400;
	v11 =	vadd.bf16 v11, v13;
	v7 =	vld [tilespmem:s31+$0x64C0]  }
.LBB2_3:
0x44: {  	s0 =	sshra.s32 s1, $0x2;
	p0 =	sne.s32 s1, $0xFC00;
	[tilespmem:s31+$0x6400] =	vst v12;
	v5 =	vadd.bf16 v5, v10;
	v10 =	vld [tilespmem:s31+$0x64D0]  }
0x45: {  	v12 =	vld [tilespmem:s0+$0xA400];
	[tilespmem:s31+$0x6410] =	vst v11;
	v4 =	vadd.bf16 v4, v9  }
0x46: {  	v11 =	vld [tilespmem:s0+$0xA410];
	[tilespmem:s31+$0x6440] =	vst v5;
	v3 =	vadd.bf16 v3, v8  }
0x47: {  	v5 =	vld [tilespmem:s0+$0xA440];
	[tilespmem:s31+$0x6450] =	vst v4;
	v2 =	vadd.bf16 v2, v6  }
0x48: {  	v4 =	vld [tilespmem:s0+$0xA450];
	[tilespmem:s31+$0x6480] =	vst v3;
	v1 =	vadd.bf16 v1, v7  }
0x49: {  	v3 =	vld [tilespmem:s0+$0xA480];
	[tilespmem:s31+$0x6490] =	vst v2;
	v0 =	vadd.bf16 v0, v10  }
0x4a: {  	v2 =	vld [tilespmem:s0+$0xA490];
	[tilespmem:s31+$0x64C0] =	vst v1  }
0x4b: {  	v1 =	vld [tilespmem:s0+$0xA4C0];
	[tilespmem:s31+$0x64D0] =	vst v0;
	s31 =	smov.u32 s0  }
0x4c: {  	v0 =	vld [tilespmem:s31+$0xA4D0]  }
0x4d: {  	v6 =	vld [tilespmem:s31+$0x6400]  }
0x4e: {  	v7 =	vld [tilespmem:s31+$0x6410]  }
.Ltmp0:
0x4f: {  	v10 =	vld [tilespmem:s31+$0x6440];
	(pc) =	sbr.rel @p0 .LBB2_3-.Ltmp0, $4  }
0x50: {  	v9 =	vld [tilespmem:s31+$0x6450]  }
0x51: {  	v8 =	vld [tilespmem:s31+$0x6480]  }
0x52: {  	v12 =	vadd.bf16 v12, v6;
	v6 =	vld [tilespmem:s31+$0x6490]  }
0x53: {  	s1 =	sadd.s32 $0x400, s1;
	v11 =	vadd.bf16 v11, v7;
	v7 =	vld [tilespmem:s31+$0x64C0]  }
0x54: {  	[tilespmem:s31+$0x6400] =	vst v12;
	v5 =	vadd.bf16 v5, v10;
	v10 =	vld [tilespmem:s31+$0x64D0]  }
0x55: {  	[tilespmem:s31+$0x6410] =	vst v11;
	v4 =	vadd.bf16 v4, v9  }
0x56: {  	[tilespmem:s31+$0x6440] =	vst v5;
	v3 =	vadd.bf16 v3, v8  }
0x57: {  	[tilespmem:s31+$0x6450] =	vst v4;
	v2 =	vadd.bf16 v2, v6  }
0x58: {  	s0 =	sshll.u32 s28, $0x10;
	[tilespmem:s31+$0x6480] =	vst v3;
	v1 =	vadd.bf16 v1, v7  }
0x59: {  	s0 =	sadd.s32 s8, s0;
	[tilespmem:s31+$0x6490] =	vst v2;
	v0 =	vadd.bf16 v0, v10  }
0x5a: {  	s0 =	sshrl.u32 s0, $0x4;
	[tilespmem:s31+$0x64C0] =	vst v1  }
0x5b: {  	p0 =	seq.s32 s28, $0x18;
	s0 =	sadd.s32 s5, s0;
	[tilespmem:s31+$0x64D0] =	vst v0  }
0x5c: {  	[hbm4b:s0+s2] =	stream.linear.scatter [tilespmem:s13], [sflag:$0x3], $0x4000, $0x38;
	[tilespmem:$0x16400] =	vst v63  }
0x5d: {  	s0 =	simm.s32 @!p0 $0x3  }
0x5e: {  	_ =	swait.ge @!p0 [sflag:s0], $0x4000  }
0x5f: {  	s1 =	sadd.s32 @!p0 $0x200, s30;
	[sflag:s0] =	ssyncset.done @!p0 $0x0  }
0x60: {  	s31 =	simm.s32 @!p0 $0x6400;
	[sflag:s0] =	ssyncadd.s32 @!p0 $0xFFFFC000;
	s0 =	simm.s32 @!p0 $0x80  }
0x61: {  	[tilespmem:s31], [sflag:$0x1] =	stream.indirect.gather @!p0 [hbm4b:s4+s0], $0x40, s1, s0, $0xb8;
	[tilespmem:$0x16400] =	vst v63  }
0x62: {  	s1 =	sadd.s32 @!p0 $0x3400, s30;
	s31 =	simm.s32 @!p0 $0xA400  }
0x63: {  	[tilespmem:s31], [sflag:$0x1] =	stream.indirect.gather @!p0 [hbm4b:s4+s0], $0x40, s1, s0, $0xb8;
	[tilespmem:$0x16400] =	vst v63  }
0x64: {  	s1 =	sadd.s32 @!p0 $0x280, s30;
	s31 =	simm.s32 @!p0 $0x8400  }
0x65: {  	[tilespmem:s31], [sflag:$0x1] =	stream.indirect.gather @!p0 [hbm4b:s4+s0], $0x40, s1, s0, $0xb8;
	[tilespmem:$0x16400] =	vst v63  }
0x66: {  	s1 =	sadd.s32 @!p0 $0x3480, s30;
	s30 =	simm.s32 @!p0 $0xC400  }
0x67: {  	[tilespmem:s30], [sflag:$0x1] =	stream.indirect.gather @!p0 [hbm4b:s4+s0], $0x40, s1, s0, $0xb8;
	[tilespmem:$0x16400] =	vst v63  }
0x68: {  	_ =	swait.ge [sflag:s23], $0x2000  }
0x69: {  	[sflag:s23] =	ssyncset.done $0x0  }
0x6a: {  	[sflag:s23] =	ssyncadd.s32 $0xFFFFE000  }
0x6b: {  	_ =	swait.ge [sflag:s23], $0x2000  }
0x6c: {  	[sflag:s23] =	ssyncset.done $0x0  }
0x6d: {  	[sflag:s23] =	ssyncadd.s32 $0xFFFFE000  }
0x6e: {  	_ =	swait.ge [sflag:s23], $0x2000  }
0x6f: {  	[sflag:s23] =	ssyncset.done $0x0  }
0x70: {  	[sflag:s23] =	ssyncadd.s32 $0xFFFFE000  }
0x71: {  	_ =	swait.ge [sflag:s23], $0x2000  }
0x72: {  	[sflag:s23] =	ssyncset.done $0x0  }
0x73: {  	s30 =	simm.s32 $0x0;
	[sflag:s23] =	ssyncadd.s32 $0xFFFFE000  }
0x74: {  	v7 =	vld [tilespmem:s30+$0x12400]  }
0x75: {  	v11 =	vld [tilespmem:s30+$0x12410]  }
0x76: {  	v5 =	vld [tilespmem:s30+$0x12440]  }
0x77: {  	v4 =	vld [tilespmem:s30+$0x12450]  }
0x78: {  	v3 =	vld [tilespmem:s30+$0x12480]  }
0x79: {  	v2 =	vld [tilespmem:s30+$0x12490]  }
0x7a: {  	v1 =	vld [tilespmem:s30+$0x124C0]  }
0x7b: {  	v0 =	vld [tilespmem:s30+$0x124D0]  }
0x7c: {  	v12 =	vld [tilespmem:s30+$0xE400]  }
0x7d: {  	v13 =	vld [tilespmem:s30+$0xE410]  }
0x7e: {  	v10 =	vld [tilespmem:s30+$0xE440]  }
0x7f: {  	v9 =	vld [tilespmem:s30+$0xE450]  }
0x80: {  	v8 =	vld [tilespmem:s30+$0xE480]  }
0x81: {  	v6 =	vld [tilespmem:s30+$0xE490];
	v12 =	vadd.bf16 v7, v12  }
0x82: {  	s1 =	simm.s32 $0x400;
	v11 =	vadd.bf16 v11, v13;
	v7 =	vld [tilespmem:s30+$0xE4C0]  }
.LBB2_5:
0x83: {  	s0 =	sshra.s32 s1, $0x2;
	p0 =	sne.s32 s1, $0xFC00;
	[tilespmem:s30+$0xE400] =	vst v12;
	v5 =	vadd.bf16 v5, v10;
	v10 =	vld [tilespmem:s30+$0xE4D0]  }
0x84: {  	v12 =	vld [tilespmem:s0+$0x12400];
	[tilespmem:s30+$0xE410] =	vst v11;
	v4 =	vadd.bf16 v4, v9  }
0x85: {  	v11 =	vld [tilespmem:s0+$0x12410];
	[tilespmem:s30+$0xE440] =	vst v5;
	v3 =	vadd.bf16 v3, v8  }
0x86: {  	v5 =	vld [tilespmem:s0+$0x12440];
	[tilespmem:s30+$0xE450] =	vst v4;
	v2 =	vadd.bf16 v2, v6  }
0x87: {  	v4 =	vld [tilespmem:s0+$0x12450];
	[tilespmem:s30+$0xE480] =	vst v3;
	v1 =	vadd.bf16 v1, v7  }
0x88: {  	v3 =	vld [tilespmem:s0+$0x12480];
	[tilespmem:s30+$0xE490] =	vst v2;
	v0 =	vadd.bf16 v0, v10  }
0x89: {  	v2 =	vld [tilespmem:s0+$0x12490];
	[tilespmem:s30+$0xE4C0] =	vst v1  }
0x8a: {  	v1 =	vld [tilespmem:s0+$0x124C0];
	[tilespmem:s30+$0xE4D0] =	vst v0;
	s30 =	smov.u32 s0  }
0x8b: {  	v0 =	vld [tilespmem:s30+$0x124D0]  }
0x8c: {  	v6 =	vld [tilespmem:s30+$0xE400]  }
0x8d: {  	v7 =	vld [tilespmem:s30+$0xE410]  }
.Ltmp1:
0x8e: {  	v10 =	vld [tilespmem:s30+$0xE440];
	(pc) =	sbr.rel @p0 .LBB2_5-.Ltmp1, $4  }
0x8f: {  	v9 =	vld [tilespmem:s30+$0xE450]  }
0x90: {  	v8 =	vld [tilespmem:s30+$0xE480]  }
0x91: {  	v12 =	vadd.bf16 v12, v6;
	v6 =	vld [tilespmem:s30+$0xE490]  }
0x92: {  	s1 =	sadd.s32 $0x400, s1;
	v11 =	vadd.bf16 v11, v7;
	v7 =	vld [tilespmem:s30+$0xE4C0]  }
0x93: {  	[tilespmem:s30+$0xE400] =	vst v12;
	v5 =	vadd.bf16 v5, v10;
	v63 =	vld [tilespmem:s30+$0xE4D0]  }
0x94: {  	[tilespmem:s30+$0xE410] =	vst v11;
	v4 =	vadd.bf16 v4, v9  }
0x95: {  	s28 =	sadd.s32 $0x1, s28;
	[tilespmem:s30+$0xE440] =	vst v5;
	v3 =	vadd.bf16 v3, v8  }
0x96: {  	p0 =	sne.s32 s28, $0x19;
	[tilespmem:s30+$0xE450] =	vst v4;
	v2 =	vadd.bf16 v2, v6  }
.Ltmp2:
0x97: {  	s0 =	sadd.s32 s3, s29;
	[tilespmem:s30+$0xE480] =	vst v3;
	v1 =	vadd.bf16 v1, v7;
	(pc) =	sbr.rel @p0 .LBB2_2-.Ltmp2, $4  }
0x98: {  	s0 =	sshll.u32 s0, $0x3;
	[tilespmem:s30+$0xE490] =	vst v2;
	v0 =	vadd.bf16 v0, v63  }
0x99: {  	s0 =	sand.u32 $0xFFFF800, s0;
	[tilespmem:s30+$0xE4C0] =	vst v1  }
0x9a: {  	s0 =	sadd.s32 s5, s0;
	[tilespmem:s30+$0xE4D0] =	vst v0  }
0x9b: {  	[hbm4b:s0+s2] =	stream.linear.scatter [tilespmem:s18], [sflag:$0x4], $0x4000, $0x38;
	[tilespmem:$0x16400] =	vst v63  }
0x9c: {  	s26 =	sadd.s32 $0x1, s26  }
0x9d: {  	_ =	swait.ge [sflag:s24], $0x4000;
	p0 =	sne.s32 s26, s9  }
.Ltmp3:
0x9e: {  	[sflag:s24] =	ssyncset.done $0x0;
	(pc) =	sbr.rel @p0 .LBB2_1-.Ltmp3, $4  }
0x9f: {  	[sflag:s24] =	ssyncadd.s32 $0xFFFFC000  }
0xa0: {  	_ =	swait.ge [sflag:s25], $0x4000  }
0xa1: {  	[sflag:s25] =	ssyncset.done $0x0  }
0xa2: {  	[sflag:s25] =	ssyncadd.s32 $0xFFFFC000  }
0xa3: {  	_ =	sfence.sel $0x180000  }
0xa4: {  	[bflag:$0x0] =	sbarrier.arrive $0xFFFF  }
0xa5: {  	_ =	strace $0x9000004A  }
0xa6: {  	s0 =	stileid.u32;
	[bflag:$0x2] =	sbarrier.arrive $0xFFFF  }
0xa7: {  	p0 =	sne.s32 s0, $0x0;
	s0 =	rddreg [dreg:$0x1]  }
0xa8: {  	s0 =	sadd.s32 @!p0 $0x100000, s0  }
0xa9: {  	[sflag:s0] =	ssyncadd.tile.s32 @!p0 $0x1;
	_ =	shalt  }
.Lfunc_end2:
_tile_overlayer_lowered:
.L_overlay_start_2:
0xaa: {  	(tag) =	ssettag $0x2  }
0xab: {  	s0 =	rddreg [dreg:$0x0];
	s2 =	stileid.u32  }
0xac: {  	s1 =	rddreg [dreg:$0x1];
	p0 =	sne.s32 s2, $0x0  }
0xad: {  	s3 =	rddreg [dreg:$0x2];
	[bflag:$0x3] =	sbarrier.arrive $0xFFFF;
	s2 =	simm.s32 @!p0 $0x1C05  }
0xae: {  	[timem:s3], [sflag:s2] =	dma.local @!p0 [hbm:s0], s1  }
0xaf: {  	s0 =	simm.s32 @!p0 $0x5  }
0xb0: {  	_ =	swait.ge @!p0 [sflag:s0], s1  }
0xb1: {  	s1 =	ssub.s32 @!p0 $0x0, s1;
	[sflag:s0] =	ssyncset.done @!p0 $0x0  }
0xb2: {  	[sflag:s0] =	ssyncadd.s32 @!p0 s1  }
0xb3: {  	[bflag:$0x3] =	sbarrier.arrive $0xFFFF  }
0xb4: {  	_ =	shalt  }

// kernel: kernel.16.cloned.1.call-start
scs
__scs_entry_jumppad:
0x0: {  	(pc) =	sbr.rel $0x88, $3  }
0x1: {  	(tag) =	ssettag $0x0;
	lr =	simm.s32 $0x1  }
0x2: {  	[smem:$0x3F7D] =	sst lr;
	_ =	strace $0xD0000000  }
0x3: {  	_ = 	snop  }
0x4: {  	_ = 	snop  }
0x5: {  	_ = 	snop  }
0x6: {  	_ = 	snop  }
0x7: {  	_ = 	snop  }
__scs_overlays_trampoline_lowered:
0x8: {  	[smem:$0x3F8C] =	sst s0  }
0x9: {  	[smem:$0x3F8D] =	sst s1  }
0xa: {  	[smem:$0x3F8E] =	sst s2  }
0xb: {  	[smem:$0x3F8F] =	sst s3  }
0xc: {  	[smem:$0x3F90] =	sst s4  }
0xd: {  	[smem:$0x3F91] =	sst s5  }
0xe: {  	[smem:$0x3F92] =	sst s6  }
0xf: {  	[smem:$0x3F93] =	sst s7  }
0x10: {  	[smem:$0x3F94] =	sst s8  }
0x11: {  	[smem:$0x3F95] =	sst s9;
	s0 =	simm.s32 @!p0 $0x0  }
0x12: {  	s1 =	sld [smem:$0x3F7B];
	s0 =	simm.s32 @p0 $0x1  }
0x13: {  	[smem:$0x3F96] =	sst s0;
	s0 =	simm.s32 @!p1 $0x0  }
0x14: {  	s2 =	sld [smem:$0x3F7A];
	s0 =	simm.s32 @p1 $0x1  }
0x15: {  	[smem:$0x3F97] =	sst s0;
	s0 =	simm.s32 @!p2 $0x0  }
0x16: {  	s3 =	sld [smem:$0x3FDB];
	s0 =	simm.s32 @p2 $0x1  }
0x17: {  	s4 =	simm.s32 $0x1BF5;
	[smem:$0x3F99] =	sst s0  }
0x18: {  	s0 =	sld [smem:$0x3F7C];
	_ =	swait.ge [sflag:s4], $0x0  }
0x19: {  	s7 =	sld [smem:$0x3F7D]  }
0x1a: {  	s8 =	sadd.s32 $0xFFFFE003, lr  }
0x1b: {  	s9 =	sadd.s32 $0xFFFFFEF7, lr;
	s5 =	simm.s32 $0xFFFFFFFF;
	p2 =	slt.u32 s8, $0xFFFFF086  }
0x1c: {  	p1 =	slt.u32 s9, $0xF7A;
	s5 =	simm.s32 @!p2 $0x0  }
0x1d: {  	s5 =	simm.s32 @p1 $0x1;
	p0 =	seq.s32 s7, s2  }
0x1e: {  	s7 =	smul.u32 @!p0 $0xF7A, s2;
	p2 =	seq.s32 @!p0 s5, $0x0  }
0x1f: {  	s9 =	smul.u32 $0xF7A, s1;
	s8 =	simm.s32 @!p0 $0x1BF5;
	p2 =	por !p2, p0  }
0x20: {  	[sflag:s8] =	ssyncset.s32 @!p0 $0xFFFFF086;
	s6 =	sadd.s32 @!p0 s3, s7;
	s7 =	simm.s32 @!p0 $0x108  }
0x21: {  	s3 =	sadd.s32 s3, s9;
	s6 =	sadd.s32 @!p0 $0x88, s6;
	s7 =	simm.s32 @p2 $0x1082  }
0x22: {  	[simem:s7], [sflag:s8] =	dma.local @!p0 [hbm:s6], $0xF7A  }
0x23: {  	s9 =	sor.u32 $0xD0000000, s2;
	s6 =	simm.s32 $0x108;
	_ =	swait.ge @!p0 [sflag:s8], $0x0  }
0x24: {  	s3 =	sadd.s32 $0x88, s3;
	s6 =	simm.s32 @!p1 $0x1082;
	[sflag:s4] =	ssyncset.s32 $0xFFFFF086  }
0x25: {  	[simem:s6], [sflag:s4] =	dma.local [hbm:s3], $0xF7A  }
0x26: {  	[smem:$0x3F7D] =	sst s1;
	(tag) =	ssettag s2;
	_ =	strace s9  }
0x27: {  	s1 =	sld [smem:$0x3F8D]  }
0x28: {  	s2 =	sld [smem:$0x3F8E]  }
0x29: {  	s4 =	sld [smem:$0x3F90]  }
0x2a: {  	p0 =	seq.s32 s5, $0x0;
	s5 =	sld [smem:$0x3F91]  }
0x2b: {  	s6 =	sld [smem:$0x3F92]  }
0x2c: {  	s7 =	sld [smem:$0x3F93]  }
0x2d: {  	s3 =	simm.s32 $0x108;
	s8 =	sld [smem:$0x3F94]  }
0x2e: {  	s3 =	simm.s32 @!p0 $0x1082;
	s9 =	sld [smem:$0x3F95]  }
0x2f: {  	lr =	sadd.s32 s0, s3;
	s0 =	sld [smem:$0x3F8C]  }
0x30: {  	s3 =	sld [smem:$0x3F8F]  }
0x31: {  	[smem:$0x3F98] =	sst s10  }
0x32: {  	s10 =	sld [smem:$0x3F96];
	_ =	sdelay $0x3  }
0x33: {  	p0 =	seq.s32 s10, $0x1;
	s10 =	sld [smem:$0x3F98];
	_ =	sdelay $0x3  }
0x34: {  	[smem:$0x3F98] =	sst s10  }
0x35: {  	s10 =	sld [smem:$0x3F97];
	_ =	sdelay $0x3  }
0x36: {  	p1 =	seq.s32 s10, $0x1;
	s10 =	sld [smem:$0x3F98];
	_ =	sdelay $0x3  }
0x37: {  	[smem:$0x3F98] =	sst s10  }
0x38: {  	s10 =	sld [smem:$0x3F99]  }
0x39: {  	_ = 	snop;
	(pc) =	sbr.ind lr, $3  }
0x3a: {  	_ = 	snop  }
0x3b: {  	_ = 	snop  }
0x3c: {  	p2 =	seq.s32 s10, $0x1;
	s10 =	sld [smem:$0x3F98]  }
0x3d: {  	_ =	shalt  }
0x3e: {  	_ =	shalt  }
0x3f: {  	_ =	shalt  }
0x40: {  	_ =	shalt  }
0x41: {  	_ =	shalt  }
0x42: {  	_ =	shalt  }
0x43: {  	_ =	shalt  }
0x44: {  	_ =	shalt  }
0x45: {  	_ =	shalt  }
0x46: {  	_ =	shalt  }
0x47: {  	_ =	shalt  }
0x48: {  	_ =	shalt  }
0x49: {  	_ =	shalt  }
0x4a: {  	_ =	shalt  }
0x4b: {  	_ =	shalt  }
0x4c: {  	_ =	shalt  }
0x4d: {  	_ =	shalt  }
0x4e: {  	_ =	shalt  }
0x4f: {  	_ =	shalt  }
0x50: {  	_ =	shalt  }
0x51: {  	_ =	shalt  }
0x52: {  	_ =	shalt  }
0x53: {  	_ =	shalt  }
0x54: {  	_ =	shalt  }
0x55: {  	_ =	shalt  }
0x56: {  	_ =	shalt  }
0x57: {  	_ =	shalt  }
0x58: {  	_ =	shalt  }
0x59: {  	_ =	shalt  }
0x5a: {  	_ =	shalt  }
0x5b: {  	_ =	shalt  }
0x5c: {  	_ =	shalt  }
0x5d: {  	_ =	shalt  }
0x5e: {  	_ =	shalt  }
0x5f: {  	_ =	shalt  }
0x60: {  	_ =	shalt  }
0x61: {  	_ =	shalt  }
0x62: {  	_ =	shalt  }
0x63: {  	_ =	shalt  }
0x64: {  	_ =	shalt  }
0x65: {  	_ =	shalt  }
0x66: {  	_ =	shalt  }
0x67: {  	_ =	shalt  }
0x68: {  	_ =	shalt  }
0x69: {  	_ =	shalt  }
0x6a: {  	_ =	shalt  }
0x6b: {  	_ =	shalt  }
0x6c: {  	_ =	shalt  }
0x6d: {  	_ =	shalt  }
0x6e: {  	_ =	shalt  }
0x6f: {  	_ =	shalt  }
0x70: {  	_ =	shalt  }
0x71: {  	_ =	shalt  }
0x72: {  	_ =	shalt  }
0x73: {  	_ =	shalt  }
0x74: {  	_ =	shalt  }
0x75: {  	_ =	shalt  }
0x76: {  	_ =	shalt  }
0x77: {  	_ =	shalt  }
0x78: {  	_ =	shalt  }
0x79: {  	_ =	shalt  }
0x7a: {  	_ =	shalt  }
0x7b: {  	_ =	shalt  }
0x7c: {  	_ =	shalt  }
0x7d: {  	_ =	shalt  }
0x7e: {  	_ =	shalt  }
0x7f: {  	_ =	shalt  }
0x80: {  	_ =	shalt  }
0x81: {  	_ =	shalt  }
0x82: {  	_ =	shalt  }
0x83: {  	_ =	shalt  }
0x84: {  	_ =	shalt  }
0x85: {  	_ =	shalt  }
0x86: {  	_ =	shalt  }
0x87: {  	_ =	shalt  }
.Lfunc_end0:
.L_simem_size_0:
called_computation.2_lowered:
.L_overlay_start_0:
0x88: {  	s2 =	sld [smem:$0x3FD9]  }
0x89: {  	s3 =	sld [smem:$0x3FFE];
	_ =	sdelay $0x1  }
0x8a: {  	s1 =	srdreg.scid  }
0x8b: {  	s0 =	sand.u32 $0x1, s1  }
0x8c: {  	s16 =	sshll.u32 s0, $0xA;
	s2 =	sadd.s32 s3, s2  }
0x8d: {  	s2 =	sadd.s32 s2, s16  }
0x8e: {  	[smem:$0x3FA4] =	sst s2  }
0x8f: {  	_ = 	snop  }
0x90: {  	(tm) =	ssettm $0x1  }
0x91: {  	s17 =	sld [smem:$0x3FFB];
	_ =	sdelay $0x3  }
0x92: {  	_ =	strace s17  }
0x93: {  	s2 =	sld [smem:$0x3FFC];
	_ =	sdelay $0x3  }
0x94: {  	_ =	strace s2  }
0x95: {  	s2 =	sld [smem:$0x3FFD];
	_ =	sdelay $0x3  }
0x96: {  	_ =	strace s2  }
0x97: {  	_ =	strace $0x8FFFFFFF  }
0x98: {  	s18 =	sld [smem:$0x3FDB];
	_ =	sdelay $0x1  }
0x99: {  	s19 =	simm.s32 $_scs_section_size  }
0x9a: {  	s4 =	simm.s32 $_size__tile_overlayer_lowered;
	s5 =	simm.s32 $_tile_overlayer_lowered  }
0x9b: {  	s22 =	simm.s32 $0x1BFF;
	s21 =	sshll.u32 s5, $0x1;
	s2 =	sadd.s32 s19, s18  }
0x9c: {  	s6 =	simm.s32 $0x0;
	s20 =	sshll.u32 s4, $0x1;
	s4 =	sadd.s32 s21, s2  }
0x9d: {  	[timem:s6], [sflag:s22] =	dma.local [hbm:s4], s20  }
0x9e: {  	_ =	swait.ge [sflag:s22], s20  }
0x9f: {  	s3 =	ssub.s32 $0x0, s20;
	[sflag:s22] =	ssyncset.done $0x0  }
0xa0: {  	[sflag:s22] =	ssyncadd.s32 s3;
	_ =	sdelay $0x1  }
0xa1: {  	s23 =	simm.s32 $0x1B8B  }
0xa2: {  	_ =	swait.ge [sflag:s23], $0x1  }
0xa3: {  	[sflag:s23] =	ssyncset.done $0x0  }
0xa4: {  	s25 =	simm.s32 $0x1B8E;
	s24 =	sld [smem:$0x3FFE];
	[sflag:s23] =	ssyncadd.s32 $0xFFFFFFFF  }
0xa5: {  	s26 =	simm.s32 $execute0_lowered;
	[smem:$0x3FD2] =	sst s25  }
0xa6: {  	s4 =	sshll.u32 s26, $0x1;
	_ =	strace $0x8000004C;
	[dreg:$0x1] =	wrdreg $0xFFFFFFFF  }
0xa7: {  	s28 =	simm.s32 $_size_execute0_lowered;
	s2 =	sadd.s32 s2, s4;
	[dreg:$0x0] =	wrdreg $0x0  }
0xa8: {  	s4 =	sshll.u32 s28, $0x1;
	[dreg:$0x2] =	wrdreg s2  }
0xa9: {  	[dreg:$0x3] =	wrdreg s4  }
0xaa: {  	[dreg:$0x4] =	wrdreg $0xC0  }
0xab: {  	_ =	task [dreg:s6], $0x5FFFF  }
0xac: {  	[dreg:$0x1] =	wrdreg $0xFFFFFFFF  }
0xad: {  	[dreg:$0x0] =	wrdreg $0x60  }
0xae: {  	[dreg:$0x2] =	wrdreg s24  }
0xaf: {  	[dreg:$0x3] =	wrdreg $0x0  }
0xb0: {  	[dreg:$0x4] =	wrdreg $0xC380  }
0xb1: {  	[dreg:$0x5] =	wrdreg $0x18700  }
0xb2: {  	[dreg:$0x6] =	wrdreg $0x24A80  }
0xb3: {  	[dreg:$0x7] =	wrdreg $0x9  }
0xb4: {  	_ =	task.clear_ibuf [dreg:s6], $0x8FFFF;
	_ =	strace $0x9000004C  }
0xb5: {  	s29 =	simm.s32 $0x9;
	_ =	strace $0x8000004E  }
0xb6: {  	_ =	swait.ge [sflag:s29], $0x1  }
0xb7: {  	[sflag:s29] =	ssyncadd.s32 $0xFFFFFFFF  }
0xb8: {  	_ =	strace $0x9000004E  }
0xb9: {  	_ =	sfence  }
0xba: {  	s30 =	sld [smem:$0x0];
	_ =	sdelay $0x2  }
0xbb: {  	s31 =	sshll.u32 s1, $0xD;
	s1 =	sshrl.u32 s1, $0x2  }
0xbc: {  	s3 =	sand.u32 $0x4000, s31;
	s1 =	sadd.s32 s1, s30  }
0xbd: {  	s0 =	sor.u32 s3, s0;
	s1 =	sshll.u32 s1, $0x11  }
0xbe: {  	s0 =	sor.u32 s1, s0  }
0xbf: {  	s0 =	sadd.s32 $0x8F2B, s0  }
0xc0: {  	[sflag:s0] =	ssyncadd.remote.s32 $0x1  }
0xc1: {  	_ =	sfence.sel $0xFFFF  }
0xc2: {  	[dreg:$0x0] =	wrdreg $0xFFFFFFFF;
	(pc) =	sbr.abs _section_cstart, $3  }
0xc3: {  	[dreg:$0x1] =	wrdreg $0xFFFFFFFF  }
0xc4: {  	_ =	task.clear_ibuf [dreg:s6], $0x2FFFF;
	_ =	strace $0x9FFFFFFF  }
0xc5: {  	(tm) =	ssettm $0x7FFFFFFF  }
tec
execute0_lowered:
.L_overlay_start_1:
0x0: {  	(tag) =	ssettag $0x1  }
0x1: {  	s0 =	rddreg [dreg:$0x0]  }
0x2: {  	s1 =	rddreg [dreg:$0x1]  }
0x3: {  	s2 =	rddreg [dreg:$0x2]  }
0x4: {  	s3 =	rddreg [dreg:$0x3]  }
0x5: {  	s4 =	rddreg [dreg:$0x4];
	s5 =	simm.s32 $0x0;
	s6 =	srdreg.scid  }
0x6: {  	s11 =	stileid.u32;
	s19 =	simm.s32 $0x30E0;
	s20 =	simm.s32 $0x2  }
0x7: {  	s21 =	simm.s32 $0xA00;
	s28 =	simm.s32 $0x3260;
	s29 =	simm.s32 $0x8AE0  }
0x8: {  	s30 =	simm.s32 $0x32E0;
	s31 =	simm.s32 $0x3360;
	[smem:$0x7FF] =	sst s5  }
0x9: {  	s9 =	sand.u32 $0x1, s6;
	s6 =	sadd.s32 $0x38B400, s0;
	s7 =	sadd.s32 $0x728C00, s0  }
0xa: {  	s8 =	sadd.s32 $0x742000, s0;
	s13 =	sshll.u32 s11, $0x1;
	p0 =	sne.s32 s11, $0x0  }
0xb: {  	_ =	strace $0x8000004D;
	s10 =	smul.u32 $0x30D40, s9;
	[dreg:$0x7] =	wrdreg s8  }
0xc: {  	s12 =	ssub.s32 $0x2, s9;
	s9 =	sor.u32 s9, s13;
	s13 =	sshrl.u32 @!p0 s1, $0x3  }
0xd: {  	s11 =	simm.s32 $0x1;
	s14 =	sshrl.u32 @!p0 s2, $0x3;
	[dreg:$0xd] =	wrdreg s13  }
0xe: {  	s15 =	sshrl.u32 @!p0 s3, $0x3;
	[dreg:$0xe] =	wrdreg s14;
	s10 =	sshrl.u32 s10, $0x3  }
0xf: {  	s16 =	sshrl.u32 @!p0 s4, $0x3;
	[dreg:$0xf] =	wrdreg s15;
	s0 =	sadd.s32 s10, s0  }
0x10: {  	s22 =	sshrl.u32 s12, $0x1;
	[dreg:$0x10] =	wrdreg s16;
	s23 =	sadd.s32 $0x743A00, s0  }
0x11: {  	s9 =	smul.u32 $0x64, s9;
	s24 =	sadd.s32 $0x74526A, s0;
	[dreg:$0x8] =	wrdreg s23  }
0x12: {  	s10 =	ssub.s32 s12, s22;
	s25 =	sadd.s32 $0x746AD4, s0;
	[dreg:$0x9] =	wrdreg s24  }
0x13: {  	s22 =	simm.s32 $0x64000;
	s0 =	sadd.s32 $0x74833E, s0;
	[dreg:$0xa] =	wrdreg s25  }
0x14: {  	s26 =	smax.u32 s10, $0x1;
	s10 =	simm.s32 $0x3460;
	[dreg:$0xb] =	wrdreg s0  }
0x15: {  	[dreg:$0xc] =	wrdreg s26;
	s23 =	simm.s32 $0x80E0;
	s24 =	simm.s32 $0x80  }
0x16: {  	s25 =	simm.s32 $0x3160;
	s26 =	simm.s32 $0x31E0;
	s0 =	simm.s32 $0x33E0  }
.LBB2_1:
0x17: {  	[dreg:$0x6] =	wrdreg s5  }
0x18: {  	s12 =	simm.s32 @!p0 $0x1C02;
	s5 =	rddreg [dreg:$0x7]  }
0x19: {  	[spmem:s13], [sflag:s12] =	dma.local @!p0 [hbm:s5], $0x186A  }
0x1a: {  	s13 =	simm.s32 @!p0 $0x2  }
0x1b: {  	_ =	swait.ge @!p0 [sflag:s13], $0x186A  }
0x1c: {  	[sflag:s13] =	ssyncset.done @!p0 $0x0  }
0x1d: {  	[sflag:s13] =	ssyncadd.s32 @!p0 $0xFFFFE796  }
0x1e: {  	[spmem:s14], [sflag:s12] =	dma.local @!p0 [hbm:s5], $0x186A  }
0x1f: {  	_ =	swait.ge @!p0 [sflag:s13], $0x186A  }
0x20: {  	[sflag:s13] =	ssyncset.done @!p0 $0x0  }
0x21: {  	[sflag:s13] =	ssyncadd.s32 @!p0 $0xFFFFE796  }
0x22: {  	[spmem:s15], [sflag:s12] =	dma.local @!p0 [hbm:s5], $0x186A  }
0x23: {  	_ =	swait.ge @!p0 [sflag:s13], $0x186A  }
0x24: {  	[sflag:s13] =	ssyncset.done @!p0 $0x0  }
0x25: {  	[sflag:s13] =	ssyncadd.s32 @!p0 $0xFFFFE796  }
0x26: {  	[spmem:s16], [sflag:s12] =	dma.local @!p0 [hbm:s5], $0x186A  }
0x27: {  	_ =	swait.ge @!p0 [sflag:s13], $0x186A  }
0x28: {  	[sflag:s13] =	ssyncset.done @!p0 $0x0  }
0x29: {  	[sflag:s13] =	ssyncadd.s32 @!p0 $0xFFFFE796  }
0x2a: {  	s12 =	simm.s32 $0x0;
	[bflag:$0x0] =	sbarrier.arrive $0xFFFF  }
.LBB2_2:
0x2b: {  	s13 =	smul.u32 $0x14, s12;
	_ =	sdelay $0x1  }
0x2c: {  	s13 =	sadd.s32 s9, s13  }
0x2d: {  	s14 =	sshll.u32 s13, $0x7  }
0x2e: {  	s15 =	simm.s32 $0x0;
	s14 =	sadd.s32 s6, s14  }
0x2f: {  	[tilespmem:s19], [sflag:$0x2] =	stream.linear.gather [hbm4b:s14+s15], $0x5000, $0x38;
	[tilespmem:$0x94E0] =	vst v63  }
0x30: {  	_ =	swait.ge [sflag:s20], $0x5000  }
0x31: {  	s13 =	sshll.u32 s13, $0x4;
	[sflag:s20] =	ssyncset.done $0x0  }
0x32: {  	s13 =	sadd.s32 s7, s13;
	[sflag:s20] =	ssyncadd.s32 $0xFFFFB000  }
0x33: {  	[tilespmem:s23], [sflag:$0x2] =	stream.strided.gather [hbm4b:s13+s21], $0x1400, s22, s21, $0x38;
	[tilespmem:$0x94E0] =	vst v63  }
0x34: {  	_ =	swait.ge [sflag:s20], $0x1400  }
0x35: {  	[sflag:s20] =	ssyncset.done $0x0  }
0x36: {  	[sflag:s20] =	ssyncadd.s32 $0xFFFFEC00  }
0x37: {  	[spmem:s1] =	stream.indirect.scatter.add.f32 [tilespmem:s19], [sflag:$0x1], $0x1, s23, s24, $0xb8;
	[tilespmem:$0x94E0] =	vst v63  }
0x38: {  	_ = 	snop  }
0x39: {  	[spmem:s2] =	stream.indirect.scatter.add.f32 [tilespmem:s25], [sflag:$0x1], $0x1, s23, s24, $0xb8;
	[tilespmem:$0x94E0] =	vst v63  }
0x3a: {  	_ = 	snop  }
0x3b: {  	[spmem:s3] =	stream.indirect.scatter.add.f32 [tilespmem:s26], [sflag:$0x1], $0x1, s23, s24, $0xb8;
	[tilespmem:$0x94E0] =	vst v63  }
0x3c: {  	_ = 	snop  }
0x3d: {  	[spmem:s4] =	stream.indirect.scatter.add.f32 [tilespmem:s28], [sflag:$0x1], $0x1, s23, s24, $0xb8;
	[tilespmem:$0x94E0] =	vst v63  }
0x3e: {  	_ = 	snop  }
0x3f: {  	[spmem:s1] =	stream.indirect.scatter.add.f32 [tilespmem:s30], [sflag:$0x1], $0x1, s29, s24, $0xb8;
	[tilespmem:$0x94E0] =	vst v63  }
0x40: {  	_ = 	snop  }
0x41: {  	[spmem:s2] =	stream.indirect.scatter.add.f32 [tilespmem:s31], [sflag:$0x1], $0x1, s29, s24, $0xb8;
	[tilespmem:$0x94E0] =	vst v63  }
0x42: {  	_ = 	snop  }
0x43: {  	[spmem:s3] =	stream.indirect.scatter.add.f32 [tilespmem:s0], [sflag:$0x1], $0x1, s29, s24, $0xb8;
	[tilespmem:$0x94E0] =	vst v63  }
0x44: {  	_ = 	snop  }
0x45: {  	[spmem:s4] =	stream.indirect.scatter.add.f32 [tilespmem:s10], [sflag:$0x1], $0x1, s29, s24, $0xb8;
	[tilespmem:$0x94E0] =	vst v63  }
0x46: {  	s16 =	simm.s32 $0x34E0;
	s15 =	simm.s32 $0x8160  }
0x47: {  	[spmem:s1] =	stream.indirect.scatter.add.f32 [tilespmem:s16], [sflag:$0x1], $0x1, s15, s24, $0xb8;
	[tilespmem:$0x94E0] =	vst v63  }
0x48: {  	s17 =	simm.s32 $0x3560  }
0x49: {  	[spmem:s2] =	stream.indirect.scatter.add.f32 [tilespmem:s17], [sflag:$0x1], $0x1, s15, s24, $0xb8;
	[tilespmem:$0x94E0] =	vst v63  }
0x4a: {  	s18 =	simm.s32 $0x35E0  }
0x4b: {  	[spmem:s3] =	stream.indirect.scatter.add.f32 [tilespmem:s18], [sflag:$0x1], $0x1, s15, s24, $0xb8;
	[tilespmem:$0x94E0] =	vst v63  }
0x4c: {  	s5 =	simm.s32 $0x3660  }
0x4d: {  	[spmem:s4] =	stream.indirect.scatter.add.f32 [tilespmem:s5], [sflag:$0x1], $0x1, s15, s24, $0xb8;
	[tilespmem:$0x94E0] =	vst v63  }
0x4e: {  	s8 =	simm.s32 $0x8B60;
	s15 =	simm.s32 $0x36E0  }
0x4f: {  	[spmem:s1] =	stream.indirect.scatter.add.f32 [tilespmem:s15], [sflag:$0x1], $0x1, s8, s24, $0xb8;
	[tilespmem:$0x94E0] =	vst v63  }
0x50: {  	s16 =	simm.s32 $0x3760  }
0x51: {  	[spmem:s2] =	stream.indirect.scatter.add.f32 [tilespmem:s16], [sflag:$0x1], $0x1, s8, s24, $0xb8;
	[tilespmem:$0x94E0] =	vst v63  }
0x52: {  	s17 =	simm.s32 $0x37E0  }
0x53: {  	[spmem:s3] =	stream.indirect.scatter.add.f32 [tilespmem:s17], [sflag:$0x1], $0x1, s8, s24, $0xb8;
	[tilespmem:$0x94E0] =	vst v63  }
0x54: {  	s18 =	simm.s32 $0x3860  }
0x55: {  	[spmem:s4] =	stream.indirect.scatter.add.f32 [tilespmem:s18], [sflag:$0x1], $0x1, s8, s24, $0xb8;
	[tilespmem:$0x94E0] =	vst v63  }
0x56: {  	_ =	swait.ge [sflag:s11], $0x80  }
0x57: {  	[sflag:s11] =	ssyncset.done $0x0  }
0x58: {  	[sflag:s11] =	ssyncadd.s32 $0xFFFFFF80  }
0x59: {  	_ =	swait.ge [sflag:s11], $0x80  }
0x5a: {  	[sflag:s11] =	ssyncset.done $0x0  }
0x5b: {  	[sflag:s11] =	ssyncadd.s32 $0xFFFFFF80  }
0x5c: {  	_ =	swait.ge [sflag:s11], $0x80  }
0x5d: {  	[sflag:s11] =	ssyncset.done $0x0  }
0x5e: {  	[sflag:s11] =	ssyncadd.s32 $0xFFFFFF80  }
0x5f: {  	_ =	swait.ge [sflag:s11], $0x80  }
0x60: {  	[sflag:s11] =	ssyncset.done $0x0  }
0x61: {  	[sflag:s11] =	ssyncadd.s32 $0xFFFFFF80  }
0x62: {  	_ =	swait.ge [sflag:s11], $0x80  }
0x63: {  	[sflag:s11] =	ssyncset.done $0x0  }
0x64: {  	[sflag:s11] =	ssyncadd.s32 $0xFFFFFF80  }
0x65: {  	_ =	swait.ge [sflag:s11], $0x80  }
0x66: {  	[sflag:s11] =	ssyncset.done $0x0  }
0x67: {  	[sflag:s11] =	ssyncadd.s32 $0xFFFFFF80  }
0x68: {  	_ =	swait.ge [sflag:s11], $0x80  }
0x69: {  	[sflag:s11] =	ssyncset.done $0x0  }
0x6a: {  	s14 =	simm.s32 $0x81E0;
	[sflag:s11] =	ssyncadd.s32 $0xFFFFFF80  }
0x6b: {  	s13 =	simm.s32 $0x8BE0;
	s15 =	simm.s32 $0x2000;
	_ =	swait.ge [sflag:s11], $0x80  }
0x6c: {  	s16 =	simm.s32 $0x8C60;
	s18 =	simm.s32 $0x400;
	[sflag:s11] =	ssyncset.done $0x0  }
.LBB2_3:
0x6d: {  	s8 =	sadd.s32 $0xFFFFF600, s16  }
0x6e: {  	s5 =	sadd.s32 $0x34E0, s18;
	[sflag:s11] =	ssyncadd.s32 $0xFFFFFF80;
	s17 =	smov.u32 s15  }
0x6f: {  	[spmem:s1] =	stream.indirect.scatter.add.f32 [tilespmem:s5], [sflag:$0x1], $0x1, s14, s24, $0xb8;
	[tilespmem:$0x94E0] =	vst v63  }
0x70: {  	p1 =	sne.s32 s15, $0x12000;
	s15 =	sadd.s32 $0x1000, s15;
	s5 =	sadd.s32 $0x3560, s18  }
0x71: {  	[spmem:s2] =	stream.indirect.scatter.add.f32 [tilespmem:s5], [sflag:$0x1], $0x1, s14, s24, $0xb8;
	[tilespmem:$0x94E0] =	vst v63  }
0x72: {  	s5 =	sadd.s32 $0x35E0, s18  }
0x73: {  	[spmem:s3] =	stream.indirect.scatter.add.f32 [tilespmem:s5], [sflag:$0x1], $0x1, s14, s24, $0xb8;
	[tilespmem:$0x94E0] =	vst v63  }
0x74: {  	s5 =	sadd.s32 $0x3660, s18  }
0x75: {  	[spmem:s4] =	stream.indirect.scatter.add.f32 [tilespmem:s5], [sflag:$0x1], $0x1, s14, s24, $0xb8;
	[tilespmem:$0x94E0] =	vst v63  }
0x76: {  	s5 =	sadd.s32 $0x36E0, s18;
	s14 =	smov.u32 s8  }
0x77: {  	[spmem:s1] =	stream.indirect.scatter.add.f32 [tilespmem:s5], [sflag:$0x1], $0x1, s13, s24, $0xb8;
	[tilespmem:$0x94E0] =	vst v63  }
0x78: {  	s5 =	sadd.s32 $0x3760, s18  }
0x79: {  	[spmem:s2] =	stream.indirect.scatter.add.f32 [tilespmem:s5], [sflag:$0x1], $0x1, s13, s24, $0xb8;
	[tilespmem:$0x94E0] =	vst v63  }
0x7a: {  	s5 =	sadd.s32 $0x37E0, s18  }
0x7b: {  	[spmem:s3] =	stream.indirect.scatter.add.f32 [tilespmem:s5], [sflag:$0x1], $0x1, s13, s24, $0xb8;
	[tilespmem:$0x94E0] =	vst v63  }
0x7c: {  	s5 =	sadd.s32 $0x3860, s18  }
0x7d: {  	[spmem:s4] =	stream.indirect.scatter.add.f32 [tilespmem:s5], [sflag:$0x1], $0x1, s13, s24, $0xb8;
	[tilespmem:$0x94E0] =	vst v63  }
0x7e: {  	s13 =	smov.u32 s16;
	_ =	swait.ge [sflag:s11], $0x80  }
0x7f: {  	[sflag:s11] =	ssyncset.done $0x0  }
0x80: {  	[sflag:s11] =	ssyncadd.s32 $0xFFFFFF80  }
0x81: {  	_ =	swait.ge [sflag:s11], $0x80  }
0x82: {  	[sflag:s11] =	ssyncset.done $0x0  }
0x83: {  	[sflag:s11] =	ssyncadd.s32 $0xFFFFFF80  }
0x84: {  	_ =	swait.ge [sflag:s11], $0x80  }
0x85: {  	[sflag:s11] =	ssyncset.done $0x0  }
0x86: {  	[sflag:s11] =	ssyncadd.s32 $0xFFFFFF80  }
0x87: {  	_ =	swait.ge [sflag:s11], $0x80  }
0x88: {  	[sflag:s11] =	ssyncset.done $0x0  }
0x89: {  	[sflag:s11] =	ssyncadd.s32 $0xFFFFFF80  }
0x8a: {  	_ =	swait.ge [sflag:s11], $0x80  }
0x8b: {  	[sflag:s11] =	ssyncset.done $0x0  }
0x8c: {  	[sflag:s11] =	ssyncadd.s32 $0xFFFFFF80  }
0x8d: {  	_ =	swait.ge [sflag:s11], $0x80  }
0x8e: {  	[sflag:s11] =	ssyncset.done $0x0  }
0x8f: {  	[sflag:s11] =	ssyncadd.s32 $0xFFFFFF80  }
.Ltmp0:
0x90: {  	_ =	swait.ge [sflag:s11], $0x80;
	(pc) =	sbr.rel @p1 .LBB2_3-.Ltmp0, $4  }
0x91: {  	[sflag:s11] =	ssyncset.done $0x0  }
0x92: {  	[sflag:s11] =	ssyncadd.s32 $0xFFFFFF80  }
0x93: {  	_ =	swait.ge [sflag:s11], $0x80  }
0x94: {  	s18 =	sshra.s32 s17, $0x2;
	s16 =	sadd.s32 $0x80, s16;
	[sflag:s11] =	ssyncset.done $0x0  }
0x95: {  	s5 =	sadd.s32 $0x34E0, s18;
	[sflag:s11] =	ssyncadd.s32 $0xFFFFFF80  }
0x96: {  	[spmem:s1] =	stream.indirect.scatter.add.f32 [tilespmem:s5], [sflag:$0x1], $0x1, s14, s24, $0xb8;
	[tilespmem:$0x94E0] =	vst v63  }
0x97: {  	s16 =	sadd.s32 $0x3560, s18  }
0x98: {  	[spmem:s2] =	stream.indirect.scatter.add.f32 [tilespmem:s16], [sflag:$0x1], $0x1, s14, s24, $0xb8;
	[tilespmem:$0x94E0] =	vst v63  }
0x99: {  	s17 =	sadd.s32 $0x35E0, s18  }
0x9a: {  	[spmem:s3] =	stream.indirect.scatter.add.f32 [tilespmem:s17], [sflag:$0x1], $0x1, s14, s24, $0xb8;
	[tilespmem:$0x94E0] =	vst v63  }
0x9b: {  	s8 =	sadd.s32 $0x3660, s18  }
0x9c: {  	[spmem:s4] =	stream.indirect.scatter.add.f32 [tilespmem:s8], [sflag:$0x1], $0x1, s14, s24, $0xb8;
	[tilespmem:$0x94E0] =	vst v63  }
0x9d: {  	s15 =	sadd.s32 $0x36E0, s18  }
0x9e: {  	[spmem:s1] =	stream.indirect.scatter.add.f32 [tilespmem:s15], [sflag:$0x1], $0x1, s13, s24, $0xb8;
	[tilespmem:$0x94E0] =	vst v63  }
0x9f: {  	s16 =	sadd.s32 $0x3760, s18  }
0xa0: {  	[spmem:s2] =	stream.indirect.scatter.add.f32 [tilespmem:s16], [sflag:$0x1], $0x1, s13, s24, $0xb8;
	[tilespmem:$0x94E0] =	vst v63  }
0xa1: {  	s17 =	sadd.s32 $0x37E0, s18  }
0xa2: {  	[spmem:s3] =	stream.indirect.scatter.add.f32 [tilespmem:s17], [sflag:$0x1], $0x1, s13, s24, $0xb8;
	[tilespmem:$0x94E0] =	vst v63  }
0xa3: {  	s18 =	sadd.s32 $0x3860, s18  }
0xa4: {  	[spmem:s4] =	stream.indirect.scatter.add.f32 [tilespmem:s18], [sflag:$0x1], $0x1, s13, s24, $0xb8;
	[tilespmem:$0x94E0] =	vst v63  }
0xa5: {  	_ =	swait.ge [sflag:s11], $0x80  }
0xa6: {  	[sflag:s11] =	ssyncset.done $0x0  }
0xa7: {  	[sflag:s11] =	ssyncadd.s32 $0xFFFFFF80  }
0xa8: {  	_ =	swait.ge [sflag:s11], $0x80  }
0xa9: {  	[sflag:s11] =	ssyncset.done $0x0  }
0xaa: {  	[sflag:s11] =	ssyncadd.s32 $0xFFFFFF80  }
0xab: {  	_ =	swait.ge [sflag:s11], $0x80  }
0xac: {  	[sflag:s11] =	ssyncset.done $0x0  }
0xad: {  	[sflag:s11] =	ssyncadd.s32 $0xFFFFFF80  }
0xae: {  	_ =	swait.ge [sflag:s11], $0x80  }
0xaf: {  	[sflag:s11] =	ssyncset.done $0x0  }
0xb0: {  	[sflag:s11] =	ssyncadd.s32 $0xFFFFFF80  }
0xb1: {  	_ =	swait.ge [sflag:s11], $0x80  }
0xb2: {  	[sflag:s11] =	ssyncset.done $0x0  }
0xb3: {  	[sflag:s11] =	ssyncadd.s32 $0xFFFFFF80  }
0xb4: {  	_ =	swait.ge [sflag:s11], $0x80  }
0xb5: {  	[sflag:s11] =	ssyncset.done $0x0  }
0xb6: {  	[sflag:s11] =	ssyncadd.s32 $0xFFFFFF80  }
0xb7: {  	_ =	swait.ge [sflag:s11], $0x80  }
0xb8: {  	[sflag:s11] =	ssyncset.done $0x0  }
0xb9: {  	[sflag:s11] =	ssyncadd.s32 $0xFFFFFF80  }
0xba: {  	_ =	swait.ge [sflag:s11], $0x80  }
0xbb: {  	[sflag:s11] =	ssyncset.done $0x0  }
0xbc: {  	[sflag:s11] =	ssyncadd.s32 $0xFFFFFF80  }
0xbd: {  	_ =	swait.ge [sflag:s11], $0x80  }
0xbe: {  	[sflag:s11] =	ssyncset.done $0x0  }
0xbf: {  	[sflag:s11] =	ssyncadd.s32 $0xFFFFFF80  }
0xc0: {  	_ =	swait.ge [sflag:s11], $0x80  }
0xc1: {  	[sflag:s11] =	ssyncset.done $0x0  }
0xc2: {  	[sflag:s11] =	ssyncadd.s32 $0xFFFFFF80  }
0xc3: {  	_ =	swait.ge [sflag:s11], $0x80  }
0xc4: {  	[sflag:s11] =	ssyncset.done $0x0  }
0xc5: {  	[sflag:s11] =	ssyncadd.s32 $0xFFFFFF80  }
0xc6: {  	_ =	swait.ge [sflag:s11], $0x80  }
0xc7: {  	[sflag:s11] =	ssyncset.done $0x0  }
0xc8: {  	[sflag:s11] =	ssyncadd.s32 $0xFFFFFF80  }
0xc9: {  	_ =	swait.ge [sflag:s11], $0x80  }
0xca: {  	[sflag:s11] =	ssyncset.done $0x0  }
0xcb: {  	[sflag:s11] =	ssyncadd.s32 $0xFFFFFF80  }
0xcc: {  	_ =	swait.ge [sflag:s11], $0x80  }
0xcd: {  	[sflag:s11] =	ssyncset.done $0x0  }
0xce: {  	s12 =	sadd.s32 $0x1, s12;
	[sflag:s11] =	ssyncadd.s32 $0xFFFFFF80  }
0xcf: {  	p1 =	sne.s32 s12, $0x5;
	_ =	swait.ge [sflag:s11], $0x80  }
.Ltmp1:
0xd0: {  	[sflag:s11] =	ssyncset.done $0x0;
	(pc) =	sbr.rel @p1 .LBB2_2-.Ltmp1, $4  }
0xd1: {  	[sflag:s11] =	ssyncadd.s32 $0xFFFFFF80  }
0xd2: {  	_ =	swait.ge [sflag:s11], $0x80  }
0xd3: {  	[sflag:s11] =	ssyncset.done $0x0  }
0xd4: {  	[sflag:s11] =	ssyncadd.s32 $0xFFFFFF80  }
0xd5: {  	[bflag:$0x0] =	sbarrier.arrive $0xFFFF  }
0xd6: {  	s8 =	rddreg [dreg:$0x8]  }
0xd7: {  	s5 =	simm.s32 @!p0 $0x1C02;
	s13 =	rddreg [dreg:$0xd]  }
0xd8: {  	[hbm:s8], [sflag:s5] =	dma.local @!p0 [spmem:s13], $0x186A  }
0xd9: {  	s8 =	simm.s32 @!p0 $0x2  }
0xda: {  	_ =	swait.ge @!p0 [sflag:s8], $0x186A  }
0xdb: {  	[sflag:s8] =	ssyncset.done @!p0 $0x0;
	s12 =	rddreg [dreg:$0x9]  }
0xdc: {  	s14 =	rddreg [dreg:$0xe];
	[sflag:s8] =	ssyncadd.s32 @!p0 $0xFFFFE796  }
0xdd: {  	[hbm:s12], [sflag:s5] =	dma.local @!p0 [spmem:s14], $0x186A  }
0xde: {  	_ =	swait.ge @!p0 [sflag:s8], $0x186A  }
0xdf: {  	[sflag:s8] =	ssyncset.done @!p0 $0x0;
	s12 =	rddreg [dreg:$0xa]  }
0xe0: {  	s15 =	rddreg [dreg:$0xf];
	[sflag:s8] =	ssyncadd.s32 @!p0 $0xFFFFE796  }
0xe1: {  	[hbm:s12], [sflag:s5] =	dma.local @!p0 [spmem:s15], $0x186A  }
0xe2: {  	_ =	swait.ge @!p0 [sflag:s8], $0x186A  }
0xe3: {  	[sflag:s8] =	ssyncset.done @!p0 $0x0;
	s12 =	rddreg [dreg:$0xb]  }
0xe4: {  	s16 =	rddreg [dreg:$0x10];
	[sflag:s8] =	ssyncadd.s32 @!p0 $0xFFFFE796  }
0xe5: {  	[hbm:s12], [sflag:s5] =	dma.local @!p0 [spmem:s16], $0x186A  }
0xe6: {  	_ =	swait.ge @!p0 [sflag:s8], $0x186A  }
0xe7: {  	s17 =	rddreg [dreg:$0x6]  }
0xe8: {  	s18 =	rddreg [dreg:$0xc];
	s5 =	sadd.s32 $0x1, s17  }
0xe9: {  	p1 =	sne.s32 s5, s18  }
.Ltmp2:
0xea: {  	_ = 	snop;
	(pc) =	sbr.rel @p1 .LBB2_1-.Ltmp2, $3  }
0xeb: {  	_ =	sdelay $0x1  }
0xec: {  	[sflag:s8] =	ssyncset.done @!p0 $0x0  }
0xed: {  	[sflag:s8] =	ssyncadd.s32 @!p0 $0xFFFFE796  }
0xee: {  	_ =	sfence.sel $0x180000  }
0xef: {  	[bflag:$0x0] =	sbarrier.arrive $0xFFFF  }
0xf0: {  	_ =	strace $0x9000004D  }
0xf1: {  	[bflag:$0x2] =	sbarrier.arrive $0xFFFF  }
0xf2: {  	s0 =	rddreg [dreg:$0x5]  }
0xf3: {  	s0 =	sadd.s32 @!p0 $0x100000, s0  }
0xf4: {  	[sflag:s0] =	ssyncadd.tile.s32 @!p0 $0x1;
	_ =	shalt  }
.Lfunc_end2:
_tile_overlayer_lowered:
.L_overlay_start_2:
0xf5: {  	(tag) =	ssettag $0x2  }
0xf6: {  	s0 =	rddreg [dreg:$0x0];
	s2 =	stileid.u32  }
0xf7: {  	s1 =	rddreg [dreg:$0x1];
	p0 =	sne.s32 s2, $0x0  }
0xf8: {  	s3 =	rddreg [dreg:$0x2];
	[bflag:$0x3] =	sbarrier.arrive $0xFFFF;
	s2 =	simm.s32 @!p0 $0x1C02  }
0xf9: {  	[timem:s3], [sflag:s2] =	dma.local @!p0 [hbm:s0], s1  }
0xfa: {  	s0 =	simm.s32 @!p0 $0x2  }
0xfb: {  	_ =	swait.ge @!p0 [sflag:s0], s1  }
0xfc: {  	s1 =	ssub.s32 @!p0 $0x0, s1;
	[sflag:s0] =	ssyncset.done @!p0 $0x0  }
0xfd: {  	[sflag:s0] =	ssyncadd.s32 @!p0 s1  }
0xfe: {  	[bflag:$0x3] =	sbarrier.arrive $0xFFFF  }
0xff: {  	_ =	shalt  }

// kernel: kernel.19.cloned.1.call-start
scs
__scs_entry_jumppad:
0x0: {  	(pc) =	sbr.rel $0x88, $3  }
0x1: {  	(tag) =	ssettag $0x0;
	lr =	simm.s32 $0x1  }
0x2: {  	[smem:$0x3F7D] =	sst lr;
	_ =	strace $0xD0000000  }
0x3: {  	_ = 	snop  }
0x4: {  	_ = 	snop  }
0x5: {  	_ = 	snop  }
0x6: {  	_ = 	snop  }
0x7: {  	_ = 	snop  }
__scs_overlays_trampoline_lowered:
0x8: {  	[smem:$0x3F8C] =	sst s0  }
0x9: {  	[smem:$0x3F8D] =	sst s1  }
0xa: {  	[smem:$0x3F8E] =	sst s2  }
0xb: {  	[smem:$0x3F8F] =	sst s3  }
0xc: {  	[smem:$0x3F90] =	sst s4  }
0xd: {  	[smem:$0x3F91] =	sst s5  }
0xe: {  	[smem:$0x3F92] =	sst s6  }
0xf: {  	[smem:$0x3F93] =	sst s7  }
0x10: {  	[smem:$0x3F94] =	sst s8  }
0x11: {  	[smem:$0x3F95] =	sst s9;
	s0 =	simm.s32 @!p0 $0x0  }
0x12: {  	s1 =	sld [smem:$0x3F7B];
	s0 =	simm.s32 @p0 $0x1  }
0x13: {  	[smem:$0x3F96] =	sst s0;
	s0 =	simm.s32 @!p1 $0x0  }
0x14: {  	s2 =	sld [smem:$0x3F7A];
	s0 =	simm.s32 @p1 $0x1  }
0x15: {  	[smem:$0x3F97] =	sst s0;
	s0 =	simm.s32 @!p2 $0x0  }
0x16: {  	s3 =	sld [smem:$0x3FDB];
	s0 =	simm.s32 @p2 $0x1  }
0x17: {  	s4 =	simm.s32 $0x1BF5;
	[smem:$0x3F99] =	sst s0  }
0x18: {  	s0 =	sld [smem:$0x3F7C];
	_ =	swait.ge [sflag:s4], $0x0  }
0x19: {  	s7 =	sld [smem:$0x3F7D]  }
0x1a: {  	s8 =	sadd.s32 $0xFFFFE003, lr  }
0x1b: {  	s9 =	sadd.s32 $0xFFFFFEF7, lr;
	s5 =	simm.s32 $0xFFFFFFFF;
	p2 =	slt.u32 s8, $0xFFFFF086  }
0x1c: {  	p1 =	slt.u32 s9, $0xF7A;
	s5 =	simm.s32 @!p2 $0x0  }
0x1d: {  	s5 =	simm.s32 @p1 $0x1;
	p0 =	seq.s32 s7, s2  }
0x1e: {  	s7 =	smul.u32 @!p0 $0xF7A, s2;
	p2 =	seq.s32 @!p0 s5, $0x0  }
0x1f: {  	s9 =	smul.u32 $0xF7A, s1;
	s8 =	simm.s32 @!p0 $0x1BF5;
	p2 =	por !p2, p0  }
0x20: {  	[sflag:s8] =	ssyncset.s32 @!p0 $0xFFFFF086;
	s6 =	sadd.s32 @!p0 s3, s7;
	s7 =	simm.s32 @!p0 $0x108  }
0x21: {  	s3 =	sadd.s32 s3, s9;
	s6 =	sadd.s32 @!p0 $0x88, s6;
	s7 =	simm.s32 @p2 $0x1082  }
0x22: {  	[simem:s7], [sflag:s8] =	dma.local @!p0 [hbm:s6], $0xF7A  }
0x23: {  	s9 =	sor.u32 $0xD0000000, s2;
	s6 =	simm.s32 $0x108;
	_ =	swait.ge @!p0 [sflag:s8], $0x0  }
0x24: {  	s3 =	sadd.s32 $0x88, s3;
	s6 =	simm.s32 @!p1 $0x1082;
	[sflag:s4] =	ssyncset.s32 $0xFFFFF086  }
0x25: {  	[simem:s6], [sflag:s4] =	dma.local [hbm:s3], $0xF7A  }
0x26: {  	[smem:$0x3F7D] =	sst s1;
	(tag) =	ssettag s2;
	_ =	strace s9  }
0x27: {  	s1 =	sld [smem:$0x3F8D]  }
0x28: {  	s2 =	sld [smem:$0x3F8E]  }
0x29: {  	s4 =	sld [smem:$0x3F90]  }
0x2a: {  	p0 =	seq.s32 s5, $0x0;
	s5 =	sld [smem:$0x3F91]  }
0x2b: {  	s6 =	sld [smem:$0x3F92]  }
0x2c: {  	s7 =	sld [smem:$0x3F93]  }
0x2d: {  	s3 =	simm.s32 $0x108;
	s8 =	sld [smem:$0x3F94]  }
0x2e: {  	s3 =	simm.s32 @!p0 $0x1082;
	s9 =	sld [smem:$0x3F95]  }
0x2f: {  	lr =	sadd.s32 s0, s3;
	s0 =	sld [smem:$0x3F8C]  }
0x30: {  	s3 =	sld [smem:$0x3F8F]  }
0x31: {  	[smem:$0x3F98] =	sst s10  }
0x32: {  	s10 =	sld [smem:$0x3F96];
	_ =	sdelay $0x3  }
0x33: {  	p0 =	seq.s32 s10, $0x1;
	s10 =	sld [smem:$0x3F98];
	_ =	sdelay $0x3  }
0x34: {  	[smem:$0x3F98] =	sst s10  }
0x35: {  	s10 =	sld [smem:$0x3F97];
	_ =	sdelay $0x3  }
0x36: {  	p1 =	seq.s32 s10, $0x1;
	s10 =	sld [smem:$0x3F98];
	_ =	sdelay $0x3  }
0x37: {  	[smem:$0x3F98] =	sst s10  }
0x38: {  	s10 =	sld [smem:$0x3F99]  }
0x39: {  	_ = 	snop;
	(pc) =	sbr.ind lr, $3  }
0x3a: {  	_ = 	snop  }
0x3b: {  	_ = 	snop  }
0x3c: {  	p2 =	seq.s32 s10, $0x1;
	s10 =	sld [smem:$0x3F98]  }
0x3d: {  	_ =	shalt  }
0x3e: {  	_ =	shalt  }
0x3f: {  	_ =	shalt  }
0x40: {  	_ =	shalt  }
0x41: {  	_ =	shalt  }
0x42: {  	_ =	shalt  }
0x43: {  	_ =	shalt  }
0x44: {  	_ =	shalt  }
0x45: {  	_ =	shalt  }
0x46: {  	_ =	shalt  }
0x47: {  	_ =	shalt  }
0x48: {  	_ =	shalt  }
0x49: {  	_ =	shalt  }
0x4a: {  	_ =	shalt  }
0x4b: {  	_ =	shalt  }
0x4c: {  	_ =	shalt  }
0x4d: {  	_ =	shalt  }
0x4e: {  	_ =	shalt  }
0x4f: {  	_ =	shalt  }
0x50: {  	_ =	shalt  }
0x51: {  	_ =	shalt  }
0x52: {  	_ =	shalt  }
0x53: {  	_ =	shalt  }
0x54: {  	_ =	shalt  }
0x55: {  	_ =	shalt  }
0x56: {  	_ =	shalt  }
0x57: {  	_ =	shalt  }
0x58: {  	_ =	shalt  }
0x59: {  	_ =	shalt  }
0x5a: {  	_ =	shalt  }
0x5b: {  	_ =	shalt  }
0x5c: {  	_ =	shalt  }
0x5d: {  	_ =	shalt  }
0x5e: {  	_ =	shalt  }
0x5f: {  	_ =	shalt  }
0x60: {  	_ =	shalt  }
0x61: {  	_ =	shalt  }
0x62: {  	_ =	shalt  }
0x63: {  	_ =	shalt  }
0x64: {  	_ =	shalt  }
0x65: {  	_ =	shalt  }
0x66: {  	_ =	shalt  }
0x67: {  	_ =	shalt  }
0x68: {  	_ =	shalt  }
0x69: {  	_ =	shalt  }
0x6a: {  	_ =	shalt  }
0x6b: {  	_ =	shalt  }
0x6c: {  	_ =	shalt  }
0x6d: {  	_ =	shalt  }
0x6e: {  	_ =	shalt  }
0x6f: {  	_ =	shalt  }
0x70: {  	_ =	shalt  }
0x71: {  	_ =	shalt  }
0x72: {  	_ =	shalt  }
0x73: {  	_ =	shalt  }
0x74: {  	_ =	shalt  }
0x75: {  	_ =	shalt  }
0x76: {  	_ =	shalt  }
0x77: {  	_ =	shalt  }
0x78: {  	_ =	shalt  }
0x79: {  	_ =	shalt  }
0x7a: {  	_ =	shalt  }
0x7b: {  	_ =	shalt  }
0x7c: {  	_ =	shalt  }
0x7d: {  	_ =	shalt  }
0x7e: {  	_ =	shalt  }
0x7f: {  	_ =	shalt  }
0x80: {  	_ =	shalt  }
0x81: {  	_ =	shalt  }
0x82: {  	_ =	shalt  }
0x83: {  	_ =	shalt  }
0x84: {  	_ =	shalt  }
0x85: {  	_ =	shalt  }
0x86: {  	_ =	shalt  }
0x87: {  	_ =	shalt  }
.Lfunc_end0:
.L_simem_size_0:
called_computation.3_lowered:
.L_overlay_start_0:
0x88: {  	s2 =	sld [smem:$0x3FD9]  }
0x89: {  	s3 =	sld [smem:$0x3FFE];
	_ =	sdelay $0x1  }
0x8a: {  	s1 =	srdreg.scid  }
0x8b: {  	s0 =	sand.u32 $0x1, s1  }
0x8c: {  	s17 =	sshll.u32 s0, $0xA;
	s2 =	sadd.s32 s3, s2  }
0x8d: {  	s2 =	sadd.s32 s2, s17  }
0x8e: {  	[smem:$0x3FA4] =	sst s2  }
0x8f: {  	_ = 	snop  }
0x90: {  	s18 =	sld [smem:$0x3FD0];
	(tm) =	ssettm $0x1  }
0x91: {  	s19 =	sld [smem:$0x3FFB];
	_ =	sdelay $0x3  }
0x92: {  	_ =	strace s19  }
0x93: {  	s2 =	sld [smem:$0x3FFC];
	_ =	sdelay $0x3  }
0x94: {  	_ =	strace s2  }
0x95: {  	s2 =	sld [smem:$0x3FFD];
	_ =	sdelay $0x3  }
0x96: {  	_ =	strace s2  }
0x97: {  	_ =	strace $0x8FFFFFFF  }
0x98: {  	s20 =	sld [smem:$0x3FDB];
	_ =	sdelay $0x1  }
0x99: {  	s4 =	simm.s32 $_scs_section_size  }
0x9a: {  	s5 =	simm.s32 $_size__tile_overlayer_lowered;
	s6 =	simm.s32 $_tile_overlayer_lowered  }
0x9b: {  	s7 =	simm.s32 $0x1BFF;
	s21 =	sshll.u32 s6, $0x1;
	s4 =	sadd.s32 s4, s20  }
0x9c: {  	s22 =	simm.s32 $0x0;
	s5 =	sshll.u32 s5, $0x1;
	s6 =	sadd.s32 s21, s4  }
0x9d: {  	[timem:s22], [sflag:s7] =	dma.local [hbm:s6], s5  }
0x9e: {  	_ =	swait.ge [sflag:s7], s5  }
0x9f: {  	s5 =	ssub.s32 $0x0, s5;
	[sflag:s7] =	ssyncset.done $0x0  }
0xa0: {  	[sflag:s7] =	ssyncadd.s32 s5;
	_ =	sdelay $0x1  }
0xa1: {  	s23 =	simm.s32 $0x1B8B  }
0xa2: {  	_ =	swait.ge [sflag:s23], $0x1  }
0xa3: {  	[sflag:s23] =	ssyncset.done $0x0  }
0xa4: {  	[sflag:s23] =	ssyncadd.s32 $0xFFFFFFFF  }
0xa5: {  	s5 =	sld [smem:$0x0]  }
0xa6: {  	s6 =	sand.u32 $0xFFFFFFFE, s1  }
0xa7: {  	p0 =	sne.s32 s1, s6  }
0xa8: {  	s6 =	sshll.u32 @p0 s6, $0xE  }
0xa9: {  	s6 =	sadd.s32 @p0 $0x11B8D, s6;
	s7 =	sshll.u32 @p0 s5, $0x11  }
0xaa: {  	s6 =	sor.u32 @p0 s7, s6  }
0xab: {  	[sflag:s6] =	ssyncadd.remote.s32 @p0 $0x1;
	_ =	sdelay $0x1  }
0xac: {  	s6 =	simm.s32 @p0 $0x1B8D  }
0xad: {  	_ =	swait.eq @p0 [sflag:s6], $0x1  }
0xae: {  	[sflag:s6] =	ssyncadd.s32 @p0 $0xFFFFFFFF  }
0xaf: {  	s7 =	sshll.u32 @!p0 s1, $0xE  }
0xb0: {  	s7 =	sor.u32 @!p0 $0x4000, s7;
	s6 =	simm.s32 @!p0 $0x1B8D  }
0xb1: {  	s5 =	sshll.u32 @!p0 s5, $0x11;
	s7 =	sadd.s32 @!p0 $0x11B8D, s7;
	_ =	swait.eq @!p0 [sflag:s6], $0x1  }
0xb2: {  	s5 =	sor.u32 @!p0 s5, s7;
	[sflag:s6] =	ssyncadd.s32 @!p0 $0xFFFFFFFF  }
0xb3: {  	s25 =	simm.s32 $0x1B8E;
	s24 =	sld [smem:$0x3FFE];
	[sflag:s5] =	ssyncadd.remote.s32 @!p0 $0x1  }
0xb4: {  	s26 =	simm.s32 $execute0_lowered;
	[smem:$0x3FD2] =	sst s25  }
0xb5: {  	s6 =	sshll.u32 s26, $0x1;
	_ =	strace $0x8000004F;
	[dreg:$0x1] =	wrdreg $0xFFFFFFFF  }
0xb6: {  	s28 =	simm.s32 $_size_execute0_lowered;
	s4 =	sadd.s32 s4, s6;
	[dreg:$0x0] =	wrdreg $0x0  }
0xb7: {  	s6 =	sshll.u32 s28, $0x1;
	[dreg:$0x2] =	wrdreg s4  }
0xb8: {  	[dreg:$0x3] =	wrdreg s6  }
0xb9: {  	[dreg:$0x4] =	wrdreg $0xC0  }
0xba: {  	_ =	task [dreg:s22], $0x5FFFF  }
0xbb: {  	[dreg:$0x1] =	wrdreg $0xFFFFFFFF  }
0xbc: {  	[dreg:$0x0] =	wrdreg $0x60  }
0xbd: {  	[dreg:$0x2] =	wrdreg s24  }
0xbe: {  	[dreg:$0x3] =	wrdreg s18  }
0xbf: {  	[dreg:$0x4] =	wrdreg $0x0  }
0xc0: {  	[dreg:$0x5] =	wrdreg $0xC380  }
0xc1: {  	[dreg:$0x6] =	wrdreg $0x18700  }
0xc2: {  	[dreg:$0x7] =	wrdreg $0x24A80  }
0xc3: {  	[dreg:$0x8] =	wrdreg $0xA  }
0xc4: {  	_ =	task.clear_ibuf [dreg:s22], $0x9FFFF;
	_ =	strace $0x9000004F  }
0xc5: {  	s29 =	simm.s32 $0xA;
	_ =	strace $0x80000051  }
0xc6: {  	_ =	swait.ge [sflag:s29], $0x1  }
0xc7: {  	[sflag:s29] =	ssyncadd.s32 $0xFFFFFFFF  }
0xc8: {  	_ =	strace $0x90000051  }
0xc9: {  	_ =	sfence  }
0xca: {  	s30 =	sld [smem:$0x0];
	_ =	sdelay $0x2  }
0xcb: {  	s31 =	sshll.u32 s1, $0xD;
	s1 =	sshrl.u32 s1, $0x2  }
0xcc: {  	s4 =	sand.u32 $0x4000, s31;
	s1 =	sadd.s32 s1, s30  }
0xcd: {  	s0 =	sor.u32 s4, s0;
	s1 =	sshll.u32 s1, $0x11  }
0xce: {  	s0 =	sor.u32 s1, s0  }
0xcf: {  	s0 =	sadd.s32 $0x8F2B, s0  }
0xd0: {  	[sflag:s0] =	ssyncadd.remote.s32 $0x1  }
0xd1: {  	_ =	sfence.sel $0xFFFF  }
0xd2: {  	[dreg:$0x0] =	wrdreg $0xFFFFFFFF;
	(pc) =	sbr.abs _section_cstart, $3  }
0xd3: {  	[dreg:$0x1] =	wrdreg $0xFFFFFFFF  }
0xd4: {  	_ =	task.clear_ibuf [dreg:s22], $0x2FFFF;
	_ =	strace $0x9FFFFFFF  }
0xd5: {  	(tm) =	ssettm $0x7FFFFFFF  }
tec
execute0_lowered:
.L_overlay_start_1:
0x0: {  	(tag) =	ssettag $0x1  }
0x1: {  	s0 =	rddreg [dreg:$0x0]  }
0x2: {  	s10 =	rddreg [dreg:$0x1]  }
0x3: {  	s1 =	rddreg [dreg:$0x2]  }
0x4: {  	s2 =	rddreg [dreg:$0x3]  }
0x5: {  	s3 =	rddreg [dreg:$0x4]  }
0x6: {  	s4 =	rddreg [dreg:$0x5];
	s5 =	simm.s32 $0x0  }
0x7: {  	s7 =	srdreg.scid;
	s11 =	stileid.u32;
	s19 =	simm.s32 $0x30E0  }
0x8: {  	s20 =	simm.s32 $0x2;
	s21 =	simm.s32 $0xA00;
	s22 =	simm.s32 $0x64000  }
0x9: {  	s23 =	simm.s32 $0x80E0;
	s24 =	simm.s32 $0x80;
	[smem:$0x7FF] =	sst s5  }
0xa: {  	s6 =	sadd.s32 $0x3EF400, s0;
	s9 =	sand.u32 $0x1, s7;
	s7 =	sadd.s32 $0x74FE00, s0  }
0xb: {  	s0 =	sadd.s32 $0x742000, s0;
	s13 =	sshll.u32 s11, $0x1;
	p0 =	sne.s32 s11, $0x0  }
0xc: {  	_ =	strace $0x80000050;
	s12 =	smul.u32 $0x30D40, s9;
	[dreg:$0x8] =	wrdreg s0  }
0xd: {  	s25 =	ssub.s32 $0x2, s9;
	s9 =	sor.u32 s9, s13;
	s13 =	sshrl.u32 @!p0 s1, $0x3  }
0xe: {  	s28 =	simm.s32 $0x3260;
	s15 =	sshrl.u32 @!p0 s3, $0x3;
	[dreg:$0xe] =	wrdreg s13  }
0xf: {  	s29 =	simm.s32 $0x8AE0;
	s16 =	sshrl.u32 @!p0 s4, $0x3;
	[dreg:$0x10] =	wrdreg s15  }
0x10: {  	s30 =	simm.s32 $0x32E0;
	s14 =	sshrl.u32 s25, $0x1;
	[dreg:$0x11] =	wrdreg s16  }
0x11: {  	s12 =	sshrl.u32 s12, $0x3;
	s0 =	ssub.s32 s25, s14;
	s14 =	sshrl.u32 @!p0 s2, $0x3  }
0x12: {  	s31 =	simm.s32 $0x3360;
	s8 =	sadd.s32 s10, s12;
	[dreg:$0xf] =	wrdreg s14  }
0x13: {  	s11 =	simm.s32 $0x3460;
	s0 =	smax.u32 s0, $0x1;
	[dreg:$0x9] =	wrdreg s8  }
0x14: {  	s9 =	smul.u32 $0x64, s9;
	s10 =	sadd.s32 $0x186A, s8;
	[dreg:$0xd] =	wrdreg s0  }
0x15: {  	s25 =	simm.s32 $0x3160;
	s26 =	sadd.s32 $0x30D4, s8;
	[dreg:$0xa] =	wrdreg s10  }
0x16: {  	s12 =	simm.s32 $0x1;
	s8 =	sadd.s32 $0x493E, s8;
	[dreg:$0xb] =	wrdreg s26  }
0x17: {  	s0 =	simm.s32 $0x33E0;
	[dreg:$0xc] =	wrdreg s8;
	s26 =	simm.s32 $0x31E0  }
.LBB2_1:
0x18: {  	[dreg:$0x7] =	wrdreg s5  }
0x19: {  	s10 =	simm.s32 @!p0 $0x1C02;
	s5 =	rddreg [dreg:$0x8]  }
0x1a: {  	[spmem:s13], [sflag:s10] =	dma.local @!p0 [hbm:s5], $0x186A  }
0x1b: {  	s13 =	simm.s32 @!p0 $0x2  }
0x1c: {  	_ =	swait.ge @!p0 [sflag:s13], $0x186A  }
0x1d: {  	[sflag:s13] =	ssyncset.done @!p0 $0x0  }
0x1e: {  	[sflag:s13] =	ssyncadd.s32 @!p0 $0xFFFFE796  }
0x1f: {  	[spmem:s14], [sflag:s10] =	dma.local @!p0 [hbm:s5], $0x186A  }
0x20: {  	_ =	swait.ge @!p0 [sflag:s13], $0x186A  }
0x21: {  	[sflag:s13] =	ssyncset.done @!p0 $0x0  }
0x22: {  	[sflag:s13] =	ssyncadd.s32 @!p0 $0xFFFFE796  }
0x23: {  	[spmem:s15], [sflag:s10] =	dma.local @!p0 [hbm:s5], $0x186A  }
0x24: {  	_ =	swait.ge @!p0 [sflag:s13], $0x186A  }
0x25: {  	[sflag:s13] =	ssyncset.done @!p0 $0x0  }
0x26: {  	[sflag:s13] =	ssyncadd.s32 @!p0 $0xFFFFE796  }
0x27: {  	[spmem:s16], [sflag:s10] =	dma.local @!p0 [hbm:s5], $0x186A  }
0x28: {  	_ =	swait.ge @!p0 [sflag:s13], $0x186A  }
0x29: {  	[sflag:s13] =	ssyncset.done @!p0 $0x0  }
0x2a: {  	[sflag:s13] =	ssyncadd.s32 @!p0 $0xFFFFE796  }
0x2b: {  	s13 =	simm.s32 $0x0;
	[bflag:$0x0] =	sbarrier.arrive $0xFFFF  }
.LBB2_2:
0x2c: {  	s10 =	smul.u32 $0x14, s13;
	_ =	sdelay $0x1  }
0x2d: {  	s10 =	sadd.s32 s9, s10  }
0x2e: {  	s14 =	sshll.u32 s10, $0x7  }
0x2f: {  	s15 =	simm.s32 $0x0;
	s14 =	sadd.s32 s6, s14  }
0x30: {  	[tilespmem:s19], [sflag:$0x2] =	stream.linear.gather [hbm4b:s14+s15], $0x5000, $0x38;
	[tilespmem:$0x94E0] =	vst v63  }
0x31: {  	_ =	swait.ge [sflag:s20], $0x5000  }
0x32: {  	s10 =	sshll.u32 s10, $0x4;
	[sflag:s20] =	ssyncset.done $0x0  }
0x33: {  	s10 =	sadd.s32 s7, s10;
	[sflag:s20] =	ssyncadd.s32 $0xFFFFB000  }
0x34: {  	[tilespmem:s23], [sflag:$0x2] =	stream.strided.gather [hbm4b:s10+s21], $0x1400, s22, s21, $0x38;
	[tilespmem:$0x94E0] =	vst v63  }
0x35: {  	_ =	swait.ge [sflag:s20], $0x1400  }
0x36: {  	[sflag:s20] =	ssyncset.done $0x0  }
0x37: {  	[sflag:s20] =	ssyncadd.s32 $0xFFFFEC00  }
0x38: {  	[spmem:s1] =	stream.indirect.scatter.add.f32 [tilespmem:s19], [sflag:$0x1], $0x1, s23, s24, $0xb8;
	[tilespmem:$0x94E0] =	vst v63  }
0x39: {  	_ = 	snop  }
0x3a: {  	[spmem:s2] =	stream.indirect.scatter.add.f32 [tilespmem:s25], [sflag:$0x1], $0x1, s23, s24, $0xb8;
	[tilespmem:$0x94E0] =	vst v63  }
0x3b: {  	_ = 	snop  }
0x3c: {  	[spmem:s3] =	stream.indirect.scatter.add.f32 [tilespmem:s26], [sflag:$0x1], $0x1, s23, s24, $0xb8;
	[tilespmem:$0x94E0] =	vst v63  }
0x3d: {  	_ = 	snop  }
0x3e: {  	[spmem:s4] =	stream.indirect.scatter.add.f32 [tilespmem:s28], [sflag:$0x1], $0x1, s23, s24, $0xb8;
	[tilespmem:$0x94E0] =	vst v63  }
0x3f: {  	_ = 	snop  }
0x40: {  	[spmem:s1] =	stream.indirect.scatter.add.f32 [tilespmem:s30], [sflag:$0x1], $0x1, s29, s24, $0xb8;
	[tilespmem:$0x94E0] =	vst v63  }
0x41: {  	_ = 	snop  }
0x42: {  	[spmem:s2] =	stream.indirect.scatter.add.f32 [tilespmem:s31], [sflag:$0x1], $0x1, s29, s24, $0xb8;
	[tilespmem:$0x94E0] =	vst v63  }
0x43: {  	_ = 	snop  }
0x44: {  	[spmem:s3] =	stream.indirect.scatter.add.f32 [tilespmem:s0], [sflag:$0x1], $0x1, s29, s24, $0xb8;
	[tilespmem:$0x94E0] =	vst v63  }
0x45: {  	_ = 	snop  }
0x46: {  	[spmem:s4] =	stream.indirect.scatter.add.f32 [tilespmem:s11], [sflag:$0x1], $0x1, s29, s24, $0xb8;
	[tilespmem:$0x94E0] =	vst v63  }
0x47: {  	s16 =	simm.s32 $0x34E0;
	s15 =	simm.s32 $0x8160  }
0x48: {  	[spmem:s1] =	stream.indirect.scatter.add.f32 [tilespmem:s16], [sflag:$0x1], $0x1, s15, s24, $0xb8;
	[tilespmem:$0x94E0] =	vst v63  }
0x49: {  	s17 =	simm.s32 $0x3560  }
0x4a: {  	[spmem:s2] =	stream.indirect.scatter.add.f32 [tilespmem:s17], [sflag:$0x1], $0x1, s15, s24, $0xb8;
	[tilespmem:$0x94E0] =	vst v63  }
0x4b: {  	s18 =	simm.s32 $0x35E0  }
0x4c: {  	[spmem:s3] =	stream.indirect.scatter.add.f32 [tilespmem:s18], [sflag:$0x1], $0x1, s15, s24, $0xb8;
	[tilespmem:$0x94E0] =	vst v63  }
0x4d: {  	s5 =	simm.s32 $0x3660  }
0x4e: {  	[spmem:s4] =	stream.indirect.scatter.add.f32 [tilespmem:s5], [sflag:$0x1], $0x1, s15, s24, $0xb8;
	[tilespmem:$0x94E0] =	vst v63  }
0x4f: {  	s8 =	simm.s32 $0x8B60;
	s15 =	simm.s32 $0x36E0  }
0x50: {  	[spmem:s1] =	stream.indirect.scatter.add.f32 [tilespmem:s15], [sflag:$0x1], $0x1, s8, s24, $0xb8;
	[tilespmem:$0x94E0] =	vst v63  }
0x51: {  	s16 =	simm.s32 $0x3760  }
0x52: {  	[spmem:s2] =	stream.indirect.scatter.add.f32 [tilespmem:s16], [sflag:$0x1], $0x1, s8, s24, $0xb8;
	[tilespmem:$0x94E0] =	vst v63  }
0x53: {  	s17 =	simm.s32 $0x37E0  }
0x54: {  	[spmem:s3] =	stream.indirect.scatter.add.f32 [tilespmem:s17], [sflag:$0x1], $0x1, s8, s24, $0xb8;
	[tilespmem:$0x94E0] =	vst v63  }
0x55: {  	s18 =	simm.s32 $0x3860  }
0x56: {  	[spmem:s4] =	stream.indirect.scatter.add.f32 [tilespmem:s18], [sflag:$0x1], $0x1, s8, s24, $0xb8;
	[tilespmem:$0x94E0] =	vst v63  }
0x57: {  	_ =	swait.ge [sflag:s12], $0x80  }
0x58: {  	[sflag:s12] =	ssyncset.done $0x0  }
0x59: {  	[sflag:s12] =	ssyncadd.s32 $0xFFFFFF80  }
0x5a: {  	_ =	swait.ge [sflag:s12], $0x80  }
0x5b: {  	[sflag:s12] =	ssyncset.done $0x0  }
0x5c: {  	[sflag:s12] =	ssyncadd.s32 $0xFFFFFF80  }
0x5d: {  	_ =	swait.ge [sflag:s12], $0x80  }
0x5e: {  	[sflag:s12] =	ssyncset.done $0x0  }
0x5f: {  	[sflag:s12] =	ssyncadd.s32 $0xFFFFFF80  }
0x60: {  	_ =	swait.ge [sflag:s12], $0x80  }
0x61: {  	[sflag:s12] =	ssyncset.done $0x0  }
0x62: {  	[sflag:s12] =	ssyncadd.s32 $0xFFFFFF80  }
0x63: {  	_ =	swait.ge [sflag:s12], $0x80  }
0x64: {  	[sflag:s12] =	ssyncset.done $0x0  }
0x65: {  	[sflag:s12] =	ssyncadd.s32 $0xFFFFFF80  }
0x66: {  	_ =	swait.ge [sflag:s12], $0x80  }
0x67: {  	[sflag:s12] =	ssyncset.done $0x0  }
0x68: {  	[sflag:s12] =	ssyncadd.s32 $0xFFFFFF80  }
0x69: {  	_ =	swait.ge [sflag:s12], $0x80  }
0x6a: {  	[sflag:s12] =	ssyncset.done $0x0  }
0x6b: {  	s14 =	simm.s32 $0x8BE0;
	[sflag:s12] =	ssyncadd.s32 $0xFFFFFF80  }
0x6c: {  	s10 =	simm.s32 $0x81E0;
	s15 =	simm.s32 $0x2000;
	_ =	swait.ge [sflag:s12], $0x80  }
0x6d: {  	s16 =	simm.s32 $0x8C60;
	s18 =	simm.s32 $0x400;
	[sflag:s12] =	ssyncset.done $0x0  }
.LBB2_3:
0x6e: {  	s8 =	sadd.s32 $0xFFFFF600, s16  }
0x6f: {  	s5 =	sadd.s32 $0x34E0, s18;
	[sflag:s12] =	ssyncadd.s32 $0xFFFFFF80;
	s17 =	smov.u32 s15  }
0x70: {  	[spmem:s1] =	stream.indirect.scatter.add.f32 [tilespmem:s5], [sflag:$0x1], $0x1, s10, s24, $0xb8;
	[tilespmem:$0x94E0] =	vst v63  }
0x71: {  	p1 =	sne.s32 s15, $0x12000;
	s15 =	sadd.s32 $0x1000, s15;
	s5 =	sadd.s32 $0x3560, s18  }
0x72: {  	[spmem:s2] =	stream.indirect.scatter.add.f32 [tilespmem:s5], [sflag:$0x1], $0x1, s10, s24, $0xb8;
	[tilespmem:$0x94E0] =	vst v63  }
0x73: {  	s5 =	sadd.s32 $0x35E0, s18  }
0x74: {  	[spmem:s3] =	stream.indirect.scatter.add.f32 [tilespmem:s5], [sflag:$0x1], $0x1, s10, s24, $0xb8;
	[tilespmem:$0x94E0] =	vst v63  }
0x75: {  	s5 =	sadd.s32 $0x3660, s18  }
0x76: {  	[spmem:s4] =	stream.indirect.scatter.add.f32 [tilespmem:s5], [sflag:$0x1], $0x1, s10, s24, $0xb8;
	[tilespmem:$0x94E0] =	vst v63  }
0x77: {  	s5 =	sadd.s32 $0x36E0, s18;
	s10 =	smov.u32 s8  }
0x78: {  	[spmem:s1] =	stream.indirect.scatter.add.f32 [tilespmem:s5], [sflag:$0x1], $0x1, s14, s24, $0xb8;
	[tilespmem:$0x94E0] =	vst v63  }
0x79: {  	s5 =	sadd.s32 $0x3760, s18  }
0x7a: {  	[spmem:s2] =	stream.indirect.scatter.add.f32 [tilespmem:s5], [sflag:$0x1], $0x1, s14, s24, $0xb8;
	[tilespmem:$0x94E0] =	vst v63  }
0x7b: {  	s5 =	sadd.s32 $0x37E0, s18  }
0x7c: {  	[spmem:s3] =	stream.indirect.scatter.add.f32 [tilespmem:s5], [sflag:$0x1], $0x1, s14, s24, $0xb8;
	[tilespmem:$0x94E0] =	vst v63  }
0x7d: {  	s5 =	sadd.s32 $0x3860, s18  }
0x7e: {  	[spmem:s4] =	stream.indirect.scatter.add.f32 [tilespmem:s5], [sflag:$0x1], $0x1, s14, s24, $0xb8;
	[tilespmem:$0x94E0] =	vst v63  }
0x7f: {  	s14 =	smov.u32 s16;
	_ =	swait.ge [sflag:s12], $0x80  }
0x80: {  	[sflag:s12] =	ssyncset.done $0x0  }
0x81: {  	[sflag:s12] =	ssyncadd.s32 $0xFFFFFF80  }
0x82: {  	_ =	swait.ge [sflag:s12], $0x80  }
0x83: {  	[sflag:s12] =	ssyncset.done $0x0  }
0x84: {  	[sflag:s12] =	ssyncadd.s32 $0xFFFFFF80  }
0x85: {  	_ =	swait.ge [sflag:s12], $0x80  }
0x86: {  	[sflag:s12] =	ssyncset.done $0x0  }
0x87: {  	[sflag:s12] =	ssyncadd.s32 $0xFFFFFF80  }
0x88: {  	_ =	swait.ge [sflag:s12], $0x80  }
0x89: {  	[sflag:s12] =	ssyncset.done $0x0  }
0x8a: {  	[sflag:s12] =	ssyncadd.s32 $0xFFFFFF80  }
0x8b: {  	_ =	swait.ge [sflag:s12], $0x80  }
0x8c: {  	[sflag:s12] =	ssyncset.done $0x0  }
0x8d: {  	[sflag:s12] =	ssyncadd.s32 $0xFFFFFF80  }
0x8e: {  	_ =	swait.ge [sflag:s12], $0x80  }
0x8f: {  	[sflag:s12] =	ssyncset.done $0x0  }
0x90: {  	[sflag:s12] =	ssyncadd.s32 $0xFFFFFF80  }
.Ltmp0:
0x91: {  	_ =	swait.ge [sflag:s12], $0x80;
	(pc) =	sbr.rel @p1 .LBB2_3-.Ltmp0, $4  }
0x92: {  	[sflag:s12] =	ssyncset.done $0x0  }
0x93: {  	[sflag:s12] =	ssyncadd.s32 $0xFFFFFF80  }
0x94: {  	_ =	swait.ge [sflag:s12], $0x80  }
0x95: {  	s18 =	sshra.s32 s17, $0x2;
	s16 =	sadd.s32 $0x80, s16;
	[sflag:s12] =	ssyncset.done $0x0  }
0x96: {  	s5 =	sadd.s32 $0x34E0, s18;
	[sflag:s12] =	ssyncadd.s32 $0xFFFFFF80  }
0x97: {  	[spmem:s1] =	stream.indirect.scatter.add.f32 [tilespmem:s5], [sflag:$0x1], $0x1, s10, s24, $0xb8;
	[tilespmem:$0x94E0] =	vst v63  }
0x98: {  	s16 =	sadd.s32 $0x3560, s18  }
0x99: {  	[spmem:s2] =	stream.indirect.scatter.add.f32 [tilespmem:s16], [sflag:$0x1], $0x1, s10, s24, $0xb8;
	[tilespmem:$0x94E0] =	vst v63  }
0x9a: {  	s17 =	sadd.s32 $0x35E0, s18  }
0x9b: {  	[spmem:s3] =	stream.indirect.scatter.add.f32 [tilespmem:s17], [sflag:$0x1], $0x1, s10, s24, $0xb8;
	[tilespmem:$0x94E0] =	vst v63  }
0x9c: {  	s8 =	sadd.s32 $0x3660, s18  }
0x9d: {  	[spmem:s4] =	stream.indirect.scatter.add.f32 [tilespmem:s8], [sflag:$0x1], $0x1, s10, s24, $0xb8;
	[tilespmem:$0x94E0] =	vst v63  }
0x9e: {  	s15 =	sadd.s32 $0x36E0, s18  }
0x9f: {  	[spmem:s1] =	stream.indirect.scatter.add.f32 [tilespmem:s15], [sflag:$0x1], $0x1, s14, s24, $0xb8;
	[tilespmem:$0x94E0] =	vst v63  }
0xa0: {  	s16 =	sadd.s32 $0x3760, s18  }
0xa1: {  	[spmem:s2] =	stream.indirect.scatter.add.f32 [tilespmem:s16], [sflag:$0x1], $0x1, s14, s24, $0xb8;
	[tilespmem:$0x94E0] =	vst v63  }
0xa2: {  	s17 =	sadd.s32 $0x37E0, s18  }
0xa3: {  	[spmem:s3] =	stream.indirect.scatter.add.f32 [tilespmem:s17], [sflag:$0x1], $0x1, s14, s24, $0xb8;
	[tilespmem:$0x94E0] =	vst v63  }
0xa4: {  	s18 =	sadd.s32 $0x3860, s18  }
0xa5: {  	[spmem:s4] =	stream.indirect.scatter.add.f32 [tilespmem:s18], [sflag:$0x1], $0x1, s14, s24, $0xb8;
	[tilespmem:$0x94E0] =	vst v63  }
0xa6: {  	_ =	swait.ge [sflag:s12], $0x80  }
0xa7: {  	[sflag:s12] =	ssyncset.done $0x0  }
0xa8: {  	[sflag:s12] =	ssyncadd.s32 $0xFFFFFF80  }
0xa9: {  	_ =	swait.ge [sflag:s12], $0x80  }
0xaa: {  	[sflag:s12] =	ssyncset.done $0x0  }
0xab: {  	[sflag:s12] =	ssyncadd.s32 $0xFFFFFF80  }
0xac: {  	_ =	swait.ge [sflag:s12], $0x80  }
0xad: {  	[sflag:s12] =	ssyncset.done $0x0  }
0xae: {  	[sflag:s12] =	ssyncadd.s32 $0xFFFFFF80  }
0xaf: {  	_ =	swait.ge [sflag:s12], $0x80  }
0xb0: {  	[sflag:s12] =	ssyncset.done $0x0  }
0xb1: {  	[sflag:s12] =	ssyncadd.s32 $0xFFFFFF80  }
0xb2: {  	_ =	swait.ge [sflag:s12], $0x80  }
0xb3: {  	[sflag:s12] =	ssyncset.done $0x0  }
0xb4: {  	[sflag:s12] =	ssyncadd.s32 $0xFFFFFF80  }
0xb5: {  	_ =	swait.ge [sflag:s12], $0x80  }
0xb6: {  	[sflag:s12] =	ssyncset.done $0x0  }
0xb7: {  	[sflag:s12] =	ssyncadd.s32 $0xFFFFFF80  }
0xb8: {  	_ =	swait.ge [sflag:s12], $0x80  }
0xb9: {  	[sflag:s12] =	ssyncset.done $0x0  }
0xba: {  	[sflag:s12] =	ssyncadd.s32 $0xFFFFFF80  }
0xbb: {  	_ =	swait.ge [sflag:s12], $0x80  }
0xbc: {  	[sflag:s12] =	ssyncset.done $0x0  }
0xbd: {  	[sflag:s12] =	ssyncadd.s32 $0xFFFFFF80  }
0xbe: {  	_ =	swait.ge [sflag:s12], $0x80  }
0xbf: {  	[sflag:s12] =	ssyncset.done $0x0  }
0xc0: {  	[sflag:s12] =	ssyncadd.s32 $0xFFFFFF80  }
0xc1: {  	_ =	swait.ge [sflag:s12], $0x80  }
0xc2: {  	[sflag:s12] =	ssyncset.done $0x0  }
0xc3: {  	[sflag:s12] =	ssyncadd.s32 $0xFFFFFF80  }
0xc4: {  	_ =	swait.ge [sflag:s12], $0x80  }
0xc5: {  	[sflag:s12] =	ssyncset.done $0x0  }
0xc6: {  	[sflag:s12] =	ssyncadd.s32 $0xFFFFFF80  }
0xc7: {  	_ =	swait.ge [sflag:s12], $0x80  }
0xc8: {  	[sflag:s12] =	ssyncset.done $0x0  }
0xc9: {  	[sflag:s12] =	ssyncadd.s32 $0xFFFFFF80  }
0xca: {  	_ =	swait.ge [sflag:s12], $0x80  }
0xcb: {  	[sflag:s12] =	ssyncset.done $0x0  }
0xcc: {  	[sflag:s12] =	ssyncadd.s32 $0xFFFFFF80  }
0xcd: {  	_ =	swait.ge [sflag:s12], $0x80  }
0xce: {  	[sflag:s12] =	ssyncset.done $0x0  }
0xcf: {  	s13 =	sadd.s32 $0x1, s13;
	[sflag:s12] =	ssyncadd.s32 $0xFFFFFF80  }
0xd0: {  	p1 =	sne.s32 s13, $0x5;
	_ =	swait.ge [sflag:s12], $0x80  }
.Ltmp1:
0xd1: {  	[sflag:s12] =	ssyncset.done $0x0;
	(pc) =	sbr.rel @p1 .LBB2_2-.Ltmp1, $4  }
0xd2: {  	[sflag:s12] =	ssyncadd.s32 $0xFFFFFF80  }
0xd3: {  	_ =	swait.ge [sflag:s12], $0x80  }
0xd4: {  	[sflag:s12] =	ssyncset.done $0x0  }
0xd5: {  	[sflag:s12] =	ssyncadd.s32 $0xFFFFFF80  }
0xd6: {  	[bflag:$0x0] =	sbarrier.arrive $0xFFFF  }
0xd7: {  	s8 =	rddreg [dreg:$0x9]  }
0xd8: {  	s5 =	simm.s32 @!p0 $0x1C02;
	s13 =	rddreg [dreg:$0xe]  }
0xd9: {  	[hbm:s8], [sflag:s5] =	dma.local @!p0 [spmem:s13], $0x186A  }
0xda: {  	s8 =	simm.s32 @!p0 $0x2  }
0xdb: {  	_ =	swait.ge @!p0 [sflag:s8], $0x186A  }
0xdc: {  	[sflag:s8] =	ssyncset.done @!p0 $0x0;
	s10 =	rddreg [dreg:$0xa]  }
0xdd: {  	s14 =	rddreg [dreg:$0xf];
	[sflag:s8] =	ssyncadd.s32 @!p0 $0xFFFFE796  }
0xde: {  	[hbm:s10], [sflag:s5] =	dma.local @!p0 [spmem:s14], $0x186A  }
0xdf: {  	_ =	swait.ge @!p0 [sflag:s8], $0x186A  }
0xe0: {  	[sflag:s8] =	ssyncset.done @!p0 $0x0;
	s10 =	rddreg [dreg:$0xb]  }
0xe1: {  	s15 =	rddreg [dreg:$0x10];
	[sflag:s8] =	ssyncadd.s32 @!p0 $0xFFFFE796  }
0xe2: {  	[hbm:s10], [sflag:s5] =	dma.local @!p0 [spmem:s15], $0x186A  }
0xe3: {  	_ =	swait.ge @!p0 [sflag:s8], $0x186A  }
0xe4: {  	[sflag:s8] =	ssyncset.done @!p0 $0x0;
	s10 =	rddreg [dreg:$0xc]  }
0xe5: {  	s16 =	rddreg [dreg:$0x11];
	[sflag:s8] =	ssyncadd.s32 @!p0 $0xFFFFE796  }
0xe6: {  	[hbm:s10], [sflag:s5] =	dma.local @!p0 [spmem:s16], $0x186A  }
0xe7: {  	_ =	swait.ge @!p0 [sflag:s8], $0x186A  }
0xe8: {  	s17 =	rddreg [dreg:$0x7]  }
0xe9: {  	s18 =	rddreg [dreg:$0xd];
	s5 =	sadd.s32 $0x1, s17  }
0xea: {  	p1 =	sne.s32 s5, s18  }
.Ltmp2:
0xeb: {  	_ = 	snop;
	(pc) =	sbr.rel @p1 .LBB2_1-.Ltmp2, $3  }
0xec: {  	_ =	sdelay $0x1  }
0xed: {  	[sflag:s8] =	ssyncset.done @!p0 $0x0  }
0xee: {  	[sflag:s8] =	ssyncadd.s32 @!p0 $0xFFFFE796  }
0xef: {  	_ =	sfence.sel $0x180000  }
0xf0: {  	[bflag:$0x0] =	sbarrier.arrive $0xFFFF  }
0xf1: {  	_ =	strace $0x90000050  }
0xf2: {  	[bflag:$0x2] =	sbarrier.arrive $0xFFFF  }
0xf3: {  	s0 =	rddreg [dreg:$0x6]  }
0xf4: {  	s0 =	sadd.s32 @!p0 $0x100000, s0  }
0xf5: {  	[sflag:s0] =	ssyncadd.tile.s32 @!p0 $0x1;
	_ =	shalt  }
.Lfunc_end2:
_tile_overlayer_lowered:
.L_overlay_start_2:
0xf6: {  	(tag) =	ssettag $0x2  }
0xf7: {  	s0 =	rddreg [dreg:$0x0];
	s2 =	stileid.u32  }
0xf8: {  	s1 =	rddreg [dreg:$0x1];
	p0 =	sne.s32 s2, $0x0  }
0xf9: {  	s3 =	rddreg [dreg:$0x2];
	[bflag:$0x3] =	sbarrier.arrive $0xFFFF;
	s2 =	simm.s32 @!p0 $0x1C02  }
0xfa: {  	[timem:s3], [sflag:s2] =	dma.local @!p0 [hbm:s0], s1  }
0xfb: {  	s0 =	simm.s32 @!p0 $0x2  }
0xfc: {  	_ =	swait.ge @!p0 [sflag:s0], s1  }
0xfd: {  	s1 =	ssub.s32 @!p0 $0x0, s1;
	[sflag:s0] =	ssyncset.done @!p0 $0x0  }
0xfe: {  	[sflag:s0] =	ssyncadd.s32 @!p0 s1  }
0xff: {  	[bflag:$0x3] =	sbarrier.arrive $0xFFFF  }
0x100: {  	_ =	shalt  }

</sc_bundles>
